<compile_context>
chip_gen: v7x
topology: tpu7x:2x2x1
jax: 0.10.2.dev20260603
libtpu: 0.0.44.dev20260713+nightly
codegen_flags: <defaults>
</compile_context>

<pallas_src>
import jax
import jax.numpy as jnp
from jax.experimental import pallas as pl

N_ENT_ = 1968
H_ = 128
L_ = 16
E_ = 8192
B_ = 4
KSEL_ = int(N_ENT_ * 0.1)
TOPK_ = 2


def _bfdot(a, b, dims):
    return jax.lax.dot_general(a.astype(jnp.bfloat16), b.astype(jnp.bfloat16),
                               dims, preferred_element_type=jnp.float32)


def _tail_body(att_ref, idx_ref, kgW_ref, kgb_ref, out_ref):
    idx = idx_ref[0, 0]
    cols = jax.lax.broadcasted_iota(jnp.int32, (KSEL_, N_ENT_), 1)
    onehot = (cols == idx[:, None]).astype(jnp.float32)
    selected = jax.lax.dot_general(
        onehot, att_ref[0], (((1,), (0,)), ((), ())),
        precision=jax.lax.Precision.HIGHEST)
    out = _bfdot(selected, kgW_ref[...], (((1,), (1,)), ((), ())))
    out_ref[0] = jnp.tanh(out + kgb_ref[0][None, :])


def _pallas_tail(attended, topk_idx, kg_W, kg_b):
    return pl.pallas_call(
        _tail_body,
        grid=(B_,),
        in_specs=[
            pl.BlockSpec((1, N_ENT_, H_), lambda b: (b, 0, 0)),
            pl.BlockSpec((1, 1, KSEL_), lambda b: (b, 0, 0)),
            pl.BlockSpec((H_, H_), lambda b: (0, 0)),
            pl.BlockSpec((1, H_), lambda b: (0, 0)),
        ],
        out_specs=pl.BlockSpec((1, KSEL_, H_), lambda b: (b, 0, 0)),
        out_shape=jax.ShapeDtypeStruct((B_, KSEL_, H_), jnp.float32),
    )(attended, topk_idx.reshape(B_, 1, KSEL_), kg_W, kg_b.reshape(1, H_))


def _topk_out_edge_mask(src, w, k):
    n_e = w.shape[0]
    w = jax.lax.stop_gradient(w)
    order = jnp.lexsort((-w, src))
    s_sorted = src[order]
    seg_start = jnp.searchsorted(s_sorted, s_sorted, side='left')
    pos = jnp.arange(n_e) - seg_start
    keep_sorted = pos < k
    keep = jnp.zeros((n_e,), dtype=bool).at[order].set(keep_sorted)
    return keep


def kernel(ent_emb, rel_emb, ent_mask, rel_mask, question_emb, tok_W, tok_b,
           key_W, key_b, comp_W, comp_b, kg_W, kg_b, q_W, q_b, k_W, k_b,
           v_W, v_b, edge_index, rel_id):
    f32 = jnp.float32
    src = edge_index[0]
    dst = edge_index[1]
    e_emb = ent_emb[src] * rel_emb[rel_id]
    e_mask = ent_mask[src] + rel_mask[rel_id]
    comp_emb = e_emb * ent_emb[dst]
    query = question_emb[:, None, :, :]
    query_emb = query @ tok_W.T + tok_b
    key_emb = comp_emb @ key_W.T + key_b
    key_emb = jnp.transpose(key_emb, (0, 2, 1))
    scale = (H_ / 2.0) ** (-0.5)
    weight = scale * jnp.matmul(query_emb, key_emb)
    kg_mask = e_mask[None, :, None, :]
    nz = (kg_mask != 0).astype(f32)
    eps = jnp.sum(nz, axis=3)
    eps = jnp.where(eps == 0, jnp.ones_like(eps), eps)
    weight = jnp.sum(weight * kg_mask, axis=3) / eps
    weight = jnp.mean(weight, axis=-1)
    m_ = jnp.max(weight, axis=-1, keepdims=True)
    e_ = jnp.exp(weight - m_)
    atts = e_ / jnp.sum(e_, axis=-1, keepdims=True)
    comp_emb2 = (key_emb @ comp_W.T + comp_b)[..., 0]
    neigh_list = []
    for b in range(B_):
        att = atts[b]
        keep = _topk_out_edge_mask(src, att, TOPK_).astype(f32)
        msg = comp_emb2 * (att * keep)[:, None]
        neigh_list.append(jax.ops.segment_sum(msg, dst, num_segments=N_ENT_))
    neigh = jnp.stack(neigh_list, axis=0)
    mu = jnp.mean(neigh, axis=-1, keepdims=True)
    var = jnp.mean((neigh - mu) ** 2, axis=-1, keepdims=True)
    x = (neigh - mu) / jnp.sqrt(var + 1e-5)
    Q = x @ q_W.T + q_b
    Kp = x @ k_W.T + k_b
    V = x @ v_W.T + v_b
    sel_scale = H_ ** (-0.5)
    scores = jnp.matmul(Q, jnp.swapaxes(Kp, -2, -1)) / sel_scale
    scores = scores - jnp.max(scores, axis=-1, keepdims=True)
    attw = jax.nn.softmax(scores, axis=-1)
    attended = jnp.matmul(attw, V)
    importance = jnp.mean(attw, axis=1)
    _, topk_idx = jax.lax.top_k(importance, KSEL_)
    return _pallas_tail(attended, topk_idx, kg_W, kg_b)

# --- scband reference (transcript-rebuilt; emitter-appended) ---
"""Pipeline reference for scband-comp-layer-1082331759043 (READ-ONLY COPY).

The authoritative reference and input builder live on the scoring server;
editing this copy changes nothing except your own understanding.
"""

import jax, jax.numpy as jnp
import numpy as np

N_ENT = 1968
N_REL = 58
H = 128
L = 16
E = 8192
B = 4
T = 32
TOPK_EDGES = 2
K_SEL = int(N_ENT * 0.1)


def _layer_norm(x, eps=1e-5):
    mu = jnp.mean(x, axis=-1, keepdims=True)
    var = jnp.mean((x - mu) ** 2, axis=-1, keepdims=True)
    return (x - mu) / jnp.sqrt(var + eps)


def _stable_softmax(x, axis=-1):
    m = jnp.max(x, axis=axis, keepdims=True)
    e = jnp.exp(x - m)
    return e / jnp.sum(e, axis=axis, keepdims=True)


def _topk_out_edge_mask(src, w, k):
    # emulate dgl.sampling.select_topk(kg, k, 'weight', edge_dir='out'):
    # for every node keep its k largest-weight outgoing edges
    n_e = w.shape[0]
    w = jax.lax.stop_gradient(w)
    order = jnp.lexsort((-w, src))  # primary: src, secondary: weight desc
    s_sorted = src[order]
    seg_start = jnp.searchsorted(s_sorted, s_sorted, side='left')
    pos = jnp.arange(n_e) - seg_start
    keep_sorted = pos < k
    keep = jnp.zeros((n_e,), dtype=bool).at[order].set(keep_sorted)
    return keep


def setup_inputs(seed: int = 0):
    key = jax.random.key(seed)
    ks = jax.random.split(key, 16)
    inp = {}
    inp["ent_emb"] = jax.random.normal(ks[0], (N_ENT, L, 2 * H), dtype=jnp.float32)
    inp["rel_emb"] = jax.random.normal(ks[1], (2 * N_REL, L, 2 * H), dtype=jnp.float32)
    inp["ent_mask"] = jax.random.uniform(ks[2], (N_ENT, L), dtype=jnp.float32)
    inp["rel_mask"] = jax.random.uniform(ks[3], (2 * N_REL, L), dtype=jnp.float32)
    inp["question_emb"] = jax.random.normal(ks[4], (B, T, 2 * H), dtype=jnp.float32)
    inp["tok_W"] = jax.random.normal(ks[5], (H, 2 * H), dtype=jnp.float32) * 0.05
    inp["tok_b"] = jnp.zeros((H,), dtype=jnp.float32)
    inp["key_W"] = jax.random.normal(ks[6], (H, 2 * H), dtype=jnp.float32) * 0.05
    inp["key_b"] = jnp.zeros((H,), dtype=jnp.float32)
    inp["comp_W"] = jax.random.normal(ks[7], (1, L), dtype=jnp.float32) * 0.05
    inp["comp_b"] = jnp.zeros((1,), dtype=jnp.float32)
    inp["kg_W"] = jax.random.normal(ks[8], (H, H), dtype=jnp.float32) * 0.05
    inp["kg_b"] = jnp.zeros((H,), dtype=jnp.float32)
    inp["q_W"] = jax.random.normal(ks[9], (H, H), dtype=jnp.float32) * 0.05
    inp["q_b"] = jnp.zeros((H,), dtype=jnp.float32)
    inp["k_W"] = jax.random.normal(ks[10], (H, H), dtype=jnp.float32) * 0.05
    inp["k_b"] = jnp.zeros((H,), dtype=jnp.float32)
    inp["v_W"] = jax.random.normal(ks[11], (H, H), dtype=jnp.float32) * 0.05
    inp["v_b"] = jnp.zeros((H,), dtype=jnp.float32)
    inp["edge_index"] = jax.random.randint(ks[12], (2, E), 0, N_ENT, dtype=jnp.int32)
    inp["rel_id"] = jax.random.randint(ks[13], (E,), 0, 2 * N_REL, dtype=jnp.int32)
    return inp


def _forward(ent_emb, rel_emb, ent_mask, rel_mask, question_emb,
             tok_W, tok_b, key_W, key_b, comp_W, comp_b, kg_W, kg_b,
             q_W, q_b, k_W, k_b, v_W, v_b, edge_index, rel_id):
    src = edge_index[0]
    dst = edge_index[1]
    # comp_op == 'mul' branch
    e_emb = ent_emb[src] * rel_emb[rel_id]            # fn.u_mul_e  -> [E, L, 2H]
    e_mask = ent_mask[src] + rel_mask[rel_id]         # fn.u_add_e  -> [E, L]
    comp_emb = e_emb * ent_emb[dst]                   # fn.e_mul_v  -> [E, L, 2H]
    comp_mask = e_mask + ent_mask[dst]                # fn.e_add_v
    comp_mask = jnp.where(comp_mask > 1, jnp.ones_like(comp_mask), comp_mask)  # clamp (unused downstream, kept faithful)
    query = question_emb[:, None, :, :]               # unsqueeze(1) -> [B,1,T,2H]
    query_emb = query @ tok_W.T + tok_b               # [B,1,T,H]
    key_emb = comp_emb @ key_W.T + key_b              # [E,L,H]
    key_emb = jnp.transpose(key_emb, (0, 2, 1))       # permute(0,2,1) -> [E,H,L]
    scale = (H / 2.0) ** (-0.5)
    weight = scale * jnp.matmul(query_emb, key_emb)   # broadcast -> [B,E,T,L]
    kg_mask = e_mask[None, :, None, :]                # [1,E,1,L]
    nz = (kg_mask != 0).astype(jnp.float32)
    eps = jnp.sum(nz, axis=3)
    eps = jnp.where(eps == 0, jnp.ones_like(eps), eps)
    weight = jnp.sum(weight * kg_mask, axis=3) / eps  # [B,E,T]
    weight = jnp.mean(weight, axis=-1)                # [B,E]
    atts = _stable_softmax(weight, axis=-1)
    comp_emb2 = (key_emb @ comp_W.T + comp_b)[..., 0]  # comp_linear(16->1).squeeze(2) -> [E,H]
    neigh_list = []
    for b in range(atts.shape[0]):
        att = atts[b]
        keep = _topk_out_edge_mask(src, att, TOPK_EDGES).astype(jnp.float32)
        msg = comp_emb2 * (att * keep)[:, None]        # comp_emb * weight on selected edges
        neigh_list.append(jax.ops.segment_sum(msg, dst, num_segments=N_ENT))  # update_all(copy_e, sum)
    neigh = jnp.stack(neigh_list, axis=0)              # [B, N_ENT, H]
    # AttentionBasedKnowledgeSelector
    x = _layer_norm(neigh)
    Q = x @ q_W.T + q_b
    Kp = x @ k_W.T + k_b
    V = x @ v_W.T + v_b
    sel_scale = H ** (-0.5)
    scores = jnp.matmul(Q, jnp.swapaxes(Kp, -2, -1)) / sel_scale
    scores = scores - jnp.max(scores, axis=-1, keepdims=True)
    attw = jax.nn.softmax(scores, axis=-1)
    attended = jnp.matmul(attw, V)                     # [B, N_ENT, H]
    importance = jnp.mean(attw, axis=1)                # [B, N_ENT]
    _, topk_idx = jax.lax.top_k(importance, K_SEL)
    selected = jnp.take_along_axis(attended, topk_idx[:, :, None], axis=1)  # [B, K_SEL, H]
    kg_emb = jnp.tanh(selected @ kg_W.T + kg_b)        # act(kg_linear(...))
    return kg_emb


def reference(ent_emb, rel_emb, ent_mask, rel_mask, question_emb,
              tok_W, tok_b, key_W, key_b, comp_W, comp_b, kg_W, kg_b,
              q_W, q_b, k_W, k_b, v_W, v_b, edge_index, rel_id):
    return _forward(
        ent_emb, rel_emb, ent_mask, rel_mask,
        question_emb, tok_W, tok_b, key_W, key_b,
        comp_W, comp_b, kg_W, kg_b,
        q_W, q_b, k_W, k_b, v_W, v_b,
        edge_index, rel_id)

if __name__ == "__main__":
    import jax
    _d = setup_inputs()
    print(jax.jit(kernel)(*tuple(_d.values())))

</pallas_src>

<mosaic_0001>
module attributes {stable_mosaic.version = 14 : i64} {
  func.func @_tail_body(%arg0: i32, %arg1: memref<1x1968x128xf32, #tpu.memory_space<vmem>>, %arg2: memref<1x1x196xi32, #tpu.memory_space<vmem>>, %arg3: memref<128x128xf32, #tpu.memory_space<vmem>>, %arg4: memref<1x128xf32, #tpu.memory_space<vmem>>, %arg5: memref<1x196x128xf32, #tpu.memory_space<vmem>>) attributes {dimension_semantics = [#tpu.dimension_semantics<arbitrary>], iteration_bounds = array<i64: 4>, scalar_prefetch = 0 : i64, scratch_operands = 0 : i64, tpu.core_type = #tpu.core_type<tc>, window_params = [{transform_indices = @transform_0, window_bounds = array<i64: 1, 1968, 128>}, {transform_indices = @transform_1, window_bounds = array<i64: 1, 1, 196>}, {pipeline_mode = #tpu.pipeline_mode<synchronous>, transform_indices = @transform_2, window_bounds = array<i64: 128, 128>}, {pipeline_mode = #tpu.pipeline_mode<synchronous>, transform_indices = @transform_3, window_bounds = array<i64: 1, 128>}, {transform_indices = @transform_4, window_bounds = array<i64: 1, 196, 128>}]} {
    %get3A = arith.constant 0 : index
    %get3A_0 = arith.constant 0 : index
    %get3A_1 = arith.constant 0 : index
    %get3A_2 = vector.load %arg2[%get3A, %get3A_0, %get3A_1] : memref<1x1x196xi32, #tpu.memory_space<vmem>>, vector<1x1x196xi32>
    %get3A_3 = vector.shape_cast %get3A_2 : vector<1x1x196xi32> to vector<196xi32>
    %iota3A = tpu.iota {dimensions = array<i32: 1>} : vector<196x1968xi32>
    %broadcast_in_dim3A = vector.shape_cast %get3A_3 : vector<196xi32> to vector<196x1xi32>
    %eq3A = vector.broadcast %broadcast_in_dim3A : vector<196x1xi32> to vector<196x1968xi32>
    %eq3A_4 = arith.cmpi eq, %iota3A, %eq3A : vector<196x1968xi32>
    %convert_element_type3A = arith.extui %eq3A_4 : vector<196x1968xi1> to vector<196x1968xi32>
    %convert_element_type3A_5 = arith.sitofp %convert_element_type3A : vector<196x1968xi32> to vector<196x1968xf32>
    %get3A_6 = arith.constant 0 : index
    %get3A_7 = arith.constant 0 : index
    %get3A_8 = arith.constant 0 : index
    %get3A_9 = vector.load %arg1[%get3A_6, %get3A_7, %get3A_8] : memref<1x1968x128xf32, #tpu.memory_space<vmem>>, vector<1x1968x128xf32>
    %get3A_10 = vector.shape_cast %get3A_9 : vector<1x1968x128xf32> to vector<1968x128xf32>
    %dot_general3A = arith.constant dense<0.000000e+00> : vector<196x128xf32>
    %dot_general3A_11 = tpu.matmul %convert_element_type3A_5, %get3A_10, %dot_general3A {dimension_numbers = #tpu.dot_dimension_numbers<[1], [0], [0], [1], [0, 0, 1, 1], [], []>, precision = #tpu.contract_precision<fp32>, transpose_lhs_hint = false} : vector<196x1968xf32>, vector<1968x128xf32>, vector<196x128xf32> -> vector<196x128xf32>
    %get3A_12 = arith.constant 0 : index
    %get3A_13 = arith.constant 0 : index
    %get3A_14 = vector.load %arg3[%get3A_12, %get3A_13] : memref<128x128xf32, #tpu.memory_space<vmem>>, vector<128x128xf32>
    %convert_element_type3A_15 = arith.truncf %dot_general3A_11 : vector<196x128xf32> to vector<196x128xbf16>
    %convert_element_type3A_16 = arith.truncf %get3A_14 : vector<128x128xf32> to vector<128x128xbf16>
    %dot_general3A_17 = arith.constant dense<0.000000e+00> : vector<196x128xf32>
    %dot_general3A_18 = tpu.matmul %convert_element_type3A_15, %convert_element_type3A_16, %dot_general3A_17 {dimension_numbers = #tpu.dot_dimension_numbers<[1], [1], [0], [0], [0, 0, 1, 0], [], []>, transpose_lhs_hint = false} : vector<196x128xbf16>, vector<128x128xbf16>, vector<196x128xf32> -> vector<196x128xf32>
    %get3A_19 = arith.constant 0 : index
    %get3A_20 = arith.constant 0 : index
    %get3A_21 = vector.load %arg4[%get3A_19, %get3A_20] : memref<1x128xf32, #tpu.memory_space<vmem>>, vector<1x128xf32>
    %get3A_22 = vector.shape_cast %get3A_21 : vector<1x128xf32> to vector<128xf32>
    %broadcast_in_dim3A_23 = vector.shape_cast %get3A_22 : vector<128xf32> to vector<1x128xf32>
    %add3A = vector.broadcast %broadcast_in_dim3A_23 : vector<1x128xf32> to vector<196x128xf32>
    %add3A_24 = arith.addf %dot_general3A_18, %add3A : vector<196x128xf32>
    %tanh3A = math.tanh %add3A_24 : vector<196x128xf32>
    %swap3A = arith.constant 0 : index
    %swap3A_25 = arith.constant 0 : index
    %swap3A_26 = arith.constant 0 : index
    %swap3A_27 = vector.load %arg5[%swap3A, %swap3A_25, %swap3A_26] : memref<1x196x128xf32, #tpu.memory_space<vmem>>, vector<1x196x128xf32>
    %swap3A_28 = vector.shape_cast %swap3A_27 : vector<1x196x128xf32> to vector<196x128xf32>
    %swap3A_29 = vector.shape_cast %tanh3A : vector<196x128xf32> to vector<1x196x128xf32>
    tpu.vector_store %arg5[%swap3A, %swap3A_25, %swap3A_26], %swap3A_29 {strides = array<i32>} : memref<1x196x128xf32, #tpu.memory_space<vmem>>, vector<1x196x128xf32>,
    return
  }
  func.func @transform_0(%arg0: i32) -> (i32, i32, i32) {
    %c0_i32 = arith.constant 0 : i32
    %c0_i32_0 = arith.constant 0 : i32
    %c0_i32_1 = arith.constant 0 : i32
    return %arg0, %c0_i32, %c0_i32_0 : i32, i32, i32
  }
  func.func @transform_1(%arg0: i32) -> (i32, i32, i32) {
    %c0_i32 = arith.constant 0 : i32
    %c0_i32_0 = arith.constant 0 : i32
    %c0_i32_1 = arith.constant 0 : i32
    return %arg0, %c0_i32, %c0_i32_0 : i32, i32, i32
  }
  func.func @transform_2(%arg0: i32) -> (i32, i32) {
    %c0_i32 = arith.constant 0 : i32
    %c0_i32_0 = arith.constant 0 : i32
    %c0_i32_1 = arith.constant 0 : i32
    return %c0_i32, %c0_i32_0 : i32, i32
  }
  func.func @transform_3(%arg0: i32) -> (i32, i32) {
    %c0_i32 = arith.constant 0 : i32
    %c0_i32_0 = arith.constant 0 : i32
    %c0_i32_1 = arith.constant 0 : i32
    return %c0_i32, %c0_i32_0 : i32, i32
  }
  func.func @transform_4(%arg0: i32) -> (i32, i32, i32) {
    %c0_i32 = arith.constant 0 : i32
    %c0_i32_0 = arith.constant 0 : i32
    %c0_i32_1 = arith.constant 0 : i32
    return %arg0, %c0_i32, %c0_i32_0 : i32, i32, i32
  }
}

</mosaic_0001>

<sc_bundles>
// kernel: gather_offload_async_start.1
scs
__scs_entry_jumppad:
0x0: {  	(pc) =	sbr.rel $0x88, $3  }
0x1: {  	(tag) =	ssettag $0x0;
	lr =	simm.s32 $0x1  }
0x2: {  	[smem:$0x3F8C] =	sst lr;
	_ =	strace $0xD0000000  }
0x3: {  	_ = 	snop  }
0x4: {  	_ = 	snop  }
0x5: {  	_ = 	snop  }
0x6: {  	_ = 	snop  }
0x7: {  	_ = 	snop  }
__scs_overlays_trampoline_lowered:
0x8: {  	[smem:$0x3F9B] =	sst s0  }
0x9: {  	[smem:$0x3F9C] =	sst s1  }
0xa: {  	[smem:$0x3F9D] =	sst s2  }
0xb: {  	[smem:$0x3F9E] =	sst s3  }
0xc: {  	[smem:$0x3F9F] =	sst s4  }
0xd: {  	[smem:$0x3FA0] =	sst s5  }
0xe: {  	[smem:$0x3FA1] =	sst s6  }
0xf: {  	[smem:$0x3FA2] =	sst s7  }
0x10: {  	[smem:$0x3FA3] =	sst s8  }
0x11: {  	[smem:$0x3FA4] =	sst s9;
	s0 =	simm.s32 @!p0 $0x0  }
0x12: {  	s1 =	sld [smem:$0x3F8A];
	s0 =	simm.s32 @p0 $0x1  }
0x13: {  	[smem:$0x3FA5] =	sst s0;
	s0 =	simm.s32 @!p1 $0x0  }
0x14: {  	s2 =	sld [smem:$0x3F89];
	s0 =	simm.s32 @p1 $0x1  }
0x15: {  	[smem:$0x3FA6] =	sst s0;
	s0 =	simm.s32 @!p2 $0x0  }
0x16: {  	s3 =	sld [smem:$0x3FDB];
	s0 =	simm.s32 @p2 $0x1  }
0x17: {  	s4 =	simm.s32 $0x1BF5;
	[smem:$0x3FA8] =	sst s0  }
0x18: {  	s0 =	sld [smem:$0x3F8B];
	_ =	swait.ge [sflag:s4], $0x0  }
0x19: {  	s7 =	sld [smem:$0x3F8C]  }
0x1a: {  	s8 =	sadd.s32 $0xFFFFE003, lr  }
0x1b: {  	s9 =	sadd.s32 $0xFFFFFEF7, lr;
	s5 =	simm.s32 $0xFFFFFFFF;
	p2 =	slt.u32 s8, $0xFFFFF086  }
0x1c: {  	p1 =	slt.u32 s9, $0xF7A;
	s5 =	simm.s32 @!p2 $0x0  }
0x1d: {  	s5 =	simm.s32 @p1 $0x1;
	p0 =	seq.s32 s7, s2  }
0x1e: {  	s7 =	smul.u32 @!p0 $0xF7A, s2;
	p2 =	seq.s32 @!p0 s5, $0x0  }
0x1f: {  	s9 =	smul.u32 $0xF7A, s1;
	s8 =	simm.s32 @!p0 $0x1BF5;
	p2 =	por !p2, p0  }
0x20: {  	[sflag:s8] =	ssyncset.s32 @!p0 $0xFFFFF086;
	s6 =	sadd.s32 @!p0 s3, s7;
	s7 =	simm.s32 @!p0 $0x108  }
0x21: {  	s3 =	sadd.s32 s3, s9;
	s6 =	sadd.s32 @!p0 $0x88, s6;
	s7 =	simm.s32 @p2 $0x1082  }
0x22: {  	[simem:s7], [sflag:s8] =	dma.local @!p0 [hbm:s6], $0xF7A  }
0x23: {  	s9 =	sor.u32 $0xD0000000, s2;
	s6 =	simm.s32 $0x108;
	_ =	swait.ge @!p0 [sflag:s8], $0x0  }
0x24: {  	s3 =	sadd.s32 $0x88, s3;
	s6 =	simm.s32 @!p1 $0x1082;
	[sflag:s4] =	ssyncset.s32 $0xFFFFF086  }
0x25: {  	[simem:s6], [sflag:s4] =	dma.local [hbm:s3], $0xF7A  }
0x26: {  	[smem:$0x3F8C] =	sst s1;
	(tag) =	ssettag s2;
	_ =	strace s9  }
0x27: {  	s1 =	sld [smem:$0x3F9C]  }
0x28: {  	s2 =	sld [smem:$0x3F9D]  }
0x29: {  	s4 =	sld [smem:$0x3F9F]  }
0x2a: {  	p0 =	seq.s32 s5, $0x0;
	s5 =	sld [smem:$0x3FA0]  }
0x2b: {  	s6 =	sld [smem:$0x3FA1]  }
0x2c: {  	s7 =	sld [smem:$0x3FA2]  }
0x2d: {  	s3 =	simm.s32 $0x108;
	s8 =	sld [smem:$0x3FA3]  }
0x2e: {  	s3 =	simm.s32 @!p0 $0x1082;
	s9 =	sld [smem:$0x3FA4]  }
0x2f: {  	lr =	sadd.s32 s0, s3;
	s0 =	sld [smem:$0x3F9B]  }
0x30: {  	s3 =	sld [smem:$0x3F9E]  }
0x31: {  	[smem:$0x3FA7] =	sst s10  }
0x32: {  	s10 =	sld [smem:$0x3FA5];
	_ =	sdelay $0x3  }
0x33: {  	p0 =	seq.s32 s10, $0x1;
	s10 =	sld [smem:$0x3FA7];
	_ =	sdelay $0x3  }
0x34: {  	[smem:$0x3FA7] =	sst s10  }
0x35: {  	s10 =	sld [smem:$0x3FA6];
	_ =	sdelay $0x3  }
0x36: {  	p1 =	seq.s32 s10, $0x1;
	s10 =	sld [smem:$0x3FA7];
	_ =	sdelay $0x3  }
0x37: {  	[smem:$0x3FA7] =	sst s10  }
0x38: {  	s10 =	sld [smem:$0x3FA8]  }
0x39: {  	_ = 	snop;
	(pc) =	sbr.ind lr, $3  }
0x3a: {  	_ = 	snop  }
0x3b: {  	_ = 	snop  }
0x3c: {  	p2 =	seq.s32 s10, $0x1;
	s10 =	sld [smem:$0x3FA7]  }
0x3d: {  	_ =	shalt  }
0x3e: {  	_ =	shalt  }
0x3f: {  	_ =	shalt  }
0x40: {  	_ =	shalt  }
0x41: {  	_ =	shalt  }
0x42: {  	_ =	shalt  }
0x43: {  	_ =	shalt  }
0x44: {  	_ =	shalt  }
0x45: {  	_ =	shalt  }
0x46: {  	_ =	shalt  }
0x47: {  	_ =	shalt  }
0x48: {  	_ =	shalt  }
0x49: {  	_ =	shalt  }
0x4a: {  	_ =	shalt  }
0x4b: {  	_ =	shalt  }
0x4c: {  	_ =	shalt  }
0x4d: {  	_ =	shalt  }
0x4e: {  	_ =	shalt  }
0x4f: {  	_ =	shalt  }
0x50: {  	_ =	shalt  }
0x51: {  	_ =	shalt  }
0x52: {  	_ =	shalt  }
0x53: {  	_ =	shalt  }
0x54: {  	_ =	shalt  }
0x55: {  	_ =	shalt  }
0x56: {  	_ =	shalt  }
0x57: {  	_ =	shalt  }
0x58: {  	_ =	shalt  }
0x59: {  	_ =	shalt  }
0x5a: {  	_ =	shalt  }
0x5b: {  	_ =	shalt  }
0x5c: {  	_ =	shalt  }
0x5d: {  	_ =	shalt  }
0x5e: {  	_ =	shalt  }
0x5f: {  	_ =	shalt  }
0x60: {  	_ =	shalt  }
0x61: {  	_ =	shalt  }
0x62: {  	_ =	shalt  }
0x63: {  	_ =	shalt  }
0x64: {  	_ =	shalt  }
0x65: {  	_ =	shalt  }
0x66: {  	_ =	shalt  }
0x67: {  	_ =	shalt  }
0x68: {  	_ =	shalt  }
0x69: {  	_ =	shalt  }
0x6a: {  	_ =	shalt  }
0x6b: {  	_ =	shalt  }
0x6c: {  	_ =	shalt  }
0x6d: {  	_ =	shalt  }
0x6e: {  	_ =	shalt  }
0x6f: {  	_ =	shalt  }
0x70: {  	_ =	shalt  }
0x71: {  	_ =	shalt  }
0x72: {  	_ =	shalt  }
0x73: {  	_ =	shalt  }
0x74: {  	_ =	shalt  }
0x75: {  	_ =	shalt  }
0x76: {  	_ =	shalt  }
0x77: {  	_ =	shalt  }
0x78: {  	_ =	shalt  }
0x79: {  	_ =	shalt  }
0x7a: {  	_ =	shalt  }
0x7b: {  	_ =	shalt  }
0x7c: {  	_ =	shalt  }
0x7d: {  	_ =	shalt  }
0x7e: {  	_ =	shalt  }
0x7f: {  	_ =	shalt  }
0x80: {  	_ =	shalt  }
0x81: {  	_ =	shalt  }
0x82: {  	_ =	shalt  }
0x83: {  	_ =	shalt  }
0x84: {  	_ =	shalt  }
0x85: {  	_ =	shalt  }
0x86: {  	_ =	shalt  }
0x87: {  	_ =	shalt  }
.Lfunc_end0:
.L_simem_size_0:
called_computation.5_lowered:
.L_overlay_start_0:
0x88: {  	s2 =	sld [smem:$0x3FD9]  }
0x89: {  	s3 =	sld [smem:$0x3FFE];
	_ =	sdelay $0x1  }
0x8a: {  	s1 =	srdreg.scid  }
0x8b: {  	s0 =	sand.u32 $0x1, s1  }
0x8c: {  	s17 =	sshll.u32 s0, $0xA;
	s2 =	sadd.s32 s3, s2  }
0x8d: {  	s2 =	sadd.s32 s2, s17  }
0x8e: {  	[smem:$0x3FB3] =	sst s2  }
0x8f: {  	_ = 	snop  }
0x90: {  	s2 =	sld [smem:$0x3FD0];
	(tm) =	ssettm $0x1  }
0x91: {  	s18 =	sld [smem:$0x3FFB];
	_ =	sdelay $0x3  }
0x92: {  	_ =	strace s18  }
0x93: {  	s3 =	sld [smem:$0x3FFC];
	_ =	sdelay $0x3  }
0x94: {  	_ =	strace s3  }
0x95: {  	s3 =	sld [smem:$0x3FFD];
	_ =	sdelay $0x3  }
0x96: {  	_ =	strace s3  }
0x97: {  	_ =	strace $0x8FFFFFFF  }
0x98: {  	s19 =	sld [smem:$0x3FDB];
	_ =	sdelay $0x1  }
0x99: {  	s4 =	simm.s32 $_scs_section_size  }
0x9a: {  	s5 =	simm.s32 $_size__tile_overlayer_lowered;
	s6 =	simm.s32 $_tile_overlayer_lowered  }
0x9b: {  	s22 =	simm.s32 $0x1BFF;
	s21 =	sshll.u32 s6, $0x1;
	s3 =	sadd.s32 s4, s19  }
0x9c: {  	s7 =	simm.s32 $0x0;
	s20 =	sshll.u32 s5, $0x1;
	s5 =	sadd.s32 s21, s3  }
0x9d: {  	[timem:s7], [sflag:s22] =	dma.local [hbm:s5], s20  }
0x9e: {  	_ =	swait.ge [sflag:s22], s20  }
0x9f: {  	s4 =	ssub.s32 $0x0, s20;
	[sflag:s22] =	ssyncset.done $0x0  }
0xa0: {  	[sflag:s22] =	ssyncadd.s32 s4;
	_ =	sdelay $0x1  }
0xa1: {  	s23 =	simm.s32 $0x1B8B  }
0xa2: {  	_ =	swait.ge [sflag:s23], $0x1  }
0xa3: {  	[sflag:s23] =	ssyncset.done $0x0  }
0xa4: {  	s25 =	simm.s32 $0x1B8E;
	s24 =	sld [smem:$0x3FFE];
	[sflag:s23] =	ssyncadd.s32 $0xFFFFFFFF  }
0xa5: {  	s26 =	simm.s32 $execute0_lowered;
	[smem:$0x3FD2] =	sst s25  }
0xa6: {  	s5 =	sshll.u32 s26, $0x1;
	_ =	strace $0x8000006D;
	[dreg:$0x1] =	wrdreg $0xFFFFFFFF  }
0xa7: {  	s28 =	simm.s32 $_size_execute0_lowered;
	s3 =	sadd.s32 s3, s5;
	[dreg:$0x0] =	wrdreg $0x0  }
0xa8: {  	s5 =	sshll.u32 s28, $0x1;
	[dreg:$0x2] =	wrdreg s3  }
0xa9: {  	[dreg:$0x3] =	wrdreg s5  }
0xaa: {  	[dreg:$0x4] =	wrdreg $0xC0  }
0xab: {  	_ =	task [dreg:s7], $0x5FFFF  }
0xac: {  	[dreg:$0x1] =	wrdreg $0xFFFFFFFF  }
0xad: {  	[dreg:$0x0] =	wrdreg $0x60  }
0xae: {  	[dreg:$0x2] =	wrdreg s24  }
0xaf: {  	[dreg:$0x3] =	wrdreg s2  }
0xb0: {  	[dreg:$0x4] =	wrdreg $0x9  }
0xb1: {  	_ =	task.clear_ibuf [dreg:s7], $0x5FFFF;
	_ =	strace $0x9000006D  }
0xb2: {  	s29 =	simm.s32 $0x9;
	_ =	strace $0x8000006F  }
0xb3: {  	_ =	swait.ge [sflag:s29], $0x1  }
0xb4: {  	[sflag:s29] =	ssyncadd.s32 $0xFFFFFFFF  }
0xb5: {  	_ =	strace $0x9000006F  }
0xb6: {  	_ =	sfence  }
0xb7: {  	s30 =	sld [smem:$0x0];
	_ =	sdelay $0x2  }
0xb8: {  	s31 =	sshll.u32 s1, $0xD;
	s1 =	sshrl.u32 s1, $0x2  }
0xb9: {  	s3 =	sand.u32 $0x4000, s31;
	s1 =	sadd.s32 s1, s30  }
0xba: {  	s0 =	sor.u32 s3, s0;
	s1 =	sshll.u32 s1, $0x11  }
0xbb: {  	s0 =	sor.u32 s1, s0  }
0xbc: {  	s0 =	sadd.s32 $0x8F2B, s0  }
0xbd: {  	[sflag:s0] =	ssyncadd.remote.s32 $0x1  }
0xbe: {  	_ =	sfence.sel $0xFFFF  }
0xbf: {  	[dreg:$0x0] =	wrdreg $0xFFFFFFFF;
	(pc) =	sbr.abs _section_cstart, $3  }
0xc0: {  	[dreg:$0x1] =	wrdreg $0xFFFFFFFF  }
0xc1: {  	_ =	task.clear_ibuf [dreg:s7], $0x2FFFF;
	_ =	strace $0x9FFFFFFF  }
0xc2: {  	(tm) =	ssettm $0x7FFFFFFF  }
0xc3: {  	_ =	shalt  }
tec
execute0_lowered:
.L_overlay_start_1:
0x0: {  	(tag) =	ssettag $0x1  }
0x1: {  	s1 =	srdreg.scid;
	s5 =	rddreg [dreg:$0x0]  }
0x2: {  	s0 =	stileid.u32;
	s2 =	rddreg [dreg:$0x1];
	s6 =	simm.s32 $0x1  }
0x3: {  	s9 =	simm.s32 $0x1;
	s10 =	simm.s32 $0x3;
	s1 =	sshll.u32 s1, $0x7  }
0x4: {  	s13 =	simm.s32 $0x0;
	s3 =	sshll.u32 s0, $0x8;
	s4 =	sand.u32 $0x80, s1  }
0x5: {  	s12 =	simm.s32 $0x0;
	s1 =	rddreg [dreg:$0x2];
	s3 =	sor.u32 s3, s4  }
0x6: {  	_ =	strace $0x8000006E;
	s4 =	sadd.s32 $0x400, s5;
	s8 =	ssub.s32 $0x2000, s3  }
.Ltmp0:
0x7: {  	s5 =	sadd.s32 $0x4400, s5;
	s7 =	sand.u32 $0xF80, s8;
	(pc) =	sbr.rel .LBB2_1-.Ltmp0, $4  }
0x8: {  	[sflag:s6] =	ssyncpa.u1 $0x0;
	s11 =	smov.u32 s3;
	p0 =	sne.s32 s7, $0x0  }
0x9: {  	s8 =	sshrl.u32 s8, $0xC;
	s7 =	simm.s32 $0x2;
	s9 =	simm.s32 @!p0 $0x0  }
0xa: {  	[sflag:s7] =	ssyncpa.u1 $0x0;
	p0 =	por $0x0, $0x0;
	s8 =	sadd.s32 s9, s8  }
0xb: {  	vm0 =	vmmov $0xffff;
	[sflag:s10] =	ssyncpa.u1 $0x0;
	s10 =	simm.s32 $0x0;
	s9 =	sadd.s32 $0x1, s8  }
.LBB2_4:
0xc: {  	v2 =	vnsel vm1, $0x0, v2  }
0xd: {  	vm1 =	vgt.s32 v0, $0x0;
	v2 =	vmin.u32 v2, $0x1FFF  }
0xe: {  	v0 =	vnsel vm1, $0x0, v0  }
0xf: {  	v0 =	vmin.u32 v0, $0x1FFF  }
0x10: {  	[tilespmem:s15], [sflag:$0x1] =	stream.indirect_vreg.gather [hbm4b:s4+s10], $0x1, v1, vm0, $0x4038;
	[tilespmem:$0x200] =	vst v63  }
0x11: {  	(ifvalue) =	ssetifvalue $0x7FFFFFFF  }
0x12: {  	[tilespmem:s16], [sflag:$0x1] =	stream.indirect_vreg.gather [hbm4b:s4+s10], $0x1, v2, vm0, $0x4038;
	[tilespmem:$0x200] =	vst v63  }
0x13: {  	s29 =	sadd.s32 $0x10, s16;
	(ifvalue) =	ssetifvalue $0x7FFFFFFF  }
0x14: {  	[tilespmem:s29], [sflag:$0x1] =	stream.indirect_vreg.gather [hbm4b:s4+s10], $0x1, v0, vm0, $0x4038;
	[tilespmem:$0x200] =	vst v63  }
0x15: {  	_ =	swait.ge [sflag:s6], $0x80  }
0x16: {  	s30 =	sshrl.u32 s13, $0x3;
	[sflag:s6] =	ssyncset.done $0x0  }
0x17: {  	s31 =	sand.u32 $0x7, s13;
	s15 =	sadd.s32 s5, s30;
	[sflag:s6] =	ssyncadd.s32 $0xFFFFFF80  }
0x18: {  	[hbm4b:s15+s31] =	stream.linear.scatter [tilespmem:s14], [sflag:$0x3], $0x80, $0x38;
	[tilespmem:$0x200] =	vst v63  }
.LBB2_5:
0x19: {  	s15 =	sadd.s32 $0x1000, s11  }
0x1a: {  	p2 =	sgt.s32 s15, $0x1FFF  }
0x1b: {  	s15 =	smov.u32 @p2 s3;
	p2 =	sne.s32 s12, s9  }
.Ltmp1:
0x1c: {  	p1 =	slt.u32 s12, $0x2;
	(pc) =	sbr.rel @!p2 .LBB2_6-.Ltmp1, $4  }
0x1d: {  	s14 =	simm.s32 @!p1 $0x3  }
0x1e: {  	s16 =	sadd.s32 $0x1, s12;
	_ =	swait.ge @!p1 [sflag:s14], $0x80  }
0x1f: {  	s13 =	smov.u32 s11;
	p0 =	por !p0, !p0;
	[sflag:s14] =	ssyncset.done @!p1 $0x0  }
0x20: {  	s12 =	smov.u32 s16;
	s11 =	smov.u32 s15;
	[sflag:s14] =	ssyncadd.s32 @!p1 $0xFFFFFF80  }
.LBB2_1:
0x21: {  	p1 =	sge.u32 s12, s8  }
0x22: {  	s14 =	sxor.u32 @!p1 $0xFFFFFFFF, s12  }
0x23: {  	s31 =	sadd.s32 $0xFFFFFFFF, s12;
	s15 =	sshrl.u32 @!p1 s11, $0x3;
	s14 =	sshll.u32 @!p1 s14, $0x7  }
0x24: {  	s16 =	sand.u32 @!p1 $0x7, s11;
	s15 =	sadd.s32 @!p1 s2, s15;
	s14 =	sand.u32 @!p1 $0x80, s14  }
0x25: {  	[tilespmem:s14], [sflag:$0x2] =	stream.linear.gather @!p1 [hbm4b:s15+s16], $0x80, $0x38;
	[tilespmem:$0x200] =	vst v63  }
0x26: {  	p1 =	sge.u32 s31, s8  }
.Ltmp2:
0x27: {  	_ = 	snop;
	(pc) =	sbr.rel @p1 .LBB2_5-.Ltmp2, $1  }
0x28: {  	_ =	sdelay $0x3  }
0x29: {  	s14 =	simm.s32 $0x1  }
0x2a: {  	_ =	swait.ge [sflag:s7], $0x80;
	s14 =	simm.s32 @!p0 $0x0  }
0x2b: {  	[sflag:s7] =	ssyncset.done $0x0;
	s14 =	sshll.u32 s14, $0x7  }
0x2c: {  	[sflag:s7] =	ssyncadd.s32 $0xFFFFFF80;
	(ifvalue) =	ssetifvalue $0x7FFFFFFF;
	v0 =	vld.msk [tilespmem:s14+$0x0 ss:$0x1], $0xffff;
	_ =	sdelay $0x4  }
0x2d: {  	s15 =	sadd.s32 $0x10, s14;
	vm1 =	vgt.s32 v0, $0x0  }
0x2e: {  	v2 =	vld.msk [tilespmem:s15+$0x0 ss:$0x1], $0xffff;
	v1 =	vnsel vm1, $0x0, v0  }
0x2f: {  	v1 =	vmin.u32 v1, $0x1FFF;
	_ =	sdelay $0x1  }
0x30: {  	s16 =	sshll.u32 s12, $0x7;
	s18 =	simm.s32 $0x20  }
0x31: {  	s16 =	sand.u32 $0x80, s16;
	s17 =	sadd.s32 $0x10, s15;
	s15 =	sor.u32 $0x100, s14  }
0x32: {  	s14 =	sor.u32 $0x100, s16;
	s16 =	sadd.s32 $0x10, s15;
	v0 =	vld.msk [tilespmem:s17+$0x0 ss:$0x1], $0xffff;
	vm1 =	vgt.s32 v2, $0x0;
	(ifvalue) =	ssetifvalue $0x7FFFFFFF  }
.LBB2_3:
0x33: {  	[tilespmem:s15], [sflag:$0x1] =	stream.indirect_vreg.gather [hbm4b:s4+s10], $0x1, v1, vm0, $0x4038;
	[tilespmem:$0x200] =	vst v63  }
0x34: {  	s18 =	sadd.s32 $0x10, s18  }
0x35: {  	v2 =	vnsel vm1, $0x0, v2;
	p1 =	slt.u32 s18, $0x70  }
.Ltmp3:
0x36: {  	s15 =	smov.u32 s16;
	v1 =	vmin.u32 v2, $0x1FFF;
	(pc) =	sbr.rel @p1 .LBB2_3-.Ltmp3, $3  }
0x37: {  	_ =	sdelay $0x1  }
0x38: {  	s17 =	sadd.s32 $0x10, s17  }
0x39: {  	vm1 =	vgt.s32 v0, $0x0;
	s16 =	sadd.s32 $0x10, s16;
	v2 =	vmov v0;
	(ifvalue) =	ssetifvalue $0x7FFFFFFF;
	v0 =	vld.msk [tilespmem:s17+$0x0 ss:$0x1], $0xffff  }
.Ltmp4:
0x3a: {  	_ = 	snop;
	(pc) =	sbr.rel .LBB2_4-.Ltmp4, $1  }
0x3b: {  	_ =	sdelay $0x3  }
.LBB2_6:
0x3c: {  	_ =	sfence.sel $0x180000  }
0x3d: {  	s2 =	simm.s32 $0x2;
	[bflag:$0x0] =	sbarrier.arrive $0xFFFF  }
0x3e: {  	s30 =	simm.s32 $0x3;
	[sflag:s2] =	ssyncpa.u1 $0x1  }
0x3f: {  	s31 =	simm.s32 $0x1;
	[sflag:s30] =	ssyncpa.u1 $0x1  }
0x40: {  	[sflag:s31] =	ssyncpa.u1 $0x1  }
0x41: {  	p0 =	sne.s32 s0, $0x0;
	_ =	strace $0x9000006E  }
0x42: {  	s0 =	sadd.s32 @!p0 $0x100000, s1;
	[bflag:$0x2] =	sbarrier.arrive $0xFFFF  }
0x43: {  	[sflag:s0] =	ssyncadd.tile.s32 @!p0 $0x1;
	_ =	shalt  }
.Lfunc_end2:
_tile_overlayer_lowered:
.L_overlay_start_2:
0x44: {  	(tag) =	ssettag $0x2  }
0x45: {  	s0 =	rddreg [dreg:$0x0];
	s2 =	stileid.u32  }
0x46: {  	s1 =	rddreg [dreg:$0x1];
	p0 =	sne.s32 s2, $0x0  }
0x47: {  	s3 =	rddreg [dreg:$0x2];
	[bflag:$0x3] =	sbarrier.arrive $0xFFFF;
	s2 =	simm.s32 @!p0 $0x1C01  }
0x48: {  	[timem:s3], [sflag:s2] =	dma.local @!p0 [hbm:s0], s1  }
0x49: {  	s0 =	simm.s32 @!p0 $0x1  }
0x4a: {  	_ =	swait.ge @!p0 [sflag:s0], s1  }
0x4b: {  	s1 =	ssub.s32 @!p0 $0x0, s1;
	[sflag:s0] =	ssyncset.done @!p0 $0x0  }
0x4c: {  	[sflag:s0] =	ssyncadd.s32 @!p0 s1  }
0x4d: {  	[bflag:$0x3] =	sbarrier.arrive $0xFFFF  }
0x4e: {  	_ =	shalt  }

// kernel: gather_offload_async_start.2
scs
__scs_entry_jumppad:
0x0: {  	(pc) =	sbr.rel $0x88, $3  }
0x1: {  	(tag) =	ssettag $0x0;
	lr =	simm.s32 $0x1  }
0x2: {  	[smem:$0x3F8C] =	sst lr;
	_ =	strace $0xD0000000  }
0x3: {  	_ = 	snop  }
0x4: {  	_ = 	snop  }
0x5: {  	_ = 	snop  }
0x6: {  	_ = 	snop  }
0x7: {  	_ = 	snop  }
__scs_overlays_trampoline_lowered:
0x8: {  	[smem:$0x3F9B] =	sst s0  }
0x9: {  	[smem:$0x3F9C] =	sst s1  }
0xa: {  	[smem:$0x3F9D] =	sst s2  }
0xb: {  	[smem:$0x3F9E] =	sst s3  }
0xc: {  	[smem:$0x3F9F] =	sst s4  }
0xd: {  	[smem:$0x3FA0] =	sst s5  }
0xe: {  	[smem:$0x3FA1] =	sst s6  }
0xf: {  	[smem:$0x3FA2] =	sst s7  }
0x10: {  	[smem:$0x3FA3] =	sst s8  }
0x11: {  	[smem:$0x3FA4] =	sst s9;
	s0 =	simm.s32 @!p0 $0x0  }
0x12: {  	s1 =	sld [smem:$0x3F8A];
	s0 =	simm.s32 @p0 $0x1  }
0x13: {  	[smem:$0x3FA5] =	sst s0;
	s0 =	simm.s32 @!p1 $0x0  }
0x14: {  	s2 =	sld [smem:$0x3F89];
	s0 =	simm.s32 @p1 $0x1  }
0x15: {  	[smem:$0x3FA6] =	sst s0;
	s0 =	simm.s32 @!p2 $0x0  }
0x16: {  	s3 =	sld [smem:$0x3FDB];
	s0 =	simm.s32 @p2 $0x1  }
0x17: {  	s4 =	simm.s32 $0x1BF5;
	[smem:$0x3FA8] =	sst s0  }
0x18: {  	s0 =	sld [smem:$0x3F8B];
	_ =	swait.ge [sflag:s4], $0x0  }
0x19: {  	s7 =	sld [smem:$0x3F8C]  }
0x1a: {  	s8 =	sadd.s32 $0xFFFFE003, lr  }
0x1b: {  	s9 =	sadd.s32 $0xFFFFFEF7, lr;
	s5 =	simm.s32 $0xFFFFFFFF;
	p2 =	slt.u32 s8, $0xFFFFF086  }
0x1c: {  	p1 =	slt.u32 s9, $0xF7A;
	s5 =	simm.s32 @!p2 $0x0  }
0x1d: {  	s5 =	simm.s32 @p1 $0x1;
	p0 =	seq.s32 s7, s2  }
0x1e: {  	s7 =	smul.u32 @!p0 $0xF7A, s2;
	p2 =	seq.s32 @!p0 s5, $0x0  }
0x1f: {  	s9 =	smul.u32 $0xF7A, s1;
	s8 =	simm.s32 @!p0 $0x1BF5;
	p2 =	por !p2, p0  }
0x20: {  	[sflag:s8] =	ssyncset.s32 @!p0 $0xFFFFF086;
	s6 =	sadd.s32 @!p0 s3, s7;
	s7 =	simm.s32 @!p0 $0x108  }
0x21: {  	s3 =	sadd.s32 s3, s9;
	s6 =	sadd.s32 @!p0 $0x88, s6;
	s7 =	simm.s32 @p2 $0x1082  }
0x22: {  	[simem:s7], [sflag:s8] =	dma.local @!p0 [hbm:s6], $0xF7A  }
0x23: {  	s9 =	sor.u32 $0xD0000000, s2;
	s6 =	simm.s32 $0x108;
	_ =	swait.ge @!p0 [sflag:s8], $0x0  }
0x24: {  	s3 =	sadd.s32 $0x88, s3;
	s6 =	simm.s32 @!p1 $0x1082;
	[sflag:s4] =	ssyncset.s32 $0xFFFFF086  }
0x25: {  	[simem:s6], [sflag:s4] =	dma.local [hbm:s3], $0xF7A  }
0x26: {  	[smem:$0x3F8C] =	sst s1;
	(tag) =	ssettag s2;
	_ =	strace s9  }
0x27: {  	s1 =	sld [smem:$0x3F9C]  }
0x28: {  	s2 =	sld [smem:$0x3F9D]  }
0x29: {  	s4 =	sld [smem:$0x3F9F]  }
0x2a: {  	p0 =	seq.s32 s5, $0x0;
	s5 =	sld [smem:$0x3FA0]  }
0x2b: {  	s6 =	sld [smem:$0x3FA1]  }
0x2c: {  	s7 =	sld [smem:$0x3FA2]  }
0x2d: {  	s3 =	simm.s32 $0x108;
	s8 =	sld [smem:$0x3FA3]  }
0x2e: {  	s3 =	simm.s32 @!p0 $0x1082;
	s9 =	sld [smem:$0x3FA4]  }
0x2f: {  	lr =	sadd.s32 s0, s3;
	s0 =	sld [smem:$0x3F9B]  }
0x30: {  	s3 =	sld [smem:$0x3F9E]  }
0x31: {  	[smem:$0x3FA7] =	sst s10  }
0x32: {  	s10 =	sld [smem:$0x3FA5];
	_ =	sdelay $0x3  }
0x33: {  	p0 =	seq.s32 s10, $0x1;
	s10 =	sld [smem:$0x3FA7];
	_ =	sdelay $0x3  }
0x34: {  	[smem:$0x3FA7] =	sst s10  }
0x35: {  	s10 =	sld [smem:$0x3FA6];
	_ =	sdelay $0x3  }
0x36: {  	p1 =	seq.s32 s10, $0x1;
	s10 =	sld [smem:$0x3FA7];
	_ =	sdelay $0x3  }
0x37: {  	[smem:$0x3FA7] =	sst s10  }
0x38: {  	s10 =	sld [smem:$0x3FA8]  }
0x39: {  	_ = 	snop;
	(pc) =	sbr.ind lr, $3  }
0x3a: {  	_ = 	snop  }
0x3b: {  	_ = 	snop  }
0x3c: {  	p2 =	seq.s32 s10, $0x1;
	s10 =	sld [smem:$0x3FA7]  }
0x3d: {  	_ =	shalt  }
0x3e: {  	_ =	shalt  }
0x3f: {  	_ =	shalt  }
0x40: {  	_ =	shalt  }
0x41: {  	_ =	shalt  }
0x42: {  	_ =	shalt  }
0x43: {  	_ =	shalt  }
0x44: {  	_ =	shalt  }
0x45: {  	_ =	shalt  }
0x46: {  	_ =	shalt  }
0x47: {  	_ =	shalt  }
0x48: {  	_ =	shalt  }
0x49: {  	_ =	shalt  }
0x4a: {  	_ =	shalt  }
0x4b: {  	_ =	shalt  }
0x4c: {  	_ =	shalt  }
0x4d: {  	_ =	shalt  }
0x4e: {  	_ =	shalt  }
0x4f: {  	_ =	shalt  }
0x50: {  	_ =	shalt  }
0x51: {  	_ =	shalt  }
0x52: {  	_ =	shalt  }
0x53: {  	_ =	shalt  }
0x54: {  	_ =	shalt  }
0x55: {  	_ =	shalt  }
0x56: {  	_ =	shalt  }
0x57: {  	_ =	shalt  }
0x58: {  	_ =	shalt  }
0x59: {  	_ =	shalt  }
0x5a: {  	_ =	shalt  }
0x5b: {  	_ =	shalt  }
0x5c: {  	_ =	shalt  }
0x5d: {  	_ =	shalt  }
0x5e: {  	_ =	shalt  }
0x5f: {  	_ =	shalt  }
0x60: {  	_ =	shalt  }
0x61: {  	_ =	shalt  }
0x62: {  	_ =	shalt  }
0x63: {  	_ =	shalt  }
0x64: {  	_ =	shalt  }
0x65: {  	_ =	shalt  }
0x66: {  	_ =	shalt  }
0x67: {  	_ =	shalt  }
0x68: {  	_ =	shalt  }
0x69: {  	_ =	shalt  }
0x6a: {  	_ =	shalt  }
0x6b: {  	_ =	shalt  }
0x6c: {  	_ =	shalt  }
0x6d: {  	_ =	shalt  }
0x6e: {  	_ =	shalt  }
0x6f: {  	_ =	shalt  }
0x70: {  	_ =	shalt  }
0x71: {  	_ =	shalt  }
0x72: {  	_ =	shalt  }
0x73: {  	_ =	shalt  }
0x74: {  	_ =	shalt  }
0x75: {  	_ =	shalt  }
0x76: {  	_ =	shalt  }
0x77: {  	_ =	shalt  }
0x78: {  	_ =	shalt  }
0x79: {  	_ =	shalt  }
0x7a: {  	_ =	shalt  }
0x7b: {  	_ =	shalt  }
0x7c: {  	_ =	shalt  }
0x7d: {  	_ =	shalt  }
0x7e: {  	_ =	shalt  }
0x7f: {  	_ =	shalt  }
0x80: {  	_ =	shalt  }
0x81: {  	_ =	shalt  }
0x82: {  	_ =	shalt  }
0x83: {  	_ =	shalt  }
0x84: {  	_ =	shalt  }
0x85: {  	_ =	shalt  }
0x86: {  	_ =	shalt  }
0x87: {  	_ =	shalt  }
.Lfunc_end0:
.L_simem_size_0:
called_computation.6_lowered:
.L_overlay_start_0:
0x88: {  	s2 =	sld [smem:$0x3FD9]  }
0x89: {  	s3 =	sld [smem:$0x3FFE];
	_ =	sdelay $0x1  }
0x8a: {  	s1 =	srdreg.scid  }
0x8b: {  	s0 =	sand.u32 $0x1, s1  }
0x8c: {  	s16 =	sshll.u32 s0, $0xA;
	s2 =	sadd.s32 s3, s2  }
0x8d: {  	s2 =	sadd.s32 s2, s16  }
0x8e: {  	[smem:$0x3FB3] =	sst s2  }
0x8f: {  	_ = 	snop  }
0x90: {  	(tm) =	ssettm $0x1  }
0x91: {  	s17 =	sld [smem:$0x3FFB];
	_ =	sdelay $0x3  }
0x92: {  	_ =	strace s17  }
0x93: {  	s2 =	sld [smem:$0x3FFC];
	_ =	sdelay $0x3  }
0x94: {  	_ =	strace s2  }
0x95: {  	s2 =	sld [smem:$0x3FFD];
	_ =	sdelay $0x3  }
0x96: {  	_ =	strace s2  }
0x97: {  	_ =	strace $0x8FFFFFFF  }
0x98: {  	s18 =	sld [smem:$0x3FDB];
	_ =	sdelay $0x1  }
0x99: {  	s19 =	simm.s32 $_scs_section_size  }
0x9a: {  	s4 =	simm.s32 $_size__tile_overlayer_lowered;
	s5 =	simm.s32 $_tile_overlayer_lowered  }
0x9b: {  	s22 =	simm.s32 $0x1BFF;
	s21 =	sshll.u32 s5, $0x1;
	s2 =	sadd.s32 s19, s18  }
0x9c: {  	s6 =	simm.s32 $0x0;
	s20 =	sshll.u32 s4, $0x1;
	s4 =	sadd.s32 s21, s2  }
0x9d: {  	[timem:s6], [sflag:s22] =	dma.local [hbm:s4], s20  }
0x9e: {  	_ =	swait.ge [sflag:s22], s20  }
0x9f: {  	s3 =	ssub.s32 $0x0, s20;
	[sflag:s22] =	ssyncset.done $0x0  }
0xa0: {  	[sflag:s22] =	ssyncadd.s32 s3;
	_ =	sdelay $0x1  }
0xa1: {  	s23 =	simm.s32 $0x1B8B  }
0xa2: {  	_ =	swait.ge [sflag:s23], $0x1  }
0xa3: {  	[sflag:s23] =	ssyncset.done $0x0  }
0xa4: {  	s25 =	simm.s32 $0x1B8E;
	s24 =	sld [smem:$0x3FFE];
	[sflag:s23] =	ssyncadd.s32 $0xFFFFFFFF  }
0xa5: {  	s26 =	simm.s32 $execute0_lowered;
	[smem:$0x3FD2] =	sst s25  }
0xa6: {  	s4 =	sshll.u32 s26, $0x1;
	_ =	strace $0x80000070;
	[dreg:$0x1] =	wrdreg $0xFFFFFFFF  }
0xa7: {  	s28 =	simm.s32 $_size_execute0_lowered;
	s2 =	sadd.s32 s2, s4;
	[dreg:$0x0] =	wrdreg $0x0  }
0xa8: {  	s4 =	sshll.u32 s28, $0x1;
	[dreg:$0x2] =	wrdreg s2  }
0xa9: {  	[dreg:$0x3] =	wrdreg s4  }
0xaa: {  	[dreg:$0x4] =	wrdreg $0xC0  }
0xab: {  	_ =	task [dreg:s6], $0x5FFFF  }
0xac: {  	[dreg:$0x1] =	wrdreg $0xFFFFFFFF  }
0xad: {  	[dreg:$0x0] =	wrdreg $0x60  }
0xae: {  	[dreg:$0x2] =	wrdreg s24  }
0xaf: {  	[dreg:$0x3] =	wrdreg $0x9  }
0xb0: {  	_ =	task.clear_ibuf [dreg:s6], $0x4FFFF;
	_ =	strace $0x90000070  }
0xb1: {  	s29 =	simm.s32 $0x9;
	_ =	strace $0x80000072  }
0xb2: {  	_ =	swait.ge [sflag:s29], $0x1  }
0xb3: {  	[sflag:s29] =	ssyncadd.s32 $0xFFFFFFFF  }
0xb4: {  	_ =	strace $0x90000072  }
0xb5: {  	_ =	sfence  }
0xb6: {  	s30 =	sld [smem:$0x0];
	_ =	sdelay $0x2  }
0xb7: {  	s31 =	sshll.u32 s1, $0xD;
	s1 =	sshrl.u32 s1, $0x2  }
0xb8: {  	s3 =	sand.u32 $0x4000, s31;
	s1 =	sadd.s32 s1, s30  }
0xb9: {  	s0 =	sor.u32 s3, s0;
	s1 =	sshll.u32 s1, $0x11  }
0xba: {  	s0 =	sor.u32 s1, s0  }
0xbb: {  	s0 =	sadd.s32 $0x8F2B, s0  }
0xbc: {  	[sflag:s0] =	ssyncadd.remote.s32 $0x1  }
0xbd: {  	_ =	sfence.sel $0xFFFF  }
0xbe: {  	[dreg:$0x0] =	wrdreg $0xFFFFFFFF;
	(pc) =	sbr.abs _section_cstart, $3  }
0xbf: {  	[dreg:$0x1] =	wrdreg $0xFFFFFFFF  }
0xc0: {  	_ =	task.clear_ibuf [dreg:s6], $0x2FFFF;
	_ =	strace $0x9FFFFFFF  }
0xc1: {  	(tm) =	ssettm $0x7FFFFFFF  }
tec
execute0_lowered:
.L_overlay_start_1:
0x0: {  	(tag) =	ssettag $0x1  }
0x1: {  	s0 =	srdreg.scid;
	s5 =	rddreg [dreg:$0x0]  }
0x2: {  	s1 =	stileid.u32;
	s6 =	simm.s32 $0x1;
	s9 =	simm.s32 $0x1  }
0x3: {  	s10 =	simm.s32 $0x3;
	s13 =	simm.s32 $0x0;
	s2 =	sshll.u32 s0, $0x7  }
0x4: {  	s12 =	simm.s32 $0x0;
	s3 =	sshll.u32 s1, $0x8;
	s2 =	sand.u32 $0x80, s2  }
0x5: {  	s0 =	rddreg [dreg:$0x1];
	_ =	strace $0x80000071;
	s2 =	sor.u32 s3, s2  }
0x6: {  	s4 =	sadd.s32 $0x3C00, s5;
	[sflag:s6] =	ssyncpa.u1 $0x0;
	s8 =	ssub.s32 $0x2000, s2  }
.Ltmp0:
0x7: {  	s3 =	sadd.s32 $0x26200, s5;
	s7 =	sand.u32 $0xF80, s8;
	(pc) =	sbr.rel .LBB2_1-.Ltmp0, $4  }
0x8: {  	s5 =	sadd.s32 $0x4400, s5;
	s11 =	smov.u32 s2;
	p0 =	sne.s32 s7, $0x0  }
0x9: {  	s8 =	sshrl.u32 s8, $0xC;
	s7 =	simm.s32 $0x2;
	s9 =	simm.s32 @!p0 $0x0  }
0xa: {  	[sflag:s7] =	ssyncpa.u1 $0x0;
	p0 =	por $0x0, $0x0;
	s8 =	sadd.s32 s9, s8  }
0xb: {  	vm0 =	vmmov $0xffff;
	[sflag:s10] =	ssyncpa.u1 $0x0;
	s10 =	simm.s32 $0x0;
	s9 =	sadd.s32 $0x1, s8  }
.LBB2_4:
0xc: {  	v2 =	vnsel vm1, $0x0, v2  }
0xd: {  	vm1 =	vgt.s32 v0, $0x0;
	v2 =	vmin.u32 v2, $0x1FFF  }
0xe: {  	v0 =	vnsel vm1, $0x0, v0  }
0xf: {  	v0 =	vmin.u32 v0, $0x1FFF  }
0x10: {  	[tilespmem:s15], [sflag:$0x1] =	stream.indirect_vreg.gather [hbm4b:s3+s10], $0x1, v1, vm0, $0x4038;
	[tilespmem:$0x200] =	vst v63  }
0x11: {  	(ifvalue) =	ssetifvalue $0x7FFFFFFF  }
0x12: {  	[tilespmem:s16], [sflag:$0x1] =	stream.indirect_vreg.gather [hbm4b:s3+s10], $0x1, v2, vm0, $0x4038;
	[tilespmem:$0x200] =	vst v63  }
0x13: {  	s29 =	sadd.s32 $0x10, s16;
	(ifvalue) =	ssetifvalue $0x7FFFFFFF  }
0x14: {  	[tilespmem:s29], [sflag:$0x1] =	stream.indirect_vreg.gather [hbm4b:s3+s10], $0x1, v0, vm0, $0x4038;
	[tilespmem:$0x200] =	vst v63  }
0x15: {  	_ =	swait.ge [sflag:s6], $0x80  }
0x16: {  	s30 =	sshrl.u32 s13, $0x3;
	[sflag:s6] =	ssyncset.done $0x0  }
0x17: {  	s31 =	sand.u32 $0x7, s13;
	s15 =	sadd.s32 s5, s30;
	[sflag:s6] =	ssyncadd.s32 $0xFFFFFF80  }
0x18: {  	[hbm4b:s15+s31] =	stream.linear.scatter [tilespmem:s14], [sflag:$0x3], $0x80, $0x38;
	[tilespmem:$0x200] =	vst v63  }
.LBB2_5:
0x19: {  	s15 =	sadd.s32 $0x1000, s11  }
0x1a: {  	p2 =	sgt.s32 s15, $0x1FFF  }
0x1b: {  	s15 =	smov.u32 @p2 s2;
	p2 =	sne.s32 s12, s9  }
.Ltmp1:
0x1c: {  	p1 =	slt.u32 s12, $0x2;
	(pc) =	sbr.rel @!p2 .LBB2_6-.Ltmp1, $4  }
0x1d: {  	s14 =	simm.s32 @!p1 $0x3  }
0x1e: {  	s16 =	sadd.s32 $0x1, s12;
	_ =	swait.ge @!p1 [sflag:s14], $0x80  }
0x1f: {  	s13 =	smov.u32 s11;
	p0 =	por !p0, !p0;
	[sflag:s14] =	ssyncset.done @!p1 $0x0  }
0x20: {  	s12 =	smov.u32 s16;
	s11 =	smov.u32 s15;
	[sflag:s14] =	ssyncadd.s32 @!p1 $0xFFFFFF80  }
.LBB2_1:
0x21: {  	p1 =	sge.u32 s12, s8  }
0x22: {  	s14 =	sxor.u32 @!p1 $0xFFFFFFFF, s12  }
0x23: {  	s31 =	sadd.s32 $0xFFFFFFFF, s12;
	s15 =	sshrl.u32 @!p1 s11, $0x3;
	s14 =	sshll.u32 @!p1 s14, $0x7  }
0x24: {  	s16 =	sand.u32 @!p1 $0x7, s11;
	s15 =	sadd.s32 @!p1 s4, s15;
	s14 =	sand.u32 @!p1 $0x80, s14  }
0x25: {  	[tilespmem:s14], [sflag:$0x2] =	stream.linear.gather @!p1 [hbm4b:s15+s16], $0x80, $0x38;
	[tilespmem:$0x200] =	vst v63  }
0x26: {  	p1 =	sge.u32 s31, s8  }
.Ltmp2:
0x27: {  	_ = 	snop;
	(pc) =	sbr.rel @p1 .LBB2_5-.Ltmp2, $1  }
0x28: {  	_ =	sdelay $0x3  }
0x29: {  	s14 =	simm.s32 $0x1  }
0x2a: {  	_ =	swait.ge [sflag:s7], $0x80;
	s14 =	simm.s32 @!p0 $0x0  }
0x2b: {  	[sflag:s7] =	ssyncset.done $0x0;
	s14 =	sshll.u32 s14, $0x7  }
0x2c: {  	[sflag:s7] =	ssyncadd.s32 $0xFFFFFF80;
	(ifvalue) =	ssetifvalue $0x7FFFFFFF;
	v0 =	vld.msk [tilespmem:s14+$0x0 ss:$0x1], $0xffff;
	_ =	sdelay $0x4  }
0x2d: {  	s15 =	sadd.s32 $0x10, s14;
	vm1 =	vgt.s32 v0, $0x0  }
0x2e: {  	v2 =	vld.msk [tilespmem:s15+$0x0 ss:$0x1], $0xffff;
	v1 =	vnsel vm1, $0x0, v0  }
0x2f: {  	v1 =	vmin.u32 v1, $0x1FFF;
	_ =	sdelay $0x1  }
0x30: {  	s16 =	sshll.u32 s12, $0x7;
	s18 =	simm.s32 $0x20  }
0x31: {  	s16 =	sand.u32 $0x80, s16;
	s17 =	sadd.s32 $0x10, s15;
	s15 =	sor.u32 $0x100, s14  }
0x32: {  	s14 =	sor.u32 $0x100, s16;
	s16 =	sadd.s32 $0x10, s15;
	v0 =	vld.msk [tilespmem:s17+$0x0 ss:$0x1], $0xffff;
	vm1 =	vgt.s32 v2, $0x0;
	(ifvalue) =	ssetifvalue $0x7FFFFFFF  }
.LBB2_3:
0x33: {  	[tilespmem:s15], [sflag:$0x1] =	stream.indirect_vreg.gather [hbm4b:s3+s10], $0x1, v1, vm0, $0x4038;
	[tilespmem:$0x200] =	vst v63  }
0x34: {  	s18 =	sadd.s32 $0x10, s18  }
0x35: {  	v2 =	vnsel vm1, $0x0, v2;
	p1 =	slt.u32 s18, $0x70  }
.Ltmp3:
0x36: {  	s15 =	smov.u32 s16;
	v1 =	vmin.u32 v2, $0x1FFF;
	(pc) =	sbr.rel @p1 .LBB2_3-.Ltmp3, $3  }
0x37: {  	_ =	sdelay $0x1  }
0x38: {  	s17 =	sadd.s32 $0x10, s17  }
0x39: {  	vm1 =	vgt.s32 v0, $0x0;
	s16 =	sadd.s32 $0x10, s16;
	v2 =	vmov v0;
	(ifvalue) =	ssetifvalue $0x7FFFFFFF;
	v0 =	vld.msk [tilespmem:s17+$0x0 ss:$0x1], $0xffff  }
.Ltmp4:
0x3a: {  	_ = 	snop;
	(pc) =	sbr.rel .LBB2_4-.Ltmp4, $1  }
0x3b: {  	_ =	sdelay $0x3  }
.LBB2_6:
0x3c: {  	_ =	sfence.sel $0x180000  }
0x3d: {  	s2 =	simm.s32 $0x2;
	[bflag:$0x0] =	sbarrier.arrive $0xFFFF  }
0x3e: {  	s30 =	simm.s32 $0x3;
	[sflag:s2] =	ssyncpa.u1 $0x1  }
0x3f: {  	s31 =	simm.s32 $0x1;
	[sflag:s30] =	ssyncpa.u1 $0x1  }
0x40: {  	[sflag:s31] =	ssyncpa.u1 $0x1  }
0x41: {  	p0 =	sne.s32 s1, $0x0;
	_ =	strace $0x90000071  }
0x42: {  	s0 =	sadd.s32 @!p0 $0x100000, s0;
	[bflag:$0x2] =	sbarrier.arrive $0xFFFF  }
0x43: {  	[sflag:s0] =	ssyncadd.tile.s32 @!p0 $0x1;
	_ =	shalt  }
.Lfunc_end2:
_tile_overlayer_lowered:
.L_overlay_start_2:
0x44: {  	(tag) =	ssettag $0x2  }
0x45: {  	s0 =	rddreg [dreg:$0x0];
	s2 =	stileid.u32  }
0x46: {  	s1 =	rddreg [dreg:$0x1];
	p0 =	sne.s32 s2, $0x0  }
0x47: {  	s3 =	rddreg [dreg:$0x2];
	[bflag:$0x3] =	sbarrier.arrive $0xFFFF;
	s2 =	simm.s32 @!p0 $0x1C01  }
0x48: {  	[timem:s3], [sflag:s2] =	dma.local @!p0 [hbm:s0], s1  }
0x49: {  	s0 =	simm.s32 @!p0 $0x1  }
0x4a: {  	_ =	swait.ge @!p0 [sflag:s0], s1  }
0x4b: {  	s1 =	ssub.s32 @!p0 $0x0, s1;
	[sflag:s0] =	ssyncset.done @!p0 $0x0  }
0x4c: {  	[sflag:s0] =	ssyncadd.s32 @!p0 s1  }
0x4d: {  	[bflag:$0x3] =	sbarrier.arrive $0xFFFF  }
0x4e: {  	_ =	shalt  }

// kernel: gather_offload_async_start.3
scs
__scs_entry_jumppad:
0x0: {  	(pc) =	sbr.rel $0x88, $3  }
0x1: {  	(tag) =	ssettag $0x0;
	lr =	simm.s32 $0x1  }
0x2: {  	[smem:$0x3F8C] =	sst lr;
	_ =	strace $0xD0000000  }
0x3: {  	_ = 	snop  }
0x4: {  	_ = 	snop  }
0x5: {  	_ = 	snop  }
0x6: {  	_ = 	snop  }
0x7: {  	_ = 	snop  }
__scs_overlays_trampoline_lowered:
0x8: {  	[smem:$0x3F9B] =	sst s0  }
0x9: {  	[smem:$0x3F9C] =	sst s1  }
0xa: {  	[smem:$0x3F9D] =	sst s2  }
0xb: {  	[smem:$0x3F9E] =	sst s3  }
0xc: {  	[smem:$0x3F9F] =	sst s4  }
0xd: {  	[smem:$0x3FA0] =	sst s5  }
0xe: {  	[smem:$0x3FA1] =	sst s6  }
0xf: {  	[smem:$0x3FA2] =	sst s7  }
0x10: {  	[smem:$0x3FA3] =	sst s8  }
0x11: {  	[smem:$0x3FA4] =	sst s9;
	s0 =	simm.s32 @!p0 $0x0  }
0x12: {  	s1 =	sld [smem:$0x3F8A];
	s0 =	simm.s32 @p0 $0x1  }
0x13: {  	[smem:$0x3FA5] =	sst s0;
	s0 =	simm.s32 @!p1 $0x0  }
0x14: {  	s2 =	sld [smem:$0x3F89];
	s0 =	simm.s32 @p1 $0x1  }
0x15: {  	[smem:$0x3FA6] =	sst s0;
	s0 =	simm.s32 @!p2 $0x0  }
0x16: {  	s3 =	sld [smem:$0x3FDB];
	s0 =	simm.s32 @p2 $0x1  }
0x17: {  	s4 =	simm.s32 $0x1BF5;
	[smem:$0x3FA8] =	sst s0  }
0x18: {  	s0 =	sld [smem:$0x3F8B];
	_ =	swait.ge [sflag:s4], $0x0  }
0x19: {  	s7 =	sld [smem:$0x3F8C]  }
0x1a: {  	s8 =	sadd.s32 $0xFFFFE003, lr  }
0x1b: {  	s9 =	sadd.s32 $0xFFFFFEF7, lr;
	s5 =	simm.s32 $0xFFFFFFFF;
	p2 =	slt.u32 s8, $0xFFFFF086  }
0x1c: {  	p1 =	slt.u32 s9, $0xF7A;
	s5 =	simm.s32 @!p2 $0x0  }
0x1d: {  	s5 =	simm.s32 @p1 $0x1;
	p0 =	seq.s32 s7, s2  }
0x1e: {  	s7 =	smul.u32 @!p0 $0xF7A, s2;
	p2 =	seq.s32 @!p0 s5, $0x0  }
0x1f: {  	s9 =	smul.u32 $0xF7A, s1;
	s8 =	simm.s32 @!p0 $0x1BF5;
	p2 =	por !p2, p0  }
0x20: {  	[sflag:s8] =	ssyncset.s32 @!p0 $0xFFFFF086;
	s6 =	sadd.s32 @!p0 s3, s7;
	s7 =	simm.s32 @!p0 $0x108  }
0x21: {  	s3 =	sadd.s32 s3, s9;
	s6 =	sadd.s32 @!p0 $0x88, s6;
	s7 =	simm.s32 @p2 $0x1082  }
0x22: {  	[simem:s7], [sflag:s8] =	dma.local @!p0 [hbm:s6], $0xF7A  }
0x23: {  	s9 =	sor.u32 $0xD0000000, s2;
	s6 =	simm.s32 $0x108;
	_ =	swait.ge @!p0 [sflag:s8], $0x0  }
0x24: {  	s3 =	sadd.s32 $0x88, s3;
	s6 =	simm.s32 @!p1 $0x1082;
	[sflag:s4] =	ssyncset.s32 $0xFFFFF086  }
0x25: {  	[simem:s6], [sflag:s4] =	dma.local [hbm:s3], $0xF7A  }
0x26: {  	[smem:$0x3F8C] =	sst s1;
	(tag) =	ssettag s2;
	_ =	strace s9  }
0x27: {  	s1 =	sld [smem:$0x3F9C]  }
0x28: {  	s2 =	sld [smem:$0x3F9D]  }
0x29: {  	s4 =	sld [smem:$0x3F9F]  }
0x2a: {  	p0 =	seq.s32 s5, $0x0;
	s5 =	sld [smem:$0x3FA0]  }
0x2b: {  	s6 =	sld [smem:$0x3FA1]  }
0x2c: {  	s7 =	sld [smem:$0x3FA2]  }
0x2d: {  	s3 =	simm.s32 $0x108;
	s8 =	sld [smem:$0x3FA3]  }
0x2e: {  	s3 =	simm.s32 @!p0 $0x1082;
	s9 =	sld [smem:$0x3FA4]  }
0x2f: {  	lr =	sadd.s32 s0, s3;
	s0 =	sld [smem:$0x3F9B]  }
0x30: {  	s3 =	sld [smem:$0x3F9E]  }
0x31: {  	[smem:$0x3FA7] =	sst s10  }
0x32: {  	s10 =	sld [smem:$0x3FA5];
	_ =	sdelay $0x3  }
0x33: {  	p0 =	seq.s32 s10, $0x1;
	s10 =	sld [smem:$0x3FA7];
	_ =	sdelay $0x3  }
0x34: {  	[smem:$0x3FA7] =	sst s10  }
0x35: {  	s10 =	sld [smem:$0x3FA6];
	_ =	sdelay $0x3  }
0x36: {  	p1 =	seq.s32 s10, $0x1;
	s10 =	sld [smem:$0x3FA7];
	_ =	sdelay $0x3  }
0x37: {  	[smem:$0x3FA7] =	sst s10  }
0x38: {  	s10 =	sld [smem:$0x3FA8]  }
0x39: {  	_ = 	snop;
	(pc) =	sbr.ind lr, $3  }
0x3a: {  	_ = 	snop  }
0x3b: {  	_ = 	snop  }
0x3c: {  	p2 =	seq.s32 s10, $0x1;
	s10 =	sld [smem:$0x3FA7]  }
0x3d: {  	_ =	shalt  }
0x3e: {  	_ =	shalt  }
0x3f: {  	_ =	shalt  }
0x40: {  	_ =	shalt  }
0x41: {  	_ =	shalt  }
0x42: {  	_ =	shalt  }
0x43: {  	_ =	shalt  }
0x44: {  	_ =	shalt  }
0x45: {  	_ =	shalt  }
0x46: {  	_ =	shalt  }
0x47: {  	_ =	shalt  }
0x48: {  	_ =	shalt  }
0x49: {  	_ =	shalt  }
0x4a: {  	_ =	shalt  }
0x4b: {  	_ =	shalt  }
0x4c: {  	_ =	shalt  }
0x4d: {  	_ =	shalt  }
0x4e: {  	_ =	shalt  }
0x4f: {  	_ =	shalt  }
0x50: {  	_ =	shalt  }
0x51: {  	_ =	shalt  }
0x52: {  	_ =	shalt  }
0x53: {  	_ =	shalt  }
0x54: {  	_ =	shalt  }
0x55: {  	_ =	shalt  }
0x56: {  	_ =	shalt  }
0x57: {  	_ =	shalt  }
0x58: {  	_ =	shalt  }
0x59: {  	_ =	shalt  }
0x5a: {  	_ =	shalt  }
0x5b: {  	_ =	shalt  }
0x5c: {  	_ =	shalt  }
0x5d: {  	_ =	shalt  }
0x5e: {  	_ =	shalt  }
0x5f: {  	_ =	shalt  }
0x60: {  	_ =	shalt  }
0x61: {  	_ =	shalt  }
0x62: {  	_ =	shalt  }
0x63: {  	_ =	shalt  }
0x64: {  	_ =	shalt  }
0x65: {  	_ =	shalt  }
0x66: {  	_ =	shalt  }
0x67: {  	_ =	shalt  }
0x68: {  	_ =	shalt  }
0x69: {  	_ =	shalt  }
0x6a: {  	_ =	shalt  }
0x6b: {  	_ =	shalt  }
0x6c: {  	_ =	shalt  }
0x6d: {  	_ =	shalt  }
0x6e: {  	_ =	shalt  }
0x6f: {  	_ =	shalt  }
0x70: {  	_ =	shalt  }
0x71: {  	_ =	shalt  }
0x72: {  	_ =	shalt  }
0x73: {  	_ =	shalt  }
0x74: {  	_ =	shalt  }
0x75: {  	_ =	shalt  }
0x76: {  	_ =	shalt  }
0x77: {  	_ =	shalt  }
0x78: {  	_ =	shalt  }
0x79: {  	_ =	shalt  }
0x7a: {  	_ =	shalt  }
0x7b: {  	_ =	shalt  }
0x7c: {  	_ =	shalt  }
0x7d: {  	_ =	shalt  }
0x7e: {  	_ =	shalt  }
0x7f: {  	_ =	shalt  }
0x80: {  	_ =	shalt  }
0x81: {  	_ =	shalt  }
0x82: {  	_ =	shalt  }
0x83: {  	_ =	shalt  }
0x84: {  	_ =	shalt  }
0x85: {  	_ =	shalt  }
0x86: {  	_ =	shalt  }
0x87: {  	_ =	shalt  }
.Lfunc_end0:
.L_simem_size_0:
called_computation.7_lowered:
.L_overlay_start_0:
0x88: {  	s2 =	sld [smem:$0x3FD9]  }
0x89: {  	s3 =	sld [smem:$0x3FFE];
	_ =	sdelay $0x1  }
0x8a: {  	s1 =	srdreg.scid  }
0x8b: {  	s0 =	sand.u32 $0x1, s1  }
0x8c: {  	s16 =	sshll.u32 s0, $0xA;
	s2 =	sadd.s32 s3, s2  }
0x8d: {  	s2 =	sadd.s32 s2, s16  }
0x8e: {  	[smem:$0x3FB3] =	sst s2  }
0x8f: {  	_ = 	snop  }
0x90: {  	(tm) =	ssettm $0x1  }
0x91: {  	s17 =	sld [smem:$0x3FFB];
	_ =	sdelay $0x3  }
0x92: {  	_ =	strace s17  }
0x93: {  	s2 =	sld [smem:$0x3FFC];
	_ =	sdelay $0x3  }
0x94: {  	_ =	strace s2  }
0x95: {  	s2 =	sld [smem:$0x3FFD];
	_ =	sdelay $0x3  }
0x96: {  	_ =	strace s2  }
0x97: {  	_ =	strace $0x8FFFFFFF  }
0x98: {  	s18 =	sld [smem:$0x3FDB];
	_ =	sdelay $0x1  }
0x99: {  	s19 =	simm.s32 $_scs_section_size  }
0x9a: {  	s4 =	simm.s32 $_size__tile_overlayer_lowered;
	s5 =	simm.s32 $_tile_overlayer_lowered  }
0x9b: {  	s22 =	simm.s32 $0x1BFF;
	s21 =	sshll.u32 s5, $0x1;
	s2 =	sadd.s32 s19, s18  }
0x9c: {  	s6 =	simm.s32 $0x0;
	s20 =	sshll.u32 s4, $0x1;
	s4 =	sadd.s32 s21, s2  }
0x9d: {  	[timem:s6], [sflag:s22] =	dma.local [hbm:s4], s20  }
0x9e: {  	_ =	swait.ge [sflag:s22], s20  }
0x9f: {  	s3 =	ssub.s32 $0x0, s20;
	[sflag:s22] =	ssyncset.done $0x0  }
0xa0: {  	[sflag:s22] =	ssyncadd.s32 s3;
	_ =	sdelay $0x1  }
0xa1: {  	s23 =	simm.s32 $0x1B8B  }
0xa2: {  	_ =	swait.ge [sflag:s23], $0x1  }
0xa3: {  	[sflag:s23] =	ssyncset.done $0x0  }
0xa4: {  	s25 =	simm.s32 $0x1B8E;
	s24 =	sld [smem:$0x3FFE];
	[sflag:s23] =	ssyncadd.s32 $0xFFFFFFFF  }
0xa5: {  	s26 =	simm.s32 $execute0_lowered;
	[smem:$0x3FD2] =	sst s25  }
0xa6: {  	s4 =	sshll.u32 s26, $0x1;
	_ =	strace $0x80000073;
	[dreg:$0x1] =	wrdreg $0xFFFFFFFF  }
0xa7: {  	s28 =	simm.s32 $_size_execute0_lowered;
	s2 =	sadd.s32 s2, s4;
	[dreg:$0x0] =	wrdreg $0x0  }
0xa8: {  	s4 =	sshll.u32 s28, $0x1;
	[dreg:$0x2] =	wrdreg s2  }
0xa9: {  	[dreg:$0x3] =	wrdreg s4  }
0xaa: {  	[dreg:$0x4] =	wrdreg $0xC0  }
0xab: {  	_ =	task [dreg:s6], $0x5FFFF  }
0xac: {  	[dreg:$0x1] =	wrdreg $0xFFFFFFFF  }
0xad: {  	[dreg:$0x0] =	wrdreg $0x60  }
0xae: {  	[dreg:$0x2] =	wrdreg s24  }
0xaf: {  	[dreg:$0x3] =	wrdreg $0x9  }
0xb0: {  	_ =	task.clear_ibuf [dreg:s6], $0x4FFFF;
	_ =	strace $0x90000073  }
0xb1: {  	s29 =	simm.s32 $0x9;
	_ =	strace $0x80000075  }
0xb2: {  	_ =	swait.ge [sflag:s29], $0x1  }
0xb3: {  	[sflag:s29] =	ssyncadd.s32 $0xFFFFFFFF  }
0xb4: {  	_ =	strace $0x90000075  }
0xb5: {  	_ =	sfence  }
0xb6: {  	s30 =	sld [smem:$0x0];
	_ =	sdelay $0x2  }
0xb7: {  	s31 =	sshll.u32 s1, $0xD;
	s1 =	sshrl.u32 s1, $0x2  }
0xb8: {  	s3 =	sand.u32 $0x4000, s31;
	s1 =	sadd.s32 s1, s30  }
0xb9: {  	s0 =	sor.u32 s3, s0;
	s1 =	sshll.u32 s1, $0x11  }
0xba: {  	s0 =	sor.u32 s1, s0  }
0xbb: {  	s0 =	sadd.s32 $0x8F2B, s0  }
0xbc: {  	[sflag:s0] =	ssyncadd.remote.s32 $0x1  }
0xbd: {  	_ =	sfence.sel $0xFFFF  }
0xbe: {  	[dreg:$0x0] =	wrdreg $0xFFFFFFFF;
	(pc) =	sbr.abs _section_cstart, $3  }
0xbf: {  	[dreg:$0x1] =	wrdreg $0xFFFFFFFF  }
0xc0: {  	_ =	task.clear_ibuf [dreg:s6], $0x2FFFF;
	_ =	strace $0x9FFFFFFF  }
0xc1: {  	(tm) =	ssettm $0x7FFFFFFF  }
tec
execute0_lowered:
.L_overlay_start_1:
0x0: {  	(tag) =	ssettag $0x1  }
0x1: {  	s0 =	srdreg.scid;
	s5 =	rddreg [dreg:$0x0]  }
0x2: {  	s1 =	stileid.u32;
	s6 =	simm.s32 $0x1;
	s9 =	simm.s32 $0x1  }
0x3: {  	s10 =	simm.s32 $0x3;
	s13 =	simm.s32 $0x0;
	s2 =	sshll.u32 s0, $0x7  }
0x4: {  	s12 =	simm.s32 $0x0;
	s3 =	sshll.u32 s1, $0x8;
	s2 =	sand.u32 $0x80, s2  }
0x5: {  	s0 =	rddreg [dreg:$0x1];
	_ =	strace $0x80000074;
	s2 =	sor.u32 s3, s2  }
0x6: {  	s4 =	sadd.s32 $0x4400, s5;
	[sflag:s6] =	ssyncpa.u1 $0x0;
	s8 =	ssub.s32 $0x2000, s2  }
.Ltmp0:
0x7: {  	s3 =	sadd.s32 $0x26600, s5;
	s7 =	sand.u32 $0xF80, s8;
	(pc) =	sbr.rel .LBB2_1-.Ltmp0, $4  }
0x8: {  	s5 =	sadd.s32 $0x26200, s5;
	s11 =	smov.u32 s2;
	p0 =	sne.s32 s7, $0x0  }
0x9: {  	s8 =	sshrl.u32 s8, $0xC;
	s7 =	simm.s32 $0x2;
	s9 =	simm.s32 @!p0 $0x0  }
0xa: {  	[sflag:s7] =	ssyncpa.u1 $0x0;
	p0 =	por $0x0, $0x0;
	s8 =	sadd.s32 s9, s8  }
0xb: {  	vm0 =	vmmov $0xffff;
	[sflag:s10] =	ssyncpa.u1 $0x0;
	s10 =	simm.s32 $0x0;
	s9 =	sadd.s32 $0x1, s8  }
.LBB2_4:
0xc: {  	v2 =	vnsel vm1, $0x0, v2  }
0xd: {  	vm1 =	vgt.s32 v0, $0x0;
	v2 =	vmin.u32 v2, $0x1FFF  }
0xe: {  	v0 =	vnsel vm1, $0x0, v0  }
0xf: {  	v0 =	vmin.u32 v0, $0x1FFF  }
0x10: {  	[tilespmem:s15], [sflag:$0x1] =	stream.indirect_vreg.gather [hbm4b:s3+s10], $0x1, v1, vm0, $0x4038;
	[tilespmem:$0x200] =	vst v63  }
0x11: {  	(ifvalue) =	ssetifvalue $0x7FFFFFFF  }
0x12: {  	[tilespmem:s16], [sflag:$0x1] =	stream.indirect_vreg.gather [hbm4b:s3+s10], $0x1, v2, vm0, $0x4038;
	[tilespmem:$0x200] =	vst v63  }
0x13: {  	s29 =	sadd.s32 $0x10, s16;
	(ifvalue) =	ssetifvalue $0x7FFFFFFF  }
0x14: {  	[tilespmem:s29], [sflag:$0x1] =	stream.indirect_vreg.gather [hbm4b:s3+s10], $0x1, v0, vm0, $0x4038;
	[tilespmem:$0x200] =	vst v63  }
0x15: {  	_ =	swait.ge [sflag:s6], $0x80  }
0x16: {  	s30 =	sshrl.u32 s13, $0x3;
	[sflag:s6] =	ssyncset.done $0x0  }
0x17: {  	s31 =	sand.u32 $0x7, s13;
	s15 =	sadd.s32 s5, s30;
	[sflag:s6] =	ssyncadd.s32 $0xFFFFFF80  }
0x18: {  	[hbm4b:s15+s31] =	stream.linear.scatter [tilespmem:s14], [sflag:$0x3], $0x80, $0x38;
	[tilespmem:$0x200] =	vst v63  }
.LBB2_5:
0x19: {  	s15 =	sadd.s32 $0x1000, s11  }
0x1a: {  	p2 =	sgt.s32 s15, $0x1FFF  }
0x1b: {  	s15 =	smov.u32 @p2 s2;
	p2 =	sne.s32 s12, s9  }
.Ltmp1:
0x1c: {  	p1 =	slt.u32 s12, $0x2;
	(pc) =	sbr.rel @!p2 .LBB2_6-.Ltmp1, $4  }
0x1d: {  	s14 =	simm.s32 @!p1 $0x3  }
0x1e: {  	s16 =	sadd.s32 $0x1, s12;
	_ =	swait.ge @!p1 [sflag:s14], $0x80  }
0x1f: {  	s13 =	smov.u32 s11;
	p0 =	por !p0, !p0;
	[sflag:s14] =	ssyncset.done @!p1 $0x0  }
0x20: {  	s12 =	smov.u32 s16;
	s11 =	smov.u32 s15;
	[sflag:s14] =	ssyncadd.s32 @!p1 $0xFFFFFF80  }
.LBB2_1:
0x21: {  	p1 =	sge.u32 s12, s8  }
0x22: {  	s14 =	sxor.u32 @!p1 $0xFFFFFFFF, s12  }
0x23: {  	s31 =	sadd.s32 $0xFFFFFFFF, s12;
	s15 =	sshrl.u32 @!p1 s11, $0x3;
	s14 =	sshll.u32 @!p1 s14, $0x7  }
0x24: {  	s16 =	sand.u32 @!p1 $0x7, s11;
	s15 =	sadd.s32 @!p1 s4, s15;
	s14 =	sand.u32 @!p1 $0x80, s14  }
0x25: {  	[tilespmem:s14], [sflag:$0x2] =	stream.linear.gather @!p1 [hbm4b:s15+s16], $0x80, $0x38;
	[tilespmem:$0x200] =	vst v63  }
0x26: {  	p1 =	sge.u32 s31, s8  }
.Ltmp2:
0x27: {  	_ = 	snop;
	(pc) =	sbr.rel @p1 .LBB2_5-.Ltmp2, $1  }
0x28: {  	_ =	sdelay $0x3  }
0x29: {  	s14 =	simm.s32 $0x1  }
0x2a: {  	_ =	swait.ge [sflag:s7], $0x80;
	s14 =	simm.s32 @!p0 $0x0  }
0x2b: {  	[sflag:s7] =	ssyncset.done $0x0;
	s14 =	sshll.u32 s14, $0x7  }
0x2c: {  	[sflag:s7] =	ssyncadd.s32 $0xFFFFFF80;
	(ifvalue) =	ssetifvalue $0x7FFFFFFF;
	v0 =	vld.msk [tilespmem:s14+$0x0 ss:$0x1], $0xffff;
	_ =	sdelay $0x4  }
0x2d: {  	s15 =	sadd.s32 $0x10, s14;
	vm1 =	vgt.s32 v0, $0x0  }
0x2e: {  	v2 =	vld.msk [tilespmem:s15+$0x0 ss:$0x1], $0xffff;
	v1 =	vnsel vm1, $0x0, v0  }
0x2f: {  	v1 =	vmin.u32 v1, $0x1FFF;
	_ =	sdelay $0x1  }
0x30: {  	s16 =	sshll.u32 s12, $0x7;
	s18 =	simm.s32 $0x20  }
0x31: {  	s16 =	sand.u32 $0x80, s16;
	s17 =	sadd.s32 $0x10, s15;
	s15 =	sor.u32 $0x100, s14  }
0x32: {  	s14 =	sor.u32 $0x100, s16;
	s16 =	sadd.s32 $0x10, s15;
	v0 =	vld.msk [tilespmem:s17+$0x0 ss:$0x1], $0xffff;
	vm1 =	vgt.s32 v2, $0x0;
	(ifvalue) =	ssetifvalue $0x7FFFFFFF  }
.LBB2_3:
0x33: {  	[tilespmem:s15], [sflag:$0x1] =	stream.indirect_vreg.gather [hbm4b:s3+s10], $0x1, v1, vm0, $0x4038;
	[tilespmem:$0x200] =	vst v63  }
0x34: {  	s18 =	sadd.s32 $0x10, s18  }
0x35: {  	v2 =	vnsel vm1, $0x0, v2;
	p1 =	slt.u32 s18, $0x70  }
.Ltmp3:
0x36: {  	s15 =	smov.u32 s16;
	v1 =	vmin.u32 v2, $0x1FFF;
	(pc) =	sbr.rel @p1 .LBB2_3-.Ltmp3, $3  }
0x37: {  	_ =	sdelay $0x1  }
0x38: {  	s17 =	sadd.s32 $0x10, s17  }
0x39: {  	vm1 =	vgt.s32 v0, $0x0;
	s16 =	sadd.s32 $0x10, s16;
	v2 =	vmov v0;
	(ifvalue) =	ssetifvalue $0x7FFFFFFF;
	v0 =	vld.msk [tilespmem:s17+$0x0 ss:$0x1], $0xffff  }
.Ltmp4:
0x3a: {  	_ = 	snop;
	(pc) =	sbr.rel .LBB2_4-.Ltmp4, $1  }
0x3b: {  	_ =	sdelay $0x3  }
.LBB2_6:
0x3c: {  	_ =	sfence.sel $0x180000  }
0x3d: {  	s2 =	simm.s32 $0x2;
	[bflag:$0x0] =	sbarrier.arrive $0xFFFF  }
0x3e: {  	s30 =	simm.s32 $0x3;
	[sflag:s2] =	ssyncpa.u1 $0x1  }
0x3f: {  	s31 =	simm.s32 $0x1;
	[sflag:s30] =	ssyncpa.u1 $0x1  }
0x40: {  	[sflag:s31] =	ssyncpa.u1 $0x1  }
0x41: {  	p0 =	sne.s32 s1, $0x0;
	_ =	strace $0x90000074  }
0x42: {  	s0 =	sadd.s32 @!p0 $0x100000, s0;
	[bflag:$0x2] =	sbarrier.arrive $0xFFFF  }
0x43: {  	[sflag:s0] =	ssyncadd.tile.s32 @!p0 $0x1;
	_ =	shalt  }
.Lfunc_end2:
_tile_overlayer_lowered:
.L_overlay_start_2:
0x44: {  	(tag) =	ssettag $0x2  }
0x45: {  	s0 =	rddreg [dreg:$0x0];
	s2 =	stileid.u32  }
0x46: {  	s1 =	rddreg [dreg:$0x1];
	p0 =	sne.s32 s2, $0x0  }
0x47: {  	s3 =	rddreg [dreg:$0x2];
	[bflag:$0x3] =	sbarrier.arrive $0xFFFF;
	s2 =	simm.s32 @!p0 $0x1C01  }
0x48: {  	[timem:s3], [sflag:s2] =	dma.local @!p0 [hbm:s0], s1  }
0x49: {  	s0 =	simm.s32 @!p0 $0x1  }
0x4a: {  	_ =	swait.ge @!p0 [sflag:s0], s1  }
0x4b: {  	s1 =	ssub.s32 @!p0 $0x0, s1;
	[sflag:s0] =	ssyncset.done @!p0 $0x0  }
0x4c: {  	[sflag:s0] =	ssyncadd.s32 @!p0 s1  }
0x4d: {  	[bflag:$0x3] =	sbarrier.arrive $0xFFFF  }
0x4e: {  	_ =	shalt  }

// kernel: gather_offload_async_start.4
scs
__scs_entry_jumppad:
0x0: {  	(pc) =	sbr.rel $0x88, $3  }
0x1: {  	(tag) =	ssettag $0x0;
	lr =	simm.s32 $0x1  }
0x2: {  	[smem:$0x3F8C] =	sst lr;
	_ =	strace $0xD0000000  }
0x3: {  	_ = 	snop  }
0x4: {  	_ = 	snop  }
0x5: {  	_ = 	snop  }
0x6: {  	_ = 	snop  }
0x7: {  	_ = 	snop  }
__scs_overlays_trampoline_lowered:
0x8: {  	[smem:$0x3F9B] =	sst s0  }
0x9: {  	[smem:$0x3F9C] =	sst s1  }
0xa: {  	[smem:$0x3F9D] =	sst s2  }
0xb: {  	[smem:$0x3F9E] =	sst s3  }
0xc: {  	[smem:$0x3F9F] =	sst s4  }
0xd: {  	[smem:$0x3FA0] =	sst s5  }
0xe: {  	[smem:$0x3FA1] =	sst s6  }
0xf: {  	[smem:$0x3FA2] =	sst s7  }
0x10: {  	[smem:$0x3FA3] =	sst s8  }
0x11: {  	[smem:$0x3FA4] =	sst s9;
	s0 =	simm.s32 @!p0 $0x0  }
0x12: {  	s1 =	sld [smem:$0x3F8A];
	s0 =	simm.s32 @p0 $0x1  }
0x13: {  	[smem:$0x3FA5] =	sst s0;
	s0 =	simm.s32 @!p1 $0x0  }
0x14: {  	s2 =	sld [smem:$0x3F89];
	s0 =	simm.s32 @p1 $0x1  }
0x15: {  	[smem:$0x3FA6] =	sst s0;
	s0 =	simm.s32 @!p2 $0x0  }
0x16: {  	s3 =	sld [smem:$0x3FDB];
	s0 =	simm.s32 @p2 $0x1  }
0x17: {  	s4 =	simm.s32 $0x1BF5;
	[smem:$0x3FA8] =	sst s0  }
0x18: {  	s0 =	sld [smem:$0x3F8B];
	_ =	swait.ge [sflag:s4], $0x0  }
0x19: {  	s7 =	sld [smem:$0x3F8C]  }
0x1a: {  	s8 =	sadd.s32 $0xFFFFE003, lr  }
0x1b: {  	s9 =	sadd.s32 $0xFFFFFEF7, lr;
	s5 =	simm.s32 $0xFFFFFFFF;
	p2 =	slt.u32 s8, $0xFFFFF086  }
0x1c: {  	p1 =	slt.u32 s9, $0xF7A;
	s5 =	simm.s32 @!p2 $0x0  }
0x1d: {  	s5 =	simm.s32 @p1 $0x1;
	p0 =	seq.s32 s7, s2  }
0x1e: {  	s7 =	smul.u32 @!p0 $0xF7A, s2;
	p2 =	seq.s32 @!p0 s5, $0x0  }
0x1f: {  	s9 =	smul.u32 $0xF7A, s1;
	s8 =	simm.s32 @!p0 $0x1BF5;
	p2 =	por !p2, p0  }
0x20: {  	[sflag:s8] =	ssyncset.s32 @!p0 $0xFFFFF086;
	s6 =	sadd.s32 @!p0 s3, s7;
	s7 =	simm.s32 @!p0 $0x108  }
0x21: {  	s3 =	sadd.s32 s3, s9;
	s6 =	sadd.s32 @!p0 $0x88, s6;
	s7 =	simm.s32 @p2 $0x1082  }
0x22: {  	[simem:s7], [sflag:s8] =	dma.local @!p0 [hbm:s6], $0xF7A  }
0x23: {  	s9 =	sor.u32 $0xD0000000, s2;
	s6 =	simm.s32 $0x108;
	_ =	swait.ge @!p0 [sflag:s8], $0x0  }
0x24: {  	s3 =	sadd.s32 $0x88, s3;
	s6 =	simm.s32 @!p1 $0x1082;
	[sflag:s4] =	ssyncset.s32 $0xFFFFF086  }
0x25: {  	[simem:s6], [sflag:s4] =	dma.local [hbm:s3], $0xF7A  }
0x26: {  	[smem:$0x3F8C] =	sst s1;
	(tag) =	ssettag s2;
	_ =	strace s9  }
0x27: {  	s1 =	sld [smem:$0x3F9C]  }
0x28: {  	s2 =	sld [smem:$0x3F9D]  }
0x29: {  	s4 =	sld [smem:$0x3F9F]  }
0x2a: {  	p0 =	seq.s32 s5, $0x0;
	s5 =	sld [smem:$0x3FA0]  }
0x2b: {  	s6 =	sld [smem:$0x3FA1]  }
0x2c: {  	s7 =	sld [smem:$0x3FA2]  }
0x2d: {  	s3 =	simm.s32 $0x108;
	s8 =	sld [smem:$0x3FA3]  }
0x2e: {  	s3 =	simm.s32 @!p0 $0x1082;
	s9 =	sld [smem:$0x3FA4]  }
0x2f: {  	lr =	sadd.s32 s0, s3;
	s0 =	sld [smem:$0x3F9B]  }
0x30: {  	s3 =	sld [smem:$0x3F9E]  }
0x31: {  	[smem:$0x3FA7] =	sst s10  }
0x32: {  	s10 =	sld [smem:$0x3FA5];
	_ =	sdelay $0x3  }
0x33: {  	p0 =	seq.s32 s10, $0x1;
	s10 =	sld [smem:$0x3FA7];
	_ =	sdelay $0x3  }
0x34: {  	[smem:$0x3FA7] =	sst s10  }
0x35: {  	s10 =	sld [smem:$0x3FA6];
	_ =	sdelay $0x3  }
0x36: {  	p1 =	seq.s32 s10, $0x1;
	s10 =	sld [smem:$0x3FA7];
	_ =	sdelay $0x3  }
0x37: {  	[smem:$0x3FA7] =	sst s10  }
0x38: {  	s10 =	sld [smem:$0x3FA8]  }
0x39: {  	_ = 	snop;
	(pc) =	sbr.ind lr, $3  }
0x3a: {  	_ = 	snop  }
0x3b: {  	_ = 	snop  }
0x3c: {  	p2 =	seq.s32 s10, $0x1;
	s10 =	sld [smem:$0x3FA7]  }
0x3d: {  	_ =	shalt  }
0x3e: {  	_ =	shalt  }
0x3f: {  	_ =	shalt  }
0x40: {  	_ =	shalt  }
0x41: {  	_ =	shalt  }
0x42: {  	_ =	shalt  }
0x43: {  	_ =	shalt  }
0x44: {  	_ =	shalt  }
0x45: {  	_ =	shalt  }
0x46: {  	_ =	shalt  }
0x47: {  	_ =	shalt  }
0x48: {  	_ =	shalt  }
0x49: {  	_ =	shalt  }
0x4a: {  	_ =	shalt  }
0x4b: {  	_ =	shalt  }
0x4c: {  	_ =	shalt  }
0x4d: {  	_ =	shalt  }
0x4e: {  	_ =	shalt  }
0x4f: {  	_ =	shalt  }
0x50: {  	_ =	shalt  }
0x51: {  	_ =	shalt  }
0x52: {  	_ =	shalt  }
0x53: {  	_ =	shalt  }
0x54: {  	_ =	shalt  }
0x55: {  	_ =	shalt  }
0x56: {  	_ =	shalt  }
0x57: {  	_ =	shalt  }
0x58: {  	_ =	shalt  }
0x59: {  	_ =	shalt  }
0x5a: {  	_ =	shalt  }
0x5b: {  	_ =	shalt  }
0x5c: {  	_ =	shalt  }
0x5d: {  	_ =	shalt  }
0x5e: {  	_ =	shalt  }
0x5f: {  	_ =	shalt  }
0x60: {  	_ =	shalt  }
0x61: {  	_ =	shalt  }
0x62: {  	_ =	shalt  }
0x63: {  	_ =	shalt  }
0x64: {  	_ =	shalt  }
0x65: {  	_ =	shalt  }
0x66: {  	_ =	shalt  }
0x67: {  	_ =	shalt  }
0x68: {  	_ =	shalt  }
0x69: {  	_ =	shalt  }
0x6a: {  	_ =	shalt  }
0x6b: {  	_ =	shalt  }
0x6c: {  	_ =	shalt  }
0x6d: {  	_ =	shalt  }
0x6e: {  	_ =	shalt  }
0x6f: {  	_ =	shalt  }
0x70: {  	_ =	shalt  }
0x71: {  	_ =	shalt  }
0x72: {  	_ =	shalt  }
0x73: {  	_ =	shalt  }
0x74: {  	_ =	shalt  }
0x75: {  	_ =	shalt  }
0x76: {  	_ =	shalt  }
0x77: {  	_ =	shalt  }
0x78: {  	_ =	shalt  }
0x79: {  	_ =	shalt  }
0x7a: {  	_ =	shalt  }
0x7b: {  	_ =	shalt  }
0x7c: {  	_ =	shalt  }
0x7d: {  	_ =	shalt  }
0x7e: {  	_ =	shalt  }
0x7f: {  	_ =	shalt  }
0x80: {  	_ =	shalt  }
0x81: {  	_ =	shalt  }
0x82: {  	_ =	shalt  }
0x83: {  	_ =	shalt  }
0x84: {  	_ =	shalt  }
0x85: {  	_ =	shalt  }
0x86: {  	_ =	shalt  }
0x87: {  	_ =	shalt  }
.Lfunc_end0:
.L_simem_size_0:
called_computation.8_lowered:
.L_overlay_start_0:
0x88: {  	s2 =	sld [smem:$0x3FD9]  }
0x89: {  	s3 =	sld [smem:$0x3FFE];
	_ =	sdelay $0x1  }
0x8a: {  	s1 =	srdreg.scid  }
0x8b: {  	s0 =	sand.u32 $0x1, s1  }
0x8c: {  	s17 =	sshll.u32 s0, $0xA;
	s2 =	sadd.s32 s3, s2  }
0x8d: {  	s2 =	sadd.s32 s2, s17  }
0x8e: {  	[smem:$0x3FB3] =	sst s2  }
0x8f: {  	_ = 	snop  }
0x90: {  	s2 =	sld [smem:$0x3FD0];
	(tm) =	ssettm $0x1  }
0x91: {  	s18 =	sld [smem:$0x3FFB];
	_ =	sdelay $0x3  }
0x92: {  	_ =	strace s18  }
0x93: {  	s3 =	sld [smem:$0x3FFC];
	_ =	sdelay $0x3  }
0x94: {  	_ =	strace s3  }
0x95: {  	s3 =	sld [smem:$0x3FFD];
	_ =	sdelay $0x3  }
0x96: {  	_ =	strace s3  }
0x97: {  	_ =	strace $0x8FFFFFFF  }
0x98: {  	s19 =	sld [smem:$0x3FDB];
	_ =	sdelay $0x1  }
0x99: {  	s4 =	simm.s32 $_scs_section_size  }
0x9a: {  	s5 =	simm.s32 $_size__tile_overlayer_lowered;
	s6 =	simm.s32 $_tile_overlayer_lowered  }
0x9b: {  	s22 =	simm.s32 $0x1BFF;
	s21 =	sshll.u32 s6, $0x1;
	s3 =	sadd.s32 s4, s19  }
0x9c: {  	s7 =	simm.s32 $0x0;
	s20 =	sshll.u32 s5, $0x1;
	s5 =	sadd.s32 s21, s3  }
0x9d: {  	[timem:s7], [sflag:s22] =	dma.local [hbm:s5], s20  }
0x9e: {  	_ =	swait.ge [sflag:s22], s20  }
0x9f: {  	s4 =	ssub.s32 $0x0, s20;
	[sflag:s22] =	ssyncset.done $0x0  }
0xa0: {  	[sflag:s22] =	ssyncadd.s32 s4;
	_ =	sdelay $0x1  }
0xa1: {  	s23 =	simm.s32 $0x1B8B  }
0xa2: {  	_ =	swait.ge [sflag:s23], $0x1  }
0xa3: {  	[sflag:s23] =	ssyncset.done $0x0  }
0xa4: {  	s25 =	simm.s32 $0x1B8E;
	s24 =	sld [smem:$0x3FFE];
	[sflag:s23] =	ssyncadd.s32 $0xFFFFFFFF  }
0xa5: {  	s26 =	simm.s32 $execute0_lowered;
	[smem:$0x3FD2] =	sst s25  }
0xa6: {  	s5 =	sshll.u32 s26, $0x1;
	_ =	strace $0x8000004C;
	[dreg:$0x1] =	wrdreg $0xFFFFFFFF  }
0xa7: {  	s28 =	simm.s32 $_size_execute0_lowered;
	s3 =	sadd.s32 s3, s5;
	[dreg:$0x0] =	wrdreg $0x0  }
0xa8: {  	s5 =	sshll.u32 s28, $0x1;
	[dreg:$0x2] =	wrdreg s3  }
0xa9: {  	[dreg:$0x3] =	wrdreg s5  }
0xaa: {  	[dreg:$0x4] =	wrdreg $0xC0  }
0xab: {  	_ =	task [dreg:s7], $0x5FFFF  }
0xac: {  	[dreg:$0x1] =	wrdreg $0xFFFFFFFF  }
0xad: {  	[dreg:$0x0] =	wrdreg $0x60  }
0xae: {  	[dreg:$0x2] =	wrdreg s2  }
0xaf: {  	[dreg:$0x3] =	wrdreg s24  }
0xb0: {  	[dreg:$0x4] =	wrdreg $0x9  }
0xb1: {  	_ =	task.clear_ibuf [dreg:s7], $0x5FFFF;
	_ =	strace $0x9000004C  }
0xb2: {  	s29 =	simm.s32 $0x9;
	_ =	strace $0x8000004E  }
0xb3: {  	_ =	swait.ge [sflag:s29], $0x1  }
0xb4: {  	[sflag:s29] =	ssyncadd.s32 $0xFFFFFFFF  }
0xb5: {  	_ =	strace $0x9000004E  }
0xb6: {  	_ =	sfence  }
0xb7: {  	s30 =	sld [smem:$0x0];
	_ =	sdelay $0x2  }
0xb8: {  	s31 =	sshll.u32 s1, $0xD;
	s1 =	sshrl.u32 s1, $0x2  }
0xb9: {  	s3 =	sand.u32 $0x4000, s31;
	s1 =	sadd.s32 s1, s30  }
0xba: {  	s0 =	sor.u32 s3, s0;
	s1 =	sshll.u32 s1, $0x11  }
0xbb: {  	s0 =	sor.u32 s1, s0  }
0xbc: {  	s0 =	sadd.s32 $0x8F2B, s0  }
0xbd: {  	[sflag:s0] =	ssyncadd.remote.s32 $0x1  }
0xbe: {  	_ =	sfence.sel $0xFFFF  }
0xbf: {  	[dreg:$0x0] =	wrdreg $0xFFFFFFFF;
	(pc) =	sbr.abs _section_cstart, $3  }
0xc0: {  	[dreg:$0x1] =	wrdreg $0xFFFFFFFF  }
0xc1: {  	_ =	task.clear_ibuf [dreg:s7], $0x2FFFF;
	_ =	strace $0x9FFFFFFF  }
0xc2: {  	(tm) =	ssettm $0x7FFFFFFF  }
0xc3: {  	_ =	shalt  }
tec
execute0_lowered:
.L_overlay_start_1:
0x0: {  	(tag) =	ssettag $0x1  }
0x1: {  	s1 =	srdreg.scid;
	s2 =	rddreg [dreg:$0x0]  }
0x2: {  	s0 =	stileid.u32;
	s5 =	rddreg [dreg:$0x1];
	s6 =	simm.s32 $0x1  }
0x3: {  	s9 =	simm.s32 $0x1;
	s10 =	simm.s32 $0x3;
	s1 =	sshll.u32 s1, $0x7  }
0x4: {  	s13 =	simm.s32 $0x0;
	s3 =	sshll.u32 s0, $0x8;
	s4 =	sand.u32 $0x80, s1  }
0x5: {  	s12 =	simm.s32 $0x0;
	s1 =	rddreg [dreg:$0x2];
	s3 =	sor.u32 s3, s4  }
0x6: {  	_ =	strace $0x8000004D;
	s4 =	sadd.s32 $0x4C00, s5;
	s8 =	ssub.s32 $0x2000, s3  }
.Ltmp0:
0x7: {  	s5 =	sadd.s32 $0x4400, s5;
	s7 =	sand.u32 $0xF80, s8;
	(pc) =	sbr.rel .LBB2_1-.Ltmp0, $4  }
0x8: {  	[sflag:s6] =	ssyncpa.u1 $0x0;
	s11 =	smov.u32 s3;
	p0 =	sne.s32 s7, $0x0  }
0x9: {  	s8 =	sshrl.u32 s8, $0xC;
	s7 =	simm.s32 $0x2;
	s9 =	simm.s32 @!p0 $0x0  }
0xa: {  	[sflag:s7] =	ssyncpa.u1 $0x0;
	p0 =	por $0x0, $0x0;
	s8 =	sadd.s32 s9, s8  }
0xb: {  	vm0 =	vmmov $0xffff;
	[sflag:s10] =	ssyncpa.u1 $0x0;
	s10 =	simm.s32 $0x0;
	s9 =	sadd.s32 $0x1, s8  }
.LBB2_4:
0xc: {  	v2 =	vnsel vm1, $0x0, v2  }
0xd: {  	vm1 =	vgt.s32 v0, $0x0;
	v2 =	vmin.u32 v2, $0x1FFF  }
0xe: {  	v0 =	vnsel vm1, $0x0, v0  }
0xf: {  	v0 =	vmin.u32 v0, $0x1FFF  }
0x10: {  	[tilespmem:s15], [sflag:$0x1] =	stream.indirect_vreg.gather [hbm4b:s2+s10], $0x1, v1, vm0, $0x4038;
	[tilespmem:$0x200] =	vst v63  }
0x11: {  	(ifvalue) =	ssetifvalue $0x7FFFFFFF  }
0x12: {  	[tilespmem:s16], [sflag:$0x1] =	stream.indirect_vreg.gather [hbm4b:s2+s10], $0x1, v2, vm0, $0x4038;
	[tilespmem:$0x200] =	vst v63  }
0x13: {  	s29 =	sadd.s32 $0x10, s16;
	(ifvalue) =	ssetifvalue $0x7FFFFFFF  }
0x14: {  	[tilespmem:s29], [sflag:$0x1] =	stream.indirect_vreg.gather [hbm4b:s2+s10], $0x1, v0, vm0, $0x4038;
	[tilespmem:$0x200] =	vst v63  }
0x15: {  	_ =	swait.ge [sflag:s6], $0x80  }
0x16: {  	s30 =	sshrl.u32 s13, $0x3;
	[sflag:s6] =	ssyncset.done $0x0  }
0x17: {  	s31 =	sand.u32 $0x7, s13;
	s15 =	sadd.s32 s5, s30;
	[sflag:s6] =	ssyncadd.s32 $0xFFFFFF80  }
0x18: {  	[hbm4b:s15+s31] =	stream.linear.scatter [tilespmem:s14], [sflag:$0x3], $0x80, $0x38;
	[tilespmem:$0x200] =	vst v63  }
.LBB2_5:
0x19: {  	s15 =	sadd.s32 $0x1000, s11  }
0x1a: {  	p2 =	sgt.s32 s15, $0x1FFF  }
0x1b: {  	s15 =	smov.u32 @p2 s3;
	p2 =	sne.s32 s12, s9  }
.Ltmp1:
0x1c: {  	p1 =	slt.u32 s12, $0x2;
	(pc) =	sbr.rel @!p2 .LBB2_6-.Ltmp1, $4  }
0x1d: {  	s14 =	simm.s32 @!p1 $0x3  }
0x1e: {  	s16 =	sadd.s32 $0x1, s12;
	_ =	swait.ge @!p1 [sflag:s14], $0x80  }
0x1f: {  	s13 =	smov.u32 s11;
	p0 =	por !p0, !p0;
	[sflag:s14] =	ssyncset.done @!p1 $0x0  }
0x20: {  	s12 =	smov.u32 s16;
	s11 =	smov.u32 s15;
	[sflag:s14] =	ssyncadd.s32 @!p1 $0xFFFFFF80  }
.LBB2_1:
0x21: {  	p1 =	sge.u32 s12, s8  }
0x22: {  	s14 =	sxor.u32 @!p1 $0xFFFFFFFF, s12  }
0x23: {  	s31 =	sadd.s32 $0xFFFFFFFF, s12;
	s15 =	sshrl.u32 @!p1 s11, $0x3;
	s14 =	sshll.u32 @!p1 s14, $0x7  }
0x24: {  	s16 =	sand.u32 @!p1 $0x7, s11;
	s15 =	sadd.s32 @!p1 s4, s15;
	s14 =	sand.u32 @!p1 $0x80, s14  }
0x25: {  	[tilespmem:s14], [sflag:$0x2] =	stream.linear.gather @!p1 [hbm4b:s15+s16], $0x80, $0x38;
	[tilespmem:$0x200] =	vst v63  }
0x26: {  	p1 =	sge.u32 s31, s8  }
.Ltmp2:
0x27: {  	_ = 	snop;
	(pc) =	sbr.rel @p1 .LBB2_5-.Ltmp2, $1  }
0x28: {  	_ =	sdelay $0x3  }
0x29: {  	s14 =	simm.s32 $0x1  }
0x2a: {  	_ =	swait.ge [sflag:s7], $0x80;
	s14 =	simm.s32 @!p0 $0x0  }
0x2b: {  	[sflag:s7] =	ssyncset.done $0x0;
	s14 =	sshll.u32 s14, $0x7  }
0x2c: {  	[sflag:s7] =	ssyncadd.s32 $0xFFFFFF80;
	(ifvalue) =	ssetifvalue $0x7FFFFFFF;
	v0 =	vld.msk [tilespmem:s14+$0x0 ss:$0x1], $0xffff;
	_ =	sdelay $0x4  }
0x2d: {  	s15 =	sadd.s32 $0x10, s14;
	vm1 =	vgt.s32 v0, $0x0  }
0x2e: {  	v2 =	vld.msk [tilespmem:s15+$0x0 ss:$0x1], $0xffff;
	v1 =	vnsel vm1, $0x0, v0  }
0x2f: {  	v1 =	vmin.u32 v1, $0x1FFF;
	_ =	sdelay $0x1  }
0x30: {  	s16 =	sshll.u32 s12, $0x7;
	s18 =	simm.s32 $0x20  }
0x31: {  	s16 =	sand.u32 $0x80, s16;
	s17 =	sadd.s32 $0x10, s15;
	s15 =	sor.u32 $0x100, s14  }
0x32: {  	s14 =	sor.u32 $0x100, s16;
	s16 =	sadd.s32 $0x10, s15;
	v0 =	vld.msk [tilespmem:s17+$0x0 ss:$0x1], $0xffff;
	vm1 =	vgt.s32 v2, $0x0;
	(ifvalue) =	ssetifvalue $0x7FFFFFFF  }
.LBB2_3:
0x33: {  	[tilespmem:s15], [sflag:$0x1] =	stream.indirect_vreg.gather [hbm4b:s2+s10], $0x1, v1, vm0, $0x4038;
	[tilespmem:$0x200] =	vst v63  }
0x34: {  	s18 =	sadd.s32 $0x10, s18  }
0x35: {  	v2 =	vnsel vm1, $0x0, v2;
	p1 =	slt.u32 s18, $0x70  }
.Ltmp3:
0x36: {  	s15 =	smov.u32 s16;
	v1 =	vmin.u32 v2, $0x1FFF;
	(pc) =	sbr.rel @p1 .LBB2_3-.Ltmp3, $3  }
0x37: {  	_ =	sdelay $0x1  }
0x38: {  	s17 =	sadd.s32 $0x10, s17  }
0x39: {  	vm1 =	vgt.s32 v0, $0x0;
	s16 =	sadd.s32 $0x10, s16;
	v2 =	vmov v0;
	(ifvalue) =	ssetifvalue $0x7FFFFFFF;
	v0 =	vld.msk [tilespmem:s17+$0x0 ss:$0x1], $0xffff  }
.Ltmp4:
0x3a: {  	_ = 	snop;
	(pc) =	sbr.rel .LBB2_4-.Ltmp4, $1  }
0x3b: {  	_ =	sdelay $0x3  }
.LBB2_6:
0x3c: {  	_ =	sfence.sel $0x180000  }
0x3d: {  	s2 =	simm.s32 $0x2;
	[bflag:$0x0] =	sbarrier.arrive $0xFFFF  }
0x3e: {  	s30 =	simm.s32 $0x3;
	[sflag:s2] =	ssyncpa.u1 $0x1  }
0x3f: {  	s31 =	simm.s32 $0x1;
	[sflag:s30] =	ssyncpa.u1 $0x1  }
0x40: {  	[sflag:s31] =	ssyncpa.u1 $0x1  }
0x41: {  	p0 =	sne.s32 s0, $0x0;
	_ =	strace $0x9000004D  }
0x42: {  	s0 =	sadd.s32 @!p0 $0x100000, s1;
	[bflag:$0x2] =	sbarrier.arrive $0xFFFF  }
0x43: {  	[sflag:s0] =	ssyncadd.tile.s32 @!p0 $0x1;
	_ =	shalt  }
.Lfunc_end2:
_tile_overlayer_lowered:
.L_overlay_start_2:
0x44: {  	(tag) =	ssettag $0x2  }
0x45: {  	s0 =	rddreg [dreg:$0x0];
	s2 =	stileid.u32  }
0x46: {  	s1 =	rddreg [dreg:$0x1];
	p0 =	sne.s32 s2, $0x0  }
0x47: {  	s3 =	rddreg [dreg:$0x2];
	[bflag:$0x3] =	sbarrier.arrive $0xFFFF;
	s2 =	simm.s32 @!p0 $0x1C01  }
0x48: {  	[timem:s3], [sflag:s2] =	dma.local @!p0 [hbm:s0], s1  }
0x49: {  	s0 =	simm.s32 @!p0 $0x1  }
0x4a: {  	_ =	swait.ge @!p0 [sflag:s0], s1  }
0x4b: {  	s1 =	ssub.s32 @!p0 $0x0, s1;
	[sflag:s0] =	ssyncset.done @!p0 $0x0  }
0x4c: {  	[sflag:s0] =	ssyncadd.s32 @!p0 s1  }
0x4d: {  	[bflag:$0x3] =	sbarrier.arrive $0xFFFF  }
0x4e: {  	_ =	shalt  }

// kernel: gather_offload_async_start.5
scs
__scs_entry_jumppad:
0x0: {  	(pc) =	sbr.rel $0x88, $3  }
0x1: {  	(tag) =	ssettag $0x0;
	lr =	simm.s32 $0x1  }
0x2: {  	[smem:$0x3F8C] =	sst lr;
	_ =	strace $0xD0000000  }
0x3: {  	_ = 	snop  }
0x4: {  	_ = 	snop  }
0x5: {  	_ = 	snop  }
0x6: {  	_ = 	snop  }
0x7: {  	_ = 	snop  }
__scs_overlays_trampoline_lowered:
0x8: {  	[smem:$0x3F9B] =	sst s0  }
0x9: {  	[smem:$0x3F9C] =	sst s1  }
0xa: {  	[smem:$0x3F9D] =	sst s2  }
0xb: {  	[smem:$0x3F9E] =	sst s3  }
0xc: {  	[smem:$0x3F9F] =	sst s4  }
0xd: {  	[smem:$0x3FA0] =	sst s5  }
0xe: {  	[smem:$0x3FA1] =	sst s6  }
0xf: {  	[smem:$0x3FA2] =	sst s7  }
0x10: {  	[smem:$0x3FA3] =	sst s8  }
0x11: {  	[smem:$0x3FA4] =	sst s9;
	s0 =	simm.s32 @!p0 $0x0  }
0x12: {  	s1 =	sld [smem:$0x3F8A];
	s0 =	simm.s32 @p0 $0x1  }
0x13: {  	[smem:$0x3FA5] =	sst s0;
	s0 =	simm.s32 @!p1 $0x0  }
0x14: {  	s2 =	sld [smem:$0x3F89];
	s0 =	simm.s32 @p1 $0x1  }
0x15: {  	[smem:$0x3FA6] =	sst s0;
	s0 =	simm.s32 @!p2 $0x0  }
0x16: {  	s3 =	sld [smem:$0x3FDB];
	s0 =	simm.s32 @p2 $0x1  }
0x17: {  	s4 =	simm.s32 $0x1BF5;
	[smem:$0x3FA8] =	sst s0  }
0x18: {  	s0 =	sld [smem:$0x3F8B];
	_ =	swait.ge [sflag:s4], $0x0  }
0x19: {  	s7 =	sld [smem:$0x3F8C]  }
0x1a: {  	s8 =	sadd.s32 $0xFFFFE003, lr  }
0x1b: {  	s9 =	sadd.s32 $0xFFFFFEF7, lr;
	s5 =	simm.s32 $0xFFFFFFFF;
	p2 =	slt.u32 s8, $0xFFFFF086  }
0x1c: {  	p1 =	slt.u32 s9, $0xF7A;
	s5 =	simm.s32 @!p2 $0x0  }
0x1d: {  	s5 =	simm.s32 @p1 $0x1;
	p0 =	seq.s32 s7, s2  }
0x1e: {  	s7 =	smul.u32 @!p0 $0xF7A, s2;
	p2 =	seq.s32 @!p0 s5, $0x0  }
0x1f: {  	s9 =	smul.u32 $0xF7A, s1;
	s8 =	simm.s32 @!p0 $0x1BF5;
	p2 =	por !p2, p0  }
0x20: {  	[sflag:s8] =	ssyncset.s32 @!p0 $0xFFFFF086;
	s6 =	sadd.s32 @!p0 s3, s7;
	s7 =	simm.s32 @!p0 $0x108  }
0x21: {  	s3 =	sadd.s32 s3, s9;
	s6 =	sadd.s32 @!p0 $0x88, s6;
	s7 =	simm.s32 @p2 $0x1082  }
0x22: {  	[simem:s7], [sflag:s8] =	dma.local @!p0 [hbm:s6], $0xF7A  }
0x23: {  	s9 =	sor.u32 $0xD0000000, s2;
	s6 =	simm.s32 $0x108;
	_ =	swait.ge @!p0 [sflag:s8], $0x0  }
0x24: {  	s3 =	sadd.s32 $0x88, s3;
	s6 =	simm.s32 @!p1 $0x1082;
	[sflag:s4] =	ssyncset.s32 $0xFFFFF086  }
0x25: {  	[simem:s6], [sflag:s4] =	dma.local [hbm:s3], $0xF7A  }
0x26: {  	[smem:$0x3F8C] =	sst s1;
	(tag) =	ssettag s2;
	_ =	strace s9  }
0x27: {  	s1 =	sld [smem:$0x3F9C]  }
0x28: {  	s2 =	sld [smem:$0x3F9D]  }
0x29: {  	s4 =	sld [smem:$0x3F9F]  }
0x2a: {  	p0 =	seq.s32 s5, $0x0;
	s5 =	sld [smem:$0x3FA0]  }
0x2b: {  	s6 =	sld [smem:$0x3FA1]  }
0x2c: {  	s7 =	sld [smem:$0x3FA2]  }
0x2d: {  	s3 =	simm.s32 $0x108;
	s8 =	sld [smem:$0x3FA3]  }
0x2e: {  	s3 =	simm.s32 @!p0 $0x1082;
	s9 =	sld [smem:$0x3FA4]  }
0x2f: {  	lr =	sadd.s32 s0, s3;
	s0 =	sld [smem:$0x3F9B]  }
0x30: {  	s3 =	sld [smem:$0x3F9E]  }
0x31: {  	[smem:$0x3FA7] =	sst s10  }
0x32: {  	s10 =	sld [smem:$0x3FA5];
	_ =	sdelay $0x3  }
0x33: {  	p0 =	seq.s32 s10, $0x1;
	s10 =	sld [smem:$0x3FA7];
	_ =	sdelay $0x3  }
0x34: {  	[smem:$0x3FA7] =	sst s10  }
0x35: {  	s10 =	sld [smem:$0x3FA6];
	_ =	sdelay $0x3  }
0x36: {  	p1 =	seq.s32 s10, $0x1;
	s10 =	sld [smem:$0x3FA7];
	_ =	sdelay $0x3  }
0x37: {  	[smem:$0x3FA7] =	sst s10  }
0x38: {  	s10 =	sld [smem:$0x3FA8]  }
0x39: {  	_ = 	snop;
	(pc) =	sbr.ind lr, $3  }
0x3a: {  	_ = 	snop  }
0x3b: {  	_ = 	snop  }
0x3c: {  	p2 =	seq.s32 s10, $0x1;
	s10 =	sld [smem:$0x3FA7]  }
0x3d: {  	_ =	shalt  }
0x3e: {  	_ =	shalt  }
0x3f: {  	_ =	shalt  }
0x40: {  	_ =	shalt  }
0x41: {  	_ =	shalt  }
0x42: {  	_ =	shalt  }
0x43: {  	_ =	shalt  }
0x44: {  	_ =	shalt  }
0x45: {  	_ =	shalt  }
0x46: {  	_ =	shalt  }
0x47: {  	_ =	shalt  }
0x48: {  	_ =	shalt  }
0x49: {  	_ =	shalt  }
0x4a: {  	_ =	shalt  }
0x4b: {  	_ =	shalt  }
0x4c: {  	_ =	shalt  }
0x4d: {  	_ =	shalt  }
0x4e: {  	_ =	shalt  }
0x4f: {  	_ =	shalt  }
0x50: {  	_ =	shalt  }
0x51: {  	_ =	shalt  }
0x52: {  	_ =	shalt  }
0x53: {  	_ =	shalt  }
0x54: {  	_ =	shalt  }
0x55: {  	_ =	shalt  }
0x56: {  	_ =	shalt  }
0x57: {  	_ =	shalt  }
0x58: {  	_ =	shalt  }
0x59: {  	_ =	shalt  }
0x5a: {  	_ =	shalt  }
0x5b: {  	_ =	shalt  }
0x5c: {  	_ =	shalt  }
0x5d: {  	_ =	shalt  }
0x5e: {  	_ =	shalt  }
0x5f: {  	_ =	shalt  }
0x60: {  	_ =	shalt  }
0x61: {  	_ =	shalt  }
0x62: {  	_ =	shalt  }
0x63: {  	_ =	shalt  }
0x64: {  	_ =	shalt  }
0x65: {  	_ =	shalt  }
0x66: {  	_ =	shalt  }
0x67: {  	_ =	shalt  }
0x68: {  	_ =	shalt  }
0x69: {  	_ =	shalt  }
0x6a: {  	_ =	shalt  }
0x6b: {  	_ =	shalt  }
0x6c: {  	_ =	shalt  }
0x6d: {  	_ =	shalt  }
0x6e: {  	_ =	shalt  }
0x6f: {  	_ =	shalt  }
0x70: {  	_ =	shalt  }
0x71: {  	_ =	shalt  }
0x72: {  	_ =	shalt  }
0x73: {  	_ =	shalt  }
0x74: {  	_ =	shalt  }
0x75: {  	_ =	shalt  }
0x76: {  	_ =	shalt  }
0x77: {  	_ =	shalt  }
0x78: {  	_ =	shalt  }
0x79: {  	_ =	shalt  }
0x7a: {  	_ =	shalt  }
0x7b: {  	_ =	shalt  }
0x7c: {  	_ =	shalt  }
0x7d: {  	_ =	shalt  }
0x7e: {  	_ =	shalt  }
0x7f: {  	_ =	shalt  }
0x80: {  	_ =	shalt  }
0x81: {  	_ =	shalt  }
0x82: {  	_ =	shalt  }
0x83: {  	_ =	shalt  }
0x84: {  	_ =	shalt  }
0x85: {  	_ =	shalt  }
0x86: {  	_ =	shalt  }
0x87: {  	_ =	shalt  }
.Lfunc_end0:
.L_simem_size_0:
called_computation.9_lowered:
.L_overlay_start_0:
0x88: {  	s2 =	sld [smem:$0x3FD9]  }
0x89: {  	s3 =	sld [smem:$0x3FFE];
	_ =	sdelay $0x1  }
0x8a: {  	s1 =	srdreg.scid  }
0x8b: {  	s0 =	sand.u32 $0x1, s1  }
0x8c: {  	s17 =	sshll.u32 s0, $0xA;
	s2 =	sadd.s32 s3, s2  }
0x8d: {  	s2 =	sadd.s32 s2, s17  }
0x8e: {  	[smem:$0x3FB3] =	sst s2  }
0x8f: {  	_ = 	snop  }
0x90: {  	s18 =	sld [smem:$0x3FD0];
	(tm) =	ssettm $0x1  }
0x91: {  	s19 =	sld [smem:$0x3FFB];
	_ =	sdelay $0x3  }
0x92: {  	_ =	strace s19  }
0x93: {  	s2 =	sld [smem:$0x3FFC];
	_ =	sdelay $0x3  }
0x94: {  	_ =	strace s2  }
0x95: {  	s2 =	sld [smem:$0x3FFD];
	_ =	sdelay $0x3  }
0x96: {  	_ =	strace s2  }
0x97: {  	_ =	strace $0x8FFFFFFF  }
0x98: {  	s20 =	sld [smem:$0x3FDB];
	_ =	sdelay $0x1  }
0x99: {  	s4 =	simm.s32 $_scs_section_size  }
0x9a: {  	s5 =	simm.s32 $_size__tile_overlayer_lowered;
	s6 =	simm.s32 $_tile_overlayer_lowered  }
0x9b: {  	s7 =	simm.s32 $0x1BFF;
	s21 =	sshll.u32 s6, $0x1;
	s4 =	sadd.s32 s4, s20  }
0x9c: {  	s22 =	simm.s32 $0x0;
	s5 =	sshll.u32 s5, $0x1;
	s6 =	sadd.s32 s21, s4  }
0x9d: {  	[timem:s22], [sflag:s7] =	dma.local [hbm:s6], s5  }
0x9e: {  	_ =	swait.ge [sflag:s7], s5  }
0x9f: {  	s5 =	ssub.s32 $0x0, s5;
	[sflag:s7] =	ssyncset.done $0x0  }
0xa0: {  	[sflag:s7] =	ssyncadd.s32 s5;
	_ =	sdelay $0x1  }
0xa1: {  	s23 =	simm.s32 $0x1B8B  }
0xa2: {  	_ =	swait.ge [sflag:s23], $0x1  }
0xa3: {  	[sflag:s23] =	ssyncset.done $0x0  }
0xa4: {  	[sflag:s23] =	ssyncadd.s32 $0xFFFFFFFF  }
0xa5: {  	s5 =	sld [smem:$0x0]  }
0xa6: {  	s6 =	sand.u32 $0xFFFFFFFE, s1  }
0xa7: {  	p0 =	sne.s32 s1, s6  }
0xa8: {  	s6 =	sshll.u32 @p0 s6, $0xE  }
0xa9: {  	s6 =	sadd.s32 @p0 $0x11B8D, s6;
	s7 =	sshll.u32 @p0 s5, $0x11  }
0xaa: {  	s6 =	sor.u32 @p0 s7, s6  }
0xab: {  	[sflag:s6] =	ssyncadd.remote.s32 @p0 $0x1;
	_ =	sdelay $0x1  }
0xac: {  	s6 =	simm.s32 @p0 $0x1B8D  }
0xad: {  	_ =	swait.eq @p0 [sflag:s6], $0x1  }
0xae: {  	[sflag:s6] =	ssyncadd.s32 @p0 $0xFFFFFFFF  }
0xaf: {  	s7 =	sshll.u32 @!p0 s1, $0xE  }
0xb0: {  	s7 =	sor.u32 @!p0 $0x4000, s7;
	s6 =	simm.s32 @!p0 $0x1B8D  }
0xb1: {  	s5 =	sshll.u32 @!p0 s5, $0x11;
	s7 =	sadd.s32 @!p0 $0x11B8D, s7;
	_ =	swait.eq @!p0 [sflag:s6], $0x1  }
0xb2: {  	s5 =	sor.u32 @!p0 s5, s7;
	[sflag:s6] =	ssyncadd.s32 @!p0 $0xFFFFFFFF  }
0xb3: {  	s25 =	simm.s32 $0x1B8E;
	s24 =	sld [smem:$0x3FFE];
	[sflag:s5] =	ssyncadd.remote.s32 @!p0 $0x1  }
0xb4: {  	s26 =	simm.s32 $execute0_lowered;
	[smem:$0x3FD2] =	sst s25  }
0xb5: {  	s6 =	sshll.u32 s26, $0x1;
	_ =	strace $0x8000004F;
	[dreg:$0x1] =	wrdreg $0xFFFFFFFF  }
0xb6: {  	s28 =	simm.s32 $_size_execute0_lowered;
	s4 =	sadd.s32 s4, s6;
	[dreg:$0x0] =	wrdreg $0x0  }
0xb7: {  	s6 =	sshll.u32 s28, $0x1;
	[dreg:$0x2] =	wrdreg s4  }
0xb8: {  	[dreg:$0x3] =	wrdreg s6  }
0xb9: {  	[dreg:$0x4] =	wrdreg $0xC0  }
0xba: {  	_ =	task [dreg:s22], $0x5FFFF  }
0xbb: {  	[dreg:$0x1] =	wrdreg $0xFFFFFFFF  }
0xbc: {  	[dreg:$0x0] =	wrdreg $0x60  }
0xbd: {  	[dreg:$0x2] =	wrdreg s18  }
0xbe: {  	[dreg:$0x3] =	wrdreg s24  }
0xbf: {  	[dreg:$0x4] =	wrdreg $0xA  }
0xc0: {  	_ =	task.clear_ibuf [dreg:s22], $0x5FFFF;
	_ =	strace $0x9000004F  }
0xc1: {  	s29 =	simm.s32 $0xA;
	_ =	strace $0x80000051  }
0xc2: {  	_ =	swait.ge [sflag:s29], $0x1  }
0xc3: {  	[sflag:s29] =	ssyncadd.s32 $0xFFFFFFFF  }
0xc4: {  	_ =	strace $0x90000051  }
0xc5: {  	_ =	sfence  }
0xc6: {  	s30 =	sld [smem:$0x0];
	_ =	sdelay $0x2  }
0xc7: {  	s31 =	sshll.u32 s1, $0xD;
	s1 =	sshrl.u32 s1, $0x2  }
0xc8: {  	s4 =	sand.u32 $0x4000, s31;
	s1 =	sadd.s32 s1, s30  }
0xc9: {  	s0 =	sor.u32 s4, s0;
	s1 =	sshll.u32 s1, $0x11  }
0xca: {  	s0 =	sor.u32 s1, s0  }
0xcb: {  	s0 =	sadd.s32 $0x8F2B, s0  }
0xcc: {  	[sflag:s0] =	ssyncadd.remote.s32 $0x1  }
0xcd: {  	_ =	sfence.sel $0xFFFF  }
0xce: {  	[dreg:$0x0] =	wrdreg $0xFFFFFFFF;
	(pc) =	sbr.abs _section_cstart, $3  }
0xcf: {  	[dreg:$0x1] =	wrdreg $0xFFFFFFFF  }
0xd0: {  	_ =	task.clear_ibuf [dreg:s22], $0x2FFFF;
	_ =	strace $0x9FFFFFFF  }
0xd1: {  	(tm) =	ssettm $0x7FFFFFFF  }
tec
execute0_lowered:
.L_overlay_start_1:
0x0: {  	(tag) =	ssettag $0x1  }
0x1: {  	s1 =	srdreg.scid;
	s2 =	rddreg [dreg:$0x0]  }
0x2: {  	s0 =	stileid.u32;
	s5 =	rddreg [dreg:$0x1];
	s6 =	simm.s32 $0x1  }
0x3: {  	s9 =	simm.s32 $0x1;
	s10 =	simm.s32 $0x3;
	s1 =	sshll.u32 s1, $0x7  }
0x4: {  	s13 =	simm.s32 $0x0;
	s3 =	sshll.u32 s0, $0x8;
	s4 =	sand.u32 $0x80, s1  }
0x5: {  	s12 =	simm.s32 $0x0;
	s1 =	rddreg [dreg:$0x2];
	s3 =	sor.u32 s3, s4  }
0x6: {  	_ =	strace $0x80000050;
	s4 =	sadd.s32 $0x5400, s5;
	s8 =	ssub.s32 $0x2000, s3  }
.Ltmp0:
0x7: {  	s5 =	sadd.s32 $0x400, s5;
	s7 =	sand.u32 $0xF80, s8;
	(pc) =	sbr.rel .LBB2_1-.Ltmp0, $4  }
0x8: {  	[sflag:s6] =	ssyncpa.u1 $0x0;
	s11 =	smov.u32 s3;
	p0 =	sne.s32 s7, $0x0  }
0x9: {  	s8 =	sshrl.u32 s8, $0xC;
	s7 =	simm.s32 $0x2;
	s9 =	simm.s32 @!p0 $0x0  }
0xa: {  	[sflag:s7] =	ssyncpa.u1 $0x0;
	p0 =	por $0x0, $0x0;
	s8 =	sadd.s32 s9, s8  }
0xb: {  	vm0 =	vmmov $0xffff;
	[sflag:s10] =	ssyncpa.u1 $0x0;
	s10 =	simm.s32 $0x0;
	s9 =	sadd.s32 $0x1, s8  }
.LBB2_4:
0xc: {  	v2 =	vnsel vm1, $0x0, v2  }
0xd: {  	vm1 =	vgt.s32 v0, $0x0;
	v2 =	vmin.u32 v2, $0x1FFF  }
0xe: {  	v0 =	vnsel vm1, $0x0, v0  }
0xf: {  	v0 =	vmin.u32 v0, $0x1FFF  }
0x10: {  	[tilespmem:s15], [sflag:$0x1] =	stream.indirect_vreg.gather [hbm4b:s2+s10], $0x1, v1, vm0, $0x4038;
	[tilespmem:$0x200] =	vst v63  }
0x11: {  	(ifvalue) =	ssetifvalue $0x7FFFFFFF  }
0x12: {  	[tilespmem:s16], [sflag:$0x1] =	stream.indirect_vreg.gather [hbm4b:s2+s10], $0x1, v2, vm0, $0x4038;
	[tilespmem:$0x200] =	vst v63  }
0x13: {  	s29 =	sadd.s32 $0x10, s16;
	(ifvalue) =	ssetifvalue $0x7FFFFFFF  }
0x14: {  	[tilespmem:s29], [sflag:$0x1] =	stream.indirect_vreg.gather [hbm4b:s2+s10], $0x1, v0, vm0, $0x4038;
	[tilespmem:$0x200] =	vst v63  }
0x15: {  	_ =	swait.ge [sflag:s6], $0x80  }
0x16: {  	s30 =	sshrl.u32 s13, $0x3;
	[sflag:s6] =	ssyncset.done $0x0  }
0x17: {  	s31 =	sand.u32 $0x7, s13;
	s15 =	sadd.s32 s5, s30;
	[sflag:s6] =	ssyncadd.s32 $0xFFFFFF80  }
0x18: {  	[hbm4b:s15+s31] =	stream.linear.scatter [tilespmem:s14], [sflag:$0x3], $0x80, $0x38;
	[tilespmem:$0x200] =	vst v63  }
.LBB2_5:
0x19: {  	s15 =	sadd.s32 $0x1000, s11  }
0x1a: {  	p2 =	sgt.s32 s15, $0x1FFF  }
0x1b: {  	s15 =	smov.u32 @p2 s3;
	p2 =	sne.s32 s12, s9  }
.Ltmp1:
0x1c: {  	p1 =	slt.u32 s12, $0x2;
	(pc) =	sbr.rel @!p2 .LBB2_6-.Ltmp1, $4  }
0x1d: {  	s14 =	simm.s32 @!p1 $0x3  }
0x1e: {  	s16 =	sadd.s32 $0x1, s12;
	_ =	swait.ge @!p1 [sflag:s14], $0x80  }
0x1f: {  	s13 =	smov.u32 s11;
	p0 =	por !p0, !p0;
	[sflag:s14] =	ssyncset.done @!p1 $0x0  }
0x20: {  	s12 =	smov.u32 s16;
	s11 =	smov.u32 s15;
	[sflag:s14] =	ssyncadd.s32 @!p1 $0xFFFFFF80  }
.LBB2_1:
0x21: {  	p1 =	sge.u32 s12, s8  }
0x22: {  	s14 =	sxor.u32 @!p1 $0xFFFFFFFF, s12  }
0x23: {  	s31 =	sadd.s32 $0xFFFFFFFF, s12;
	s15 =	sshrl.u32 @!p1 s11, $0x3;
	s14 =	sshll.u32 @!p1 s14, $0x7  }
0x24: {  	s16 =	sand.u32 @!p1 $0x7, s11;
	s15 =	sadd.s32 @!p1 s4, s15;
	s14 =	sand.u32 @!p1 $0x80, s14  }
0x25: {  	[tilespmem:s14], [sflag:$0x2] =	stream.linear.gather @!p1 [hbm4b:s15+s16], $0x80, $0x38;
	[tilespmem:$0x200] =	vst v63  }
0x26: {  	p1 =	sge.u32 s31, s8  }
.Ltmp2:
0x27: {  	_ = 	snop;
	(pc) =	sbr.rel @p1 .LBB2_5-.Ltmp2, $1  }
0x28: {  	_ =	sdelay $0x3  }
0x29: {  	s14 =	simm.s32 $0x1  }
0x2a: {  	_ =	swait.ge [sflag:s7], $0x80;
	s14 =	simm.s32 @!p0 $0x0  }
0x2b: {  	[sflag:s7] =	ssyncset.done $0x0;
	s14 =	sshll.u32 s14, $0x7  }
0x2c: {  	[sflag:s7] =	ssyncadd.s32 $0xFFFFFF80;
	(ifvalue) =	ssetifvalue $0x7FFFFFFF;
	v0 =	vld.msk [tilespmem:s14+$0x0 ss:$0x1], $0xffff;
	_ =	sdelay $0x4  }
0x2d: {  	s15 =	sadd.s32 $0x10, s14;
	vm1 =	vgt.s32 v0, $0x0  }
0x2e: {  	v2 =	vld.msk [tilespmem:s15+$0x0 ss:$0x1], $0xffff;
	v1 =	vnsel vm1, $0x0, v0  }
0x2f: {  	v1 =	vmin.u32 v1, $0x1FFF;
	_ =	sdelay $0x1  }
0x30: {  	s16 =	sshll.u32 s12, $0x7;
	s18 =	simm.s32 $0x20  }
0x31: {  	s16 =	sand.u32 $0x80, s16;
	s17 =	sadd.s32 $0x10, s15;
	s15 =	sor.u32 $0x100, s14  }
0x32: {  	s14 =	sor.u32 $0x100, s16;
	s16 =	sadd.s32 $0x10, s15;
	v0 =	vld.msk [tilespmem:s17+$0x0 ss:$0x1], $0xffff;
	vm1 =	vgt.s32 v2, $0x0;
	(ifvalue) =	ssetifvalue $0x7FFFFFFF  }
.LBB2_3:
0x33: {  	[tilespmem:s15], [sflag:$0x1] =	stream.indirect_vreg.gather [hbm4b:s2+s10], $0x1, v1, vm0, $0x4038;
	[tilespmem:$0x200] =	vst v63  }
0x34: {  	s18 =	sadd.s32 $0x10, s18  }
0x35: {  	v2 =	vnsel vm1, $0x0, v2;
	p1 =	slt.u32 s18, $0x70  }
.Ltmp3:
0x36: {  	s15 =	smov.u32 s16;
	v1 =	vmin.u32 v2, $0x1FFF;
	(pc) =	sbr.rel @p1 .LBB2_3-.Ltmp3, $3  }
0x37: {  	_ =	sdelay $0x1  }
0x38: {  	s17 =	sadd.s32 $0x10, s17  }
0x39: {  	vm1 =	vgt.s32 v0, $0x0;
	s16 =	sadd.s32 $0x10, s16;
	v2 =	vmov v0;
	(ifvalue) =	ssetifvalue $0x7FFFFFFF;
	v0 =	vld.msk [tilespmem:s17+$0x0 ss:$0x1], $0xffff  }
.Ltmp4:
0x3a: {  	_ = 	snop;
	(pc) =	sbr.rel .LBB2_4-.Ltmp4, $1  }
0x3b: {  	_ =	sdelay $0x3  }
.LBB2_6:
0x3c: {  	_ =	sfence.sel $0x180000  }
0x3d: {  	s2 =	simm.s32 $0x2;
	[bflag:$0x0] =	sbarrier.arrive $0xFFFF  }
0x3e: {  	s30 =	simm.s32 $0x3;
	[sflag:s2] =	ssyncpa.u1 $0x1  }
0x3f: {  	s31 =	simm.s32 $0x1;
	[sflag:s30] =	ssyncpa.u1 $0x1  }
0x40: {  	[sflag:s31] =	ssyncpa.u1 $0x1  }
0x41: {  	p0 =	sne.s32 s0, $0x0;
	_ =	strace $0x90000050  }
0x42: {  	s0 =	sadd.s32 @!p0 $0x100000, s1;
	[bflag:$0x2] =	sbarrier.arrive $0xFFFF  }
0x43: {  	[sflag:s0] =	ssyncadd.tile.s32 @!p0 $0x1;
	_ =	shalt  }
.Lfunc_end2:
_tile_overlayer_lowered:
.L_overlay_start_2:
0x44: {  	(tag) =	ssettag $0x2  }
0x45: {  	s0 =	rddreg [dreg:$0x0];
	s2 =	stileid.u32  }
0x46: {  	s1 =	rddreg [dreg:$0x1];
	p0 =	sne.s32 s2, $0x0  }
0x47: {  	s3 =	rddreg [dreg:$0x2];
	[bflag:$0x3] =	sbarrier.arrive $0xFFFF;
	s2 =	simm.s32 @!p0 $0x1C01  }
0x48: {  	[timem:s3], [sflag:s2] =	dma.local @!p0 [hbm:s0], s1  }
0x49: {  	s0 =	simm.s32 @!p0 $0x1  }
0x4a: {  	_ =	swait.ge @!p0 [sflag:s0], s1  }
0x4b: {  	s1 =	ssub.s32 @!p0 $0x0, s1;
	[sflag:s0] =	ssyncset.done @!p0 $0x0  }
0x4c: {  	[sflag:s0] =	ssyncadd.s32 @!p0 s1  }
0x4d: {  	[bflag:$0x3] =	sbarrier.arrive $0xFFFF  }
0x4e: {  	_ =	shalt  }

// kernel: gather_offload_async_start.6
scs
__scs_entry_jumppad:
0x0: {  	(pc) =	sbr.rel $0x88, $3  }
0x1: {  	(tag) =	ssettag $0x0;
	lr =	simm.s32 $0x1  }
0x2: {  	[smem:$0x3F8C] =	sst lr;
	_ =	strace $0xD0000000  }
0x3: {  	_ = 	snop  }
0x4: {  	_ = 	snop  }
0x5: {  	_ = 	snop  }
0x6: {  	_ = 	snop  }
0x7: {  	_ = 	snop  }
__scs_overlays_trampoline_lowered:
0x8: {  	[smem:$0x3F9B] =	sst s0  }
0x9: {  	[smem:$0x3F9C] =	sst s1  }
0xa: {  	[smem:$0x3F9D] =	sst s2  }
0xb: {  	[smem:$0x3F9E] =	sst s3  }
0xc: {  	[smem:$0x3F9F] =	sst s4  }
0xd: {  	[smem:$0x3FA0] =	sst s5  }
0xe: {  	[smem:$0x3FA1] =	sst s6  }
0xf: {  	[smem:$0x3FA2] =	sst s7  }
0x10: {  	[smem:$0x3FA3] =	sst s8  }
0x11: {  	[smem:$0x3FA4] =	sst s9;
	s0 =	simm.s32 @!p0 $0x0  }
0x12: {  	s1 =	sld [smem:$0x3F8A];
	s0 =	simm.s32 @p0 $0x1  }
0x13: {  	[smem:$0x3FA5] =	sst s0;
	s0 =	simm.s32 @!p1 $0x0  }
0x14: {  	s2 =	sld [smem:$0x3F89];
	s0 =	simm.s32 @p1 $0x1  }
0x15: {  	[smem:$0x3FA6] =	sst s0;
	s0 =	simm.s32 @!p2 $0x0  }
0x16: {  	s3 =	sld [smem:$0x3FDB];
	s0 =	simm.s32 @p2 $0x1  }
0x17: {  	s4 =	simm.s32 $0x1BF5;
	[smem:$0x3FA8] =	sst s0  }
0x18: {  	s0 =	sld [smem:$0x3F8B];
	_ =	swait.ge [sflag:s4], $0x0  }
0x19: {  	s7 =	sld [smem:$0x3F8C]  }
0x1a: {  	s8 =	sadd.s32 $0xFFFFE003, lr  }
0x1b: {  	s9 =	sadd.s32 $0xFFFFFEF7, lr;
	s5 =	simm.s32 $0xFFFFFFFF;
	p2 =	slt.u32 s8, $0xFFFFF086  }
0x1c: {  	p1 =	slt.u32 s9, $0xF7A;
	s5 =	simm.s32 @!p2 $0x0  }
0x1d: {  	s5 =	simm.s32 @p1 $0x1;
	p0 =	seq.s32 s7, s2  }
0x1e: {  	s7 =	smul.u32 @!p0 $0xF7A, s2;
	p2 =	seq.s32 @!p0 s5, $0x0  }
0x1f: {  	s9 =	smul.u32 $0xF7A, s1;
	s8 =	simm.s32 @!p0 $0x1BF5;
	p2 =	por !p2, p0  }
0x20: {  	[sflag:s8] =	ssyncset.s32 @!p0 $0xFFFFF086;
	s6 =	sadd.s32 @!p0 s3, s7;
	s7 =	simm.s32 @!p0 $0x108  }
0x21: {  	s3 =	sadd.s32 s3, s9;
	s6 =	sadd.s32 @!p0 $0x88, s6;
	s7 =	simm.s32 @p2 $0x1082  }
0x22: {  	[simem:s7], [sflag:s8] =	dma.local @!p0 [hbm:s6], $0xF7A  }
0x23: {  	s9 =	sor.u32 $0xD0000000, s2;
	s6 =	simm.s32 $0x108;
	_ =	swait.ge @!p0 [sflag:s8], $0x0  }
0x24: {  	s3 =	sadd.s32 $0x88, s3;
	s6 =	simm.s32 @!p1 $0x1082;
	[sflag:s4] =	ssyncset.s32 $0xFFFFF086  }
0x25: {  	[simem:s6], [sflag:s4] =	dma.local [hbm:s3], $0xF7A  }
0x26: {  	[smem:$0x3F8C] =	sst s1;
	(tag) =	ssettag s2;
	_ =	strace s9  }
0x27: {  	s1 =	sld [smem:$0x3F9C]  }
0x28: {  	s2 =	sld [smem:$0x3F9D]  }
0x29: {  	s4 =	sld [smem:$0x3F9F]  }
0x2a: {  	p0 =	seq.s32 s5, $0x0;
	s5 =	sld [smem:$0x3FA0]  }
0x2b: {  	s6 =	sld [smem:$0x3FA1]  }
0x2c: {  	s7 =	sld [smem:$0x3FA2]  }
0x2d: {  	s3 =	simm.s32 $0x108;
	s8 =	sld [smem:$0x3FA3]  }
0x2e: {  	s3 =	simm.s32 @!p0 $0x1082;
	s9 =	sld [smem:$0x3FA4]  }
0x2f: {  	lr =	sadd.s32 s0, s3;
	s0 =	sld [smem:$0x3F9B]  }
0x30: {  	s3 =	sld [smem:$0x3F9E]  }
0x31: {  	[smem:$0x3FA7] =	sst s10  }
0x32: {  	s10 =	sld [smem:$0x3FA5];
	_ =	sdelay $0x3  }
0x33: {  	p0 =	seq.s32 s10, $0x1;
	s10 =	sld [smem:$0x3FA7];
	_ =	sdelay $0x3  }
0x34: {  	[smem:$0x3FA7] =	sst s10  }
0x35: {  	s10 =	sld [smem:$0x3FA6];
	_ =	sdelay $0x3  }
0x36: {  	p1 =	seq.s32 s10, $0x1;
	s10 =	sld [smem:$0x3FA7];
	_ =	sdelay $0x3  }
0x37: {  	[smem:$0x3FA7] =	sst s10  }
0x38: {  	s10 =	sld [smem:$0x3FA8]  }
0x39: {  	_ = 	snop;
	(pc) =	sbr.ind lr, $3  }
0x3a: {  	_ = 	snop  }
0x3b: {  	_ = 	snop  }
0x3c: {  	p2 =	seq.s32 s10, $0x1;
	s10 =	sld [smem:$0x3FA7]  }
0x3d: {  	_ =	shalt  }
0x3e: {  	_ =	shalt  }
0x3f: {  	_ =	shalt  }
0x40: {  	_ =	shalt  }
0x41: {  	_ =	shalt  }
0x42: {  	_ =	shalt  }
0x43: {  	_ =	shalt  }
0x44: {  	_ =	shalt  }
0x45: {  	_ =	shalt  }
0x46: {  	_ =	shalt  }
0x47: {  	_ =	shalt  }
0x48: {  	_ =	shalt  }
0x49: {  	_ =	shalt  }
0x4a: {  	_ =	shalt  }
0x4b: {  	_ =	shalt  }
0x4c: {  	_ =	shalt  }
0x4d: {  	_ =	shalt  }
0x4e: {  	_ =	shalt  }
0x4f: {  	_ =	shalt  }
0x50: {  	_ =	shalt  }
0x51: {  	_ =	shalt  }
0x52: {  	_ =	shalt  }
0x53: {  	_ =	shalt  }
0x54: {  	_ =	shalt  }
0x55: {  	_ =	shalt  }
0x56: {  	_ =	shalt  }
0x57: {  	_ =	shalt  }
0x58: {  	_ =	shalt  }
0x59: {  	_ =	shalt  }
0x5a: {  	_ =	shalt  }
0x5b: {  	_ =	shalt  }
0x5c: {  	_ =	shalt  }
0x5d: {  	_ =	shalt  }
0x5e: {  	_ =	shalt  }
0x5f: {  	_ =	shalt  }
0x60: {  	_ =	shalt  }
0x61: {  	_ =	shalt  }
0x62: {  	_ =	shalt  }
0x63: {  	_ =	shalt  }
0x64: {  	_ =	shalt  }
0x65: {  	_ =	shalt  }
0x66: {  	_ =	shalt  }
0x67: {  	_ =	shalt  }
0x68: {  	_ =	shalt  }
0x69: {  	_ =	shalt  }
0x6a: {  	_ =	shalt  }
0x6b: {  	_ =	shalt  }
0x6c: {  	_ =	shalt  }
0x6d: {  	_ =	shalt  }
0x6e: {  	_ =	shalt  }
0x6f: {  	_ =	shalt  }
0x70: {  	_ =	shalt  }
0x71: {  	_ =	shalt  }
0x72: {  	_ =	shalt  }
0x73: {  	_ =	shalt  }
0x74: {  	_ =	shalt  }
0x75: {  	_ =	shalt  }
0x76: {  	_ =	shalt  }
0x77: {  	_ =	shalt  }
0x78: {  	_ =	shalt  }
0x79: {  	_ =	shalt  }
0x7a: {  	_ =	shalt  }
0x7b: {  	_ =	shalt  }
0x7c: {  	_ =	shalt  }
0x7d: {  	_ =	shalt  }
0x7e: {  	_ =	shalt  }
0x7f: {  	_ =	shalt  }
0x80: {  	_ =	shalt  }
0x81: {  	_ =	shalt  }
0x82: {  	_ =	shalt  }
0x83: {  	_ =	shalt  }
0x84: {  	_ =	shalt  }
0x85: {  	_ =	shalt  }
0x86: {  	_ =	shalt  }
0x87: {  	_ =	shalt  }
.Lfunc_end0:
.L_simem_size_0:
called_computation.10_lowered:
.L_overlay_start_0:
0x88: {  	s2 =	sld [smem:$0x3FD9]  }
0x89: {  	s3 =	sld [smem:$0x3FFE];
	_ =	sdelay $0x1  }
0x8a: {  	s1 =	srdreg.scid  }
0x8b: {  	s0 =	sand.u32 $0x1, s1  }
0x8c: {  	s17 =	sshll.u32 s0, $0xA;
	s2 =	sadd.s32 s3, s2  }
0x8d: {  	s2 =	sadd.s32 s2, s17  }
0x8e: {  	[smem:$0x3FB3] =	sst s2  }
0x8f: {  	_ = 	snop  }
0x90: {  	s2 =	sld [smem:$0x3FD0];
	(tm) =	ssettm $0x1  }
0x91: {  	s18 =	sld [smem:$0x3FFB];
	_ =	sdelay $0x3  }
0x92: {  	_ =	strace s18  }
0x93: {  	s3 =	sld [smem:$0x3FFC];
	_ =	sdelay $0x3  }
0x94: {  	_ =	strace s3  }
0x95: {  	s3 =	sld [smem:$0x3FFD];
	_ =	sdelay $0x3  }
0x96: {  	_ =	strace s3  }
0x97: {  	_ =	strace $0x8FFFFFFF  }
0x98: {  	s19 =	sld [smem:$0x3FDB];
	_ =	sdelay $0x1  }
0x99: {  	s4 =	simm.s32 $_scs_section_size  }
0x9a: {  	s5 =	simm.s32 $_size__tile_overlayer_lowered;
	s6 =	simm.s32 $_tile_overlayer_lowered  }
0x9b: {  	s22 =	simm.s32 $0x1BFF;
	s21 =	sshll.u32 s6, $0x1;
	s3 =	sadd.s32 s4, s19  }
0x9c: {  	s7 =	simm.s32 $0x0;
	s20 =	sshll.u32 s5, $0x1;
	s5 =	sadd.s32 s21, s3  }
0x9d: {  	[timem:s7], [sflag:s22] =	dma.local [hbm:s5], s20  }
0x9e: {  	_ =	swait.ge [sflag:s22], s20  }
0x9f: {  	s4 =	ssub.s32 $0x0, s20;
	[sflag:s22] =	ssyncset.done $0x0  }
0xa0: {  	[sflag:s22] =	ssyncadd.s32 s4;
	_ =	sdelay $0x1  }
0xa1: {  	s23 =	simm.s32 $0x1B8B  }
0xa2: {  	_ =	swait.ge [sflag:s23], $0x1  }
0xa3: {  	[sflag:s23] =	ssyncset.done $0x0  }
0xa4: {  	s25 =	simm.s32 $0x1B8E;
	s24 =	sld [smem:$0x3FFE];
	[sflag:s23] =	ssyncadd.s32 $0xFFFFFFFF  }
0xa5: {  	s26 =	simm.s32 $execute0_lowered;
	[smem:$0x3FD2] =	sst s25  }
0xa6: {  	s5 =	sshll.u32 s26, $0x1;
	_ =	strace $0x80000046;
	[dreg:$0x1] =	wrdreg $0xFFFFFFFF  }
0xa7: {  	s28 =	simm.s32 $_size_execute0_lowered;
	s3 =	sadd.s32 s3, s5;
	[dreg:$0x0] =	wrdreg $0x0  }
0xa8: {  	s5 =	sshll.u32 s28, $0x1;
	[dreg:$0x2] =	wrdreg s3  }
0xa9: {  	[dreg:$0x3] =	wrdreg s5  }
0xaa: {  	[dreg:$0x4] =	wrdreg $0xC0  }
0xab: {  	_ =	task [dreg:s7], $0x5FFFF  }
0xac: {  	[dreg:$0x1] =	wrdreg $0xFFFFFFFF  }
0xad: {  	[dreg:$0x0] =	wrdreg $0x60  }
0xae: {  	[dreg:$0x2] =	wrdreg s2  }
0xaf: {  	[dreg:$0x3] =	wrdreg s24  }
0xb0: {  	[dreg:$0x4] =	wrdreg $0x9  }
0xb1: {  	_ =	task.clear_ibuf [dreg:s7], $0x5FFFF;
	_ =	strace $0x90000046  }
0xb2: {  	s29 =	simm.s32 $0x9;
	_ =	strace $0x80000048  }
0xb3: {  	_ =	swait.ge [sflag:s29], $0x1  }
0xb4: {  	[sflag:s29] =	ssyncadd.s32 $0xFFFFFFFF  }
0xb5: {  	_ =	strace $0x90000048  }
0xb6: {  	_ =	sfence  }
0xb7: {  	s30 =	sld [smem:$0x0];
	_ =	sdelay $0x2  }
0xb8: {  	s31 =	sshll.u32 s1, $0xD;
	s1 =	sshrl.u32 s1, $0x2  }
0xb9: {  	s3 =	sand.u32 $0x4000, s31;
	s1 =	sadd.s32 s1, s30  }
0xba: {  	s0 =	sor.u32 s3, s0;
	s1 =	sshll.u32 s1, $0x11  }
0xbb: {  	s0 =	sor.u32 s1, s0  }
0xbc: {  	s0 =	sadd.s32 $0x8F2B, s0  }
0xbd: {  	[sflag:s0] =	ssyncadd.remote.s32 $0x1  }
0xbe: {  	_ =	sfence.sel $0xFFFF  }
0xbf: {  	[dreg:$0x0] =	wrdreg $0xFFFFFFFF;
	(pc) =	sbr.abs _section_cstart, $3  }
0xc0: {  	[dreg:$0x1] =	wrdreg $0xFFFFFFFF  }
0xc1: {  	_ =	task.clear_ibuf [dreg:s7], $0x2FFFF;
	_ =	strace $0x9FFFFFFF  }
0xc2: {  	(tm) =	ssettm $0x7FFFFFFF  }
0xc3: {  	_ =	shalt  }
tec
execute0_lowered:
.L_overlay_start_1:
0x0: {  	(tag) =	ssettag $0x1  }
0x1: {  	s1 =	srdreg.scid;
	s2 =	rddreg [dreg:$0x0]  }
0x2: {  	s0 =	stileid.u32;
	s5 =	rddreg [dreg:$0x1];
	s6 =	simm.s32 $0x1  }
0x3: {  	s9 =	simm.s32 $0x1;
	s10 =	simm.s32 $0x3;
	s1 =	sshll.u32 s1, $0x7  }
0x4: {  	s13 =	simm.s32 $0x0;
	s3 =	sshll.u32 s0, $0x8;
	s4 =	sand.u32 $0x80, s1  }
0x5: {  	s12 =	simm.s32 $0x0;
	s1 =	rddreg [dreg:$0x2];
	s3 =	sor.u32 s3, s4  }
0x6: {  	_ =	strace $0x80000047;
	s4 =	sadd.s32 $0x3C00, s5;
	s8 =	ssub.s32 $0x2000, s3  }
.Ltmp0:
0x7: {  	s5 =	sadd.s32 $0x26200, s5;
	s7 =	sand.u32 $0xF80, s8;
	(pc) =	sbr.rel .LBB2_1-.Ltmp0, $4  }
0x8: {  	[sflag:s6] =	ssyncpa.u1 $0x0;
	s11 =	smov.u32 s3;
	p0 =	sne.s32 s7, $0x0  }
0x9: {  	s8 =	sshrl.u32 s8, $0xC;
	s7 =	simm.s32 $0x2;
	s9 =	simm.s32 @!p0 $0x0  }
0xa: {  	[sflag:s7] =	ssyncpa.u1 $0x0;
	p0 =	por $0x0, $0x0;
	s8 =	sadd.s32 s9, s8  }
0xb: {  	vm0 =	vmmov $0xffff;
	[sflag:s10] =	ssyncpa.u1 $0x0;
	s10 =	simm.s32 $0x0;
	s9 =	sadd.s32 $0x1, s8  }
.LBB2_4:
0xc: {  	v2 =	vnsel vm1, $0x0, v2  }
0xd: {  	vm1 =	vgt.s32 v0, $0x0;
	v2 =	vmin.u32 v2, $0x1FFF  }
0xe: {  	v0 =	vnsel vm1, $0x0, v0  }
0xf: {  	v0 =	vmin.u32 v0, $0x1FFF  }
0x10: {  	[tilespmem:s15], [sflag:$0x1] =	stream.indirect_vreg.gather [hbm4b:s2+s10], $0x1, v1, vm0, $0x4038;
	[tilespmem:$0x200] =	vst v63  }
0x11: {  	(ifvalue) =	ssetifvalue $0x7FFFFFFF  }
0x12: {  	[tilespmem:s16], [sflag:$0x1] =	stream.indirect_vreg.gather [hbm4b:s2+s10], $0x1, v2, vm0, $0x4038;
	[tilespmem:$0x200] =	vst v63  }
0x13: {  	s29 =	sadd.s32 $0x10, s16;
	(ifvalue) =	ssetifvalue $0x7FFFFFFF  }
0x14: {  	[tilespmem:s29], [sflag:$0x1] =	stream.indirect_vreg.gather [hbm4b:s2+s10], $0x1, v0, vm0, $0x4038;
	[tilespmem:$0x200] =	vst v63  }
0x15: {  	_ =	swait.ge [sflag:s6], $0x80  }
0x16: {  	s30 =	sshrl.u32 s13, $0x3;
	[sflag:s6] =	ssyncset.done $0x0  }
0x17: {  	s31 =	sand.u32 $0x7, s13;
	s15 =	sadd.s32 s5, s30;
	[sflag:s6] =	ssyncadd.s32 $0xFFFFFF80  }
0x18: {  	[hbm4b:s15+s31] =	stream.linear.scatter [tilespmem:s14], [sflag:$0x3], $0x80, $0x38;
	[tilespmem:$0x200] =	vst v63  }
.LBB2_5:
0x19: {  	s15 =	sadd.s32 $0x1000, s11  }
0x1a: {  	p2 =	sgt.s32 s15, $0x1FFF  }
0x1b: {  	s15 =	smov.u32 @p2 s3;
	p2 =	sne.s32 s12, s9  }
.Ltmp1:
0x1c: {  	p1 =	slt.u32 s12, $0x2;
	(pc) =	sbr.rel @!p2 .LBB2_6-.Ltmp1, $4  }
0x1d: {  	s14 =	simm.s32 @!p1 $0x3  }
0x1e: {  	s16 =	sadd.s32 $0x1, s12;
	_ =	swait.ge @!p1 [sflag:s14], $0x80  }
0x1f: {  	s13 =	smov.u32 s11;
	p0 =	por !p0, !p0;
	[sflag:s14] =	ssyncset.done @!p1 $0x0  }
0x20: {  	s12 =	smov.u32 s16;
	s11 =	smov.u32 s15;
	[sflag:s14] =	ssyncadd.s32 @!p1 $0xFFFFFF80  }
.LBB2_1:
0x21: {  	p1 =	sge.u32 s12, s8  }
0x22: {  	s14 =	sxor.u32 @!p1 $0xFFFFFFFF, s12  }
0x23: {  	s31 =	sadd.s32 $0xFFFFFFFF, s12;
	s15 =	sshrl.u32 @!p1 s11, $0x3;
	s14 =	sshll.u32 @!p1 s14, $0x7  }
0x24: {  	s16 =	sand.u32 @!p1 $0x7, s11;
	s15 =	sadd.s32 @!p1 s4, s15;
	s14 =	sand.u32 @!p1 $0x80, s14  }
0x25: {  	[tilespmem:s14], [sflag:$0x2] =	stream.linear.gather @!p1 [hbm4b:s15+s16], $0x80, $0x38;
	[tilespmem:$0x200] =	vst v63  }
0x26: {  	p1 =	sge.u32 s31, s8  }
.Ltmp2:
0x27: {  	_ = 	snop;
	(pc) =	sbr.rel @p1 .LBB2_5-.Ltmp2, $1  }
0x28: {  	_ =	sdelay $0x3  }
0x29: {  	s14 =	simm.s32 $0x1  }
0x2a: {  	_ =	swait.ge [sflag:s7], $0x80;
	s14 =	simm.s32 @!p0 $0x0  }
0x2b: {  	[sflag:s7] =	ssyncset.done $0x0;
	s14 =	sshll.u32 s14, $0x7  }
0x2c: {  	[sflag:s7] =	ssyncadd.s32 $0xFFFFFF80;
	(ifvalue) =	ssetifvalue $0x7FFFFFFF;
	v0 =	vld.msk [tilespmem:s14+$0x0 ss:$0x1], $0xffff;
	_ =	sdelay $0x4  }
0x2d: {  	s15 =	sadd.s32 $0x10, s14;
	vm1 =	vgt.s32 v0, $0x0  }
0x2e: {  	v2 =	vld.msk [tilespmem:s15+$0x0 ss:$0x1], $0xffff;
	v1 =	vnsel vm1, $0x0, v0  }
0x2f: {  	v1 =	vmin.u32 v1, $0x1FFF;
	_ =	sdelay $0x1  }
0x30: {  	s16 =	sshll.u32 s12, $0x7;
	s18 =	simm.s32 $0x20  }
0x31: {  	s16 =	sand.u32 $0x80, s16;
	s17 =	sadd.s32 $0x10, s15;
	s15 =	sor.u32 $0x100, s14  }
0x32: {  	s14 =	sor.u32 $0x100, s16;
	s16 =	sadd.s32 $0x10, s15;
	v0 =	vld.msk [tilespmem:s17+$0x0 ss:$0x1], $0xffff;
	vm1 =	vgt.s32 v2, $0x0;
	(ifvalue) =	ssetifvalue $0x7FFFFFFF  }
.LBB2_3:
0x33: {  	[tilespmem:s15], [sflag:$0x1] =	stream.indirect_vreg.gather [hbm4b:s2+s10], $0x1, v1, vm0, $0x4038;
	[tilespmem:$0x200] =	vst v63  }
0x34: {  	s18 =	sadd.s32 $0x10, s18  }
0x35: {  	v2 =	vnsel vm1, $0x0, v2;
	p1 =	slt.u32 s18, $0x70  }
.Ltmp3:
0x36: {  	s15 =	smov.u32 s16;
	v1 =	vmin.u32 v2, $0x1FFF;
	(pc) =	sbr.rel @p1 .LBB2_3-.Ltmp3, $3  }
0x37: {  	_ =	sdelay $0x1  }
0x38: {  	s17 =	sadd.s32 $0x10, s17  }
0x39: {  	vm1 =	vgt.s32 v0, $0x0;
	s16 =	sadd.s32 $0x10, s16;
	v2 =	vmov v0;
	(ifvalue) =	ssetifvalue $0x7FFFFFFF;
	v0 =	vld.msk [tilespmem:s17+$0x0 ss:$0x1], $0xffff  }
.Ltmp4:
0x3a: {  	_ = 	snop;
	(pc) =	sbr.rel .LBB2_4-.Ltmp4, $1  }
0x3b: {  	_ =	sdelay $0x3  }
.LBB2_6:
0x3c: {  	_ =	sfence.sel $0x180000  }
0x3d: {  	s2 =	simm.s32 $0x2;
	[bflag:$0x0] =	sbarrier.arrive $0xFFFF  }
0x3e: {  	s30 =	simm.s32 $0x3;
	[sflag:s2] =	ssyncpa.u1 $0x1  }
0x3f: {  	s31 =	simm.s32 $0x1;
	[sflag:s30] =	ssyncpa.u1 $0x1  }
0x40: {  	[sflag:s31] =	ssyncpa.u1 $0x1  }
0x41: {  	p0 =	sne.s32 s0, $0x0;
	_ =	strace $0x90000047  }
0x42: {  	s0 =	sadd.s32 @!p0 $0x100000, s1;
	[bflag:$0x2] =	sbarrier.arrive $0xFFFF  }
0x43: {  	[sflag:s0] =	ssyncadd.tile.s32 @!p0 $0x1;
	_ =	shalt  }
.Lfunc_end2:
_tile_overlayer_lowered:
.L_overlay_start_2:
0x44: {  	(tag) =	ssettag $0x2  }
0x45: {  	s0 =	rddreg [dreg:$0x0];
	s2 =	stileid.u32  }
0x46: {  	s1 =	rddreg [dreg:$0x1];
	p0 =	sne.s32 s2, $0x0  }
0x47: {  	s3 =	rddreg [dreg:$0x2];
	[bflag:$0x3] =	sbarrier.arrive $0xFFFF;
	s2 =	simm.s32 @!p0 $0x1C01  }
0x48: {  	[timem:s3], [sflag:s2] =	dma.local @!p0 [hbm:s0], s1  }
0x49: {  	s0 =	simm.s32 @!p0 $0x1  }
0x4a: {  	_ =	swait.ge @!p0 [sflag:s0], s1  }
0x4b: {  	s1 =	ssub.s32 @!p0 $0x0, s1;
	[sflag:s0] =	ssyncset.done @!p0 $0x0  }
0x4c: {  	[sflag:s0] =	ssyncadd.s32 @!p0 s1  }
0x4d: {  	[bflag:$0x3] =	sbarrier.arrive $0xFFFF  }
0x4e: {  	_ =	shalt  }

// kernel: gather_offload_async_start.7
scs
__scs_entry_jumppad:
0x0: {  	(pc) =	sbr.rel $0x88, $3  }
0x1: {  	(tag) =	ssettag $0x0;
	lr =	simm.s32 $0x1  }
0x2: {  	[smem:$0x3F8C] =	sst lr;
	_ =	strace $0xD0000000  }
0x3: {  	_ = 	snop  }
0x4: {  	_ = 	snop  }
0x5: {  	_ = 	snop  }
0x6: {  	_ = 	snop  }
0x7: {  	_ = 	snop  }
__scs_overlays_trampoline_lowered:
0x8: {  	[smem:$0x3F9B] =	sst s0  }
0x9: {  	[smem:$0x3F9C] =	sst s1  }
0xa: {  	[smem:$0x3F9D] =	sst s2  }
0xb: {  	[smem:$0x3F9E] =	sst s3  }
0xc: {  	[smem:$0x3F9F] =	sst s4  }
0xd: {  	[smem:$0x3FA0] =	sst s5  }
0xe: {  	[smem:$0x3FA1] =	sst s6  }
0xf: {  	[smem:$0x3FA2] =	sst s7  }
0x10: {  	[smem:$0x3FA3] =	sst s8  }
0x11: {  	[smem:$0x3FA4] =	sst s9;
	s0 =	simm.s32 @!p0 $0x0  }
0x12: {  	s1 =	sld [smem:$0x3F8A];
	s0 =	simm.s32 @p0 $0x1  }
0x13: {  	[smem:$0x3FA5] =	sst s0;
	s0 =	simm.s32 @!p1 $0x0  }
0x14: {  	s2 =	sld [smem:$0x3F89];
	s0 =	simm.s32 @p1 $0x1  }
0x15: {  	[smem:$0x3FA6] =	sst s0;
	s0 =	simm.s32 @!p2 $0x0  }
0x16: {  	s3 =	sld [smem:$0x3FDB];
	s0 =	simm.s32 @p2 $0x1  }
0x17: {  	s4 =	simm.s32 $0x1BF5;
	[smem:$0x3FA8] =	sst s0  }
0x18: {  	s0 =	sld [smem:$0x3F8B];
	_ =	swait.ge [sflag:s4], $0x0  }
0x19: {  	s7 =	sld [smem:$0x3F8C]  }
0x1a: {  	s8 =	sadd.s32 $0xFFFFE003, lr  }
0x1b: {  	s9 =	sadd.s32 $0xFFFFFEF7, lr;
	s5 =	simm.s32 $0xFFFFFFFF;
	p2 =	slt.u32 s8, $0xFFFFF086  }
0x1c: {  	p1 =	slt.u32 s9, $0xF7A;
	s5 =	simm.s32 @!p2 $0x0  }
0x1d: {  	s5 =	simm.s32 @p1 $0x1;
	p0 =	seq.s32 s7, s2  }
0x1e: {  	s7 =	smul.u32 @!p0 $0xF7A, s2;
	p2 =	seq.s32 @!p0 s5, $0x0  }
0x1f: {  	s9 =	smul.u32 $0xF7A, s1;
	s8 =	simm.s32 @!p0 $0x1BF5;
	p2 =	por !p2, p0  }
0x20: {  	[sflag:s8] =	ssyncset.s32 @!p0 $0xFFFFF086;
	s6 =	sadd.s32 @!p0 s3, s7;
	s7 =	simm.s32 @!p0 $0x108  }
0x21: {  	s3 =	sadd.s32 s3, s9;
	s6 =	sadd.s32 @!p0 $0x88, s6;
	s7 =	simm.s32 @p2 $0x1082  }
0x22: {  	[simem:s7], [sflag:s8] =	dma.local @!p0 [hbm:s6], $0xF7A  }
0x23: {  	s9 =	sor.u32 $0xD0000000, s2;
	s6 =	simm.s32 $0x108;
	_ =	swait.ge @!p0 [sflag:s8], $0x0  }
0x24: {  	s3 =	sadd.s32 $0x88, s3;
	s6 =	simm.s32 @!p1 $0x1082;
	[sflag:s4] =	ssyncset.s32 $0xFFFFF086  }
0x25: {  	[simem:s6], [sflag:s4] =	dma.local [hbm:s3], $0xF7A  }
0x26: {  	[smem:$0x3F8C] =	sst s1;
	(tag) =	ssettag s2;
	_ =	strace s9  }
0x27: {  	s1 =	sld [smem:$0x3F9C]  }
0x28: {  	s2 =	sld [smem:$0x3F9D]  }
0x29: {  	s4 =	sld [smem:$0x3F9F]  }
0x2a: {  	p0 =	seq.s32 s5, $0x0;
	s5 =	sld [smem:$0x3FA0]  }
0x2b: {  	s6 =	sld [smem:$0x3FA1]  }
0x2c: {  	s7 =	sld [smem:$0x3FA2]  }
0x2d: {  	s3 =	simm.s32 $0x108;
	s8 =	sld [smem:$0x3FA3]  }
0x2e: {  	s3 =	simm.s32 @!p0 $0x1082;
	s9 =	sld [smem:$0x3FA4]  }
0x2f: {  	lr =	sadd.s32 s0, s3;
	s0 =	sld [smem:$0x3F9B]  }
0x30: {  	s3 =	sld [smem:$0x3F9E]  }
0x31: {  	[smem:$0x3FA7] =	sst s10  }
0x32: {  	s10 =	sld [smem:$0x3FA5];
	_ =	sdelay $0x3  }
0x33: {  	p0 =	seq.s32 s10, $0x1;
	s10 =	sld [smem:$0x3FA7];
	_ =	sdelay $0x3  }
0x34: {  	[smem:$0x3FA7] =	sst s10  }
0x35: {  	s10 =	sld [smem:$0x3FA6];
	_ =	sdelay $0x3  }
0x36: {  	p1 =	seq.s32 s10, $0x1;
	s10 =	sld [smem:$0x3FA7];
	_ =	sdelay $0x3  }
0x37: {  	[smem:$0x3FA7] =	sst s10  }
0x38: {  	s10 =	sld [smem:$0x3FA8]  }
0x39: {  	_ = 	snop;
	(pc) =	sbr.ind lr, $3  }
0x3a: {  	_ = 	snop  }
0x3b: {  	_ = 	snop  }
0x3c: {  	p2 =	seq.s32 s10, $0x1;
	s10 =	sld [smem:$0x3FA7]  }
0x3d: {  	_ =	shalt  }
0x3e: {  	_ =	shalt  }
0x3f: {  	_ =	shalt  }
0x40: {  	_ =	shalt  }
0x41: {  	_ =	shalt  }
0x42: {  	_ =	shalt  }
0x43: {  	_ =	shalt  }
0x44: {  	_ =	shalt  }
0x45: {  	_ =	shalt  }
0x46: {  	_ =	shalt  }
0x47: {  	_ =	shalt  }
0x48: {  	_ =	shalt  }
0x49: {  	_ =	shalt  }
0x4a: {  	_ =	shalt  }
0x4b: {  	_ =	shalt  }
0x4c: {  	_ =	shalt  }
0x4d: {  	_ =	shalt  }
0x4e: {  	_ =	shalt  }
0x4f: {  	_ =	shalt  }
0x50: {  	_ =	shalt  }
0x51: {  	_ =	shalt  }
0x52: {  	_ =	shalt  }
0x53: {  	_ =	shalt  }
0x54: {  	_ =	shalt  }
0x55: {  	_ =	shalt  }
0x56: {  	_ =	shalt  }
0x57: {  	_ =	shalt  }
0x58: {  	_ =	shalt  }
0x59: {  	_ =	shalt  }
0x5a: {  	_ =	shalt  }
0x5b: {  	_ =	shalt  }
0x5c: {  	_ =	shalt  }
0x5d: {  	_ =	shalt  }
0x5e: {  	_ =	shalt  }
0x5f: {  	_ =	shalt  }
0x60: {  	_ =	shalt  }
0x61: {  	_ =	shalt  }
0x62: {  	_ =	shalt  }
0x63: {  	_ =	shalt  }
0x64: {  	_ =	shalt  }
0x65: {  	_ =	shalt  }
0x66: {  	_ =	shalt  }
0x67: {  	_ =	shalt  }
0x68: {  	_ =	shalt  }
0x69: {  	_ =	shalt  }
0x6a: {  	_ =	shalt  }
0x6b: {  	_ =	shalt  }
0x6c: {  	_ =	shalt  }
0x6d: {  	_ =	shalt  }
0x6e: {  	_ =	shalt  }
0x6f: {  	_ =	shalt  }
0x70: {  	_ =	shalt  }
0x71: {  	_ =	shalt  }
0x72: {  	_ =	shalt  }
0x73: {  	_ =	shalt  }
0x74: {  	_ =	shalt  }
0x75: {  	_ =	shalt  }
0x76: {  	_ =	shalt  }
0x77: {  	_ =	shalt  }
0x78: {  	_ =	shalt  }
0x79: {  	_ =	shalt  }
0x7a: {  	_ =	shalt  }
0x7b: {  	_ =	shalt  }
0x7c: {  	_ =	shalt  }
0x7d: {  	_ =	shalt  }
0x7e: {  	_ =	shalt  }
0x7f: {  	_ =	shalt  }
0x80: {  	_ =	shalt  }
0x81: {  	_ =	shalt  }
0x82: {  	_ =	shalt  }
0x83: {  	_ =	shalt  }
0x84: {  	_ =	shalt  }
0x85: {  	_ =	shalt  }
0x86: {  	_ =	shalt  }
0x87: {  	_ =	shalt  }
.Lfunc_end0:
.L_simem_size_0:
called_computation.11_lowered:
.L_overlay_start_0:
0x88: {  	s2 =	sld [smem:$0x3FD9]  }
0x89: {  	s3 =	sld [smem:$0x3FFE];
	_ =	sdelay $0x1  }
0x8a: {  	s1 =	srdreg.scid  }
0x8b: {  	s0 =	sand.u32 $0x1, s1  }
0x8c: {  	s17 =	sshll.u32 s0, $0xA;
	s2 =	sadd.s32 s3, s2  }
0x8d: {  	s2 =	sadd.s32 s2, s17  }
0x8e: {  	[smem:$0x3FB3] =	sst s2  }
0x8f: {  	_ = 	snop  }
0x90: {  	s18 =	sld [smem:$0x3FD0];
	(tm) =	ssettm $0x1  }
0x91: {  	s19 =	sld [smem:$0x3FFB];
	_ =	sdelay $0x3  }
0x92: {  	_ =	strace s19  }
0x93: {  	s2 =	sld [smem:$0x3FFC];
	_ =	sdelay $0x3  }
0x94: {  	_ =	strace s2  }
0x95: {  	s2 =	sld [smem:$0x3FFD];
	_ =	sdelay $0x3  }
0x96: {  	_ =	strace s2  }
0x97: {  	_ =	strace $0x8FFFFFFF  }
0x98: {  	s20 =	sld [smem:$0x3FDB];
	_ =	sdelay $0x1  }
0x99: {  	s4 =	simm.s32 $_scs_section_size  }
0x9a: {  	s5 =	simm.s32 $_size__tile_overlayer_lowered;
	s6 =	simm.s32 $_tile_overlayer_lowered  }
0x9b: {  	s7 =	simm.s32 $0x1BFF;
	s21 =	sshll.u32 s6, $0x1;
	s4 =	sadd.s32 s4, s20  }
0x9c: {  	s22 =	simm.s32 $0x0;
	s5 =	sshll.u32 s5, $0x1;
	s6 =	sadd.s32 s21, s4  }
0x9d: {  	[timem:s22], [sflag:s7] =	dma.local [hbm:s6], s5  }
0x9e: {  	_ =	swait.ge [sflag:s7], s5  }
0x9f: {  	s5 =	ssub.s32 $0x0, s5;
	[sflag:s7] =	ssyncset.done $0x0  }
0xa0: {  	[sflag:s7] =	ssyncadd.s32 s5;
	_ =	sdelay $0x1  }
0xa1: {  	s23 =	simm.s32 $0x1B8B  }
0xa2: {  	_ =	swait.ge [sflag:s23], $0x1  }
0xa3: {  	[sflag:s23] =	ssyncset.done $0x0  }
0xa4: {  	[sflag:s23] =	ssyncadd.s32 $0xFFFFFFFF  }
0xa5: {  	s5 =	sld [smem:$0x0]  }
0xa6: {  	s6 =	sand.u32 $0xFFFFFFFE, s1  }
0xa7: {  	p0 =	sne.s32 s1, s6  }
0xa8: {  	s6 =	sshll.u32 @p0 s6, $0xE  }
0xa9: {  	s6 =	sadd.s32 @p0 $0x11B8D, s6;
	s7 =	sshll.u32 @p0 s5, $0x11  }
0xaa: {  	s6 =	sor.u32 @p0 s7, s6  }
0xab: {  	[sflag:s6] =	ssyncadd.remote.s32 @p0 $0x1;
	_ =	sdelay $0x1  }
0xac: {  	s6 =	simm.s32 @p0 $0x1B8D  }
0xad: {  	_ =	swait.eq @p0 [sflag:s6], $0x1  }
0xae: {  	[sflag:s6] =	ssyncadd.s32 @p0 $0xFFFFFFFF  }
0xaf: {  	s7 =	sshll.u32 @!p0 s1, $0xE  }
0xb0: {  	s7 =	sor.u32 @!p0 $0x4000, s7;
	s6 =	simm.s32 @!p0 $0x1B8D  }
0xb1: {  	s5 =	sshll.u32 @!p0 s5, $0x11;
	s7 =	sadd.s32 @!p0 $0x11B8D, s7;
	_ =	swait.eq @!p0 [sflag:s6], $0x1  }
0xb2: {  	s5 =	sor.u32 @!p0 s5, s7;
	[sflag:s6] =	ssyncadd.s32 @!p0 $0xFFFFFFFF  }
0xb3: {  	s25 =	simm.s32 $0x1B8E;
	s24 =	sld [smem:$0x3FFE];
	[sflag:s5] =	ssyncadd.remote.s32 @!p0 $0x1  }
0xb4: {  	s26 =	simm.s32 $execute0_lowered;
	[smem:$0x3FD2] =	sst s25  }
0xb5: {  	s6 =	sshll.u32 s26, $0x1;
	_ =	strace $0x80000049;
	[dreg:$0x1] =	wrdreg $0xFFFFFFFF  }
0xb6: {  	s28 =	simm.s32 $_size_execute0_lowered;
	s4 =	sadd.s32 s4, s6;
	[dreg:$0x0] =	wrdreg $0x0  }
0xb7: {  	s6 =	sshll.u32 s28, $0x1;
	[dreg:$0x2] =	wrdreg s4  }
0xb8: {  	[dreg:$0x3] =	wrdreg s6  }
0xb9: {  	[dreg:$0x4] =	wrdreg $0xC0  }
0xba: {  	_ =	task [dreg:s22], $0x5FFFF  }
0xbb: {  	[dreg:$0x1] =	wrdreg $0xFFFFFFFF  }
0xbc: {  	[dreg:$0x0] =	wrdreg $0x60  }
0xbd: {  	[dreg:$0x2] =	wrdreg s18  }
0xbe: {  	[dreg:$0x3] =	wrdreg s24  }
0xbf: {  	[dreg:$0x4] =	wrdreg $0xA  }
0xc0: {  	_ =	task.clear_ibuf [dreg:s22], $0x5FFFF;
	_ =	strace $0x90000049  }
0xc1: {  	s29 =	simm.s32 $0xA;
	_ =	strace $0x8000004B  }
0xc2: {  	_ =	swait.ge [sflag:s29], $0x1  }
0xc3: {  	[sflag:s29] =	ssyncadd.s32 $0xFFFFFFFF  }
0xc4: {  	_ =	strace $0x9000004B  }
0xc5: {  	_ =	sfence  }
0xc6: {  	s30 =	sld [smem:$0x0];
	_ =	sdelay $0x2  }
0xc7: {  	s31 =	sshll.u32 s1, $0xD;
	s1 =	sshrl.u32 s1, $0x2  }
0xc8: {  	s4 =	sand.u32 $0x4000, s31;
	s1 =	sadd.s32 s1, s30  }
0xc9: {  	s0 =	sor.u32 s4, s0;
	s1 =	sshll.u32 s1, $0x11  }
0xca: {  	s0 =	sor.u32 s1, s0  }
0xcb: {  	s0 =	sadd.s32 $0x8F2B, s0  }
0xcc: {  	[sflag:s0] =	ssyncadd.remote.s32 $0x1  }
0xcd: {  	_ =	sfence.sel $0xFFFF  }
0xce: {  	[dreg:$0x0] =	wrdreg $0xFFFFFFFF;
	(pc) =	sbr.abs _section_cstart, $3  }
0xcf: {  	[dreg:$0x1] =	wrdreg $0xFFFFFFFF  }
0xd0: {  	_ =	task.clear_ibuf [dreg:s22], $0x2FFFF;
	_ =	strace $0x9FFFFFFF  }
0xd1: {  	(tm) =	ssettm $0x7FFFFFFF  }
tec
execute0_lowered:
.L_overlay_start_1:
0x0: {  	(tag) =	ssettag $0x1  }
0x1: {  	s1 =	srdreg.scid;
	s2 =	rddreg [dreg:$0x0]  }
0x2: {  	s0 =	stileid.u32;
	s5 =	rddreg [dreg:$0x1];
	s6 =	simm.s32 $0x1  }
0x3: {  	s9 =	simm.s32 $0x1;
	s10 =	simm.s32 $0x3;
	s1 =	sshll.u32 s1, $0x7  }
0x4: {  	s13 =	simm.s32 $0x0;
	s3 =	sshll.u32 s0, $0x8;
	s4 =	sand.u32 $0x80, s1  }
0x5: {  	s12 =	simm.s32 $0x0;
	s1 =	rddreg [dreg:$0x2];
	s3 =	sor.u32 s3, s4  }
0x6: {  	_ =	strace $0x8000004A;
	s4 =	sadd.s32 $0x4400, s5;
	s8 =	ssub.s32 $0x2000, s3  }
.Ltmp0:
0x7: {  	s5 =	sadd.s32 $0x26600, s5;
	s7 =	sand.u32 $0xF80, s8;
	(pc) =	sbr.rel .LBB2_1-.Ltmp0, $4  }
0x8: {  	[sflag:s6] =	ssyncpa.u1 $0x0;
	s11 =	smov.u32 s3;
	p0 =	sne.s32 s7, $0x0  }
0x9: {  	s8 =	sshrl.u32 s8, $0xC;
	s7 =	simm.s32 $0x2;
	s9 =	simm.s32 @!p0 $0x0  }
0xa: {  	[sflag:s7] =	ssyncpa.u1 $0x0;
	p0 =	por $0x0, $0x0;
	s8 =	sadd.s32 s9, s8  }
0xb: {  	vm0 =	vmmov $0xffff;
	[sflag:s10] =	ssyncpa.u1 $0x0;
	s10 =	simm.s32 $0x0;
	s9 =	sadd.s32 $0x1, s8  }
.LBB2_4:
0xc: {  	v2 =	vnsel vm1, $0x0, v2  }
0xd: {  	vm1 =	vgt.s32 v0, $0x0;
	v2 =	vmin.u32 v2, $0x1FFF  }
0xe: {  	v0 =	vnsel vm1, $0x0, v0  }
0xf: {  	v0 =	vmin.u32 v0, $0x1FFF  }
0x10: {  	[tilespmem:s15], [sflag:$0x1] =	stream.indirect_vreg.gather [hbm4b:s2+s10], $0x1, v1, vm0, $0x4038;
	[tilespmem:$0x200] =	vst v63  }
0x11: {  	(ifvalue) =	ssetifvalue $0x7FFFFFFF  }
0x12: {  	[tilespmem:s16], [sflag:$0x1] =	stream.indirect_vreg.gather [hbm4b:s2+s10], $0x1, v2, vm0, $0x4038;
	[tilespmem:$0x200] =	vst v63  }
0x13: {  	s29 =	sadd.s32 $0x10, s16;
	(ifvalue) =	ssetifvalue $0x7FFFFFFF  }
0x14: {  	[tilespmem:s29], [sflag:$0x1] =	stream.indirect_vreg.gather [hbm4b:s2+s10], $0x1, v0, vm0, $0x4038;
	[tilespmem:$0x200] =	vst v63  }
0x15: {  	_ =	swait.ge [sflag:s6], $0x80  }
0x16: {  	s30 =	sshrl.u32 s13, $0x3;
	[sflag:s6] =	ssyncset.done $0x0  }
0x17: {  	s31 =	sand.u32 $0x7, s13;
	s15 =	sadd.s32 s5, s30;
	[sflag:s6] =	ssyncadd.s32 $0xFFFFFF80  }
0x18: {  	[hbm4b:s15+s31] =	stream.linear.scatter [tilespmem:s14], [sflag:$0x3], $0x80, $0x38;
	[tilespmem:$0x200] =	vst v63  }
.LBB2_5:
0x19: {  	s15 =	sadd.s32 $0x1000, s11  }
0x1a: {  	p2 =	sgt.s32 s15, $0x1FFF  }
0x1b: {  	s15 =	smov.u32 @p2 s3;
	p2 =	sne.s32 s12, s9  }
.Ltmp1:
0x1c: {  	p1 =	slt.u32 s12, $0x2;
	(pc) =	sbr.rel @!p2 .LBB2_6-.Ltmp1, $4  }
0x1d: {  	s14 =	simm.s32 @!p1 $0x3  }
0x1e: {  	s16 =	sadd.s32 $0x1, s12;
	_ =	swait.ge @!p1 [sflag:s14], $0x80  }
0x1f: {  	s13 =	smov.u32 s11;
	p0 =	por !p0, !p0;
	[sflag:s14] =	ssyncset.done @!p1 $0x0  }
0x20: {  	s12 =	smov.u32 s16;
	s11 =	smov.u32 s15;
	[sflag:s14] =	ssyncadd.s32 @!p1 $0xFFFFFF80  }
.LBB2_1:
0x21: {  	p1 =	sge.u32 s12, s8  }
0x22: {  	s14 =	sxor.u32 @!p1 $0xFFFFFFFF, s12  }
0x23: {  	s31 =	sadd.s32 $0xFFFFFFFF, s12;
	s15 =	sshrl.u32 @!p1 s11, $0x3;
	s14 =	sshll.u32 @!p1 s14, $0x7  }
0x24: {  	s16 =	sand.u32 @!p1 $0x7, s11;
	s15 =	sadd.s32 @!p1 s4, s15;
	s14 =	sand.u32 @!p1 $0x80, s14  }
0x25: {  	[tilespmem:s14], [sflag:$0x2] =	stream.linear.gather @!p1 [hbm4b:s15+s16], $0x80, $0x38;
	[tilespmem:$0x200] =	vst v63  }
0x26: {  	p1 =	sge.u32 s31, s8  }
.Ltmp2:
0x27: {  	_ = 	snop;
	(pc) =	sbr.rel @p1 .LBB2_5-.Ltmp2, $1  }
0x28: {  	_ =	sdelay $0x3  }
0x29: {  	s14 =	simm.s32 $0x1  }
0x2a: {  	_ =	swait.ge [sflag:s7], $0x80;
	s14 =	simm.s32 @!p0 $0x0  }
0x2b: {  	[sflag:s7] =	ssyncset.done $0x0;
	s14 =	sshll.u32 s14, $0x7  }
0x2c: {  	[sflag:s7] =	ssyncadd.s32 $0xFFFFFF80;
	(ifvalue) =	ssetifvalue $0x7FFFFFFF;
	v0 =	vld.msk [tilespmem:s14+$0x0 ss:$0x1], $0xffff;
	_ =	sdelay $0x4  }
0x2d: {  	s15 =	sadd.s32 $0x10, s14;
	vm1 =	vgt.s32 v0, $0x0  }
0x2e: {  	v2 =	vld.msk [tilespmem:s15+$0x0 ss:$0x1], $0xffff;
	v1 =	vnsel vm1, $0x0, v0  }
0x2f: {  	v1 =	vmin.u32 v1, $0x1FFF;
	_ =	sdelay $0x1  }
0x30: {  	s16 =	sshll.u32 s12, $0x7;
	s18 =	simm.s32 $0x20  }
0x31: {  	s16 =	sand.u32 $0x80, s16;
	s17 =	sadd.s32 $0x10, s15;
	s15 =	sor.u32 $0x100, s14  }
0x32: {  	s14 =	sor.u32 $0x100, s16;
	s16 =	sadd.s32 $0x10, s15;
	v0 =	vld.msk [tilespmem:s17+$0x0 ss:$0x1], $0xffff;
	vm1 =	vgt.s32 v2, $0x0;
	(ifvalue) =	ssetifvalue $0x7FFFFFFF  }
.LBB2_3:
0x33: {  	[tilespmem:s15], [sflag:$0x1] =	stream.indirect_vreg.gather [hbm4b:s2+s10], $0x1, v1, vm0, $0x4038;
	[tilespmem:$0x200] =	vst v63  }
0x34: {  	s18 =	sadd.s32 $0x10, s18  }
0x35: {  	v2 =	vnsel vm1, $0x0, v2;
	p1 =	slt.u32 s18, $0x70  }
.Ltmp3:
0x36: {  	s15 =	smov.u32 s16;
	v1 =	vmin.u32 v2, $0x1FFF;
	(pc) =	sbr.rel @p1 .LBB2_3-.Ltmp3, $3  }
0x37: {  	_ =	sdelay $0x1  }
0x38: {  	s17 =	sadd.s32 $0x10, s17  }
0x39: {  	vm1 =	vgt.s32 v0, $0x0;
	s16 =	sadd.s32 $0x10, s16;
	v2 =	vmov v0;
	(ifvalue) =	ssetifvalue $0x7FFFFFFF;
	v0 =	vld.msk [tilespmem:s17+$0x0 ss:$0x1], $0xffff  }
.Ltmp4:
0x3a: {  	_ = 	snop;
	(pc) =	sbr.rel .LBB2_4-.Ltmp4, $1  }
0x3b: {  	_ =	sdelay $0x3  }
.LBB2_6:
0x3c: {  	_ =	sfence.sel $0x180000  }
0x3d: {  	s2 =	simm.s32 $0x2;
	[bflag:$0x0] =	sbarrier.arrive $0xFFFF  }
0x3e: {  	s30 =	simm.s32 $0x3;
	[sflag:s2] =	ssyncpa.u1 $0x1  }
0x3f: {  	s31 =	simm.s32 $0x1;
	[sflag:s30] =	ssyncpa.u1 $0x1  }
0x40: {  	[sflag:s31] =	ssyncpa.u1 $0x1  }
0x41: {  	p0 =	sne.s32 s0, $0x0;
	_ =	strace $0x9000004A  }
0x42: {  	s0 =	sadd.s32 @!p0 $0x100000, s1;
	[bflag:$0x2] =	sbarrier.arrive $0xFFFF  }
0x43: {  	[sflag:s0] =	ssyncadd.tile.s32 @!p0 $0x1;
	_ =	shalt  }
.Lfunc_end2:
_tile_overlayer_lowered:
.L_overlay_start_2:
0x44: {  	(tag) =	ssettag $0x2  }
0x45: {  	s0 =	rddreg [dreg:$0x0];
	s2 =	stileid.u32  }
0x46: {  	s1 =	rddreg [dreg:$0x1];
	p0 =	sne.s32 s2, $0x0  }
0x47: {  	s3 =	rddreg [dreg:$0x2];
	[bflag:$0x3] =	sbarrier.arrive $0xFFFF;
	s2 =	simm.s32 @!p0 $0x1C01  }
0x48: {  	[timem:s3], [sflag:s2] =	dma.local @!p0 [hbm:s0], s1  }
0x49: {  	s0 =	simm.s32 @!p0 $0x1  }
0x4a: {  	_ =	swait.ge @!p0 [sflag:s0], s1  }
0x4b: {  	s1 =	ssub.s32 @!p0 $0x0, s1;
	[sflag:s0] =	ssyncset.done @!p0 $0x0  }
0x4c: {  	[sflag:s0] =	ssyncadd.s32 @!p0 s1  }
0x4d: {  	[bflag:$0x3] =	sbarrier.arrive $0xFFFF  }
0x4e: {  	_ =	shalt  }

// kernel: gather_offload_async_start
scs
__scs_entry_jumppad:
0x0: {  	(pc) =	sbr.rel $0x88, $3  }
0x1: {  	(tag) =	ssettag $0x0;
	lr =	simm.s32 $0x1  }
0x2: {  	[smem:$0x3F8C] =	sst lr;
	_ =	strace $0xD0000000  }
0x3: {  	_ = 	snop  }
0x4: {  	_ = 	snop  }
0x5: {  	_ = 	snop  }
0x6: {  	_ = 	snop  }
0x7: {  	_ = 	snop  }
__scs_overlays_trampoline_lowered:
0x8: {  	[smem:$0x3F9B] =	sst s0  }
0x9: {  	[smem:$0x3F9C] =	sst s1  }
0xa: {  	[smem:$0x3F9D] =	sst s2  }
0xb: {  	[smem:$0x3F9E] =	sst s3  }
0xc: {  	[smem:$0x3F9F] =	sst s4  }
0xd: {  	[smem:$0x3FA0] =	sst s5  }
0xe: {  	[smem:$0x3FA1] =	sst s6  }
0xf: {  	[smem:$0x3FA2] =	sst s7  }
0x10: {  	[smem:$0x3FA3] =	sst s8  }
0x11: {  	[smem:$0x3FA4] =	sst s9;
	s0 =	simm.s32 @!p0 $0x0  }
0x12: {  	s1 =	sld [smem:$0x3F8A];
	s0 =	simm.s32 @p0 $0x1  }
0x13: {  	[smem:$0x3FA5] =	sst s0;
	s0 =	simm.s32 @!p1 $0x0  }
0x14: {  	s2 =	sld [smem:$0x3F89];
	s0 =	simm.s32 @p1 $0x1  }
0x15: {  	[smem:$0x3FA6] =	sst s0;
	s0 =	simm.s32 @!p2 $0x0  }
0x16: {  	s3 =	sld [smem:$0x3FDB];
	s0 =	simm.s32 @p2 $0x1  }
0x17: {  	s4 =	simm.s32 $0x1BF5;
	[smem:$0x3FA8] =	sst s0  }
0x18: {  	s0 =	sld [smem:$0x3F8B];
	_ =	swait.ge [sflag:s4], $0x0  }
0x19: {  	s7 =	sld [smem:$0x3F8C]  }
0x1a: {  	s8 =	sadd.s32 $0xFFFFE003, lr  }
0x1b: {  	s9 =	sadd.s32 $0xFFFFFEF7, lr;
	s5 =	simm.s32 $0xFFFFFFFF;
	p2 =	slt.u32 s8, $0xFFFFF086  }
0x1c: {  	p1 =	slt.u32 s9, $0xF7A;
	s5 =	simm.s32 @!p2 $0x0  }
0x1d: {  	s5 =	simm.s32 @p1 $0x1;
	p0 =	seq.s32 s7, s2  }
0x1e: {  	s7 =	smul.u32 @!p0 $0xF7A, s2;
	p2 =	seq.s32 @!p0 s5, $0x0  }
0x1f: {  	s9 =	smul.u32 $0xF7A, s1;
	s8 =	simm.s32 @!p0 $0x1BF5;
	p2 =	por !p2, p0  }
0x20: {  	[sflag:s8] =	ssyncset.s32 @!p0 $0xFFFFF086;
	s6 =	sadd.s32 @!p0 s3, s7;
	s7 =	simm.s32 @!p0 $0x108  }
0x21: {  	s3 =	sadd.s32 s3, s9;
	s6 =	sadd.s32 @!p0 $0x88, s6;
	s7 =	simm.s32 @p2 $0x1082  }
0x22: {  	[simem:s7], [sflag:s8] =	dma.local @!p0 [hbm:s6], $0xF7A  }
0x23: {  	s9 =	sor.u32 $0xD0000000, s2;
	s6 =	simm.s32 $0x108;
	_ =	swait.ge @!p0 [sflag:s8], $0x0  }
0x24: {  	s3 =	sadd.s32 $0x88, s3;
	s6 =	simm.s32 @!p1 $0x1082;
	[sflag:s4] =	ssyncset.s32 $0xFFFFF086  }
0x25: {  	[simem:s6], [sflag:s4] =	dma.local [hbm:s3], $0xF7A  }
0x26: {  	[smem:$0x3F8C] =	sst s1;
	(tag) =	ssettag s2;
	_ =	strace s9  }
0x27: {  	s1 =	sld [smem:$0x3F9C]  }
0x28: {  	s2 =	sld [smem:$0x3F9D]  }
0x29: {  	s4 =	sld [smem:$0x3F9F]  }
0x2a: {  	p0 =	seq.s32 s5, $0x0;
	s5 =	sld [smem:$0x3FA0]  }
0x2b: {  	s6 =	sld [smem:$0x3FA1]  }
0x2c: {  	s7 =	sld [smem:$0x3FA2]  }
0x2d: {  	s3 =	simm.s32 $0x108;
	s8 =	sld [smem:$0x3FA3]  }
0x2e: {  	s3 =	simm.s32 @!p0 $0x1082;
	s9 =	sld [smem:$0x3FA4]  }
0x2f: {  	lr =	sadd.s32 s0, s3;
	s0 =	sld [smem:$0x3F9B]  }
0x30: {  	s3 =	sld [smem:$0x3F9E]  }
0x31: {  	[smem:$0x3FA7] =	sst s10  }
0x32: {  	s10 =	sld [smem:$0x3FA5];
	_ =	sdelay $0x3  }
0x33: {  	p0 =	seq.s32 s10, $0x1;
	s10 =	sld [smem:$0x3FA7];
	_ =	sdelay $0x3  }
0x34: {  	[smem:$0x3FA7] =	sst s10  }
0x35: {  	s10 =	sld [smem:$0x3FA6];
	_ =	sdelay $0x3  }
0x36: {  	p1 =	seq.s32 s10, $0x1;
	s10 =	sld [smem:$0x3FA7];
	_ =	sdelay $0x3  }
0x37: {  	[smem:$0x3FA7] =	sst s10  }
0x38: {  	s10 =	sld [smem:$0x3FA8]  }
0x39: {  	_ = 	snop;
	(pc) =	sbr.ind lr, $3  }
0x3a: {  	_ = 	snop  }
0x3b: {  	_ = 	snop  }
0x3c: {  	p2 =	seq.s32 s10, $0x1;
	s10 =	sld [smem:$0x3FA7]  }
0x3d: {  	_ =	shalt  }
0x3e: {  	_ =	shalt  }
0x3f: {  	_ =	shalt  }
0x40: {  	_ =	shalt  }
0x41: {  	_ =	shalt  }
0x42: {  	_ =	shalt  }
0x43: {  	_ =	shalt  }
0x44: {  	_ =	shalt  }
0x45: {  	_ =	shalt  }
0x46: {  	_ =	shalt  }
0x47: {  	_ =	shalt  }
0x48: {  	_ =	shalt  }
0x49: {  	_ =	shalt  }
0x4a: {  	_ =	shalt  }
0x4b: {  	_ =	shalt  }
0x4c: {  	_ =	shalt  }
0x4d: {  	_ =	shalt  }
0x4e: {  	_ =	shalt  }
0x4f: {  	_ =	shalt  }
0x50: {  	_ =	shalt  }
0x51: {  	_ =	shalt  }
0x52: {  	_ =	shalt  }
0x53: {  	_ =	shalt  }
0x54: {  	_ =	shalt  }
0x55: {  	_ =	shalt  }
0x56: {  	_ =	shalt  }
0x57: {  	_ =	shalt  }
0x58: {  	_ =	shalt  }
0x59: {  	_ =	shalt  }
0x5a: {  	_ =	shalt  }
0x5b: {  	_ =	shalt  }
0x5c: {  	_ =	shalt  }
0x5d: {  	_ =	shalt  }
0x5e: {  	_ =	shalt  }
0x5f: {  	_ =	shalt  }
0x60: {  	_ =	shalt  }
0x61: {  	_ =	shalt  }
0x62: {  	_ =	shalt  }
0x63: {  	_ =	shalt  }
0x64: {  	_ =	shalt  }
0x65: {  	_ =	shalt  }
0x66: {  	_ =	shalt  }
0x67: {  	_ =	shalt  }
0x68: {  	_ =	shalt  }
0x69: {  	_ =	shalt  }
0x6a: {  	_ =	shalt  }
0x6b: {  	_ =	shalt  }
0x6c: {  	_ =	shalt  }
0x6d: {  	_ =	shalt  }
0x6e: {  	_ =	shalt  }
0x6f: {  	_ =	shalt  }
0x70: {  	_ =	shalt  }
0x71: {  	_ =	shalt  }
0x72: {  	_ =	shalt  }
0x73: {  	_ =	shalt  }
0x74: {  	_ =	shalt  }
0x75: {  	_ =	shalt  }
0x76: {  	_ =	shalt  }
0x77: {  	_ =	shalt  }
0x78: {  	_ =	shalt  }
0x79: {  	_ =	shalt  }
0x7a: {  	_ =	shalt  }
0x7b: {  	_ =	shalt  }
0x7c: {  	_ =	shalt  }
0x7d: {  	_ =	shalt  }
0x7e: {  	_ =	shalt  }
0x7f: {  	_ =	shalt  }
0x80: {  	_ =	shalt  }
0x81: {  	_ =	shalt  }
0x82: {  	_ =	shalt  }
0x83: {  	_ =	shalt  }
0x84: {  	_ =	shalt  }
0x85: {  	_ =	shalt  }
0x86: {  	_ =	shalt  }
0x87: {  	_ =	shalt  }
.Lfunc_end0:
.L_simem_size_0:
called_computation.4_lowered:
.L_overlay_start_0:
0x88: {  	s2 =	sld [smem:$0x3FD9]  }
0x89: {  	s3 =	sld [smem:$0x3FFE];
	_ =	sdelay $0x1  }
0x8a: {  	s1 =	srdreg.scid  }
0x8b: {  	s0 =	sand.u32 $0x1, s1  }
0x8c: {  	s17 =	sshll.u32 s0, $0xA;
	s2 =	sadd.s32 s3, s2  }
0x8d: {  	s2 =	sadd.s32 s2, s17  }
0x8e: {  	[smem:$0x3FB3] =	sst s2  }
0x8f: {  	_ = 	snop  }
0x90: {  	s2 =	sld [smem:$0x3FD0];
	(tm) =	ssettm $0x1  }
0x91: {  	s18 =	sld [smem:$0x3FFB];
	_ =	sdelay $0x3  }
0x92: {  	_ =	strace s18  }
0x93: {  	s3 =	sld [smem:$0x3FFC];
	_ =	sdelay $0x3  }
0x94: {  	_ =	strace s3  }
0x95: {  	s3 =	sld [smem:$0x3FFD];
	_ =	sdelay $0x3  }
0x96: {  	_ =	strace s3  }
0x97: {  	_ =	strace $0x8FFFFFFF  }
0x98: {  	s19 =	sld [smem:$0x3FDB];
	_ =	sdelay $0x1  }
0x99: {  	s4 =	simm.s32 $_scs_section_size  }
0x9a: {  	s5 =	simm.s32 $_size__tile_overlayer_lowered;
	s6 =	simm.s32 $_tile_overlayer_lowered  }
0x9b: {  	s22 =	simm.s32 $0x1BFF;
	s21 =	sshll.u32 s6, $0x1;
	s3 =	sadd.s32 s4, s19  }
0x9c: {  	s7 =	simm.s32 $0x0;
	s20 =	sshll.u32 s5, $0x1;
	s5 =	sadd.s32 s21, s3  }
0x9d: {  	[timem:s7], [sflag:s22] =	dma.local [hbm:s5], s20  }
0x9e: {  	_ =	swait.ge [sflag:s22], s20  }
0x9f: {  	s4 =	ssub.s32 $0x0, s20;
	[sflag:s22] =	ssyncset.done $0x0  }
0xa0: {  	[sflag:s22] =	ssyncadd.s32 s4;
	_ =	sdelay $0x1  }
0xa1: {  	s23 =	simm.s32 $0x1B8B  }
0xa2: {  	_ =	swait.ge [sflag:s23], $0x1  }
0xa3: {  	[sflag:s23] =	ssyncset.done $0x0  }
0xa4: {  	s25 =	simm.s32 $0x1B8E;
	s24 =	sld [smem:$0x3FFE];
	[sflag:s23] =	ssyncadd.s32 $0xFFFFFFFF  }
0xa5: {  	s26 =	simm.s32 $execute0_lowered;
	[smem:$0x3FD2] =	sst s25  }
0xa6: {  	s5 =	sshll.u32 s26, $0x1;
	_ =	strace $0x8000006A;
	[dreg:$0x1] =	wrdreg $0xFFFFFFFF  }
0xa7: {  	s28 =	simm.s32 $_size_execute0_lowered;
	s3 =	sadd.s32 s3, s5;
	[dreg:$0x0] =	wrdreg $0x0  }
0xa8: {  	s5 =	sshll.u32 s28, $0x1;
	[dreg:$0x2] =	wrdreg s3  }
0xa9: {  	[dreg:$0x3] =	wrdreg s5  }
0xaa: {  	[dreg:$0x4] =	wrdreg $0xC0  }
0xab: {  	_ =	task [dreg:s7], $0x5FFFF  }
0xac: {  	[dreg:$0x1] =	wrdreg $0xFFFFFFFF  }
0xad: {  	[dreg:$0x0] =	wrdreg $0x60  }
0xae: {  	[dreg:$0x2] =	wrdreg s24  }
0xaf: {  	[dreg:$0x3] =	wrdreg s2  }
0xb0: {  	[dreg:$0x4] =	wrdreg $0x9  }
0xb1: {  	_ =	task.clear_ibuf [dreg:s7], $0x5FFFF;
	_ =	strace $0x9000006A  }
0xb2: {  	s29 =	simm.s32 $0x9;
	_ =	strace $0x8000006C  }
0xb3: {  	_ =	swait.ge [sflag:s29], $0x1  }
0xb4: {  	[sflag:s29] =	ssyncadd.s32 $0xFFFFFFFF  }
0xb5: {  	_ =	strace $0x9000006C  }
0xb6: {  	_ =	sfence  }
0xb7: {  	s30 =	sld [smem:$0x0];
	_ =	sdelay $0x2  }
0xb8: {  	s31 =	sshll.u32 s1, $0xD;
	s1 =	sshrl.u32 s1, $0x2  }
0xb9: {  	s3 =	sand.u32 $0x4000, s31;
	s1 =	sadd.s32 s1, s30  }
0xba: {  	s0 =	sor.u32 s3, s0;
	s1 =	sshll.u32 s1, $0x11  }
0xbb: {  	s0 =	sor.u32 s1, s0  }
0xbc: {  	s0 =	sadd.s32 $0x8F2B, s0  }
0xbd: {  	[sflag:s0] =	ssyncadd.remote.s32 $0x1  }
0xbe: {  	_ =	sfence.sel $0xFFFF  }
0xbf: {  	[dreg:$0x0] =	wrdreg $0xFFFFFFFF;
	(pc) =	sbr.abs _section_cstart, $3  }
0xc0: {  	[dreg:$0x1] =	wrdreg $0xFFFFFFFF  }
0xc1: {  	_ =	task.clear_ibuf [dreg:s7], $0x2FFFF;
	_ =	strace $0x9FFFFFFF  }
0xc2: {  	(tm) =	ssettm $0x7FFFFFFF  }
0xc3: {  	_ =	shalt  }
tec
execute0_lowered:
.L_overlay_start_1:
0x0: {  	(tag) =	ssettag $0x1  }
0x1: {  	s1 =	srdreg.scid;
	s5 =	rddreg [dreg:$0x0]  }
0x2: {  	s0 =	stileid.u32;
	s2 =	rddreg [dreg:$0x1];
	s6 =	simm.s32 $0x1  }
0x3: {  	s9 =	simm.s32 $0x1;
	s10 =	simm.s32 $0x3;
	s1 =	sshll.u32 s1, $0x7  }
0x4: {  	s13 =	simm.s32 $0x0;
	s3 =	sshll.u32 s0, $0x8;
	s4 =	sand.u32 $0x80, s1  }
0x5: {  	s12 =	simm.s32 $0x0;
	s1 =	rddreg [dreg:$0x2];
	s3 =	sor.u32 s3, s4  }
0x6: {  	_ =	strace $0x8000006B;
	s4 =	sadd.s32 $0x4400, s5;
	s8 =	ssub.s32 $0x2000, s3  }
.Ltmp0:
0x7: {  	s5 =	sadd.s32 $0x4C00, s5;
	s7 =	sand.u32 $0xF80, s8;
	(pc) =	sbr.rel .LBB2_1-.Ltmp0, $4  }
0x8: {  	[sflag:s6] =	ssyncpa.u1 $0x0;
	s11 =	smov.u32 s3;
	p0 =	sne.s32 s7, $0x0  }
0x9: {  	s8 =	sshrl.u32 s8, $0xC;
	s7 =	simm.s32 $0x2;
	s9 =	simm.s32 @!p0 $0x0  }
0xa: {  	[sflag:s7] =	ssyncpa.u1 $0x0;
	p0 =	por $0x0, $0x0;
	s8 =	sadd.s32 s9, s8  }
0xb: {  	vm0 =	vmmov $0xffff;
	[sflag:s10] =	ssyncpa.u1 $0x0;
	s10 =	simm.s32 $0x0;
	s9 =	sadd.s32 $0x1, s8  }
.LBB2_4:
0xc: {  	v2 =	vnsel vm1, $0x0, v2  }
0xd: {  	vm1 =	vgt.s32 v0, $0x0;
	v2 =	vmin.u32 v2, $0x1FFF  }
0xe: {  	v0 =	vnsel vm1, $0x0, v0  }
0xf: {  	v0 =	vmin.u32 v0, $0x1FFF  }
0x10: {  	[tilespmem:s15], [sflag:$0x1] =	stream.indirect_vreg.gather [hbm4b:s4+s10], $0x1, v1, vm0, $0x4038;
	[tilespmem:$0x200] =	vst v63  }
0x11: {  	(ifvalue) =	ssetifvalue $0x7FFFFFFF  }
0x12: {  	[tilespmem:s16], [sflag:$0x1] =	stream.indirect_vreg.gather [hbm4b:s4+s10], $0x1, v2, vm0, $0x4038;
	[tilespmem:$0x200] =	vst v63  }
0x13: {  	s29 =	sadd.s32 $0x10, s16;
	(ifvalue) =	ssetifvalue $0x7FFFFFFF  }
0x14: {  	[tilespmem:s29], [sflag:$0x1] =	stream.indirect_vreg.gather [hbm4b:s4+s10], $0x1, v0, vm0, $0x4038;
	[tilespmem:$0x200] =	vst v63  }
0x15: {  	_ =	swait.ge [sflag:s6], $0x80  }
0x16: {  	s30 =	sshrl.u32 s13, $0x3;
	[sflag:s6] =	ssyncset.done $0x0  }
0x17: {  	s31 =	sand.u32 $0x7, s13;
	s15 =	sadd.s32 s5, s30;
	[sflag:s6] =	ssyncadd.s32 $0xFFFFFF80  }
0x18: {  	[hbm4b:s15+s31] =	stream.linear.scatter [tilespmem:s14], [sflag:$0x3], $0x80, $0x38;
	[tilespmem:$0x200] =	vst v63  }
.LBB2_5:
0x19: {  	s15 =	sadd.s32 $0x1000, s11  }
0x1a: {  	p2 =	sgt.s32 s15, $0x1FFF  }
0x1b: {  	s15 =	smov.u32 @p2 s3;
	p2 =	sne.s32 s12, s9  }
.Ltmp1:
0x1c: {  	p1 =	slt.u32 s12, $0x2;
	(pc) =	sbr.rel @!p2 .LBB2_6-.Ltmp1, $4  }
0x1d: {  	s14 =	simm.s32 @!p1 $0x3  }
0x1e: {  	s16 =	sadd.s32 $0x1, s12;
	_ =	swait.ge @!p1 [sflag:s14], $0x80  }
0x1f: {  	s13 =	smov.u32 s11;
	p0 =	por !p0, !p0;
	[sflag:s14] =	ssyncset.done @!p1 $0x0  }
0x20: {  	s12 =	smov.u32 s16;
	s11 =	smov.u32 s15;
	[sflag:s14] =	ssyncadd.s32 @!p1 $0xFFFFFF80  }
.LBB2_1:
0x21: {  	p1 =	sge.u32 s12, s8  }
0x22: {  	s14 =	sxor.u32 @!p1 $0xFFFFFFFF, s12  }
0x23: {  	s31 =	sadd.s32 $0xFFFFFFFF, s12;
	s15 =	sshrl.u32 @!p1 s11, $0x3;
	s14 =	sshll.u32 @!p1 s14, $0x7  }
0x24: {  	s16 =	sand.u32 @!p1 $0x7, s11;
	s15 =	sadd.s32 @!p1 s2, s15;
	s14 =	sand.u32 @!p1 $0x80, s14  }
0x25: {  	[tilespmem:s14], [sflag:$0x2] =	stream.linear.gather @!p1 [hbm4b:s15+s16], $0x80, $0x38;
	[tilespmem:$0x200] =	vst v63  }
0x26: {  	p1 =	sge.u32 s31, s8  }
.Ltmp2:
0x27: {  	_ = 	snop;
	(pc) =	sbr.rel @p1 .LBB2_5-.Ltmp2, $1  }
0x28: {  	_ =	sdelay $0x3  }
0x29: {  	s14 =	simm.s32 $0x1  }
0x2a: {  	_ =	swait.ge [sflag:s7], $0x80;
	s14 =	simm.s32 @!p0 $0x0  }
0x2b: {  	[sflag:s7] =	ssyncset.done $0x0;
	s14 =	sshll.u32 s14, $0x7  }
0x2c: {  	[sflag:s7] =	ssyncadd.s32 $0xFFFFFF80;
	(ifvalue) =	ssetifvalue $0x7FFFFFFF;
	v0 =	vld.msk [tilespmem:s14+$0x0 ss:$0x1], $0xffff;
	_ =	sdelay $0x4  }
0x2d: {  	s15 =	sadd.s32 $0x10, s14;
	vm1 =	vgt.s32 v0, $0x0  }
0x2e: {  	v2 =	vld.msk [tilespmem:s15+$0x0 ss:$0x1], $0xffff;
	v1 =	vnsel vm1, $0x0, v0  }
0x2f: {  	v1 =	vmin.u32 v1, $0x1FFF;
	_ =	sdelay $0x1  }
0x30: {  	s16 =	sshll.u32 s12, $0x7;
	s18 =	simm.s32 $0x20  }
0x31: {  	s16 =	sand.u32 $0x80, s16;
	s17 =	sadd.s32 $0x10, s15;
	s15 =	sor.u32 $0x100, s14  }
0x32: {  	s14 =	sor.u32 $0x100, s16;
	s16 =	sadd.s32 $0x10, s15;
	v0 =	vld.msk [tilespmem:s17+$0x0 ss:$0x1], $0xffff;
	vm1 =	vgt.s32 v2, $0x0;
	(ifvalue) =	ssetifvalue $0x7FFFFFFF  }
.LBB2_3:
0x33: {  	[tilespmem:s15], [sflag:$0x1] =	stream.indirect_vreg.gather [hbm4b:s4+s10], $0x1, v1, vm0, $0x4038;
	[tilespmem:$0x200] =	vst v63  }
0x34: {  	s18 =	sadd.s32 $0x10, s18  }
0x35: {  	v2 =	vnsel vm1, $0x0, v2;
	p1 =	slt.u32 s18, $0x70  }
.Ltmp3:
0x36: {  	s15 =	smov.u32 s16;
	v1 =	vmin.u32 v2, $0x1FFF;
	(pc) =	sbr.rel @p1 .LBB2_3-.Ltmp3, $3  }
0x37: {  	_ =	sdelay $0x1  }
0x38: {  	s17 =	sadd.s32 $0x10, s17  }
0x39: {  	vm1 =	vgt.s32 v0, $0x0;
	s16 =	sadd.s32 $0x10, s16;
	v2 =	vmov v0;
	(ifvalue) =	ssetifvalue $0x7FFFFFFF;
	v0 =	vld.msk [tilespmem:s17+$0x0 ss:$0x1], $0xffff  }
.Ltmp4:
0x3a: {  	_ = 	snop;
	(pc) =	sbr.rel .LBB2_4-.Ltmp4, $1  }
0x3b: {  	_ =	sdelay $0x3  }
.LBB2_6:
0x3c: {  	_ =	sfence.sel $0x180000  }
0x3d: {  	s2 =	simm.s32 $0x2;
	[bflag:$0x0] =	sbarrier.arrive $0xFFFF  }
0x3e: {  	s30 =	simm.s32 $0x3;
	[sflag:s2] =	ssyncpa.u1 $0x1  }
0x3f: {  	s31 =	simm.s32 $0x1;
	[sflag:s30] =	ssyncpa.u1 $0x1  }
0x40: {  	[sflag:s31] =	ssyncpa.u1 $0x1  }
0x41: {  	p0 =	sne.s32 s0, $0x0;
	_ =	strace $0x9000006B  }
0x42: {  	s0 =	sadd.s32 @!p0 $0x100000, s1;
	[bflag:$0x2] =	sbarrier.arrive $0xFFFF  }
0x43: {  	[sflag:s0] =	ssyncadd.tile.s32 @!p0 $0x1;
	_ =	shalt  }
.Lfunc_end2:
_tile_overlayer_lowered:
.L_overlay_start_2:
0x44: {  	(tag) =	ssettag $0x2  }
0x45: {  	s0 =	rddreg [dreg:$0x0];
	s2 =	stileid.u32  }
0x46: {  	s1 =	rddreg [dreg:$0x1];
	p0 =	sne.s32 s2, $0x0  }
0x47: {  	s3 =	rddreg [dreg:$0x2];
	[bflag:$0x3] =	sbarrier.arrive $0xFFFF;
	s2 =	simm.s32 @!p0 $0x1C01  }
0x48: {  	[timem:s3], [sflag:s2] =	dma.local @!p0 [hbm:s0], s1  }
0x49: {  	s0 =	simm.s32 @!p0 $0x1  }
0x4a: {  	_ =	swait.ge @!p0 [sflag:s0], s1  }
0x4b: {  	s1 =	ssub.s32 @!p0 $0x0, s1;
	[sflag:s0] =	ssyncset.done @!p0 $0x0  }
0x4c: {  	[sflag:s0] =	ssyncadd.s32 @!p0 s1  }
0x4d: {  	[bflag:$0x3] =	sbarrier.arrive $0xFFFF  }
0x4e: {  	_ =	shalt  }

// kernel: scatter_offload_async_start.1
scs
__scs_entry_jumppad:
0x0: {  	(pc) =	sbr.rel $0x88, $3  }
0x1: {  	(tag) =	ssettag $0x0;
	lr =	simm.s32 $0x1  }
0x2: {  	[smem:$0x3F8C] =	sst lr;
	_ =	strace $0xD0000000  }
0x3: {  	_ = 	snop  }
0x4: {  	_ = 	snop  }
0x5: {  	_ = 	snop  }
0x6: {  	_ = 	snop  }
0x7: {  	_ = 	snop  }
__scs_overlays_trampoline_lowered:
0x8: {  	[smem:$0x3F9B] =	sst s0  }
0x9: {  	[smem:$0x3F9C] =	sst s1  }
0xa: {  	[smem:$0x3F9D] =	sst s2  }
0xb: {  	[smem:$0x3F9E] =	sst s3  }
0xc: {  	[smem:$0x3F9F] =	sst s4  }
0xd: {  	[smem:$0x3FA0] =	sst s5  }
0xe: {  	[smem:$0x3FA1] =	sst s6  }
0xf: {  	[smem:$0x3FA2] =	sst s7  }
0x10: {  	[smem:$0x3FA3] =	sst s8  }
0x11: {  	[smem:$0x3FA4] =	sst s9;
	s0 =	simm.s32 @!p0 $0x0  }
0x12: {  	s1 =	sld [smem:$0x3F8A];
	s0 =	simm.s32 @p0 $0x1  }
0x13: {  	[smem:$0x3FA5] =	sst s0;
	s0 =	simm.s32 @!p1 $0x0  }
0x14: {  	s2 =	sld [smem:$0x3F89];
	s0 =	simm.s32 @p1 $0x1  }
0x15: {  	[smem:$0x3FA6] =	sst s0;
	s0 =	simm.s32 @!p2 $0x0  }
0x16: {  	s3 =	sld [smem:$0x3FDB];
	s0 =	simm.s32 @p2 $0x1  }
0x17: {  	s4 =	simm.s32 $0x1BF5;
	[smem:$0x3FA8] =	sst s0  }
0x18: {  	s0 =	sld [smem:$0x3F8B];
	_ =	swait.ge [sflag:s4], $0x0  }
0x19: {  	s7 =	sld [smem:$0x3F8C]  }
0x1a: {  	s8 =	sadd.s32 $0xFFFFE003, lr  }
0x1b: {  	s9 =	sadd.s32 $0xFFFFFEF7, lr;
	s5 =	simm.s32 $0xFFFFFFFF;
	p2 =	slt.u32 s8, $0xFFFFF086  }
0x1c: {  	p1 =	slt.u32 s9, $0xF7A;
	s5 =	simm.s32 @!p2 $0x0  }
0x1d: {  	s5 =	simm.s32 @p1 $0x1;
	p0 =	seq.s32 s7, s2  }
0x1e: {  	s7 =	smul.u32 @!p0 $0xF7A, s2;
	p2 =	seq.s32 @!p0 s5, $0x0  }
0x1f: {  	s9 =	smul.u32 $0xF7A, s1;
	s8 =	simm.s32 @!p0 $0x1BF5;
	p2 =	por !p2, p0  }
0x20: {  	[sflag:s8] =	ssyncset.s32 @!p0 $0xFFFFF086;
	s6 =	sadd.s32 @!p0 s3, s7;
	s7 =	simm.s32 @!p0 $0x108  }
0x21: {  	s3 =	sadd.s32 s3, s9;
	s6 =	sadd.s32 @!p0 $0x88, s6;
	s7 =	simm.s32 @p2 $0x1082  }
0x22: {  	[simem:s7], [sflag:s8] =	dma.local @!p0 [hbm:s6], $0xF7A  }
0x23: {  	s9 =	sor.u32 $0xD0000000, s2;
	s6 =	simm.s32 $0x108;
	_ =	swait.ge @!p0 [sflag:s8], $0x0  }
0x24: {  	s3 =	sadd.s32 $0x88, s3;
	s6 =	simm.s32 @!p1 $0x1082;
	[sflag:s4] =	ssyncset.s32 $0xFFFFF086  }
0x25: {  	[simem:s6], [sflag:s4] =	dma.local [hbm:s3], $0xF7A  }
0x26: {  	[smem:$0x3F8C] =	sst s1;
	(tag) =	ssettag s2;
	_ =	strace s9  }
0x27: {  	s1 =	sld [smem:$0x3F9C]  }
0x28: {  	s2 =	sld [smem:$0x3F9D]  }
0x29: {  	s4 =	sld [smem:$0x3F9F]  }
0x2a: {  	p0 =	seq.s32 s5, $0x0;
	s5 =	sld [smem:$0x3FA0]  }
0x2b: {  	s6 =	sld [smem:$0x3FA1]  }
0x2c: {  	s7 =	sld [smem:$0x3FA2]  }
0x2d: {  	s3 =	simm.s32 $0x108;
	s8 =	sld [smem:$0x3FA3]  }
0x2e: {  	s3 =	simm.s32 @!p0 $0x1082;
	s9 =	sld [smem:$0x3FA4]  }
0x2f: {  	lr =	sadd.s32 s0, s3;
	s0 =	sld [smem:$0x3F9B]  }
0x30: {  	s3 =	sld [smem:$0x3F9E]  }
0x31: {  	[smem:$0x3FA7] =	sst s10  }
0x32: {  	s10 =	sld [smem:$0x3FA5];
	_ =	sdelay $0x3  }
0x33: {  	p0 =	seq.s32 s10, $0x1;
	s10 =	sld [smem:$0x3FA7];
	_ =	sdelay $0x3  }
0x34: {  	[smem:$0x3FA7] =	sst s10  }
0x35: {  	s10 =	sld [smem:$0x3FA6];
	_ =	sdelay $0x3  }
0x36: {  	p1 =	seq.s32 s10, $0x1;
	s10 =	sld [smem:$0x3FA7];
	_ =	sdelay $0x3  }
0x37: {  	[smem:$0x3FA7] =	sst s10  }
0x38: {  	s10 =	sld [smem:$0x3FA8]  }
0x39: {  	_ = 	snop;
	(pc) =	sbr.ind lr, $3  }
0x3a: {  	_ = 	snop  }
0x3b: {  	_ = 	snop  }
0x3c: {  	p2 =	seq.s32 s10, $0x1;
	s10 =	sld [smem:$0x3FA7]  }
0x3d: {  	_ =	shalt  }
0x3e: {  	_ =	shalt  }
0x3f: {  	_ =	shalt  }
0x40: {  	_ =	shalt  }
0x41: {  	_ =	shalt  }
0x42: {  	_ =	shalt  }
0x43: {  	_ =	shalt  }
0x44: {  	_ =	shalt  }
0x45: {  	_ =	shalt  }
0x46: {  	_ =	shalt  }
0x47: {  	_ =	shalt  }
0x48: {  	_ =	shalt  }
0x49: {  	_ =	shalt  }
0x4a: {  	_ =	shalt  }
0x4b: {  	_ =	shalt  }
0x4c: {  	_ =	shalt  }
0x4d: {  	_ =	shalt  }
0x4e: {  	_ =	shalt  }
0x4f: {  	_ =	shalt  }
0x50: {  	_ =	shalt  }
0x51: {  	_ =	shalt  }
0x52: {  	_ =	shalt  }
0x53: {  	_ =	shalt  }
0x54: {  	_ =	shalt  }
0x55: {  	_ =	shalt  }
0x56: {  	_ =	shalt  }
0x57: {  	_ =	shalt  }
0x58: {  	_ =	shalt  }
0x59: {  	_ =	shalt  }
0x5a: {  	_ =	shalt  }
0x5b: {  	_ =	shalt  }
0x5c: {  	_ =	shalt  }
0x5d: {  	_ =	shalt  }
0x5e: {  	_ =	shalt  }
0x5f: {  	_ =	shalt  }
0x60: {  	_ =	shalt  }
0x61: {  	_ =	shalt  }
0x62: {  	_ =	shalt  }
0x63: {  	_ =	shalt  }
0x64: {  	_ =	shalt  }
0x65: {  	_ =	shalt  }
0x66: {  	_ =	shalt  }
0x67: {  	_ =	shalt  }
0x68: {  	_ =	shalt  }
0x69: {  	_ =	shalt  }
0x6a: {  	_ =	shalt  }
0x6b: {  	_ =	shalt  }
0x6c: {  	_ =	shalt  }
0x6d: {  	_ =	shalt  }
0x6e: {  	_ =	shalt  }
0x6f: {  	_ =	shalt  }
0x70: {  	_ =	shalt  }
0x71: {  	_ =	shalt  }
0x72: {  	_ =	shalt  }
0x73: {  	_ =	shalt  }
0x74: {  	_ =	shalt  }
0x75: {  	_ =	shalt  }
0x76: {  	_ =	shalt  }
0x77: {  	_ =	shalt  }
0x78: {  	_ =	shalt  }
0x79: {  	_ =	shalt  }
0x7a: {  	_ =	shalt  }
0x7b: {  	_ =	shalt  }
0x7c: {  	_ =	shalt  }
0x7d: {  	_ =	shalt  }
0x7e: {  	_ =	shalt  }
0x7f: {  	_ =	shalt  }
0x80: {  	_ =	shalt  }
0x81: {  	_ =	shalt  }
0x82: {  	_ =	shalt  }
0x83: {  	_ =	shalt  }
0x84: {  	_ =	shalt  }
0x85: {  	_ =	shalt  }
0x86: {  	_ =	shalt  }
0x87: {  	_ =	shalt  }
.Lfunc_end0:
.L_simem_size_0:
called_computation.1_lowered:
.L_overlay_start_0:
0x88: {  	s2 =	sld [smem:$0x3FD9]  }
0x89: {  	s3 =	sld [smem:$0x3FFE];
	_ =	sdelay $0x1  }
0x8a: {  	s1 =	srdreg.scid  }
0x8b: {  	s0 =	sand.u32 $0x1, s1  }
0x8c: {  	s12 =	sshll.u32 s0, $0xA;
	s2 =	sadd.s32 s3, s2  }
0x8d: {  	s2 =	sadd.s32 s2, s12  }
0x8e: {  	[smem:$0x3FB3] =	sst s2  }
0x8f: {  	_ = 	snop  }
0x90: {  	(tm) =	ssettm $0x1  }
0x91: {  	s13 =	sld [smem:$0x3FFB];
	_ =	sdelay $0x3  }
0x92: {  	_ =	strace s13  }
0x93: {  	s2 =	sld [smem:$0x3FFC];
	_ =	sdelay $0x3  }
0x94: {  	_ =	strace s2  }
0x95: {  	s2 =	sld [smem:$0x3FFD];
	_ =	sdelay $0x3  }
0x96: {  	_ =	strace s2  }
0x97: {  	_ =	strace $0x8FFFFFFF  }
0x98: {  	s14 =	sld [smem:$0x3FDB];
	_ =	sdelay $0x1  }
0x99: {  	s15 =	simm.s32 $_scs_section_size  }
0x9a: {  	s4 =	simm.s32 $_size__tile_overlayer_lowered;
	s5 =	simm.s32 $_tile_overlayer_lowered  }
0x9b: {  	s19 =	simm.s32 $0x1BFF;
	s17 =	sshll.u32 s5, $0x1;
	s6 =	sadd.s32 s15, s14  }
0x9c: {  	s20 =	simm.s32 $0x0;
	s16 =	sshll.u32 s4, $0x1;
	s18 =	sadd.s32 s17, s6  }
0x9d: {  	[timem:s20], [sflag:s19] =	dma.local [hbm:s18], s16  }
0x9e: {  	_ =	swait.ge [sflag:s19], s16  }
0x9f: {  	s3 =	ssub.s32 $0x0, s16;
	[sflag:s19] =	ssyncset.done $0x0  }
0xa0: {  	[sflag:s19] =	ssyncadd.s32 s3;
	_ =	sdelay $0x1  }
0xa1: {  	s21 =	simm.s32 $0x1B8B  }
0xa2: {  	_ =	swait.ge [sflag:s21], $0x1  }
0xa3: {  	[sflag:s21] =	ssyncset.done $0x0  }
0xa4: {  	[sflag:s21] =	ssyncadd.s32 $0xFFFFFFFF  }
0xa5: {  	s3 =	sld [smem:$0x0]  }
0xa6: {  	s4 =	sand.u32 $0xFFFFFFFE, s1  }
0xa7: {  	p0 =	sne.s32 s1, s4  }
0xa8: {  	s4 =	sshll.u32 @p0 s4, $0xE  }
0xa9: {  	s5 =	sadd.s32 @p0 $0x11B8D, s4;
	s7 =	sshll.u32 @p0 s3, $0x11  }
0xaa: {  	s5 =	sor.u32 @p0 s7, s5  }
0xab: {  	[sflag:s5] =	ssyncadd.remote.s32 @p0 $0x1;
	_ =	sdelay $0x1  }
0xac: {  	s5 =	simm.s32 @p0 $0x1B8D  }
0xad: {  	_ =	swait.eq @p0 [sflag:s5], $0x1  }
0xae: {  	[sflag:s5] =	ssyncadd.s32 @p0 $0xFFFFFFFF  }
0xaf: {  	s7 =	sshll.u32 @!p0 s1, $0xE  }
0xb0: {  	s7 =	sor.u32 @!p0 $0x4000, s7;
	s5 =	simm.s32 @!p0 $0x1B8D  }
0xb1: {  	s9 =	sshll.u32 @!p0 s3, $0x11;
	s8 =	sadd.s32 @!p0 $0x11B8D, s7;
	_ =	swait.eq @!p0 [sflag:s5], $0x1  }
0xb2: {  	[sflag:s5] =	ssyncadd.s32 @!p0 $0xFFFFFFFF;
	s5 =	sor.u32 @!p0 s9, s8  }
0xb3: {  	s23 =	simm.s32 $0x1B8E;
	s22 =	sld [smem:$0x3FFE];
	[sflag:s5] =	ssyncadd.remote.s32 @!p0 $0x1  }
0xb4: {  	s24 =	simm.s32 $execute0_lowered;
	[smem:$0x3FD2] =	sst s23  }
0xb5: {  	s8 =	sshll.u32 s24, $0x1;
	_ =	strace $0x80000058;
	[dreg:$0x1] =	wrdreg $0xFFFFFFFF  }
0xb6: {  	s25 =	simm.s32 $_size_execute0_lowered;
	s8 =	sadd.s32 s6, s8;
	[dreg:$0x0] =	wrdreg $0x0  }
0xb7: {  	s9 =	sshll.u32 s25, $0x1;
	[dreg:$0x2] =	wrdreg s8  }
0xb8: {  	[dreg:$0x3] =	wrdreg s9  }
0xb9: {  	[dreg:$0x4] =	wrdreg $0xC0  }
0xba: {  	s26 =	simm.s32 $execute1_lowered;
	_ =	task [dreg:s20], $0x5FFFF  }
0xbb: {  	s8 =	sshll.u32 s26, $0x1;
	[dreg:$0x1] =	wrdreg $0xFFFFFFFF  }
0xbc: {  	s6 =	sadd.s32 s6, s8;
	[dreg:$0x0] =	wrdreg $0x60  }
0xbd: {  	[dreg:$0x2] =	wrdreg s6  }
0xbe: {  	[dreg:$0x3] =	wrdreg s22  }
0xbf: {  	[dreg:$0x4] =	wrdreg $0xB  }
0xc0: {  	_ =	task.clear_ibuf [dreg:s20], $0x5FFFF;
	_ =	strace $0x90000058  }
0xc1: {  	s28 =	simm.s32 $0xB;
	_ =	strace $0x8000005A  }
0xc2: {  	_ =	swait.ge [sflag:s28], $0x1  }
0xc3: {  	[sflag:s28] =	ssyncadd.s32 $0xFFFFFFFF  }
0xc4: {  	_ =	strace $0x9000005A  }
0xc5: {  	s6 =	sld [smem:$0x0];
	_ =	sdelay $0x3  }
0xc6: {  	s4 =	sadd.s32 @p0 $0x11BF3, s4;
	s8 =	sshll.u32 @p0 s6, $0x11  }
0xc7: {  	s4 =	sor.u32 @p0 s8, s4  }
0xc8: {  	[sflag:s4] =	ssyncadd.remote.s32 @p0 $0x1;
	_ =	sdelay $0x1  }
0xc9: {  	s4 =	simm.s32 @p0 $0x1BF3  }
0xca: {  	_ =	swait.eq @p0 [sflag:s4], $0x1  }
0xcb: {  	[sflag:s4] =	ssyncadd.s32 @p0 $0xFFFFFFFF;
	_ =	sdelay $0x1  }
0xcc: {  	s4 =	simm.s32 @!p0 $0x1BF3  }
0xcd: {  	s7 =	sadd.s32 @!p0 $0x11BF3, s7;
	s6 =	sshll.u32 @!p0 s6, $0x11;
	_ =	swait.eq @!p0 [sflag:s4], $0x1  }
0xce: {  	[sflag:s4] =	ssyncadd.s32 @!p0 $0xFFFFFFFF;
	s4 =	sor.u32 @!p0 s6, s7  }
0xcf: {  	[sflag:s4] =	ssyncadd.remote.s32 @!p0 $0x1  }
0xd0: {  	_ =	strace $0x8000005B;
	[dreg:$0x1] =	wrdreg $0xFFFFFFFF  }
0xd1: {  	[dreg:$0x0] =	wrdreg $0x2030  }
0xd2: {  	[dreg:$0x2] =	wrdreg s22  }
0xd3: {  	[dreg:$0x3] =	wrdreg s1  }
0xd4: {  	[dreg:$0x4] =	wrdreg s3  }
0xd5: {  	[dreg:$0x5] =	wrdreg $0xC  }
0xd6: {  	_ =	task.clear_ibuf [dreg:s20], $0x6FFFF;
	_ =	strace $0x9000005B  }
0xd7: {  	s29 =	simm.s32 $0xC;
	_ =	strace $0x8000005D  }
0xd8: {  	_ =	swait.ge [sflag:s29], $0x1  }
0xd9: {  	[sflag:s29] =	ssyncadd.s32 $0xFFFFFFFF  }
0xda: {  	_ =	strace $0x9000005D  }
0xdb: {  	_ =	sfence  }
0xdc: {  	s30 =	sld [smem:$0x0];
	_ =	sdelay $0x2  }
0xdd: {  	s31 =	sshll.u32 s1, $0xD;
	s1 =	sshrl.u32 s1, $0x2  }
0xde: {  	s4 =	sand.u32 $0x4000, s31;
	s1 =	sadd.s32 s1, s30  }
0xdf: {  	s0 =	sor.u32 s4, s0;
	s1 =	sshll.u32 s1, $0x11  }
0xe0: {  	s0 =	sor.u32 s1, s0  }
0xe1: {  	s0 =	sadd.s32 $0x8F2B, s0  }
0xe2: {  	[sflag:s0] =	ssyncadd.remote.s32 $0x1  }
0xe3: {  	_ =	sfence.sel $0xFFFF  }
0xe4: {  	[dreg:$0x0] =	wrdreg $0xFFFFFFFF;
	(pc) =	sbr.abs _section_cstart, $3  }
0xe5: {  	[dreg:$0x1] =	wrdreg $0xFFFFFFFF  }
0xe6: {  	_ =	task.clear_ibuf [dreg:s20], $0x2FFFF;
	_ =	strace $0x9FFFFFFF  }
0xe7: {  	(tm) =	ssettm $0x7FFFFFFF  }
tec
execute0_lowered:
.L_overlay_start_1:
0x0: {  	(tag) =	ssettag $0x1  }
0x1: {  	s2 =	rddreg [dreg:$0x0]  }
0x2: {  	s3 =	rddreg [dreg:$0x1]  }
0x3: {  	s0 =	rddreg [dreg:$0x2];
	s4 =	stileid.u32;
	[bflag:$0x3] =	sbarrier.arrive $0xFFFF  }
0x4: {  	s1 =	simm.s32 $_size_execute1_lowered;
	s29 =	srdreg.scid;
	p0 =	sne.s32 s4, $0x0  }
0x5: {  	s1 =	sshll.u32 s1, $0x1;
	s5 =	simm.s32 @!p0 $0x1C3F;
	s6 =	simm.s32 @!p0 $0x4060  }
0x6: {  	[timem:s6], [sflag:s5] =	dma.local @!p0 [hbm:s2], s1  }
0x7: {  	s2 =	sshll.u32 s29, $0x6  }
0x8: {  	s4 =	sshll.u32 s4, $0x7;
	s2 =	sand.u32 $0x40, s2  }
0x9: {  	s30 =	simm.s32 $0x2;
	s9 =	simm.s32 $0x0;
	s2 =	sor.u32 s4, s2  }
0xa: {  	s12 =	simm.s32 $0x0;
	s11 =	simm.s32 $0x0;
	s4 =	sshll.u32 s2, $0x4  }
0xb: {  	s10 =	simm.s32 $0x0;
	p1 =	slt.u32 s2, $0x7B0;
	s5 =	sadd.s32 $0xFFFF8500, s4  }
0xc: {  	s6 =	simm.s32 $0x3;
	_ =	strace $0x80000059;
	s5 =	smov.u32 @p1 s4  }
0xd: {  	s31 =	smax.u32 s2, $0x770;
	s8 =	sadd.s32 s5, s3;
	s5 =	ssub.s32 $0x7B0, s2  }
0xe: {  	s7 =	sshll.u32 s31, $0x9;
	s4 =	simm.s32 $0x1;
	p1 =	sgt.s32 s5, $0x0  }
.Ltmp0:
0xf: {  	s7 =	ssub.s32 $0xF6000, s7;
	s5 =	simm.s32 @!p1 $0x0;
	(pc) =	sbr.rel .LBB2_1-.Ltmp0, $4  }
0x10: {  	s3 =	sadd.s32 $0x95A00, s3;
	[sflag:s4] =	ssyncpa.u1 $0x0;
	s5 =	sand.u32 $0x7F0, s5  }
0x11: {  	s7 =	sshrl.u32 s7, $0x2;
	p1 =	sne.s32 s5, $0x0;
	s5 =	simm.s32 $0x1  }
0x12: {  	s5 =	simm.s32 @!p1 $0x0;
	s6 =	simm.s32 @!p1 $0x2;
	p1 =	sgt.u32 s2, $0x7AF  }
0x13: {  	[sflag:s30] =	ssyncpa.u1 $0x0;
	s8 =	sadd.s32 $0x86200, s8;
	s7 =	simm.s32 @p1 $0x0  }
.LBB2_4:
0x14: {  	_ = 	snop  }
.LBB2_7:
0x15: {  	_ =	sdelay $0x3  }
0x16: {  	[tilespmem:v0+s16+$0x0 ss:$0x1] =	vst.idx.msk @p1 $0xffff, v2  }
0x17: {  	v56 =	vld.idx.msk [tilespmem:v1+s15+$0x0 ss:$0x1], $0xffff;
	s24 =	sor.u32 $0x70, s15;
	[tilespmem:v0+s17+$0x0 ss:$0x1] =	vst.idx.msk @p1 $0xffff, v4  }
0x18: {  	s25 =	sor.u32 $0x10, s15;
	[tilespmem:v0+s18+$0x0 ss:$0x1] =	vst.idx.msk @p1 $0xffff, v3;
	v57 =	vld.idx.msk [tilespmem:v1+s24+$0x0 ss:$0x1], $0xffff  }
0x19: {  	s26 =	sor.u32 $0x20, s15;
	[tilespmem:v0+s19+$0x0 ss:$0x1] =	vst.idx.msk @p1 $0xffff, v5;
	v58 =	vld.idx.msk [tilespmem:v1+s25+$0x0 ss:$0x1], $0xffff  }
0x1a: {  	s28 =	sor.u32 $0x30, s15;
	[tilespmem:v0+s20+$0x0 ss:$0x1] =	vst.idx.msk @p1 $0xffff, v6;
	v59 =	vld.idx.msk [tilespmem:v1+s26+$0x0 ss:$0x1], $0xffff  }
0x1b: {  	s29 =	sor.u32 $0x40, s15;
	[tilespmem:v0+s21+$0x0 ss:$0x1] =	vst.idx.msk @p1 $0xffff, v7;
	v60 =	vld.idx.msk [tilespmem:v1+s28+$0x0 ss:$0x1], $0xffff  }
0x1c: {  	s30 =	sor.u32 $0x50, s15;
	v61 =	vld.idx.msk [tilespmem:v1+s29+$0x0 ss:$0x1], $0xffff;
	[tilespmem:v0+s15+$0x0 ss:$0x1] =	vst.idx.msk $0xffff, v56  }
0x1d: {  	s31 =	sor.u32 $0x60, s15;
	v62 =	vld.idx.msk [tilespmem:v1+s30+$0x0 ss:$0x1], $0xffff;
	[tilespmem:v0+s24+$0x0 ss:$0x1] =	vst.idx.msk $0xffff, v57  }
0x1e: {  	v63 =	vld.idx.msk [tilespmem:v1+s31+$0x0 ss:$0x1], $0xffff;
	[tilespmem:v0+s25+$0x0 ss:$0x1] =	vst.idx.msk $0xffff, v58  }
0x1f: {  	[tilespmem:v0+s26+$0x0 ss:$0x1] =	vst.idx.msk $0xffff, v59  }
0x20: {  	[tilespmem:v0+s28+$0x0 ss:$0x1] =	vst.idx.msk $0xffff, v60  }
0x21: {  	[tilespmem:v0+s29+$0x0 ss:$0x1] =	vst.idx.msk $0xffff, v61  }
0x22: {  	[tilespmem:v0+s30+$0x0 ss:$0x1] =	vst.idx.msk $0xffff, v62  }
0x23: {  	[tilespmem:v0+s31+$0x0 ss:$0x1] =	vst.idx.msk $0xffff, v63  }
.LBB2_8:
0x24: {  	s15 =	sshrl.u32 s11, $0x4  }
0x25: {  	s15 =	smulhi.u32 $0x10A6810B, s15;
	_ =	sdelay $0x1  }
0x26: {  	s15 =	sshrl.u32 s15, $0x3  }
0x27: {  	s15 =	smul.u32 $0x7B0, s15;
	_ =	sdelay $0x1  }
0x28: {  	s15 =	ssub.s32 s11, s15  }
0x29: {  	s15 =	sshll.u32 s15, $0x4  }
0x2a: {  	s15 =	sadd.s32 s3, s15  }
0x2b: {  	[hbm4b:s15+s9] =	stream.linear.scatter [tilespmem:s14], [sflag:$0x2], s13, $0x38;
	[tilespmem:$0x8000] =	vst v63  }
.LBB2_9:
0x2c: {  	p1 =	slt.u32 s10, $0x2  }
0x2d: {  	p2 =	sgt.s32 @!p1 s12, $0x770  }
0x2e: {  	p2 =	por !p2, p1  }
0x2f: {  	p3 =	sgt.s32 @!p1 s12, $0x7AF;
	s12 =	simm.s32 @p2 $0x770  }
0x30: {  	s12 =	sshll.u32 @!p1 s12, $0x9  }
0x31: {  	s12 =	ssub.s32 @!p1 $0xF6000, s12  }
0x32: {  	s10 =	sadd.s32 $0x1, s10;
	p2 =	por !p3, p1;
	s12 =	sshrl.u32 @!p1 s12, $0x2  }
0x33: {  	s12 =	simm.s32 @!p2 $0x0;
	p2 =	sne.s32 s10, s6  }
.Ltmp1:
0x34: {  	_ = 	snop;
	(pc) =	sbr.rel @!p2 .LBB2_10-.Ltmp1, $4  }
0x35: {  	s13 =	simm.s32 @!p1 $0x2  }
0x36: {  	_ =	swait.ge @!p1 [sflag:s13], s12  }
0x37: {  	s14 =	ssub.s32 @!p1 $0x0, s12;
	[sflag:s13] =	ssyncset.done @!p1 $0x0  }
0x38: {  	s12 =	smov.u32 s11;
	s11 =	smov.u32 s2;
	[sflag:s13] =	ssyncadd.s32 @!p1 s14  }
.LBB2_1:
0x39: {  	p1 =	sge.u32 s10, s5  }
0x3a: {  	s31 =	sadd.s32 $0xFFFFFFFF, s10;
	s13 =	simm.s32 @!p1 $0x0;
	s14 =	simm.s32 @!p1 $0x2000  }
0x3b: {  	[tilespmem:s14], [sflag:$0x1] =	stream.linear.gather @!p1 [hbm4b:s8+s13], s7, $0x38;
	[tilespmem:$0x8000] =	vst v63  }
0x3c: {  	p1 =	sge.u32 s31, s5  }
.Ltmp2:
0x3d: {  	_ = 	snop;
	(pc) =	sbr.rel @p1 .LBB2_9-.Ltmp2, $1  }
0x3e: {  	_ =	sdelay $0x3  }
0x3f: {  	p1 =	sgt.s32 s11, $0x770;
	s13 =	smov.u32 s11  }
0x40: {  	s13 =	simm.s32 @!p1 $0x770  }
0x41: {  	s13 =	sshll.u32 s13, $0x9  }
0x42: {  	s13 =	ssub.s32 $0xF6000, s13  }
0x43: {  	p1 =	sgt.u32 s11, $0x7AF;
	s13 =	sshrl.u32 s13, $0x2  }
0x44: {  	s14 =	smov.u32 s11;
	s13 =	simm.s32 @p1 $0x0;
	p1 =	slt.s32 s11, $0x770  }
0x45: {  	s14 =	simm.s32 @!p1 $0x770  }
0x46: {  	s16 =	ssub.s32 s14, s11  }
0x47: {  	p1 =	slt.s32 s16, $0xFFFFFFC1  }
.Ltmp3:
0x48: {  	_ = 	snop;
	(pc) =	sbr.rel @p1 .LBB2_8-.Ltmp3, $4  }
0x49: {  	_ = 	snop  }
0x4a: {  	s15 =	sshll.u32 s10, $0xD;
	_ =	swait.ge [sflag:s4], s13  }
0x4b: {  	s15 =	sand.u32 $0x2000, s15;
	s17 =	ssub.s32 $0x0, s13;
	[sflag:s4] =	ssyncset.done $0x0  }
0x4c: {  	s14 =	sor.u32 $0x4000, s15;
	[sflag:s4] =	ssyncadd.s32 s17  }
0x4d: {  	s16 =	sadd.s32 $0x40, s16  }
0x4e: {  	p2 =	sne.s32 s16, $0x1  }
.Ltmp4:
0x4f: {  	v1 =	vmov s15;
	v0 =	vmov s14;
	(pc) =	sbr.rel @!p2 .LBB2_4-.Ltmp4, $3  }
0x50: {  	_ =	sdelay $0x1  }
0x51: {  	s17 =	simm.s32 $0x0  }
0x52: {  	p1 =	por $0x0, $0x0;
	s15 =	sand.u32 $0x1F80, s17;
	s23 =	sadd.s32 $0xFFFFFFFF, s16  }
0x53: {  	_ =	sdelay $0x3  }
0x54: {  	v6 =	vld.idx.msk [tilespmem:v1+s15+$0x0 ss:$0x1], $0xffff;
	s24 =	sor.u32 $0x70, s15  }
0x55: {  	s16 =	sor.u32 $0x10, s15;
	v8 =	vld.idx.msk [tilespmem:v1+s24+$0x0 ss:$0x1], $0xffff  }
0x56: {  	s17 =	sor.u32 $0x20, s15;
	p2 =	sne.s32 s23, $0x1;
	v2 =	vld.idx.msk [tilespmem:v1+s16+$0x0 ss:$0x1], $0xffff  }
.Ltmp5:
0x57: {  	s18 =	sor.u32 $0x30, s15;
	v4 =	vld.idx.msk [tilespmem:v1+s17+$0x0 ss:$0x1], $0xffff;
	(pc) =	sbr.rel @!p2 .LBB2_7-.Ltmp5, $4  }
0x58: {  	s19 =	sor.u32 $0x40, s15;
	v3 =	vld.idx.msk [tilespmem:v1+s18+$0x0 ss:$0x1], $0xffff  }
0x59: {  	s21 =	sor.u32 $0x60, s15;
	v5 =	vld.idx.msk [tilespmem:v1+s19+$0x0 ss:$0x1], $0xffff  }
0x5a: {  	s20 =	sor.u32 $0x50, s15;
	s22 =	simm.s32 $0x80;
	v7 =	vld.idx.msk [tilespmem:v1+s21+$0x0 ss:$0x1], $0xffff;
	[tilespmem:v0+s15+$0x0 ss:$0x1] =	vst.idx.msk $0xffff, v6  }
0x5b: {  	s23 =	sadd.s32 $0xFFFFFFFF, s23;
	p1 =	por $0x1, $0x1;
	v6 =	vld.idx.msk [tilespmem:v1+s20+$0x0 ss:$0x1], $0xffff;
	s15 =	sand.u32 $0x1F80, s22;
	[tilespmem:v0+s24+$0x0 ss:$0x1] =	vst.idx.msk $0xffff, v8  }
.LBB2_6:
0x5c: {  	p2 =	sne.s32 s23, $0x1;
	v8 =	vld.idx.msk [tilespmem:v1+s15+$0x0 ss:$0x1], $0xffff;
	s24 =	sor.u32 $0x70, s15;
	[tilespmem:v0+s16+$0x0 ss:$0x1] =	vst.idx.msk $0xffff, v2;
	s16 =	sor.u32 $0x10, s15  }
0x5d: {  	s25 =	sor.u32 $0x30, s15;
	s26 =	sor.u32 $0x40, s15;
	v9 =	vld.idx.msk [tilespmem:v1+s24+$0x0 ss:$0x1], $0xffff;
	[tilespmem:v0+s17+$0x0 ss:$0x1] =	vst.idx.msk $0xffff, v4;
	s17 =	sor.u32 $0x20, s15  }
0x5e: {  	s28 =	sor.u32 $0x50, s15;
	s29 =	sor.u32 $0x60, s15;
	v2 =	vld.idx.msk [tilespmem:v1+s16+$0x0 ss:$0x1], $0xffff;
	[tilespmem:v0+s18+$0x0 ss:$0x1] =	vst.idx.msk $0xffff, v3;
	s18 =	smov.u32 s25  }
.Ltmp6:
0x5f: {  	v4 =	vld.idx.msk [tilespmem:v1+s17+$0x0 ss:$0x1], $0xffff;
	[tilespmem:v0+s19+$0x0 ss:$0x1] =	vst.idx.msk $0xffff, v5;
	s19 =	smov.u32 s26;
	(pc) =	sbr.rel @p2 .LBB2_6-.Ltmp6, $4  }
0x60: {  	v3 =	vld.idx.msk [tilespmem:v1+s18+$0x0 ss:$0x1], $0xffff;
	[tilespmem:v0+s20+$0x0 ss:$0x1] =	vst.idx.msk $0xffff, v6;
	s20 =	smov.u32 s28  }
0x61: {  	v5 =	vld.idx.msk [tilespmem:v1+s19+$0x0 ss:$0x1], $0xffff;
	[tilespmem:v0+s21+$0x0 ss:$0x1] =	vst.idx.msk $0xffff, v7;
	s21 =	smov.u32 s29  }
0x62: {  	s22 =	sadd.s32 $0x80, s22;
	[tilespmem:v0+s15+$0x0 ss:$0x1] =	vst.idx.msk $0xffff, v8;
	v6 =	vld.idx.msk [tilespmem:v1+s20+$0x0 ss:$0x1], $0xffff  }
0x63: {  	s23 =	sadd.s32 $0xFFFFFFFF, s23;
	s15 =	sand.u32 $0x1F80, s22;
	v7 =	vld.idx.msk [tilespmem:v1+s21+$0x0 ss:$0x1], $0xffff;
	[tilespmem:v0+s24+$0x0 ss:$0x1] =	vst.idx.msk $0xffff, v9  }
.Ltmp7:
0x64: {  	_ = 	snop;
	(pc) =	sbr.rel .LBB2_7-.Ltmp7, $1  }
0x65: {  	_ =	sdelay $0x3  }
.LBB2_10:
0x66: {  	_ =	sfence.sel $0x180000  }
0x67: {  	s2 =	simm.s32 $0x1;
	[bflag:$0x0] =	sbarrier.arrive $0xFFFF  }
0x68: {  	s31 =	simm.s32 $0x2;
	[sflag:s2] =	ssyncpa.u1 $0x1  }
0x69: {  	[sflag:s31] =	ssyncpa.u1 $0x1  }
0x6a: {  	_ =	strace $0x90000059  }
0x6b: {  	s0 =	sadd.s32 @!p0 $0x100000, s0;
	[bflag:$0x2] =	sbarrier.arrive $0xFFFF  }
0x6c: {  	[sflag:s0] =	ssyncadd.tile.s32 @!p0 $0x1;
	s0 =	simm.s32 @!p0 $0x3F  }
0x6d: {  	_ =	swait.ge @!p0 [sflag:s0], s1  }
0x6e: {  	s1 =	ssub.s32 @!p0 $0x0, s1;
	[sflag:s0] =	ssyncset.done @!p0 $0x0  }
0x6f: {  	[sflag:s0] =	ssyncadd.s32 @!p0 s1  }
0x70: {  	[bflag:$0x3] =	sbarrier.arrive $0xFFFF  }
0x71: {  	_ =	shalt  }
.Lfunc_end2:
execute1_lowered:
.L_overlay_start_2:
0x72: {  	(tag) =	ssettag $0x2  }
0x73: {  	s15 =	rddreg [dreg:$0x0]  }
0x74: {  	s2 =	rddreg [dreg:$0x1];
	_ =	strace $0x8000005C;
	s0 =	simm.s32 $0x1  }
0x75: {  	v0 =	vimm.s32 $0x0;
	[sflag:s0] =	ssyncpa.u1 $0x0;
	s0 =	simm.s32 $0x108  }
0x76: {  	[tilespmem:s0+$0x70] =	vst v0  }
0x77: {  	[tilespmem:s0+$0x60] =	vst v0  }
0x78: {  	[tilespmem:s0+$0x50] =	vst v0  }
0x79: {  	[tilespmem:s0+$0x40] =	vst v0  }
0x7a: {  	s3 =	simm.s32 $0x40;
	[tilespmem:s0+$0x30] =	vst v0  }
0x7b: {  	s1 =	sadd.s32 $0x95A00, s15;
	s6 =	sadd.s32 $0x26200, s15;
	s2 =	sand.u32 $0x1, s2;
	[tilespmem:s0+$0x20] =	vst v0  }
0x7c: {  	s14 =	sadd.s32 $0x25E00, s15;
	[dreg:$0x4] =	wrdreg s2;
	s16 =	sshll.u32 s2, $0x9;
	[tilespmem:s0+$0x10] =	vst v0  }
.LBB3_1:
0x7d: {  	s3 =	sadd.s32 $0x40, s3;
	[tilespmem:s0+$0x0] =	vst v0;
	s0 =	sadd.s32 $0x80, s0  }
0x7e: {  	p0 =	slt.u32 s3, $0x3C40;
	[tilespmem:s0+$0x70] =	vst v0  }
0x7f: {  	[tilespmem:s0+$0x60] =	vst v0  }
.Ltmp8:
0x80: {  	[tilespmem:s0+$0x50] =	vst v0;
	(pc) =	sbr.rel @p0 .LBB3_1-.Ltmp8, $4  }
0x81: {  	[tilespmem:s0+$0x40] =	vst v0  }
0x82: {  	[tilespmem:s0+$0x30] =	vst v0  }
0x83: {  	[tilespmem:s0+$0x20] =	vst v0  }
0x84: {  	[tilespmem:s0+$0x10] =	vst v0  }
0x85: {  	s5 =	stileid.u32  }
0x86: {  	s2 =	smin.u32 s5, $0x2  }
0x87: {  	s2 =	sadd.s32 s5, s2  }
0x88: {  	p0 =	slt.u32 s5, $0x2;
	s7 =	smul.u32 $0xF0, s2;
	s2 =	simm.s32 $0x1E0  }
0x89: {  	s2 =	simm.s32 @!p0 $0xF0  }
0x8a: {  	s2 =	sadd.s32 s2, s7  }
0x8b: {  	s8 =	smin.u32 s2, $0x1000  }
0x8c: {  	s2 =	ssub.s32 s8, s7  }
0x8d: {  	p0 =	sgt.s32 s2, $0x0  }
0x8e: {  	s2 =	simm.s32 @!p0 $0x0  }
0x8f: {  	s30 =	simm.s32 $0x2;
	s10 =	simm.s32 $0x9;
	s3 =	smul.u32 $0x8889, s2  }
0x90: {  	s4 =	simm.s32 $0xA;
	s11 =	simm.s32 $0xB;
	s12 =	simm.s32 $0x1  }
0x91: {  	s14 =	sadd.s32 s16, s14;
	s15 =	sadd.s32 s16, s15;
	s31 =	sshrl.u32 s3, $0x17  }
0x92: {  	s22 =	simm.s32 $0x0;
	s18 =	simm.s32 $0xC;
	s3 =	smul.u32 $0xF0, s31  }
.Ltmp9:
0x93: {  	[tilespmem:s0+$0x0] =	vst v0;
	v0 =	vimm.s32 $0xFFFFFFFF;
	s20 =	simm.s32 $0x0;
	[sflag:s30] =	ssyncpa.u1 $0x0;
	(pc) =	sbr.rel .LBB3_3-.Ltmp9, $4  }
0x94: {  	[tilespmem:$0xF208] =	vst v0;
	[sflag:s10] =	ssyncpa.u1 $0x0;
	p0 =	sne.s32 s2, s3;
	s2 =	simm.s32 $0x1  }
0x95: {  	s21 =	simm.s32 $0x0;
	[sflag:s4] =	ssyncpa.u1 $0x0;
	s2 =	simm.s32 @!p0 $0x0  }
0x96: {  	s16 =	sshll.u32 s5, $0x8;
	[sflag:s11] =	ssyncpa.u1 $0x0;
	s13 =	sadd.s32 s31, s2  }
0x97: {  	v0 =	vlaneseq.u32;
	s19 =	smov.u32 s7;
	p0 =	por $0x0, $0x0;
	s17 =	sadd.s32 $0x1, s13  }
.LBB3_18:
0x98: {  	s0 =	sshrl.u32 s31, $0x2  }
.LBB3_20:
0x99: {  	_ =	swait.ge [sflag:s18], s0  }
0x9a: {  	s31 =	ssub.s32 $0x0, s0;
	v1 =	vmov s25;
	vm0 =	veq.s32 v0, $0x0;
	[sflag:s18] =	ssyncset.done $0x0  }
0x9b: {  	vm15 =	veq.s32 v0, $0x2;
	v1 =	vsel vm0, s30, v1;
	[sflag:s18] =	ssyncadd.s32 s31  }
0x9c: {  	v1 =	vsel vm15, s22, v1;
	[sflag:s18] =	ssyncpa.u1 $0x1  }
0x9d: {  	[tilespmem:$0xF208] =	vst v1  }
.LBB3_21:
0x9e: {  	s0 =	sadd.s32 $0xF0, s19  }
0x9f: {  	s2 =	smov.u32 s7;
	p1 =	slt.s32 s0, s8  }
0xa0: {  	s2 =	smov.u32 @p1 s0;
	p1 =	sne.s32 s21, s17  }
.Ltmp10:
0xa1: {  	_ = 	snop;
	(pc) =	sbr.rel @!p1 .LBB3_22-.Ltmp10, $3  }
0xa2: {  	_ =	sdelay $0x1  }
0xa3: {  	s22 =	smov.u32 s20;
	s31 =	sadd.s32 $0x1, s21;
	s20 =	smov.u32 s19  }
0xa4: {  	p0 =	por !p0, !p0;
	s21 =	smov.u32 s31;
	s19 =	smov.u32 s2  }
.LBB3_3:
0xa5: {  	p1 =	sge.u32 s21, s13  }
0xa6: {  	s0 =	smulhi.u32 @!p1 $0xAAAAAAAB, s21  }
0xa7: {  	s2 =	smov.u32 s19;
	p2 =	sgt.s32 @!p1 s19, $0xF10  }
0xa8: {  	s3 =	sshra.s32 @!p1 s19, $0x1F;
	p2 =	por !p2, p1;
	s0 =	sshrl.u32 @!p1 s0, $0x1  }
0xa9: {  	s3 =	sand.u32 @!p1 s3, s19;
	s2 =	simm.s32 @p2 $0xF10;
	s0 =	smul.u32 @!p1 $0x3, s0  }
0xaa: {  	s2 =	ssub.s32 @!p1 s2, s3  }
0xab: {  	s2 =	sadd.s32 @!p1 $0xFFFFF0F0, s2;
	s0 =	ssub.s32 @!p1 s21, s0  }
0xac: {  	s3 =	sshll.u32 @!p1 s2, $0x2;
	p2 =	sgt.s32 @!p1 s2, $0xEF;
	s0 =	smul.u32 @!p1 $0x3C0, s0  }
0xad: {  	s4 =	sand.u32 @!p1 $0x7, s19;
	s2 =	ssub.s32 @!p1 $0x3C0, s3;
	p2 =	por !p2, p1  }
0xae: {  	s3 =	sshrl.u32 @!p1 s19, $0x3;
	s2 =	sshrl.u32 @!p1 s2, $0x2;
	s0 =	sshrl.u32 @!p1 s0, $0x2  }
0xaf: {  	s3 =	sadd.s32 @!p1 s3, s14;
	s2 =	simm.s32 @!p2 $0x0;
	s0 =	sadd.s32 @!p1 $0x10248, s0  }
0xb0: {  	[tilespmem:s0], [sflag:$0xA] =	stream.linear.gather @!p1 [hbm4b:s3+s4], s2, $0x38;
	[tilespmem:$0x1F6F8] =	vst v63  }
0xb1: {  	s0 =	sadd.s32 $0xFFFFFFFF, s21  }
0xb2: {  	p1 =	sge.u32 s0, s13  }
0xb3: {  	p2 =	sgt.s32 @!p1 s20, $0xF10  }
0xb4: {  	s2 =	smov.u32 s20;
	s3 =	sshra.s32 @!p1 s20, $0x1F;
	p2 =	por !p2, p1  }
0xb5: {  	s3 =	sand.u32 @!p1 s3, s20;
	s2 =	simm.s32 @p2 $0xF10  }
0xb6: {  	s2 =	ssub.s32 @!p1 s2, s3  }
0xb7: {  	s2 =	sadd.s32 @!p1 $0xFFFFF0F0, s2  }
0xb8: {  	s4 =	sand.u32 @!p1 $0x1, s0;
	s3 =	sshll.u32 @!p1 s2, $0x2  }
0xb9: {  	p2 =	sgt.s32 @!p1 s2, $0xEF;
	s2 =	ssub.s32 @!p1 $0x3C0, s3;
	s3 =	smulhi.u32 @!p1 $0xAAAAAAAB, s0  }
0xba: {  	s23 =	smul.u32 @!p1 $0x3C0, s4;
	p2 =	por !p2, p1;
	s2 =	sshrl.u32 @!p1 s2, $0x2  }
0xbb: {  	s5 =	simm.s32 @!p1 $0xA;
	s2 =	simm.s32 @!p2 $0x0;
	s3 =	sshrl.u32 @!p1 s3, $0x1  }
0xbc: {  	s23 =	sshrl.u32 @!p1 s23, $0x2;
	_ =	swait.ge @!p1 [sflag:s5], s2;
	s3 =	smul.u32 @!p1 $0x3, s3  }
0xbd: {  	s23 =	sadd.s32 @!p1 $0x10518, s23;
	s24 =	ssub.s32 @!p1 $0x0, s2;
	[sflag:s5] =	ssyncset.done @!p1 $0x0  }
0xbe: {  	[sflag:s5] =	ssyncadd.s32 @!p1 s24;
	s5 =	sshrl.u32 @!p1 s20, $0x3;
	s0 =	ssub.s32 @!p1 s0, s3  }
0xbf: {  	s24 =	sand.u32 @!p1 $0x7, s20;
	s5 =	sadd.s32 @!p1 s5, s15;
	s0 =	smul.u32 @!p1 $0x3C0, s0  }
0xc0: {  	[tilespmem:s23], [sflag:$0xB] =	stream.linear.gather @!p1 [hbm4b:s5+s24], s2, $0x38;
	[tilespmem:$0x1F6F8] =	vst v63  }
0xc1: {  	s3 =	ssub.s32 @!p1 $0x1000, s20;
	s2 =	smul.u32 @!p1 $0x1E000, s4  }
0xc2: {  	p2 =	slt.s32 @!p1 s3, $0xF0  }
0xc3: {  	p2 =	por !p2, p1;
	s0 =	sshrl.u32 @!p1 s0, $0x2;
	s2 =	sshrl.u32 @!p1 s2, $0x2  }
0xc4: {  	s3 =	simm.s32 @p2 $0xF0;
	s0 =	sadd.s32 @!p1 $0x10248, s0;
	s2 =	sor.u32 @!p1 $0x106F8, s2  }
0xc5: {  	[tilespmem:s2], [sflag:$0x9] =	stream.indirect.gather @!p1 [hbm4b:s6+s3], $0x80, s0, s3, $0xb8;
	[tilespmem:$0x1F6F8] =	vst v63  }
0xc6: {  	p1 =	slt.u32 s21, $0x2  }
.Ltmp11:
0xc7: {  	_ = 	snop;
	(pc) =	sbr.rel @p1 .LBB3_21-.Ltmp11, $1  }
0xc8: {  	_ =	sdelay $0x3  }
0xc9: {  	p1 =	sgt.s32 s22, $0xF10  }
0xca: {  	s0 =	smov.u32 s22;
	s2 =	sshra.s32 s22, $0x1F;
	s3 =	ssub.s32 $0x1000, s22  }
0xcb: {  	s0 =	simm.s32 @!p1 $0xF10;
	s2 =	sand.u32 s2, s22;
	p1 =	slt.s32 s3, $0xF0  }
0xcc: {  	s0 =	ssub.s32 s0, s2;
	s3 =	simm.s32 @!p1 $0xF0  }
0xcd: {  	s0 =	sadd.s32 $0xFFFFF0F0, s0;
	s25 =	sshll.u32 s3, $0x7  }
0xce: {  	s26 =	sshll.u32 s0, $0x2;
	s2 =	sand.u32 $0x3FFFFF80, s25  }
0xcf: {  	p1 =	sgt.s32 s0, $0xEF;
	s29 =	ssub.s32 $0x3C0, s26;
	_ =	swait.ge [sflag:s10], s2  }
0xd0: {  	s2 =	ssub.s32 $0x0, s2;
	[sflag:s10] =	ssyncset.done $0x0;
	s0 =	sshrl.u32 s29, $0x2  }
0xd1: {  	[sflag:s10] =	ssyncadd.s32 s2;
	s0 =	simm.s32 @p1 $0x0  }
0xd2: {  	_ =	swait.ge [sflag:s11], s0  }
0xd3: {  	s0 =	ssub.s32 $0x0, s0;
	[sflag:s11] =	ssyncset.done $0x0  }
0xd4: {  	[sflag:s11] =	ssyncadd.s32 s0  }
0xd5: {  	v1 =	vld [tilespmem:$0xF208];
	_ =	sdelay $0x4  }
0xd6: {  	(v2sf) =	vpush v1, $0x0  }
0xd7: {  	(v2sf) =	vpush v1, $0x1  }
0xd8: {  	(v2sf) =	vpush v1, $0x2;
	_ =	sdelay $0x3  }
0xd9: {  	s0 =	sadd.s32 $0xF0, s22  }
0xda: {  	s2 =	ssub.s32 $0x2000, s22;
	p1 =	slt.s32 s8, s0  }
0xdb: {  	s0 =	smov.u32 @p1 s8;
	p1 =	sgt.s32 s2, $0x0  }
0xdc: {  	s23 =	ssub.s32 s0, s22;
	s2 =	simm.s32 @!p1 $0x0  }
0xdd: {  	p1 =	slt.s32 s2, s23  }
0xde: {  	s23 =	smov.u32 @p1 s2  }
0xdf: {  	s26 =	simm.s32 $0x1;
	p1 =	slt.s32 s23, $0x1  }
.Ltmp12:
0xe0: {  	s26 =	simm.s32 @!p0 $0x0;
	(pc) =	sbr.rel @p1 .LBB3_8-.Ltmp12, $4  }
0xe1: {  	s31 =	smul.u32 $0x3C0, s26  }
0xe2: {  	s28 =	spop (v2sf)  }
0xe3: {  	s0 =	sshrl.u32 s31, $0x2;
	s30 =	spop (v2sf)  }
0xe4: {  	s24 =	sadd.s32 $0x10518, s0;
	s22 =	spop (v2sf)  }
0xe5: {  	s0 =	smin.u32 s23, $0x10  }
0xe6: {  	v1 =	vmov s0  }
0xe7: {  	p2 =	sgt.s32 s23, $0x10;
	vm1 =	vgt.u32 v1, v0  }
.Ltmp13:
0xe8: {  	_ = 	snop;
	(pc) =	sbr.rel @!p2 .LBB3_7-.Ltmp13, $2  }
0xe9: {  	_ =	sdelay $0x2  }
0xea: {  	s4 =	simm.s32 $0x10;
	s25 =	sadd.s32 $0xFFFFFFF0, s23;
	s0 =	smov.u32 s24;
	vm0 =	vmmov vm1  }
.LBB3_6:
0xeb: {  	s2 =	smin.u32 s25, $0x10;
	s4 =	sadd.s32 $0x10, s4;
	v1 =	vld.msk [tilespmem:s0+$0x0 ss:$0x1], vm1  }
0xec: {  	v2 =	vmov s2;
	p2 =	slt.s32 s4, s23  }
0xed: {  	vm1 =	vgt.u32 v2, v0  }
.Ltmp14:
0xee: {  	(pc) =	sbr.rel @p2 .LBB3_6-.Ltmp14, $3  }
0xef: {  	_ =	sdelay $0x1  }
0xf0: {  	v1 =	vshll.u32 v1, $0x4  }
0xf1: {  	s25 =	sadd.s32 $0xFFFFFFF0, s25;
	[tilespmem:s0+$0x0] =	vst.msk vm0, v1;
	s0 =	sadd.s32 $0x10, s0;
	vm0 =	vmmov vm1  }
.LBB3_7:
0xf2: {  	_ =	sdelay $0x4  }
0xf3: {  	v1 =	vld.msk [tilespmem:s0+$0x0 ss:$0x1], vm1;
	_ =	sdelay $0x4  }
0xf4: {  	v1 =	vshll.u32 v1, $0x4  }
0xf5: {  	[tilespmem:s0+$0x0] =	vst.msk vm0, v1  }
.LBB3_8:
0xf6: {  	s0 =	sand.u32 $0x1, s21  }
0xf7: {  	s0 =	smul.u32 $0xF0, s0  }
0xf8: {  	p2 =	sne.s32 s30, $0xFFFFFFFF  }
0xf9: {  	v1 =	vld.msk @!p2 [tilespmem:s0+$0x10518], $0x1;
	_ =	sdelay $0x4  }
0xfa: {  	(v2sf) =	vpush @!p2 v1, $0x0;
	_ =	sdelay $0xc  }
.Ltmp15:
0xfb: {  	_ = 	snop;
	(pc) =	sbr.rel @p1 .LBB3_19-.Ltmp15, $4  }
0xfc: {  	_ = 	snop  }
0xfd: {  	s29 =	spop @!p2 (v2sf)  }
0xfe: {  	s22 =	simm.s32 @!p2 $0x0;
	s25 =	smov.u32 s29  }
0xff: {  	[sflag:s18] =	ssyncpa.u1 $0x0;
	s29 =	smov.u32 @p2 s28;
	s25 =	smov.u32 @p2 s30  }
0x100: {  	v1 =	vld.msk [tilespmem:s24+$0x0], $0x1;
	_ =	sdelay $0x4  }
0x101: {  	(v2sf) =	vpush v1, $0x0;
	_ =	sdelay $0xe  }
0x102: {  	s2 =	smul.u32 $0x1E000, s26;
	s0 =	spop (v2sf)  }
0x103: {  	p1 =	seq.s32 s29, s0  }
0x104: {  	s30 =	sadd.s32 $0xFFFFFFFF, s23;
	s2 =	sshrl.u32 s2, $0x2;
	p2 =	sgt.s32 @!p1 s29, $0x0  }
0x105: {  	s26 =	sor.u32 $0x10738, s2;
	s2 =	smov.u32 s29;
	p2 =	por !p2, p1  }
0x106: {  	s2 =	simm.s32 @p2 $0x0;
	p2 =	sne.s32 s30, $0x0  }
.Ltmp16:
0x107: {  	_ = 	snop;
	(pc) =	sbr.rel @!p2 .LBB3_11-.Ltmp16, $4  }
0x108: {  	_ = 	snop  }
0x109: {  	s28 =	simm.s32 $0x0;
	s31 =	sadd.s32 $0x1, s24;
	s2 =	smin.u32 @!p1 s2, $0x7AF0  }
0x10a: {  	s4 =	simm.s32 @!p1 $0x1;
	s5 =	simm.s32 @!p1 $0x7988;
	s3 =	sand.u32 @!p1 $0x7FF8, s2  }
0x10b: {  	s4 =	smov.u32 @p1 s28;
	s2 =	sand.u32 @!p1 $0x7, s2;
	s3 =	sadd.s32 @!p1 s1, s3  }
.LBB3_10:
0x10c: {  	s9 =	smov.u32 s4  }
0x10d: {  	[tilespmem:s5], [sflag:$0x2] =	stream.linear.gather @!p1 [hbm4b:s3+s2], $0x80, $0x38;
	[tilespmem:$0x1F6F8] =	vst v63  }
0x10e: {  	s30 =	sadd.s32 $0xFFFFFFFF, s30;
	s2 =	smov.u32 s0;
	v1 =	vld.msk [tilespmem:s31+$0x0], $0x1  }
0x10f: {  	p2 =	sne.s32 s30, $0x0;
	_ =	sdelay $0x3  }
0x110: {  	(v2sf) =	vpush v1, $0x0;
	_ =	sdelay $0xe  }
0x111: {  	s0 =	spop (v2sf)  }
0x112: {  	p1 =	seq.s32 s2, s0  }
0x113: {  	p3 =	sgt.s32 @!p1 s2, $0x0;
	s3 =	sshll.u32 @!p1 s4, $0x9;
	s4 =	sadd.s32 @!p1 $0x1, s4  }
.Ltmp17:
0x114: {  	p3 =	por !p3, p1;
	s3 =	sshra.s32 @!p1 s3, $0x2;
	(pc) =	sbr.rel @p2 .LBB3_10-.Ltmp17, $4  }
0x115: {  	s4 =	smov.u32 @p1 s9;
	s2 =	simm.s32 @p3 $0x0;
	s5 =	sadd.s32 @!p1 $0x7988, s3  }
0x116: {  	s2 =	smin.u32 @!p1 s2, $0x7AF0  }
0x117: {  	s3 =	sand.u32 @!p1 $0x7FF8, s2;
	s2 =	sand.u32 @!p1 $0x7, s2  }
0x118: {  	s31 =	sadd.s32 $0x1, s31;
	s3 =	sadd.s32 @!p1 s1, s3  }
.LBB3_11:
0x119: {  	[tilespmem:s5], [sflag:$0x2] =	stream.linear.gather @!p1 [hbm4b:s3+s2], $0x80, $0x38;
	[tilespmem:$0x1F6F8] =	vst v63  }
.Ltmp18:
0x11a: {  	s0 =	sshll.u32 s4, $0x7;
	(pc) =	sbr.rel .LBB3_12-.Ltmp18, $4  }
0x11b: {  	s30 =	simm.s32 $0x2;
	s0 =	sand.u32 $0x3FFFFF80, s0  }
0x11c: {  	_ =	swait.ge [sflag:s30], s0  }
0x11d: {  	s0 =	ssub.s32 $0x0, s0;
	[sflag:s30] =	ssyncset.done $0x0  }
0x11e: {  	s31 =	simm.s32 $0x0;
	[sflag:s30] =	ssyncadd.s32 s0  }
.LBB3_13:
0x11f: {  	v1 =	vld [tilespmem:s26+$0xFFFFFFC0];
	_ =	sdelay $0x3  }
0x120: {  	s0 =	sshra.s32 s0, $0x2  }
0x121: {  	[tilespmem:s0+$0x108] =	vst.add.f32.msk $0xffff, v1  }
0x122: {  	v1 =	vld [tilespmem:s26+$0xFFFFFFD0];
	_ =	sdelay $0x4  }
0x123: {  	[tilespmem:s0+$0x118] =	vst.add.f32.msk $0xffff, v1  }
0x124: {  	v1 =	vld [tilespmem:s26+$0xFFFFFFE0];
	_ =	sdelay $0x4  }
0x125: {  	[tilespmem:s0+$0x128] =	vst.add.f32.msk $0xffff, v1  }
0x126: {  	v1 =	vld [tilespmem:s26+$0xFFFFFFF0];
	_ =	sdelay $0x4  }
0x127: {  	[tilespmem:s0+$0x138] =	vst.add.f32.msk $0xffff, v1  }
0x128: {  	v1 =	vld [tilespmem:s26+$0x0];
	_ =	sdelay $0x4  }
0x129: {  	[tilespmem:s0+$0x148] =	vst.add.f32.msk $0xffff, v1  }
0x12a: {  	v1 =	vld [tilespmem:s26+$0x10];
	_ =	sdelay $0x4  }
0x12b: {  	[tilespmem:s0+$0x158] =	vst.add.f32.msk $0xffff, v1  }
0x12c: {  	v1 =	vld [tilespmem:s26+$0x20];
	_ =	sdelay $0x4  }
0x12d: {  	[tilespmem:s0+$0x168] =	vst.add.f32.msk $0xffff, v1  }
0x12e: {  	v1 =	vld [tilespmem:s26+$0x30];
	_ =	sdelay $0x4  }
0x12f: {  	[tilespmem:s0+$0x178] =	vst.add.f32.msk $0xffff, v1  }
.LBB3_17:
0x130: {  	s23 =	sadd.s32 $0xFFFFFFFF, s23  }
0x131: {  	p1 =	sne.s32 s23, $0x0  }
.Ltmp19:
0x132: {  	_ = 	snop;
	(pc) =	sbr.rel @!p1 .LBB3_18-.Ltmp19, $2  }
0x133: {  	_ =	sdelay $0x2  }
0x134: {  	s24 =	sadd.s32 $0x1, s24;
	s26 =	sadd.s32 $0x80, s26;
	s29 =	smov.u32 s30  }
.LBB3_12:
0x135: {  	v1 =	vld.msk [tilespmem:s24+$0x0], $0x1;
	_ =	sdelay $0x4  }
0x136: {  	(v2sf) =	vpush v1, $0x0;
	_ =	sdelay $0xe  }
0x137: {  	s30 =	spop (v2sf)  }
0x138: {  	p1 =	sne.s32 s29, s30  }
.Ltmp20:
0x139: {  	_ = 	snop;
	(pc) =	sbr.rel @!p1 .LBB3_13-.Ltmp20, $2  }
0x13a: {  	_ =	sdelay $0x2  }
0x13b: {  	s0 =	sshll.u32 s22, $0x9  }
0x13c: {  	p1 =	seq.s32 s29, s25  }
.Ltmp21:
0x13d: {  	_ = 	snop;
	(pc) =	sbr.rel @!p1 .LBB3_15-.Ltmp21, $1  }
0x13e: {  	_ =	sdelay $0x3  }
0x13f: {  	s0 =	sshra.s32 s0, $0x2  }
.Ltmp22:
0x140: {  	s0 =	sadd.s32 $0x108, s0;
	(pc) =	sbr.rel .LBB3_16-.Ltmp22, $4  }
0x141: {  	[spmem:s16] =	stream.linear.scatter [tilespmem:s0], [sflag:$0x1], $0x80, $0x38;
	[tilespmem:$0x1F6F8] =	vst v63  }
0x142: {  	_ =	swait.ge [sflag:s12], $0x80  }
0x143: {  	[sflag:s12] =	ssyncset.done $0x0  }
0x144: {  	[sflag:s12] =	ssyncadd.s32 $0xFFFFFF80  }
.LBB3_15:
0x145: {  	s2 =	sshll.u32 s28, $0x9  }
0x146: {  	s2 =	sshra.s32 s2, $0x2  }
0x147: {  	v1 =	vld [tilespmem:s2+$0x7988];
	_ =	sdelay $0x3  }
0x148: {  	s0 =	sshra.s32 s0, $0x2  }
0x149: {  	[tilespmem:s0+$0x108] =	vst.add.f32.msk $0xffff, v1  }
0x14a: {  	v1 =	vld [tilespmem:s2+$0x7998];
	_ =	sdelay $0x4  }
0x14b: {  	[tilespmem:s0+$0x118] =	vst.add.f32.msk $0xffff, v1  }
0x14c: {  	v1 =	vld [tilespmem:s2+$0x79A8];
	_ =	sdelay $0x4  }
0x14d: {  	[tilespmem:s0+$0x128] =	vst.add.f32.msk $0xffff, v1  }
0x14e: {  	v1 =	vld [tilespmem:s2+$0x79B8];
	_ =	sdelay $0x4  }
0x14f: {  	[tilespmem:s0+$0x138] =	vst.add.f32.msk $0xffff, v1  }
0x150: {  	v1 =	vld [tilespmem:s2+$0x79C8];
	_ =	sdelay $0x4  }
0x151: {  	[tilespmem:s0+$0x148] =	vst.add.f32.msk $0xffff, v1  }
0x152: {  	v1 =	vld [tilespmem:s2+$0x79D8];
	_ =	sdelay $0x4  }
0x153: {  	[tilespmem:s0+$0x158] =	vst.add.f32.msk $0xffff, v1  }
0x154: {  	v1 =	vld [tilespmem:s2+$0x79E8];
	_ =	sdelay $0x4  }
0x155: {  	[tilespmem:s0+$0x168] =	vst.add.f32.msk $0xffff, v1  }
0x156: {  	v1 =	vld [tilespmem:s2+$0x79F8];
	_ =	sdelay $0x2  }
0x157: {  	p1 =	sgt.u32 s29, $0x7AF0  }
0x158: {  	s2 =	sand.u32 @!p1 $0x7FF8, s29  }
0x159: {  	s3 =	sadd.s32 $0x108, s0;
	[tilespmem:s0+$0x178] =	vst.add.f32.msk $0xffff, v1;
	s0 =	sadd.s32 @!p1 s1, s2;
	s2 =	sand.u32 @!p1 $0x7, s29  }
0x15a: {  	[hbm4b:s0+s2] =	stream.linear.scatter @!p1 [tilespmem:s3], [sflag:$0xC], $0x80, $0x38;
	[tilespmem:$0x1F6F8] =	vst v63  }
0x15b: {  	s0 =	simm.s32 $0x0  }
0x15c: {  	s0 =	simm.s32 @!p1 $0x200  }
0x15d: {  	s31 =	sadd.s32 s0, s31  }
.LBB3_16:
0x15e: {  	s0 =	sadd.s32 $0x1, s22  }
0x15f: {  	s2 =	smulhi.u32 $0x88888889, s0;
	_ =	sdelay $0x1  }
0x160: {  	v1 =	vld [tilespmem:s26+$0xFFFFFFC0];
	s2 =	sshrl.u32 s2, $0x7  }
0x161: {  	s2 =	smul.u32 $0xF0, s2;
	_ =	sdelay $0x1  }
0x162: {  	s22 =	ssub.s32 s0, s2  }
0x163: {  	s0 =	sshll.u32 s22, $0x7  }
0x164: {  	[tilespmem:s0+$0x108] =	vst v1  }
0x165: {  	v1 =	vld [tilespmem:s26+$0xFFFFFFD0];
	_ =	sdelay $0x4  }
0x166: {  	[tilespmem:s0+$0x118] =	vst v1  }
0x167: {  	v1 =	vld [tilespmem:s26+$0xFFFFFFE0];
	_ =	sdelay $0x4  }
0x168: {  	[tilespmem:s0+$0x128] =	vst v1  }
0x169: {  	v1 =	vld [tilespmem:s26+$0xFFFFFFF0];
	_ =	sdelay $0x4  }
0x16a: {  	[tilespmem:s0+$0x138] =	vst v1  }
0x16b: {  	v1 =	vld [tilespmem:s26+$0x0];
	_ =	sdelay $0x4  }
0x16c: {  	[tilespmem:s0+$0x148] =	vst v1  }
0x16d: {  	v1 =	vld [tilespmem:s26+$0x10];
	_ =	sdelay $0x4  }
0x16e: {  	[tilespmem:s0+$0x158] =	vst v1  }
0x16f: {  	v1 =	vld [tilespmem:s26+$0x20];
	_ =	sdelay $0x4  }
0x170: {  	[tilespmem:s0+$0x168] =	vst v1  }
0x171: {  	v1 =	vld [tilespmem:s26+$0x30]  }
.Ltmp23:
0x172: {  	_ = 	snop;
	(pc) =	sbr.rel .LBB3_17-.Ltmp23, $2  }
0x173: {  	_ =	sdelay $0x2  }
0x174: {  	s28 =	sadd.s32 $0x1, s28;
	[tilespmem:s0+$0x178] =	vst v1  }
.LBB3_19:
.Ltmp24:
0x175: {  	(pc) =	sbr.rel .LBB3_20-.Ltmp24, $4  }
0x176: {  	_ = 	snop  }
0x177: {  	s0 =	simm.s32 $0x2  }
0x178: {  	_ =	swait.ge [sflag:s0], $0x0  }
0x179: {  	s30 =	smov.u32 s29;
	[sflag:s0] =	ssyncset.done $0x0;
	s0 =	simm.s32 $0x0  }
.LBB3_22:
0x17a: {  	_ =	sfence.sel $0x180000  }
0x17b: {  	s0 =	simm.s32 $0x9;
	[bflag:$0x0] =	sbarrier.arrive $0xFFFF  }
0x17c: {  	s24 =	simm.s32 $0xA;
	[sflag:s0] =	ssyncpa.u1 $0x1  }
0x17d: {  	s25 =	simm.s32 $0xB;
	[sflag:s24] =	ssyncpa.u1 $0x1  }
0x17e: {  	s26 =	simm.s32 $0x2;
	[sflag:s25] =	ssyncpa.u1 $0x1  }
0x17f: {  	[sflag:s26] =	ssyncpa.u1 $0x1  }
0x180: {  	v0 =	vld [tilespmem:$0xF208];
	_ =	sdelay $0x4  }
0x181: {  	(v2sf) =	vpush v0, $0x0  }
0x182: {  	(v2sf) =	vpush v0, $0x1;
	_ =	sdelay $0x1  }
0x183: {  	(v2sf) =	vpush v0, $0x2;
	_ =	sdelay $0xb  }
0x184: {  	s0 =	spop (v2sf)  }
0x185: {  	s2 =	spop (v2sf)  }
0x186: {  	s3 =	smov.u32 s0;
	p0 =	sne.s32 s0, s2  }
0x187: {  	s4 =	spop (v2sf);
	s3 =	simm.s32 @!p0 $0xFFFFFFFF  }
0x188: {  	v2 =	vimm.s32 $0x1;
	v3 =	vlaneseq.u32;
	p0 =	seq.s32 s4, $0xFFFFFFFF;
	v1 =	vmov s3  }
0x189: {  	s16 =	stileid.u32;
	v0 =	vperm.xlane v0, v2;
	p1 =	sne.s32 @!p0 s0, s2;
	v1 =	vperm.xlane v1, v3  }
0x18a: {  	vm0 =	vcmask $0x3F04;
	s6 =	simm.s32 $0xF208;
	s0 =	simm.s32 @!p0 $0x1;
	p1 =	por !p1, p0  }
0x18b: {  	s3 =	sshll.u32 s16, $0x1;
	s2 =	sshll.u32 @!p0 s4, $0x9;
	s0 =	simm.s32 @p1 $0x0;
	v0 =	vsel vm0, v1, v0  }
0x18c: {  	s5 =	sor.u32 $0x1000, s3;
	s2 =	sshra.s32 @!p0 s2, $0x2;
	s0 =	sor.u32 @!p0 s0, s3;
	[tilespmem:$0xF208] =	vst v0  }
0x18d: {  	[spmem:s5] =	stream.linear.scatter [tilespmem:s6], [sflag:$0x1], $0x2, $0x38;
	[tilespmem:$0x1F6F8] =	vst v63  }
0x18e: {  	s2 =	sadd.s32 @!p0 $0x108, s2;
	s0 =	sshll.u32 @!p0 s0, $0x7  }
0x18f: {  	[spmem:s0] =	stream.linear.scatter @!p0 [tilespmem:s2], [sflag:$0x1], $0x80, $0x38;
	[tilespmem:$0x1F6F8] =	vst v63  }
0x190: {  	s0 =	simm.s32 @!p0 $0x82  }
0x191: {  	s28 =	simm.s32 $0x1;
	s0 =	simm.s32 @p0 $0x2  }
0x192: {  	_ =	swait.ge [sflag:s28], s0  }
0x193: {  	s0 =	ssub.s32 $0x0, s0;
	[sflag:s28] =	ssyncset.done $0x0  }
0x194: {  	p0 =	sne.s32 s16, $0x0;
	[sflag:s28] =	ssyncadd.s32 s0  }
.Ltmp25:
0x195: {  	_ =	sfence.stream.spmem;
	(pc) =	sbr.rel @p0 .LBB3_39-.Ltmp25, $4  }
0x196: {  	s29 =	simm.s32 $0x3;
	[bflag:$0x0] =	sbarrier.arrive $0xFFFF  }
0x197: {  	s30 =	simm.s32 $0x4;
	[sflag:s29] =	ssyncpa.u1 $0x1  }
0x198: {  	s31 =	simm.s32 $0x3C;
	[sflag:s30] =	ssyncpa.u1 $0x1  }
0x199: {  	s15 =	rddreg [dreg:$0x4];
	[sflag:s31] =	ssyncpa.u1 $0x1  }
0x19a: {  	_ =	sfence.stream.spmem;
	s0 =	simm.s32 $0x5  }
0x19b: {  	s2 =	simm.s32 $0x1000;
	s3 =	simm.s32 $0xF218;
	[sflag:s0] =	ssyncpa.u1 $0x0  }
0x19c: {  	[tilespmem:s3], [sflag:$0x5] =	stream.linear.gather [spmem:s2], $0x20, $0x38;
	[tilespmem:$0x1F6F8] =	vst v63  }
0x19d: {  	s26 =	simm.s32 $0x0;
	s28 =	simm.s32 $0xF238  }
0x19e: {  	[tilespmem:s28], [sflag:$0x5] =	stream.linear.gather [spmem:s26], $0x1000, $0x38;
	[tilespmem:$0x1F6F8] =	vst v63  }
0x19f: {  	_ =	swait.ge [sflag:s0], $0x1020  }
0x1a0: {  	[sflag:s0] =	ssyncset.done $0x0  }
0x1a1: {  	s29 =	simm.s32 $0x0;
	[sflag:s0] =	ssyncadd.s32 $0xFFFFEFE0  }
0x1a2: {  	v0 =	vld.msk [tilespmem:s29+$0xF218], $0x1;
	_ =	sdelay $0x1  }
0x1a3: {  	s30 =	simm.s32 $0x1  }
0x1a4: {  	v1 =	vld.msk [tilespmem:s30+$0xF218], $0x1;
	_ =	sdelay $0x1  }
0x1a5: {  	(v2sf) =	vpush v0, $0x0;
	_ =	sdelay $0x2  }
0x1a6: {  	(v2sf) =	vpush v1, $0x0;
	_ =	sdelay $0x2  }
0x1a7: {  	s31 =	simm.s32 $0x2  }
0x1a8: {  	v0 =	vld.msk [tilespmem:s31+$0xF218], $0x1;
	_ =	sdelay $0x2  }
0x1a9: {  	s4 =	simm.s32 $0xFFFFFFFF;
	s5 =	simm.s32 $0xFFFFFFFF;
	s0 =	simm.s32 $0xC  }
.LBB3_24:
0x1aa: {  	s2 =	smov.u32 s5;
	s3 =	smov.u32 s4  }
0x1ab: {  	s4 =	sshra.s32 s0, $0x2;
	p1 =	sne.s32 s0, $0x7C;
	s0 =	sadd.s32 $0x4, s0;
	(v2sf) =	vpush v0, $0x0  }
0x1ac: {  	v0 =	vld.msk [tilespmem:s4+$0xF218], $0x1  }
.Ltmp26:
0x1ad: {  	(pc) =	sbr.rel @p1 .LBB3_24-.Ltmp26, $4  }
0x1ae: {  	s5 =	spop (v2sf)  }
0x1af: {  	p2 =	sne.s32 s3, $0xFFFFFFFF;
	s4 =	smov.u32 s5  }
0x1b0: {  	p3 =	seq.s32 s5, $0xFFFFFFFF;
	s4 =	smov.u32 @p2 s3  }
0x1b1: {  	s5 =	smov.u32 @p3 s2;
	s4 =	smov.u32 @p3 s3  }
0x1b2: {  	(v2sf) =	vpush v0, $0x0;
	_ =	sdelay $0x8  }
0x1b3: {  	s0 =	spop (v2sf)  }
0x1b4: {  	p1 =	sne.s32 s4, $0xFFFFFFFF;
	s2 =	smov.u32 s0  }
0x1b5: {  	s9 =	simm.s32 $0x6;
	p2 =	seq.s32 s0, $0xFFFFFFFF;
	s2 =	smov.u32 @p1 s4  }
0x1b6: {  	s6 =	simm.s32 $0x0;
	s2 =	smov.u32 @p2 s4;
	s3 =	spop (v2sf)  }
0x1b7: {  	s0 =	smov.u32 @p2 s5;
	p1 =	sne.s32 s2, $0xFFFFFFFF;
	s4 =	smov.u32 s3  }
.Ltmp27:
0x1b8: {  	p2 =	seq.s32 s3, $0xFFFFFFFF;
	s4 =	smov.u32 @p1 s2;
	(pc) =	sbr.rel .LBB3_26-.Ltmp27, $4  }
0x1b9: {  	s10 =	simm.s32 $0xF188;
	s4 =	smov.u32 @p2 s2;
	s7 =	spop (v2sf)  }
0x1ba: {  	s11 =	simm.s32 $0x0;
	p1 =	sne.s32 s4, $0xFFFFFFFF;
	s8 =	smov.u32 s7  }
0x1bb: {  	s3 =	smov.u32 @p2 s0;
	p2 =	seq.s32 s7, $0xFFFFFFFF;
	s8 =	smov.u32 @p1 s4  }
0x1bc: {  	[sflag:s9] =	ssyncpa.u1 $0x0;
	s7 =	smov.u32 @p2 s3;
	s8 =	smov.u32 @p2 s4  }
.LBB3_32:
0x1bd: {  	p1 =	sgt.u32 s12, $0x7AF0  }
0x1be: {  	p2 =	seq.s32 @!p1 s12, s8  }
0x1bf: {  	p1 =	por p1, p2  }
0x1c0: {  	p2 =	sne.s32 @!p1 s12, s7  }
0x1c1: {  	p1 =	por p1, !p2  }
0x1c2: {  	s0 =	sshll.u32 @p1 s11, $0x9  }
0x1c3: {  	s0 =	sand.u32 @!p1 $0x7FF8, s12  }
0x1c4: {  	s2 =	sand.u32 @!p1 $0x7, s12;
	s0 =	sadd.s32 @!p1 s1, s0  }
0x1c5: {  	[tilespmem:s10], [sflag:$0x6] =	stream.linear.gather @!p1 [hbm4b:s0+s2], $0x80, $0x38;
	[tilespmem:$0x1F6F8] =	vst v63  }
0x1c6: {  	_ =	swait.ge @!p1 [sflag:s9], $0x80  }
0x1c7: {  	[sflag:s9] =	ssyncset.done @!p1 $0x0  }
0x1c8: {  	[sflag:s9] =	ssyncadd.s32 @!p1 $0xFFFFFF80  }
0x1c9: {  	v1 =	vld @!p1 [tilespmem:$0xF188];
	_ =	sdelay $0x2  }
0x1ca: {  	s0 =	sshll.u32 @!p1 s11, $0x9  }
0x1cb: {  	s2 =	sshrl.u32 @!p1 s0, $0x2  }
0x1cc: {  	[tilespmem:s2+$0xF238] =	vst.add.f32.msk @!p1 $0xffff, v1  }
0x1cd: {  	v1 =	vld @!p1 [tilespmem:$0xF198];
	_ =	sdelay $0x4  }
0x1ce: {  	[tilespmem:s2+$0xF248] =	vst.add.f32.msk @!p1 $0xffff, v1  }
0x1cf: {  	v1 =	vld @!p1 [tilespmem:$0xF1A8];
	_ =	sdelay $0x4  }
0x1d0: {  	[tilespmem:s2+$0xF258] =	vst.add.f32.msk @!p1 $0xffff, v1  }
0x1d1: {  	v1 =	vld @!p1 [tilespmem:$0xF1B8];
	_ =	sdelay $0x4  }
0x1d2: {  	[tilespmem:s2+$0xF268] =	vst.add.f32.msk @!p1 $0xffff, v1  }
0x1d3: {  	v1 =	vld @!p1 [tilespmem:$0xF1C8];
	_ =	sdelay $0x4  }
0x1d4: {  	[tilespmem:s2+$0xF278] =	vst.add.f32.msk @!p1 $0xffff, v1  }
0x1d5: {  	v1 =	vld @!p1 [tilespmem:$0xF1D8];
	_ =	sdelay $0x4  }
0x1d6: {  	[tilespmem:s2+$0xF288] =	vst.add.f32.msk @!p1 $0xffff, v1  }
0x1d7: {  	v1 =	vld @!p1 [tilespmem:$0xF1E8];
	_ =	sdelay $0x4  }
0x1d8: {  	[tilespmem:s2+$0xF298] =	vst.add.f32.msk @!p1 $0xffff, v1  }
0x1d9: {  	v1 =	vld @!p1 [tilespmem:$0xF1F8];
	_ =	sdelay $0x4  }
0x1da: {  	[tilespmem:s2+$0xF2A8] =	vst.add.f32.msk @!p1 $0xffff, v1  }
0x1db: {  	s0 =	sshrl.u32 s0, $0x2;
	[tilespmem:s6+$0xF218] =	vst.msk $0x1, v0  }
0x1dc: {  	v0 =	vld [tilespmem:s0+$0xF238];
	_ =	sdelay $0x2  }
0x1dd: {  	s31 =	sshll.u32 s6, $0x9  }
0x1de: {  	s2 =	sshra.s32 s31, $0x2  }
0x1df: {  	[tilespmem:s2+$0xF238] =	vst v0  }
0x1e0: {  	v0 =	vld [tilespmem:s0+$0xF248];
	_ =	sdelay $0x4  }
0x1e1: {  	[tilespmem:s2+$0xF248] =	vst v0  }
0x1e2: {  	v0 =	vld [tilespmem:s0+$0xF258];
	_ =	sdelay $0x4  }
0x1e3: {  	[tilespmem:s2+$0xF258] =	vst v0  }
0x1e4: {  	v0 =	vld [tilespmem:s0+$0xF268];
	_ =	sdelay $0x4  }
0x1e5: {  	[tilespmem:s2+$0xF268] =	vst v0  }
0x1e6: {  	v0 =	vld [tilespmem:s0+$0xF278];
	_ =	sdelay $0x4  }
0x1e7: {  	[tilespmem:s2+$0xF278] =	vst v0  }
0x1e8: {  	v0 =	vld [tilespmem:s0+$0xF288];
	_ =	sdelay $0x4  }
0x1e9: {  	[tilespmem:s2+$0xF288] =	vst v0  }
0x1ea: {  	v0 =	vld [tilespmem:s0+$0xF298];
	_ =	sdelay $0x4  }
0x1eb: {  	[tilespmem:s2+$0xF298] =	vst v0  }
0x1ec: {  	v0 =	vld [tilespmem:s0+$0xF2A8];
	_ =	sdelay $0x4  }
0x1ed: {  	s6 =	sadd.s32 $0x1, s6;
	[tilespmem:s2+$0xF2A8] =	vst v0  }
.LBB3_33:
0x1ee: {  	s11 =	sadd.s32 $0x1, s11  }
0x1ef: {  	p1 =	sne.s32 s11, $0x20  }
.Ltmp28:
0x1f0: {  	_ = 	snop;
	(pc) =	sbr.rel @!p1 .LBB3_34-.Ltmp28, $1  }
0x1f1: {  	_ =	sdelay $0x3  }
.LBB3_26:
0x1f2: {  	v0 =	vld.msk [tilespmem:s11+$0xF218], $0x1;
	_ =	sdelay $0x4  }
0x1f3: {  	(v2sf) =	vpush v0, $0x0;
	_ =	sdelay $0xe  }
0x1f4: {  	s12 =	spop (v2sf)  }
0x1f5: {  	p1 =	seq.s32 s12, $0xFFFFFFFF  }
.Ltmp29:
0x1f6: {  	_ = 	snop;
	(pc) =	sbr.rel @p1 .LBB3_33-.Ltmp29, $1  }
0x1f7: {  	_ =	sdelay $0x3  }
0x1f8: {  	p1 =	slt.s32 s6, $0x1  }
.Ltmp30:
0x1f9: {  	_ = 	snop;
	(pc) =	sbr.rel @p1 .LBB3_32-.Ltmp30, $1  }
0x1fa: {  	_ =	sdelay $0x3  }
0x1fb: {  	s13 =	simm.s32 $0xF218;
	p1 =	por $0x0, $0x0  }
0x1fc: {  	v1 =	vld.msk @!p1 [tilespmem:s13+$0x0], $0x1;
	_ =	sdelay $0x4  }
0x1fd: {  	(v2sf) =	vpush @!p1 v1, $0x0;
	_ =	sdelay $0xd  }
0x1fe: {  	p3 =	sne.s32 s6, $0x1  }
.Ltmp31:
0x1ff: {  	s0 =	spop @!p1 (v2sf);
	(pc) =	sbr.rel @!p3 .LBB3_30-.Ltmp31, $4  }
0x200: {  	p2 =	seq.s32 @!p1 s12, s0  }
0x201: {  	s14 =	simm.s32 $0x0;
	p2 =	por !p2, p1  }
0x202: {  	s2 =	simm.s32 $0xFFFFFFFF;
	s14 =	simm.s32 @p2 $0xFFFFFFFF  }
0x203: {  	s0 =	simm.s32 $0x1;
	s14 =	smov.u32 @p1 s2  }
.LBB3_29:
0x204: {  	s2 =	smov.u32 s14;
	p1 =	sne.s32 s14, $0xFFFFFFFF  }
0x205: {  	s13 =	sadd.s32 $0x1, s13;
	s14 =	smov.u32 s0;
	s0 =	sadd.s32 $0x1, s0  }
0x206: {  	p2 =	sne.s32 s6, s0;
	v1 =	vld.msk @!p1 [tilespmem:s13+$0x0], $0x1;
	_ =	sdelay $0x4  }
0x207: {  	(v2sf) =	vpush @!p1 v1, $0x0;
	_ =	sdelay $0xe  }
.Ltmp32:
0x208: {  	s3 =	spop @!p1 (v2sf);
	(pc) =	sbr.rel @p2 .LBB3_29-.Ltmp32, $4  }
0x209: {  	p3 =	seq.s32 @!p1 s12, s3  }
0x20a: {  	p3 =	por !p3, p1  }
0x20b: {  	s14 =	simm.s32 @p3 $0xFFFFFFFF  }
0x20c: {  	s14 =	smov.u32 @p1 s2  }
.LBB3_30:
0x20d: {  	p1 =	seq.s32 s14, $0xFFFFFFFF  }
.Ltmp33:
0x20e: {  	_ = 	snop;
	(pc) =	sbr.rel @p1 .LBB3_32-.Ltmp33, $1  }
0x20f: {  	_ =	sdelay $0x3  }
0x210: {  	s0 =	sshll.u32 s11, $0x7  }
0x211: {  	s0 =	sand.u32 $0x3FFFFF80, s0  }
0x212: {  	v0 =	vld [tilespmem:s0+$0xF238];
	_ =	sdelay $0x2  }
0x213: {  	s2 =	sshll.u32 s14, $0x9  }
0x214: {  	s2 =	sshra.s32 s2, $0x2  }
0x215: {  	[tilespmem:s2+$0xF238] =	vst.add.f32.msk $0xffff, v0  }
0x216: {  	v0 =	vld [tilespmem:s0+$0xF248];
	_ =	sdelay $0x4  }
0x217: {  	[tilespmem:s2+$0xF248] =	vst.add.f32.msk $0xffff, v0  }
0x218: {  	v0 =	vld [tilespmem:s0+$0xF258];
	_ =	sdelay $0x4  }
0x219: {  	[tilespmem:s2+$0xF258] =	vst.add.f32.msk $0xffff, v0  }
0x21a: {  	v0 =	vld [tilespmem:s0+$0xF268];
	_ =	sdelay $0x4  }
0x21b: {  	[tilespmem:s2+$0xF268] =	vst.add.f32.msk $0xffff, v0  }
0x21c: {  	v0 =	vld [tilespmem:s0+$0xF278];
	_ =	sdelay $0x4  }
0x21d: {  	[tilespmem:s2+$0xF278] =	vst.add.f32.msk $0xffff, v0  }
0x21e: {  	v0 =	vld [tilespmem:s0+$0xF288];
	_ =	sdelay $0x4  }
0x21f: {  	[tilespmem:s2+$0xF288] =	vst.add.f32.msk $0xffff, v0  }
0x220: {  	v0 =	vld [tilespmem:s0+$0xF298];
	_ =	sdelay $0x4  }
0x221: {  	[tilespmem:s2+$0xF298] =	vst.add.f32.msk $0xffff, v0  }
0x222: {  	v0 =	vld [tilespmem:s0+$0xF2A8]  }
.Ltmp34:
0x223: {  	_ = 	snop;
	(pc) =	sbr.rel .LBB3_33-.Ltmp34, $2  }
0x224: {  	_ =	sdelay $0x2  }
0x225: {  	[tilespmem:s2+$0xF2A8] =	vst.add.f32.msk $0xffff, v0  }
.LBB3_34:
0x226: {  	s0 =	simm.s32 $0x6;
	p1 =	seq.s32 s6, $0x0  }
0x227: {  	[sflag:s0] =	ssyncpa.u1 $0x1;
	v0 =	vimm.s32 @p1 $0xFFFFFFFF  }
0x228: {  	s9 =	sadd.s32 $0xFFFFFFFF, s6;
	[tilespmem:$0x10238] =	vst @p1 v0  }
0x229: {  	v0 =	vld.msk @!p1 [tilespmem:s9+$0xF218], $0x1;
	_ =	sdelay $0x1  }
0x22a: {  	v1 =	vld.msk @!p1 [tilespmem:$0xF218], $0x1;
	_ =	sdelay $0x2  }
0x22b: {  	p2 =	seq.s32 @!p1 s9, $0x0;
	v0 =	vbroadcast @!p1 v0, $0x0  }
0x22c: {  	vm0 =	vmmov @!p1 $0x1;
	p2 =	por !p2, p1  }
0x22d: {  	v1 =	vnsel @!p1 vm0, $0xFFFFFFFF, v1;
	vm0 =	vcmask @!p1 $0x308;
	v0 =	vpsel !p2, $0xFFFFFFFF, v0  }
0x22e: {  	p2 =	sne.s32 @!p1 s8, s7;
	v0 =	vsel @!p1 vm0, v1, v0  }
0x22f: {  	s0 =	simm.s32 @!p1 $0xF238;
	s2 =	simm.s32 @!p1 $0x0;
	p3 =	por !p2, p1;
	[tilespmem:$0x10238] =	vst @!p1 v0  }
0x230: {  	[spmem:s2] =	stream.linear.scatter @!p1 [tilespmem:s0], [sflag:$0x1], $0x80, $0x38;
	[tilespmem:$0x1F6F8] =	vst v63  }
0x231: {  	s0 =	sshll.u32 @!p3 s9, $0x9  }
0x232: {  	s0 =	sshra.s32 @!p3 s0, $0x2  }
0x233: {  	s2 =	simm.s32 @!p3 $0x80;
	s0 =	sadd.s32 @!p3 $0xF238, s0  }
0x234: {  	[spmem:s2] =	stream.linear.scatter @!p3 [tilespmem:s0], [sflag:$0x1], $0x80, $0x38;
	[tilespmem:$0x1F6F8] =	vst v63  }
0x235: {  	s0 =	simm.s32 @!p3 $0x1  }
0x236: {  	_ =	swait.ge @!p3 [sflag:s0], $0x100  }
0x237: {  	p1 =	por p2, p1;
	[sflag:s0] =	ssyncset.done @!p3 $0x0  }
0x238: {  	[sflag:s0] =	ssyncadd.s32 @!p3 $0xFFFFFF00;
	s0 =	simm.s32 @!p1 $0x1  }
0x239: {  	_ =	swait.ge @!p1 [sflag:s0], $0x80  }
0x23a: {  	s29 =	simm.s32 $0x10238;
	[sflag:s0] =	ssyncset.done @!p1 $0x0  }
0x23b: {  	s30 =	simm.s32 $0x1000;
	s31 =	simm.s32 $0x1;
	[sflag:s0] =	ssyncadd.s32 @!p1 $0xFFFFFF80  }
0x23c: {  	[spmem:s30] =	stream.linear.scatter [tilespmem:s29], [sflag:$0x1], $0x10, $0x38;
	[tilespmem:$0x1F6F8] =	vst v63  }
0x23d: {  	_ =	swait.ge [sflag:s31], $0x10  }
0x23e: {  	[sflag:s31] =	ssyncset.done $0x0  }
0x23f: {  	p1 =	seq.s32 s15, $0x0;
	s8 =	rddreg [dreg:$0x1];
	[sflag:s31] =	ssyncadd.s32 $0xFFFFFFF0  }
0x240: {  	s2 =	sshll.u32 @p1 s8, $0xE;
	s7 =	rddreg [dreg:$0x2]  }
0x241: {  	s0 =	sadd.s32 @p1 $0x15C3C, s2;
	s2 =	sshll.u32 @p1 s7, $0x11  }
0x242: {  	_ =	sfence.stream.spmem;
	s0 =	sor.u32 @p1 s2, s0  }
0x243: {  	[sflag:s0] =	ssyncadd.remote.s32 @p1 $0x1;
	s0 =	simm.s32 @p1 $0x4  }
0x244: {  	s3 =	simm.s32 @!p1 $0x3C;
	s2 =	sand.u32 $0xFFFFFFFE, s8;
	_ =	swait.ge @p1 [sflag:s0], $0x22  }
0x245: {  	s4 =	simm.s32 @!p1 $0x0;
	s2 =	sadd.s32 @!p1 $0x4, s2;
	[sflag:s0] =	ssyncset.done @p1 $0x0  }
0x246: {  	s5 =	simm.s32 @!p1 $0x100;
	[sflag:s0] =	ssyncadd.s32 @p1 $0xFFFFFFDE;
	s0 =	sshll.u32 @!p1 s2, $0x1A  }
0x247: {  	s2 =	sshll.u32 @!p1 s2, $0xD;
	s0 =	sor.u32 @!p1 s0, s7;
	_ =	swait.eq @!p1 [sflag:s3], $0x1  }
0x248: {  	s2 =	sor.u32 @!p1 $0x1C04, s2;
	s3 =	simm.s32 @!p1 $0x1C03;
	s0 =	sor.u32 @!p1 $0x80004000, s0  }
0x249: {  	[spmem:s5], [sflag:s2] =	dma.general @!p1 [spmem:s4], [sflag:s3], length:$0x20, [dreg:$0x0], stride_count:$0x0, ici_dest:s0, dma_misc:DstOpCode:WRITE  }
0x24a: {  	p2 =	slt.s32 s9, $0x2;
	s4 =	simm.s32 @!p1 $0x200;
	s5 =	simm.s32 @!p1 $0x202  }
0x24b: {  	[spmem:s5], [sflag:s2] =	dma.general @!p1 [spmem:s4], [sflag:s3], length:$0x2, [dreg:$0x0], stride_count:$0x0, ici_dest:s0, dma_misc:DstOpCode:WRITE  }
.Ltmp35:
0x24c: {  	s0 =	simm.s32 @!p1 $0x3;
	(pc) =	sbr.rel @p2 .LBB3_38-.Ltmp35, $4  }
0x24d: {  	s2 =	sshll.u32 @!p1 s8, $0xE;
	_ =	swait.ge @!p1 [sflag:s0], $0x22  }
0x24e: {  	s3 =	sshll.u32 @!p1 s7, $0x11;
	s2 =	sadd.s32 @!p1 $0x11C3C, s2;
	[sflag:s0] =	ssyncset.done @!p1 $0x0  }
0x24f: {  	[sflag:s0] =	ssyncadd.s32 @!p1 $0xFFFFFFDE;
	s0 =	sor.u32 @!p1 s3, s2  }
0x250: {  	[sflag:s0] =	ssyncadd.remote.s32 @!p1 $0xFFFFFFFF;
	s0 =	simm.s32 $0x0  }
0x251: {  	s0 =	simm.s32 $0xF219  }
0x252: {  	v0 =	vld.msk [tilespmem:s0+$0x0], $0x1;
	_ =	sdelay $0x4  }
0x253: {  	(v2sf) =	vpush v0, $0x0;
	_ =	sdelay $0xc  }
0x254: {  	s2 =	sadd.s32 $0xFFFFFFFE, s6  }
0x255: {  	s5 =	sadd.s32 $0xFFFFFFFF, s2  }
0x256: {  	p2 =	sne.s32 s5, $0x0;
	s0 =	spop (v2sf)  }
.Ltmp36:
0x257: {  	p1 =	sgt.u32 s0, $0x7AF0;
	(pc) =	sbr.rel @!p2 .LBB3_37-.Ltmp36, $4  }
0x258: {  	s4 =	simm.s32 $0xF2B8;
	s3 =	sand.u32 @!p1 $0x7FF8, s0  }
0x259: {  	s7 =	simm.s32 $0x0;
	s0 =	sand.u32 @!p1 $0x7, s0;
	s2 =	sadd.s32 @!p1 s1, s3  }
0x25a: {  	[hbm4b:s2+s0] =	stream.linear.scatter @!p1 [tilespmem:s4], [sflag:$0x5], $0x80, $0x38;
	[tilespmem:$0x1F6F8] =	vst v63  }
0x25b: {  	s6 =	simm.s32 $0xF21A;
	s7 =	simm.s32 @!p1 $0x200;
	s0 =	simm.s32 $0x0  }
.LBB3_36:
0x25c: {  	v0 =	vld.msk [tilespmem:s6+$0x0], $0x1;
	s5 =	sadd.s32 $0xFFFFFFFF, s5;
	s0 =	sadd.s32 s0, s7  }
0x25d: {  	p1 =	sne.s32 s5, $0x0;
	_ =	sdelay $0x3  }
0x25e: {  	(v2sf) =	vpush v0, $0x0;
	_ =	sdelay $0xe  }
.Ltmp37:
0x25f: {  	s2 =	spop (v2sf);
	(pc) =	sbr.rel @p1 .LBB3_36-.Ltmp37, $4  }
0x260: {  	s7 =	simm.s32 $0x0;
	p2 =	sgt.u32 s2, $0x7AF0  }
0x261: {  	s4 =	sadd.s32 $0x80, s4;
	s7 =	simm.s32 @!p2 $0x200;
	s3 =	sand.u32 @!p2 $0x7FF8, s2  }
0x262: {  	s6 =	sadd.s32 $0x1, s6;
	s2 =	sand.u32 @!p2 $0x7, s2;
	s3 =	sadd.s32 @!p2 s1, s3  }
0x263: {  	[hbm4b:s3+s2] =	stream.linear.scatter @!p2 [tilespmem:s4], [sflag:$0x5], $0x80, $0x38;
	[tilespmem:$0x1F6F8] =	vst v63  }
.LBB3_37:
0x264: {  	s0 =	sadd.s32 s0, s7  }
0x265: {  	s0 =	sshrl.u32 s0, $0x2  }
.LBB3_38:
0x266: {  	s2 =	simm.s32 $0x5  }
0x267: {  	_ =	swait.ge [sflag:s2], s0  }
0x268: {  	s31 =	ssub.s32 $0x0, s0;
	[sflag:s2] =	ssyncset.done $0x0  }
0x269: {  	[sflag:s2] =	ssyncadd.s32 s31  }
0x26a: {  	[sflag:s2] =	ssyncpa.u1 $0x1  }
.LBB3_39:
0x26b: {  	s0 =	sor.u32 s15, s16  }
0x26c: {  	p1 =	sne.s32 s0, $0x0  }
.Ltmp38:
0x26d: {  	_ = 	snop;
	(pc) =	sbr.rel @p1 .LBB3_54-.Ltmp38, $3  }
0x26e: {  	_ =	sdelay $0x1  }
0x26f: {  	[bflag:$0x0] =	sbarrier.arrive $0xFFFF  }
0x270: {  	_ =	sfence  }
0x271: {  	s0 =	simm.s32 $0x7  }
0x272: {  	s2 =	simm.s32 $0x1000;
	s3 =	simm.s32 $0xF218;
	[sflag:s0] =	ssyncpa.u1 $0x0  }
0x273: {  	[tilespmem:s3], [sflag:$0x7] =	stream.linear.gather [spmem:s2], $0x20, $0x38;
	[tilespmem:$0x1F6F8] =	vst v63  }
0x274: {  	s30 =	simm.s32 $0xF238;
	s2 =	simm.s32 $0x0  }
0x275: {  	[tilespmem:s30], [sflag:$0x7] =	stream.linear.gather [spmem:s2], $0x1000, $0x38;
	[tilespmem:$0x1F6F8] =	vst v63  }
.Ltmp39:
0x276: {  	_ = 	snop;
	(pc) =	sbr.rel .LBB3_41-.Ltmp39, $4  }
0x277: {  	_ =	swait.ge [sflag:s0], $0x1020  }
0x278: {  	[sflag:s0] =	ssyncset.done $0x0  }
0x279: {  	s31 =	simm.s32 $0x8;
	[sflag:s0] =	ssyncadd.s32 $0xFFFFEFE0  }
0x27a: {  	s3 =	simm.s32 $0x0;
	[sflag:s31] =	ssyncpa.u1 $0x0  }
.LBB3_47:
0x27b: {  	p1 =	slt.u32 s4, $0x7AF1  }
0x27c: {  	s0 =	sand.u32 @p1 $0x7FF8, s4  }
0x27d: {  	s4 =	sand.u32 @p1 $0x7, s4;
	s5 =	simm.s32 @p1 $0xF188;
	s0 =	sadd.s32 @p1 s1, s0  }
0x27e: {  	[tilespmem:s5], [sflag:$0x8] =	stream.linear.gather @p1 [hbm4b:s0+s4], $0x80, $0x38;
	[tilespmem:$0x1F6F8] =	vst v63  }
0x27f: {  	s0 =	simm.s32 @p1 $0x8  }
0x280: {  	_ =	swait.ge @p1 [sflag:s0], $0x80  }
0x281: {  	[sflag:s0] =	ssyncset.done @p1 $0x0  }
0x282: {  	[sflag:s0] =	ssyncadd.s32 @p1 $0xFFFFFF80  }
0x283: {  	v1 =	vld @p1 [tilespmem:$0xF188];
	_ =	sdelay $0x2  }
0x284: {  	s0 =	sshll.u32 @p1 s3, $0x9  }
0x285: {  	s4 =	sshrl.u32 @p1 s0, $0x2  }
0x286: {  	[tilespmem:s4+$0xF238] =	vst.add.f32.msk @p1 $0xffff, v1  }
0x287: {  	v1 =	vld @p1 [tilespmem:$0xF198];
	_ =	sdelay $0x4  }
0x288: {  	[tilespmem:s4+$0xF248] =	vst.add.f32.msk @p1 $0xffff, v1  }
0x289: {  	v1 =	vld @p1 [tilespmem:$0xF1A8];
	_ =	sdelay $0x4  }
0x28a: {  	[tilespmem:s4+$0xF258] =	vst.add.f32.msk @p1 $0xffff, v1  }
0x28b: {  	v1 =	vld @p1 [tilespmem:$0xF1B8];
	_ =	sdelay $0x4  }
0x28c: {  	[tilespmem:s4+$0xF268] =	vst.add.f32.msk @p1 $0xffff, v1  }
0x28d: {  	v1 =	vld @p1 [tilespmem:$0xF1C8];
	_ =	sdelay $0x4  }
0x28e: {  	[tilespmem:s4+$0xF278] =	vst.add.f32.msk @p1 $0xffff, v1  }
0x28f: {  	v1 =	vld @p1 [tilespmem:$0xF1D8];
	_ =	sdelay $0x4  }
0x290: {  	[tilespmem:s4+$0xF288] =	vst.add.f32.msk @p1 $0xffff, v1  }
0x291: {  	v1 =	vld @p1 [tilespmem:$0xF1E8];
	_ =	sdelay $0x4  }
0x292: {  	[tilespmem:s4+$0xF298] =	vst.add.f32.msk @p1 $0xffff, v1  }
0x293: {  	v1 =	vld @p1 [tilespmem:$0xF1F8];
	_ =	sdelay $0x3  }
0x294: {  	s5 =	sshll.u32 @!p1 s3, $0x9  }
0x295: {  	s5 =	smov.u32 @p1 s0;
	[tilespmem:s4+$0xF2A8] =	vst.add.f32.msk @p1 $0xffff, v1  }
0x296: {  	s0 =	sshrl.u32 s5, $0x2;
	[tilespmem:s2+$0xF218] =	vst.msk $0x1, v0  }
0x297: {  	v0 =	vld [tilespmem:s0+$0xF238];
	_ =	sdelay $0x2  }
0x298: {  	s31 =	sshll.u32 s2, $0x9  }
0x299: {  	s4 =	sshra.s32 s31, $0x2  }
0x29a: {  	[tilespmem:s4+$0xF238] =	vst v0  }
0x29b: {  	v0 =	vld [tilespmem:s0+$0xF248];
	_ =	sdelay $0x4  }
0x29c: {  	[tilespmem:s4+$0xF248] =	vst v0  }
0x29d: {  	v0 =	vld [tilespmem:s0+$0xF258];
	_ =	sdelay $0x4  }
0x29e: {  	[tilespmem:s4+$0xF258] =	vst v0  }
0x29f: {  	v0 =	vld [tilespmem:s0+$0xF268];
	_ =	sdelay $0x4  }
0x2a0: {  	[tilespmem:s4+$0xF268] =	vst v0  }
0x2a1: {  	v0 =	vld [tilespmem:s0+$0xF278];
	_ =	sdelay $0x4  }
0x2a2: {  	[tilespmem:s4+$0xF278] =	vst v0  }
0x2a3: {  	v0 =	vld [tilespmem:s0+$0xF288];
	_ =	sdelay $0x4  }
0x2a4: {  	[tilespmem:s4+$0xF288] =	vst v0  }
0x2a5: {  	v0 =	vld [tilespmem:s0+$0xF298];
	_ =	sdelay $0x4  }
0x2a6: {  	[tilespmem:s4+$0xF298] =	vst v0  }
0x2a7: {  	v0 =	vld [tilespmem:s0+$0xF2A8];
	_ =	sdelay $0x4  }
0x2a8: {  	s2 =	sadd.s32 $0x1, s2;
	[tilespmem:s4+$0xF2A8] =	vst v0  }
.LBB3_48:
0x2a9: {  	s3 =	sadd.s32 $0x1, s3  }
0x2aa: {  	p1 =	sne.s32 s3, $0x20  }
.Ltmp40:
0x2ab: {  	_ = 	snop;
	(pc) =	sbr.rel @!p1 .LBB3_49-.Ltmp40, $1  }
0x2ac: {  	_ =	sdelay $0x3  }
.LBB3_41:
0x2ad: {  	v0 =	vld.msk [tilespmem:s3+$0xF218], $0x1;
	_ =	sdelay $0x4  }
0x2ae: {  	(v2sf) =	vpush v0, $0x0;
	_ =	sdelay $0xe  }
0x2af: {  	s4 =	spop (v2sf)  }
0x2b0: {  	p1 =	seq.s32 s4, $0xFFFFFFFF  }
.Ltmp41:
0x2b1: {  	_ = 	snop;
	(pc) =	sbr.rel @p1 .LBB3_48-.Ltmp41, $1  }
0x2b2: {  	_ =	sdelay $0x3  }
0x2b3: {  	p1 =	slt.s32 s2, $0x1  }
.Ltmp42:
0x2b4: {  	_ = 	snop;
	(pc) =	sbr.rel @p1 .LBB3_47-.Ltmp42, $1  }
0x2b5: {  	_ =	sdelay $0x3  }
0x2b6: {  	s5 =	simm.s32 $0xF218;
	p1 =	por $0x0, $0x0  }
0x2b7: {  	v1 =	vld.msk @!p1 [tilespmem:s5+$0x0], $0x1;
	_ =	sdelay $0x4  }
0x2b8: {  	(v2sf) =	vpush @!p1 v1, $0x0;
	_ =	sdelay $0xd  }
0x2b9: {  	p3 =	sne.s32 s2, $0x1  }
.Ltmp43:
0x2ba: {  	s0 =	spop @!p1 (v2sf);
	(pc) =	sbr.rel @!p3 .LBB3_45-.Ltmp43, $4  }
0x2bb: {  	p2 =	seq.s32 @!p1 s4, s0  }
0x2bc: {  	s6 =	simm.s32 $0x0;
	p2 =	por !p2, p1  }
0x2bd: {  	s7 =	simm.s32 $0xFFFFFFFF;
	s6 =	simm.s32 @p2 $0xFFFFFFFF  }
0x2be: {  	s0 =	simm.s32 $0x1;
	s6 =	smov.u32 @p1 s7  }
.LBB3_44:
0x2bf: {  	s7 =	smov.u32 s6;
	p1 =	sne.s32 s6, $0xFFFFFFFF  }
0x2c0: {  	s5 =	sadd.s32 $0x1, s5;
	s6 =	smov.u32 s0;
	s0 =	sadd.s32 $0x1, s0  }
0x2c1: {  	p2 =	sne.s32 s2, s0;
	v1 =	vld.msk @!p1 [tilespmem:s5+$0x0], $0x1;
	_ =	sdelay $0x4  }
0x2c2: {  	(v2sf) =	vpush @!p1 v1, $0x0;
	_ =	sdelay $0xe  }
.Ltmp44:
0x2c3: {  	s8 =	spop @!p1 (v2sf);
	(pc) =	sbr.rel @p2 .LBB3_44-.Ltmp44, $4  }
0x2c4: {  	p3 =	seq.s32 @!p1 s4, s8  }
0x2c5: {  	p3 =	por !p3, p1  }
0x2c6: {  	s6 =	simm.s32 @p3 $0xFFFFFFFF  }
0x2c7: {  	s6 =	smov.u32 @p1 s7  }
.LBB3_45:
0x2c8: {  	p1 =	seq.s32 s6, $0xFFFFFFFF  }
.Ltmp45:
0x2c9: {  	_ = 	snop;
	(pc) =	sbr.rel @p1 .LBB3_47-.Ltmp45, $1  }
0x2ca: {  	_ =	sdelay $0x3  }
0x2cb: {  	s0 =	sshll.u32 s3, $0x7  }
0x2cc: {  	s0 =	sand.u32 $0x3FFFFF80, s0  }
0x2cd: {  	v0 =	vld [tilespmem:s0+$0xF238];
	_ =	sdelay $0x2  }
0x2ce: {  	s4 =	sshll.u32 s6, $0x9  }
0x2cf: {  	s4 =	sshra.s32 s4, $0x2  }
0x2d0: {  	[tilespmem:s4+$0xF238] =	vst.add.f32.msk $0xffff, v0  }
0x2d1: {  	v0 =	vld [tilespmem:s0+$0xF248];
	_ =	sdelay $0x4  }
0x2d2: {  	[tilespmem:s4+$0xF248] =	vst.add.f32.msk $0xffff, v0  }
0x2d3: {  	v0 =	vld [tilespmem:s0+$0xF258];
	_ =	sdelay $0x4  }
0x2d4: {  	[tilespmem:s4+$0xF258] =	vst.add.f32.msk $0xffff, v0  }
0x2d5: {  	v0 =	vld [tilespmem:s0+$0xF268];
	_ =	sdelay $0x4  }
0x2d6: {  	[tilespmem:s4+$0xF268] =	vst.add.f32.msk $0xffff, v0  }
0x2d7: {  	v0 =	vld [tilespmem:s0+$0xF278];
	_ =	sdelay $0x4  }
0x2d8: {  	[tilespmem:s4+$0xF278] =	vst.add.f32.msk $0xffff, v0  }
0x2d9: {  	v0 =	vld [tilespmem:s0+$0xF288];
	_ =	sdelay $0x4  }
0x2da: {  	[tilespmem:s4+$0xF288] =	vst.add.f32.msk $0xffff, v0  }
0x2db: {  	v0 =	vld [tilespmem:s0+$0xF298];
	_ =	sdelay $0x4  }
0x2dc: {  	[tilespmem:s4+$0xF298] =	vst.add.f32.msk $0xffff, v0  }
0x2dd: {  	v0 =	vld [tilespmem:s0+$0xF2A8]  }
.Ltmp46:
0x2de: {  	_ = 	snop;
	(pc) =	sbr.rel .LBB3_48-.Ltmp46, $2  }
0x2df: {  	_ =	sdelay $0x2  }
0x2e0: {  	[tilespmem:s4+$0xF2A8] =	vst.add.f32.msk $0xffff, v0  }
.LBB3_49:
0x2e1: {  	p1 =	slt.s32 s2, $0x1  }
.Ltmp47:
0x2e2: {  	_ = 	snop;
	(pc) =	sbr.rel @p1 .LBB3_53-.Ltmp47, $3  }
0x2e3: {  	_ =	sdelay $0x1  }
0x2e4: {  	s0 =	simm.s32 $0x8  }
0x2e5: {  	s3 =	simm.s32 $0x0;
	[sflag:s0] =	ssyncpa.u1 $0x1  }
0x2e6: {  	s0 =	simm.s32 $0xF218  }
0x2e7: {  	v0 =	vld.msk [tilespmem:s0+$0x0], $0x1;
	_ =	sdelay $0x4  }
0x2e8: {  	(v2sf) =	vpush v0, $0x0;
	_ =	sdelay $0xe  }
0x2e9: {  	s2 =	sadd.s32 $0xFFFFFFFF, s2;
	s0 =	spop (v2sf)  }
0x2ea: {  	p2 =	sne.s32 s2, $0x0;
	p1 =	sgt.u32 s0, $0x7AF0  }
.Ltmp48:
0x2eb: {  	s5 =	sand.u32 @!p1 $0x7FF8, s0;
	(pc) =	sbr.rel @!p2 .LBB3_52-.Ltmp48, $4  }
0x2ec: {  	s4 =	simm.s32 $0xF238;
	s0 =	sand.u32 @!p1 $0x7, s0;
	s5 =	sadd.s32 @!p1 s1, s5  }
0x2ed: {  	[hbm4b:s5+s0] =	stream.linear.scatter @!p1 [tilespmem:s4], [sflag:$0x7], $0x80, $0x38;
	[tilespmem:$0x1F6F8] =	vst v63  }
0x2ee: {  	s5 =	simm.s32 $0x0  }
0x2ef: {  	s0 =	simm.s32 $0xF219;
	s5 =	simm.s32 @!p1 $0x200  }
.LBB3_51:
0x2f0: {  	v0 =	vld.msk [tilespmem:s0+$0x0], $0x1;
	s2 =	sadd.s32 $0xFFFFFFFF, s2;
	s3 =	sadd.s32 s3, s5  }
0x2f1: {  	p1 =	sne.s32 s2, $0x0;
	_ =	sdelay $0x3  }
0x2f2: {  	(v2sf) =	vpush v0, $0x0;
	_ =	sdelay $0xe  }
.Ltmp49:
0x2f3: {  	s6 =	spop (v2sf);
	(pc) =	sbr.rel @p1 .LBB3_51-.Ltmp49, $4  }
0x2f4: {  	s5 =	simm.s32 $0x0;
	p2 =	sgt.u32 s6, $0x7AF0  }
0x2f5: {  	s4 =	sadd.s32 $0x80, s4;
	s5 =	simm.s32 @!p2 $0x200;
	s7 =	sand.u32 @!p2 $0x7FF8, s6  }
0x2f6: {  	s0 =	sadd.s32 $0x1, s0;
	s6 =	sand.u32 @!p2 $0x7, s6;
	s7 =	sadd.s32 @!p2 s1, s7  }
0x2f7: {  	[hbm4b:s7+s6] =	stream.linear.scatter @!p2 [tilespmem:s4], [sflag:$0x7], $0x80, $0x38;
	[tilespmem:$0x1F6F8] =	vst v63  }
.LBB3_52:
0x2f8: {  	s0 =	sadd.s32 s3, s5  }
0x2f9: {  	s3 =	sshrl.u32 s0, $0x2  }
.LBB3_53:
0x2fa: {  	s0 =	simm.s32 $0x7  }
0x2fb: {  	_ =	swait.ge [sflag:s0], s3  }
0x2fc: {  	s1 =	ssub.s32 $0x0, s3;
	[sflag:s0] =	ssyncset.done $0x0  }
0x2fd: {  	[sflag:s0] =	ssyncadd.s32 s1  }
0x2fe: {  	[sflag:s0] =	ssyncpa.u1 $0x1  }
.LBB3_54:
0x2ff: {  	_ =	sfence;
	s0 =	simm.s32 $0x1  }
0x300: {  	[sflag:s0] =	ssyncpa.u1 $0x1  }
0x301: {  	_ =	strace $0x9000005C  }
0x302: {  	[bflag:$0x2] =	sbarrier.arrive $0xFFFF  }
0x303: {  	s0 =	rddreg [dreg:$0x3]  }
0x304: {  	s0 =	sadd.s32 @!p0 $0x100000, s0  }
0x305: {  	[sflag:s0] =	ssyncadd.tile.s32 @!p0 $0x1;
	_ =	shalt  }
.Lfunc_end3:
_tile_overlayer_lowered:
.L_overlay_start_3:
0x306: {  	(tag) =	ssettag $0x3  }
0x307: {  	s0 =	rddreg [dreg:$0x0];
	s2 =	stileid.u32  }
0x308: {  	s1 =	rddreg [dreg:$0x1];
	p0 =	sne.s32 s2, $0x0  }
0x309: {  	s3 =	rddreg [dreg:$0x2];
	[bflag:$0x3] =	sbarrier.arrive $0xFFFF;
	s2 =	simm.s32 @!p0 $0x1C01  }
0x30a: {  	[timem:s3], [sflag:s2] =	dma.local @!p0 [hbm:s0], s1  }
0x30b: {  	s0 =	simm.s32 @!p0 $0x1  }
0x30c: {  	_ =	swait.ge @!p0 [sflag:s0], s1  }
0x30d: {  	s1 =	ssub.s32 @!p0 $0x0, s1;
	[sflag:s0] =	ssyncset.done @!p0 $0x0  }
0x30e: {  	[sflag:s0] =	ssyncadd.s32 @!p0 s1  }
0x30f: {  	[bflag:$0x3] =	sbarrier.arrive $0xFFFF  }
0x310: {  	_ =	shalt  }

// kernel: scatter_offload_async_start.2
scs
__scs_entry_jumppad:
0x0: {  	(pc) =	sbr.rel $0x88, $3  }
0x1: {  	(tag) =	ssettag $0x0;
	lr =	simm.s32 $0x1  }
0x2: {  	[smem:$0x3F8C] =	sst lr;
	_ =	strace $0xD0000000  }
0x3: {  	_ = 	snop  }
0x4: {  	_ = 	snop  }
0x5: {  	_ = 	snop  }
0x6: {  	_ = 	snop  }
0x7: {  	_ = 	snop  }
__scs_overlays_trampoline_lowered:
0x8: {  	[smem:$0x3F9B] =	sst s0  }
0x9: {  	[smem:$0x3F9C] =	sst s1  }
0xa: {  	[smem:$0x3F9D] =	sst s2  }
0xb: {  	[smem:$0x3F9E] =	sst s3  }
0xc: {  	[smem:$0x3F9F] =	sst s4  }
0xd: {  	[smem:$0x3FA0] =	sst s5  }
0xe: {  	[smem:$0x3FA1] =	sst s6  }
0xf: {  	[smem:$0x3FA2] =	sst s7  }
0x10: {  	[smem:$0x3FA3] =	sst s8  }
0x11: {  	[smem:$0x3FA4] =	sst s9;
	s0 =	simm.s32 @!p0 $0x0  }
0x12: {  	s1 =	sld [smem:$0x3F8A];
	s0 =	simm.s32 @p0 $0x1  }
0x13: {  	[smem:$0x3FA5] =	sst s0;
	s0 =	simm.s32 @!p1 $0x0  }
0x14: {  	s2 =	sld [smem:$0x3F89];
	s0 =	simm.s32 @p1 $0x1  }
0x15: {  	[smem:$0x3FA6] =	sst s0;
	s0 =	simm.s32 @!p2 $0x0  }
0x16: {  	s3 =	sld [smem:$0x3FDB];
	s0 =	simm.s32 @p2 $0x1  }
0x17: {  	s4 =	simm.s32 $0x1BF5;
	[smem:$0x3FA8] =	sst s0  }
0x18: {  	s0 =	sld [smem:$0x3F8B];
	_ =	swait.ge [sflag:s4], $0x0  }
0x19: {  	s7 =	sld [smem:$0x3F8C]  }
0x1a: {  	s8 =	sadd.s32 $0xFFFFE003, lr  }
0x1b: {  	s9 =	sadd.s32 $0xFFFFFEF7, lr;
	s5 =	simm.s32 $0xFFFFFFFF;
	p2 =	slt.u32 s8, $0xFFFFF086  }
0x1c: {  	p1 =	slt.u32 s9, $0xF7A;
	s5 =	simm.s32 @!p2 $0x0  }
0x1d: {  	s5 =	simm.s32 @p1 $0x1;
	p0 =	seq.s32 s7, s2  }
0x1e: {  	s7 =	smul.u32 @!p0 $0xF7A, s2;
	p2 =	seq.s32 @!p0 s5, $0x0  }
0x1f: {  	s9 =	smul.u32 $0xF7A, s1;
	s8 =	simm.s32 @!p0 $0x1BF5;
	p2 =	por !p2, p0  }
0x20: {  	[sflag:s8] =	ssyncset.s32 @!p0 $0xFFFFF086;
	s6 =	sadd.s32 @!p0 s3, s7;
	s7 =	simm.s32 @!p0 $0x108  }
0x21: {  	s3 =	sadd.s32 s3, s9;
	s6 =	sadd.s32 @!p0 $0x88, s6;
	s7 =	simm.s32 @p2 $0x1082  }
0x22: {  	[simem:s7], [sflag:s8] =	dma.local @!p0 [hbm:s6], $0xF7A  }
0x23: {  	s9 =	sor.u32 $0xD0000000, s2;
	s6 =	simm.s32 $0x108;
	_ =	swait.ge @!p0 [sflag:s8], $0x0  }
0x24: {  	s3 =	sadd.s32 $0x88, s3;
	s6 =	simm.s32 @!p1 $0x1082;
	[sflag:s4] =	ssyncset.s32 $0xFFFFF086  }
0x25: {  	[simem:s6], [sflag:s4] =	dma.local [hbm:s3], $0xF7A  }
0x26: {  	[smem:$0x3F8C] =	sst s1;
	(tag) =	ssettag s2;
	_ =	strace s9  }
0x27: {  	s1 =	sld [smem:$0x3F9C]  }
0x28: {  	s2 =	sld [smem:$0x3F9D]  }
0x29: {  	s4 =	sld [smem:$0x3F9F]  }
0x2a: {  	p0 =	seq.s32 s5, $0x0;
	s5 =	sld [smem:$0x3FA0]  }
0x2b: {  	s6 =	sld [smem:$0x3FA1]  }
0x2c: {  	s7 =	sld [smem:$0x3FA2]  }
0x2d: {  	s3 =	simm.s32 $0x108;
	s8 =	sld [smem:$0x3FA3]  }
0x2e: {  	s3 =	simm.s32 @!p0 $0x1082;
	s9 =	sld [smem:$0x3FA4]  }
0x2f: {  	lr =	sadd.s32 s0, s3;
	s0 =	sld [smem:$0x3F9B]  }
0x30: {  	s3 =	sld [smem:$0x3F9E]  }
0x31: {  	[smem:$0x3FA7] =	sst s10  }
0x32: {  	s10 =	sld [smem:$0x3FA5];
	_ =	sdelay $0x3  }
0x33: {  	p0 =	seq.s32 s10, $0x1;
	s10 =	sld [smem:$0x3FA7];
	_ =	sdelay $0x3  }
0x34: {  	[smem:$0x3FA7] =	sst s10  }
0x35: {  	s10 =	sld [smem:$0x3FA6];
	_ =	sdelay $0x3  }
0x36: {  	p1 =	seq.s32 s10, $0x1;
	s10 =	sld [smem:$0x3FA7];
	_ =	sdelay $0x3  }
0x37: {  	[smem:$0x3FA7] =	sst s10  }
0x38: {  	s10 =	sld [smem:$0x3FA8]  }
0x39: {  	_ = 	snop;
	(pc) =	sbr.ind lr, $3  }
0x3a: {  	_ = 	snop  }
0x3b: {  	_ = 	snop  }
0x3c: {  	p2 =	seq.s32 s10, $0x1;
	s10 =	sld [smem:$0x3FA7]  }
0x3d: {  	_ =	shalt  }
0x3e: {  	_ =	shalt  }
0x3f: {  	_ =	shalt  }
0x40: {  	_ =	shalt  }
0x41: {  	_ =	shalt  }
0x42: {  	_ =	shalt  }
0x43: {  	_ =	shalt  }
0x44: {  	_ =	shalt  }
0x45: {  	_ =	shalt  }
0x46: {  	_ =	shalt  }
0x47: {  	_ =	shalt  }
0x48: {  	_ =	shalt  }
0x49: {  	_ =	shalt  }
0x4a: {  	_ =	shalt  }
0x4b: {  	_ =	shalt  }
0x4c: {  	_ =	shalt  }
0x4d: {  	_ =	shalt  }
0x4e: {  	_ =	shalt  }
0x4f: {  	_ =	shalt  }
0x50: {  	_ =	shalt  }
0x51: {  	_ =	shalt  }
0x52: {  	_ =	shalt  }
0x53: {  	_ =	shalt  }
0x54: {  	_ =	shalt  }
0x55: {  	_ =	shalt  }
0x56: {  	_ =	shalt  }
0x57: {  	_ =	shalt  }
0x58: {  	_ =	shalt  }
0x59: {  	_ =	shalt  }
0x5a: {  	_ =	shalt  }
0x5b: {  	_ =	shalt  }
0x5c: {  	_ =	shalt  }
0x5d: {  	_ =	shalt  }
0x5e: {  	_ =	shalt  }
0x5f: {  	_ =	shalt  }
0x60: {  	_ =	shalt  }
0x61: {  	_ =	shalt  }
0x62: {  	_ =	shalt  }
0x63: {  	_ =	shalt  }
0x64: {  	_ =	shalt  }
0x65: {  	_ =	shalt  }
0x66: {  	_ =	shalt  }
0x67: {  	_ =	shalt  }
0x68: {  	_ =	shalt  }
0x69: {  	_ =	shalt  }
0x6a: {  	_ =	shalt  }
0x6b: {  	_ =	shalt  }
0x6c: {  	_ =	shalt  }
0x6d: {  	_ =	shalt  }
0x6e: {  	_ =	shalt  }
0x6f: {  	_ =	shalt  }
0x70: {  	_ =	shalt  }
0x71: {  	_ =	shalt  }
0x72: {  	_ =	shalt  }
0x73: {  	_ =	shalt  }
0x74: {  	_ =	shalt  }
0x75: {  	_ =	shalt  }
0x76: {  	_ =	shalt  }
0x77: {  	_ =	shalt  }
0x78: {  	_ =	shalt  }
0x79: {  	_ =	shalt  }
0x7a: {  	_ =	shalt  }
0x7b: {  	_ =	shalt  }
0x7c: {  	_ =	shalt  }
0x7d: {  	_ =	shalt  }
0x7e: {  	_ =	shalt  }
0x7f: {  	_ =	shalt  }
0x80: {  	_ =	shalt  }
0x81: {  	_ =	shalt  }
0x82: {  	_ =	shalt  }
0x83: {  	_ =	shalt  }
0x84: {  	_ =	shalt  }
0x85: {  	_ =	shalt  }
0x86: {  	_ =	shalt  }
0x87: {  	_ =	shalt  }
.Lfunc_end0:
.L_simem_size_0:
called_computation.2_lowered:
.L_overlay_start_0:
0x88: {  	s2 =	sld [smem:$0x3FD9]  }
0x89: {  	s3 =	sld [smem:$0x3FFE];
	_ =	sdelay $0x1  }
0x8a: {  	s1 =	srdreg.scid  }
0x8b: {  	s0 =	sand.u32 $0x1, s1  }
0x8c: {  	s12 =	sshll.u32 s0, $0xA;
	s2 =	sadd.s32 s3, s2  }
0x8d: {  	s2 =	sadd.s32 s2, s12  }
0x8e: {  	[smem:$0x3FB3] =	sst s2  }
0x8f: {  	_ = 	snop  }
0x90: {  	(tm) =	ssettm $0x1  }
0x91: {  	s13 =	sld [smem:$0x3FFB];
	_ =	sdelay $0x3  }
0x92: {  	_ =	strace s13  }
0x93: {  	s2 =	sld [smem:$0x3FFC];
	_ =	sdelay $0x3  }
0x94: {  	_ =	strace s2  }
0x95: {  	s2 =	sld [smem:$0x3FFD];
	_ =	sdelay $0x3  }
0x96: {  	_ =	strace s2  }
0x97: {  	_ =	strace $0x8FFFFFFF  }
0x98: {  	s14 =	sld [smem:$0x3FDB];
	_ =	sdelay $0x1  }
0x99: {  	s15 =	simm.s32 $_scs_section_size  }
0x9a: {  	s4 =	simm.s32 $_size__tile_overlayer_lowered;
	s5 =	simm.s32 $_tile_overlayer_lowered  }
0x9b: {  	s19 =	simm.s32 $0x1BFF;
	s17 =	sshll.u32 s5, $0x1;
	s6 =	sadd.s32 s15, s14  }
0x9c: {  	s20 =	simm.s32 $0x0;
	s16 =	sshll.u32 s4, $0x1;
	s18 =	sadd.s32 s17, s6  }
0x9d: {  	[timem:s20], [sflag:s19] =	dma.local [hbm:s18], s16  }
0x9e: {  	_ =	swait.ge [sflag:s19], s16  }
0x9f: {  	s3 =	ssub.s32 $0x0, s16;
	[sflag:s19] =	ssyncset.done $0x0  }
0xa0: {  	[sflag:s19] =	ssyncadd.s32 s3;
	_ =	sdelay $0x1  }
0xa1: {  	s21 =	simm.s32 $0x1B8B  }
0xa2: {  	_ =	swait.ge [sflag:s21], $0x1  }
0xa3: {  	[sflag:s21] =	ssyncset.done $0x0  }
0xa4: {  	[sflag:s21] =	ssyncadd.s32 $0xFFFFFFFF  }
0xa5: {  	s3 =	sld [smem:$0x0]  }
0xa6: {  	s4 =	sand.u32 $0xFFFFFFFE, s1  }
0xa7: {  	p0 =	sne.s32 s1, s4  }
0xa8: {  	s4 =	sshll.u32 @p0 s4, $0xE  }
0xa9: {  	s5 =	sadd.s32 @p0 $0x11B8D, s4;
	s7 =	sshll.u32 @p0 s3, $0x11  }
0xaa: {  	s5 =	sor.u32 @p0 s7, s5  }
0xab: {  	[sflag:s5] =	ssyncadd.remote.s32 @p0 $0x1;
	_ =	sdelay $0x1  }
0xac: {  	s5 =	simm.s32 @p0 $0x1B8D  }
0xad: {  	_ =	swait.eq @p0 [sflag:s5], $0x1  }
0xae: {  	[sflag:s5] =	ssyncadd.s32 @p0 $0xFFFFFFFF  }
0xaf: {  	s7 =	sshll.u32 @!p0 s1, $0xE  }
0xb0: {  	s7 =	sor.u32 @!p0 $0x4000, s7;
	s5 =	simm.s32 @!p0 $0x1B8D  }
0xb1: {  	s9 =	sshll.u32 @!p0 s3, $0x11;
	s8 =	sadd.s32 @!p0 $0x11B8D, s7;
	_ =	swait.eq @!p0 [sflag:s5], $0x1  }
0xb2: {  	[sflag:s5] =	ssyncadd.s32 @!p0 $0xFFFFFFFF;
	s5 =	sor.u32 @!p0 s9, s8  }
0xb3: {  	s23 =	simm.s32 $0x1B8E;
	s22 =	sld [smem:$0x3FFE];
	[sflag:s5] =	ssyncadd.remote.s32 @!p0 $0x1  }
0xb4: {  	s24 =	simm.s32 $execute0_lowered;
	[smem:$0x3FD2] =	sst s23  }
0xb5: {  	s8 =	sshll.u32 s24, $0x1;
	_ =	strace $0x8000005E;
	[dreg:$0x1] =	wrdreg $0xFFFFFFFF  }
0xb6: {  	s25 =	simm.s32 $_size_execute0_lowered;
	s8 =	sadd.s32 s6, s8;
	[dreg:$0x0] =	wrdreg $0x0  }
0xb7: {  	s9 =	sshll.u32 s25, $0x1;
	[dreg:$0x2] =	wrdreg s8  }
0xb8: {  	[dreg:$0x3] =	wrdreg s9  }
0xb9: {  	[dreg:$0x4] =	wrdreg $0xC0  }
0xba: {  	s26 =	simm.s32 $execute1_lowered;
	_ =	task [dreg:s20], $0x5FFFF  }
0xbb: {  	s8 =	sshll.u32 s26, $0x1;
	[dreg:$0x1] =	wrdreg $0xFFFFFFFF  }
0xbc: {  	s6 =	sadd.s32 s6, s8;
	[dreg:$0x0] =	wrdreg $0x60  }
0xbd: {  	[dreg:$0x2] =	wrdreg s6  }
0xbe: {  	[dreg:$0x3] =	wrdreg s22  }
0xbf: {  	[dreg:$0x4] =	wrdreg $0xD  }
0xc0: {  	_ =	task.clear_ibuf [dreg:s20], $0x5FFFF;
	_ =	strace $0x9000005E  }
0xc1: {  	s28 =	simm.s32 $0xD;
	_ =	strace $0x80000060  }
0xc2: {  	_ =	swait.ge [sflag:s28], $0x1  }
0xc3: {  	[sflag:s28] =	ssyncadd.s32 $0xFFFFFFFF  }
0xc4: {  	_ =	strace $0x90000060  }
0xc5: {  	s6 =	sld [smem:$0x0];
	_ =	sdelay $0x3  }
0xc6: {  	s4 =	sadd.s32 @p0 $0x11BF3, s4;
	s8 =	sshll.u32 @p0 s6, $0x11  }
0xc7: {  	s4 =	sor.u32 @p0 s8, s4  }
0xc8: {  	[sflag:s4] =	ssyncadd.remote.s32 @p0 $0x1;
	_ =	sdelay $0x1  }
0xc9: {  	s4 =	simm.s32 @p0 $0x1BF3  }
0xca: {  	_ =	swait.eq @p0 [sflag:s4], $0x1  }
0xcb: {  	[sflag:s4] =	ssyncadd.s32 @p0 $0xFFFFFFFF;
	_ =	sdelay $0x1  }
0xcc: {  	s4 =	simm.s32 @!p0 $0x1BF3  }
0xcd: {  	s7 =	sadd.s32 @!p0 $0x11BF3, s7;
	s6 =	sshll.u32 @!p0 s6, $0x11;
	_ =	swait.eq @!p0 [sflag:s4], $0x1  }
0xce: {  	[sflag:s4] =	ssyncadd.s32 @!p0 $0xFFFFFFFF;
	s4 =	sor.u32 @!p0 s6, s7  }
0xcf: {  	[sflag:s4] =	ssyncadd.remote.s32 @!p0 $0x1  }
0xd0: {  	_ =	strace $0x80000061;
	[dreg:$0x1] =	wrdreg $0xFFFFFFFF  }
0xd1: {  	[dreg:$0x0] =	wrdreg $0x2030  }
0xd2: {  	[dreg:$0x2] =	wrdreg s22  }
0xd3: {  	[dreg:$0x3] =	wrdreg s1  }
0xd4: {  	[dreg:$0x4] =	wrdreg s3  }
0xd5: {  	[dreg:$0x5] =	wrdreg $0xE  }
0xd6: {  	_ =	task.clear_ibuf [dreg:s20], $0x6FFFF;
	_ =	strace $0x90000061  }
0xd7: {  	s29 =	simm.s32 $0xE;
	_ =	strace $0x80000063  }
0xd8: {  	_ =	swait.ge [sflag:s29], $0x1  }
0xd9: {  	[sflag:s29] =	ssyncadd.s32 $0xFFFFFFFF  }
0xda: {  	_ =	strace $0x90000063  }
0xdb: {  	_ =	sfence  }
0xdc: {  	s30 =	sld [smem:$0x0];
	_ =	sdelay $0x2  }
0xdd: {  	s31 =	sshll.u32 s1, $0xD;
	s1 =	sshrl.u32 s1, $0x2  }
0xde: {  	s4 =	sand.u32 $0x4000, s31;
	s1 =	sadd.s32 s1, s30  }
0xdf: {  	s0 =	sor.u32 s4, s0;
	s1 =	sshll.u32 s1, $0x11  }
0xe0: {  	s0 =	sor.u32 s1, s0  }
0xe1: {  	s0 =	sadd.s32 $0x8F2B, s0  }
0xe2: {  	[sflag:s0] =	ssyncadd.remote.s32 $0x1  }
0xe3: {  	_ =	sfence.sel $0xFFFF  }
0xe4: {  	[dreg:$0x0] =	wrdreg $0xFFFFFFFF;
	(pc) =	sbr.abs _section_cstart, $3  }
0xe5: {  	[dreg:$0x1] =	wrdreg $0xFFFFFFFF  }
0xe6: {  	_ =	task.clear_ibuf [dreg:s20], $0x2FFFF;
	_ =	strace $0x9FFFFFFF  }
0xe7: {  	(tm) =	ssettm $0x7FFFFFFF  }
tec
execute0_lowered:
.L_overlay_start_1:
0x0: {  	(tag) =	ssettag $0x1  }
0x1: {  	s2 =	rddreg [dreg:$0x0]  }
0x2: {  	s3 =	rddreg [dreg:$0x1]  }
0x3: {  	s0 =	rddreg [dreg:$0x2];
	s4 =	stileid.u32;
	[bflag:$0x3] =	sbarrier.arrive $0xFFFF  }
0x4: {  	s1 =	simm.s32 $_size_execute1_lowered;
	s29 =	srdreg.scid;
	p0 =	sne.s32 s4, $0x0  }
0x5: {  	s1 =	sshll.u32 s1, $0x1;
	s5 =	simm.s32 @!p0 $0x1C3F;
	s6 =	simm.s32 @!p0 $0x4060  }
0x6: {  	[timem:s6], [sflag:s5] =	dma.local @!p0 [hbm:s2], s1  }
0x7: {  	s2 =	sshll.u32 s29, $0x6  }
0x8: {  	s4 =	sshll.u32 s4, $0x7;
	s2 =	sand.u32 $0x40, s2  }
0x9: {  	s30 =	simm.s32 $0x2;
	s9 =	simm.s32 $0x0;
	s2 =	sor.u32 s4, s2  }
0xa: {  	s12 =	simm.s32 $0x0;
	s11 =	simm.s32 $0x0;
	s4 =	sshll.u32 s2, $0x4  }
0xb: {  	s10 =	simm.s32 $0x0;
	p1 =	slt.u32 s2, $0x7B0;
	s5 =	sadd.s32 $0xFFFF8500, s4  }
0xc: {  	s6 =	simm.s32 $0x3;
	_ =	strace $0x8000005F;
	s5 =	smov.u32 @p1 s4  }
0xd: {  	s31 =	smax.u32 s2, $0x770;
	s8 =	sadd.s32 s5, s3;
	s5 =	ssub.s32 $0x7B0, s2  }
0xe: {  	s7 =	sshll.u32 s31, $0x9;
	s4 =	simm.s32 $0x1;
	p1 =	sgt.s32 s5, $0x0  }
.Ltmp0:
0xf: {  	s7 =	ssub.s32 $0xF6000, s7;
	s5 =	simm.s32 @!p1 $0x0;
	(pc) =	sbr.rel .LBB2_1-.Ltmp0, $4  }
0x10: {  	s3 =	sadd.s32 $0x9D600, s3;
	[sflag:s4] =	ssyncpa.u1 $0x0;
	s5 =	sand.u32 $0x7F0, s5  }
0x11: {  	s7 =	sshrl.u32 s7, $0x2;
	p1 =	sne.s32 s5, $0x0;
	s5 =	simm.s32 $0x1  }
0x12: {  	s5 =	simm.s32 @!p1 $0x0;
	s6 =	simm.s32 @!p1 $0x2;
	p1 =	sgt.u32 s2, $0x7AF  }
0x13: {  	[sflag:s30] =	ssyncpa.u1 $0x0;
	s8 =	sadd.s32 $0x86200, s8;
	s7 =	simm.s32 @p1 $0x0  }
.LBB2_4:
0x14: {  	_ = 	snop  }
.LBB2_7:
0x15: {  	_ =	sdelay $0x3  }
0x16: {  	[tilespmem:v0+s16+$0x0 ss:$0x1] =	vst.idx.msk @p1 $0xffff, v2  }
0x17: {  	v56 =	vld.idx.msk [tilespmem:v1+s15+$0x0 ss:$0x1], $0xffff;
	s24 =	sor.u32 $0x70, s15;
	[tilespmem:v0+s17+$0x0 ss:$0x1] =	vst.idx.msk @p1 $0xffff, v4  }
0x18: {  	s25 =	sor.u32 $0x10, s15;
	[tilespmem:v0+s18+$0x0 ss:$0x1] =	vst.idx.msk @p1 $0xffff, v3;
	v57 =	vld.idx.msk [tilespmem:v1+s24+$0x0 ss:$0x1], $0xffff  }
0x19: {  	s26 =	sor.u32 $0x20, s15;
	[tilespmem:v0+s19+$0x0 ss:$0x1] =	vst.idx.msk @p1 $0xffff, v5;
	v58 =	vld.idx.msk [tilespmem:v1+s25+$0x0 ss:$0x1], $0xffff  }
0x1a: {  	s28 =	sor.u32 $0x30, s15;
	[tilespmem:v0+s20+$0x0 ss:$0x1] =	vst.idx.msk @p1 $0xffff, v6;
	v59 =	vld.idx.msk [tilespmem:v1+s26+$0x0 ss:$0x1], $0xffff  }
0x1b: {  	s29 =	sor.u32 $0x40, s15;
	[tilespmem:v0+s21+$0x0 ss:$0x1] =	vst.idx.msk @p1 $0xffff, v7;
	v60 =	vld.idx.msk [tilespmem:v1+s28+$0x0 ss:$0x1], $0xffff  }
0x1c: {  	s30 =	sor.u32 $0x50, s15;
	v61 =	vld.idx.msk [tilespmem:v1+s29+$0x0 ss:$0x1], $0xffff;
	[tilespmem:v0+s15+$0x0 ss:$0x1] =	vst.idx.msk $0xffff, v56  }
0x1d: {  	s31 =	sor.u32 $0x60, s15;
	v62 =	vld.idx.msk [tilespmem:v1+s30+$0x0 ss:$0x1], $0xffff;
	[tilespmem:v0+s24+$0x0 ss:$0x1] =	vst.idx.msk $0xffff, v57  }
0x1e: {  	v63 =	vld.idx.msk [tilespmem:v1+s31+$0x0 ss:$0x1], $0xffff;
	[tilespmem:v0+s25+$0x0 ss:$0x1] =	vst.idx.msk $0xffff, v58  }
0x1f: {  	[tilespmem:v0+s26+$0x0 ss:$0x1] =	vst.idx.msk $0xffff, v59  }
0x20: {  	[tilespmem:v0+s28+$0x0 ss:$0x1] =	vst.idx.msk $0xffff, v60  }
0x21: {  	[tilespmem:v0+s29+$0x0 ss:$0x1] =	vst.idx.msk $0xffff, v61  }
0x22: {  	[tilespmem:v0+s30+$0x0 ss:$0x1] =	vst.idx.msk $0xffff, v62  }
0x23: {  	[tilespmem:v0+s31+$0x0 ss:$0x1] =	vst.idx.msk $0xffff, v63  }
.LBB2_8:
0x24: {  	s15 =	sshrl.u32 s11, $0x4  }
0x25: {  	s15 =	smulhi.u32 $0x10A6810B, s15;
	_ =	sdelay $0x1  }
0x26: {  	s15 =	sshrl.u32 s15, $0x3  }
0x27: {  	s15 =	smul.u32 $0x7B0, s15;
	_ =	sdelay $0x1  }
0x28: {  	s15 =	ssub.s32 s11, s15  }
0x29: {  	s15 =	sshll.u32 s15, $0x4  }
0x2a: {  	s15 =	sadd.s32 s3, s15  }
0x2b: {  	[hbm4b:s15+s9] =	stream.linear.scatter [tilespmem:s14], [sflag:$0x2], s13, $0x38;
	[tilespmem:$0x8000] =	vst v63  }
.LBB2_9:
0x2c: {  	p1 =	slt.u32 s10, $0x2  }
0x2d: {  	p2 =	sgt.s32 @!p1 s12, $0x770  }
0x2e: {  	p2 =	por !p2, p1  }
0x2f: {  	p3 =	sgt.s32 @!p1 s12, $0x7AF;
	s12 =	simm.s32 @p2 $0x770  }
0x30: {  	s12 =	sshll.u32 @!p1 s12, $0x9  }
0x31: {  	s12 =	ssub.s32 @!p1 $0xF6000, s12  }
0x32: {  	s10 =	sadd.s32 $0x1, s10;
	p2 =	por !p3, p1;
	s12 =	sshrl.u32 @!p1 s12, $0x2  }
0x33: {  	s12 =	simm.s32 @!p2 $0x0;
	p2 =	sne.s32 s10, s6  }
.Ltmp1:
0x34: {  	_ = 	snop;
	(pc) =	sbr.rel @!p2 .LBB2_10-.Ltmp1, $4  }
0x35: {  	s13 =	simm.s32 @!p1 $0x2  }
0x36: {  	_ =	swait.ge @!p1 [sflag:s13], s12  }
0x37: {  	s14 =	ssub.s32 @!p1 $0x0, s12;
	[sflag:s13] =	ssyncset.done @!p1 $0x0  }
0x38: {  	s12 =	smov.u32 s11;
	s11 =	smov.u32 s2;
	[sflag:s13] =	ssyncadd.s32 @!p1 s14  }
.LBB2_1:
0x39: {  	p1 =	sge.u32 s10, s5  }
0x3a: {  	s31 =	sadd.s32 $0xFFFFFFFF, s10;
	s13 =	simm.s32 @!p1 $0x0;
	s14 =	simm.s32 @!p1 $0x2000  }
0x3b: {  	[tilespmem:s14], [sflag:$0x1] =	stream.linear.gather @!p1 [hbm4b:s8+s13], s7, $0x38;
	[tilespmem:$0x8000] =	vst v63  }
0x3c: {  	p1 =	sge.u32 s31, s5  }
.Ltmp2:
0x3d: {  	_ = 	snop;
	(pc) =	sbr.rel @p1 .LBB2_9-.Ltmp2, $1  }
0x3e: {  	_ =	sdelay $0x3  }
0x3f: {  	p1 =	sgt.s32 s11, $0x770;
	s13 =	smov.u32 s11  }
0x40: {  	s13 =	simm.s32 @!p1 $0x770  }
0x41: {  	s13 =	sshll.u32 s13, $0x9  }
0x42: {  	s13 =	ssub.s32 $0xF6000, s13  }
0x43: {  	p1 =	sgt.u32 s11, $0x7AF;
	s13 =	sshrl.u32 s13, $0x2  }
0x44: {  	s14 =	smov.u32 s11;
	s13 =	simm.s32 @p1 $0x0;
	p1 =	slt.s32 s11, $0x770  }
0x45: {  	s14 =	simm.s32 @!p1 $0x770  }
0x46: {  	s16 =	ssub.s32 s14, s11  }
0x47: {  	p1 =	slt.s32 s16, $0xFFFFFFC1  }
.Ltmp3:
0x48: {  	_ = 	snop;
	(pc) =	sbr.rel @p1 .LBB2_8-.Ltmp3, $4  }
0x49: {  	_ = 	snop  }
0x4a: {  	s15 =	sshll.u32 s10, $0xD;
	_ =	swait.ge [sflag:s4], s13  }
0x4b: {  	s15 =	sand.u32 $0x2000, s15;
	s17 =	ssub.s32 $0x0, s13;
	[sflag:s4] =	ssyncset.done $0x0  }
0x4c: {  	s14 =	sor.u32 $0x4000, s15;
	[sflag:s4] =	ssyncadd.s32 s17  }
0x4d: {  	s16 =	sadd.s32 $0x40, s16  }
0x4e: {  	p2 =	sne.s32 s16, $0x1  }
.Ltmp4:
0x4f: {  	v1 =	vmov s15;
	v0 =	vmov s14;
	(pc) =	sbr.rel @!p2 .LBB2_4-.Ltmp4, $3  }
0x50: {  	_ =	sdelay $0x1  }
0x51: {  	s17 =	simm.s32 $0x0  }
0x52: {  	p1 =	por $0x0, $0x0;
	s15 =	sand.u32 $0x1F80, s17;
	s23 =	sadd.s32 $0xFFFFFFFF, s16  }
0x53: {  	_ =	sdelay $0x3  }
0x54: {  	v6 =	vld.idx.msk [tilespmem:v1+s15+$0x0 ss:$0x1], $0xffff;
	s24 =	sor.u32 $0x70, s15  }
0x55: {  	s16 =	sor.u32 $0x10, s15;
	v8 =	vld.idx.msk [tilespmem:v1+s24+$0x0 ss:$0x1], $0xffff  }
0x56: {  	s17 =	sor.u32 $0x20, s15;
	p2 =	sne.s32 s23, $0x1;
	v2 =	vld.idx.msk [tilespmem:v1+s16+$0x0 ss:$0x1], $0xffff  }
.Ltmp5:
0x57: {  	s18 =	sor.u32 $0x30, s15;
	v4 =	vld.idx.msk [tilespmem:v1+s17+$0x0 ss:$0x1], $0xffff;
	(pc) =	sbr.rel @!p2 .LBB2_7-.Ltmp5, $4  }
0x58: {  	s19 =	sor.u32 $0x40, s15;
	v3 =	vld.idx.msk [tilespmem:v1+s18+$0x0 ss:$0x1], $0xffff  }
0x59: {  	s21 =	sor.u32 $0x60, s15;
	v5 =	vld.idx.msk [tilespmem:v1+s19+$0x0 ss:$0x1], $0xffff  }
0x5a: {  	s20 =	sor.u32 $0x50, s15;
	s22 =	simm.s32 $0x80;
	v7 =	vld.idx.msk [tilespmem:v1+s21+$0x0 ss:$0x1], $0xffff;
	[tilespmem:v0+s15+$0x0 ss:$0x1] =	vst.idx.msk $0xffff, v6  }
0x5b: {  	s23 =	sadd.s32 $0xFFFFFFFF, s23;
	p1 =	por $0x1, $0x1;
	v6 =	vld.idx.msk [tilespmem:v1+s20+$0x0 ss:$0x1], $0xffff;
	s15 =	sand.u32 $0x1F80, s22;
	[tilespmem:v0+s24+$0x0 ss:$0x1] =	vst.idx.msk $0xffff, v8  }
.LBB2_6:
0x5c: {  	p2 =	sne.s32 s23, $0x1;
	v8 =	vld.idx.msk [tilespmem:v1+s15+$0x0 ss:$0x1], $0xffff;
	s24 =	sor.u32 $0x70, s15;
	[tilespmem:v0+s16+$0x0 ss:$0x1] =	vst.idx.msk $0xffff, v2;
	s16 =	sor.u32 $0x10, s15  }
0x5d: {  	s25 =	sor.u32 $0x30, s15;
	s26 =	sor.u32 $0x40, s15;
	v9 =	vld.idx.msk [tilespmem:v1+s24+$0x0 ss:$0x1], $0xffff;
	[tilespmem:v0+s17+$0x0 ss:$0x1] =	vst.idx.msk $0xffff, v4;
	s17 =	sor.u32 $0x20, s15  }
0x5e: {  	s28 =	sor.u32 $0x50, s15;
	s29 =	sor.u32 $0x60, s15;
	v2 =	vld.idx.msk [tilespmem:v1+s16+$0x0 ss:$0x1], $0xffff;
	[tilespmem:v0+s18+$0x0 ss:$0x1] =	vst.idx.msk $0xffff, v3;
	s18 =	smov.u32 s25  }
.Ltmp6:
0x5f: {  	v4 =	vld.idx.msk [tilespmem:v1+s17+$0x0 ss:$0x1], $0xffff;
	[tilespmem:v0+s19+$0x0 ss:$0x1] =	vst.idx.msk $0xffff, v5;
	s19 =	smov.u32 s26;
	(pc) =	sbr.rel @p2 .LBB2_6-.Ltmp6, $4  }
0x60: {  	v3 =	vld.idx.msk [tilespmem:v1+s18+$0x0 ss:$0x1], $0xffff;
	[tilespmem:v0+s20+$0x0 ss:$0x1] =	vst.idx.msk $0xffff, v6;
	s20 =	smov.u32 s28  }
0x61: {  	v5 =	vld.idx.msk [tilespmem:v1+s19+$0x0 ss:$0x1], $0xffff;
	[tilespmem:v0+s21+$0x0 ss:$0x1] =	vst.idx.msk $0xffff, v7;
	s21 =	smov.u32 s29  }
0x62: {  	s22 =	sadd.s32 $0x80, s22;
	[tilespmem:v0+s15+$0x0 ss:$0x1] =	vst.idx.msk $0xffff, v8;
	v6 =	vld.idx.msk [tilespmem:v1+s20+$0x0 ss:$0x1], $0xffff  }
0x63: {  	s23 =	sadd.s32 $0xFFFFFFFF, s23;
	s15 =	sand.u32 $0x1F80, s22;
	v7 =	vld.idx.msk [tilespmem:v1+s21+$0x0 ss:$0x1], $0xffff;
	[tilespmem:v0+s24+$0x0 ss:$0x1] =	vst.idx.msk $0xffff, v9  }
.Ltmp7:
0x64: {  	_ = 	snop;
	(pc) =	sbr.rel .LBB2_7-.Ltmp7, $1  }
0x65: {  	_ =	sdelay $0x3  }
.LBB2_10:
0x66: {  	_ =	sfence.sel $0x180000  }
0x67: {  	s2 =	simm.s32 $0x1;
	[bflag:$0x0] =	sbarrier.arrive $0xFFFF  }
0x68: {  	s31 =	simm.s32 $0x2;
	[sflag:s2] =	ssyncpa.u1 $0x1  }
0x69: {  	[sflag:s31] =	ssyncpa.u1 $0x1  }
0x6a: {  	_ =	strace $0x9000005F  }
0x6b: {  	s0 =	sadd.s32 @!p0 $0x100000, s0;
	[bflag:$0x2] =	sbarrier.arrive $0xFFFF  }
0x6c: {  	[sflag:s0] =	ssyncadd.tile.s32 @!p0 $0x1;
	s0 =	simm.s32 @!p0 $0x3F  }
0x6d: {  	_ =	swait.ge @!p0 [sflag:s0], s1  }
0x6e: {  	s1 =	ssub.s32 @!p0 $0x0, s1;
	[sflag:s0] =	ssyncset.done @!p0 $0x0  }
0x6f: {  	[sflag:s0] =	ssyncadd.s32 @!p0 s1  }
0x70: {  	[bflag:$0x3] =	sbarrier.arrive $0xFFFF  }
0x71: {  	_ =	shalt  }
.Lfunc_end2:
execute1_lowered:
.L_overlay_start_2:
0x72: {  	(tag) =	ssettag $0x2  }
0x73: {  	s15 =	rddreg [dreg:$0x0]  }
0x74: {  	s2 =	rddreg [dreg:$0x1];
	_ =	strace $0x80000062;
	s0 =	simm.s32 $0x1  }
0x75: {  	v0 =	vimm.s32 $0x0;
	[sflag:s0] =	ssyncpa.u1 $0x0;
	s0 =	simm.s32 $0x108  }
0x76: {  	[tilespmem:s0+$0x70] =	vst v0  }
0x77: {  	[tilespmem:s0+$0x60] =	vst v0  }
0x78: {  	[tilespmem:s0+$0x50] =	vst v0  }
0x79: {  	[tilespmem:s0+$0x40] =	vst v0  }
0x7a: {  	s3 =	simm.s32 $0x40;
	[tilespmem:s0+$0x30] =	vst v0  }
0x7b: {  	s1 =	sadd.s32 $0x9D600, s15;
	s6 =	sadd.s32 $0x46200, s15;
	s2 =	sand.u32 $0x1, s2;
	[tilespmem:s0+$0x20] =	vst v0  }
0x7c: {  	s14 =	sadd.s32 $0x25E00, s15;
	[dreg:$0x4] =	wrdreg s2;
	s16 =	sshll.u32 s2, $0x9;
	[tilespmem:s0+$0x10] =	vst v0  }
.LBB3_1:
0x7d: {  	s3 =	sadd.s32 $0x40, s3;
	[tilespmem:s0+$0x0] =	vst v0;
	s0 =	sadd.s32 $0x80, s0  }
0x7e: {  	p0 =	slt.u32 s3, $0x3C40;
	[tilespmem:s0+$0x70] =	vst v0  }
0x7f: {  	[tilespmem:s0+$0x60] =	vst v0  }
.Ltmp8:
0x80: {  	[tilespmem:s0+$0x50] =	vst v0;
	(pc) =	sbr.rel @p0 .LBB3_1-.Ltmp8, $4  }
0x81: {  	[tilespmem:s0+$0x40] =	vst v0  }
0x82: {  	[tilespmem:s0+$0x30] =	vst v0  }
0x83: {  	[tilespmem:s0+$0x20] =	vst v0  }
0x84: {  	[tilespmem:s0+$0x10] =	vst v0  }
0x85: {  	s5 =	stileid.u32  }
0x86: {  	s2 =	smin.u32 s5, $0x2  }
0x87: {  	s2 =	sadd.s32 s5, s2  }
0x88: {  	p0 =	slt.u32 s5, $0x2;
	s7 =	smul.u32 $0xF0, s2;
	s2 =	simm.s32 $0x1E0  }
0x89: {  	s2 =	simm.s32 @!p0 $0xF0  }
0x8a: {  	s2 =	sadd.s32 s2, s7  }
0x8b: {  	s8 =	smin.u32 s2, $0x1000  }
0x8c: {  	s2 =	ssub.s32 s8, s7  }
0x8d: {  	p0 =	sgt.s32 s2, $0x0  }
0x8e: {  	s2 =	simm.s32 @!p0 $0x0  }
0x8f: {  	s30 =	simm.s32 $0x2;
	s10 =	simm.s32 $0x9;
	s3 =	smul.u32 $0x8889, s2  }
0x90: {  	s4 =	simm.s32 $0xA;
	s11 =	simm.s32 $0xB;
	s12 =	simm.s32 $0x1  }
0x91: {  	s14 =	sadd.s32 s16, s14;
	s15 =	sadd.s32 s16, s15;
	s31 =	sshrl.u32 s3, $0x17  }
0x92: {  	s22 =	simm.s32 $0x0;
	s18 =	simm.s32 $0xC;
	s3 =	smul.u32 $0xF0, s31  }
.Ltmp9:
0x93: {  	[tilespmem:s0+$0x0] =	vst v0;
	v0 =	vimm.s32 $0xFFFFFFFF;
	s20 =	simm.s32 $0x0;
	[sflag:s30] =	ssyncpa.u1 $0x0;
	(pc) =	sbr.rel .LBB3_3-.Ltmp9, $4  }
0x94: {  	[tilespmem:$0xF208] =	vst v0;
	[sflag:s10] =	ssyncpa.u1 $0x0;
	p0 =	sne.s32 s2, s3;
	s2 =	simm.s32 $0x1  }
0x95: {  	s21 =	simm.s32 $0x0;
	[sflag:s4] =	ssyncpa.u1 $0x0;
	s2 =	simm.s32 @!p0 $0x0  }
0x96: {  	s16 =	sshll.u32 s5, $0x8;
	[sflag:s11] =	ssyncpa.u1 $0x0;
	s13 =	sadd.s32 s31, s2  }
0x97: {  	v0 =	vlaneseq.u32;
	s19 =	smov.u32 s7;
	p0 =	por $0x0, $0x0;
	s17 =	sadd.s32 $0x1, s13  }
.LBB3_18:
0x98: {  	s0 =	sshrl.u32 s31, $0x2  }
.LBB3_20:
0x99: {  	_ =	swait.ge [sflag:s18], s0  }
0x9a: {  	s31 =	ssub.s32 $0x0, s0;
	v1 =	vmov s25;
	vm0 =	veq.s32 v0, $0x0;
	[sflag:s18] =	ssyncset.done $0x0  }
0x9b: {  	vm15 =	veq.s32 v0, $0x2;
	v1 =	vsel vm0, s30, v1;
	[sflag:s18] =	ssyncadd.s32 s31  }
0x9c: {  	v1 =	vsel vm15, s22, v1;
	[sflag:s18] =	ssyncpa.u1 $0x1  }
0x9d: {  	[tilespmem:$0xF208] =	vst v1  }
.LBB3_21:
0x9e: {  	s0 =	sadd.s32 $0xF0, s19  }
0x9f: {  	s2 =	smov.u32 s7;
	p1 =	slt.s32 s0, s8  }
0xa0: {  	s2 =	smov.u32 @p1 s0;
	p1 =	sne.s32 s21, s17  }
.Ltmp10:
0xa1: {  	_ = 	snop;
	(pc) =	sbr.rel @!p1 .LBB3_22-.Ltmp10, $3  }
0xa2: {  	_ =	sdelay $0x1  }
0xa3: {  	s22 =	smov.u32 s20;
	s31 =	sadd.s32 $0x1, s21;
	s20 =	smov.u32 s19  }
0xa4: {  	p0 =	por !p0, !p0;
	s21 =	smov.u32 s31;
	s19 =	smov.u32 s2  }
.LBB3_3:
0xa5: {  	p1 =	sge.u32 s21, s13  }
0xa6: {  	s0 =	smulhi.u32 @!p1 $0xAAAAAAAB, s21  }
0xa7: {  	s2 =	smov.u32 s19;
	p2 =	sgt.s32 @!p1 s19, $0xF10  }
0xa8: {  	s3 =	sshra.s32 @!p1 s19, $0x1F;
	p2 =	por !p2, p1;
	s0 =	sshrl.u32 @!p1 s0, $0x1  }
0xa9: {  	s3 =	sand.u32 @!p1 s3, s19;
	s2 =	simm.s32 @p2 $0xF10;
	s0 =	smul.u32 @!p1 $0x3, s0  }
0xaa: {  	s2 =	ssub.s32 @!p1 s2, s3  }
0xab: {  	s2 =	sadd.s32 @!p1 $0xFFFFF0F0, s2;
	s0 =	ssub.s32 @!p1 s21, s0  }
0xac: {  	s3 =	sshll.u32 @!p1 s2, $0x2;
	p2 =	sgt.s32 @!p1 s2, $0xEF;
	s0 =	smul.u32 @!p1 $0x3C0, s0  }
0xad: {  	s4 =	sand.u32 @!p1 $0x7, s19;
	s2 =	ssub.s32 @!p1 $0x3C0, s3;
	p2 =	por !p2, p1  }
0xae: {  	s3 =	sshrl.u32 @!p1 s19, $0x3;
	s2 =	sshrl.u32 @!p1 s2, $0x2;
	s0 =	sshrl.u32 @!p1 s0, $0x2  }
0xaf: {  	s3 =	sadd.s32 @!p1 s3, s14;
	s2 =	simm.s32 @!p2 $0x0;
	s0 =	sadd.s32 @!p1 $0x10248, s0  }
0xb0: {  	[tilespmem:s0], [sflag:$0xA] =	stream.linear.gather @!p1 [hbm4b:s3+s4], s2, $0x38;
	[tilespmem:$0x1F6F8] =	vst v63  }
0xb1: {  	s0 =	sadd.s32 $0xFFFFFFFF, s21  }
0xb2: {  	p1 =	sge.u32 s0, s13  }
0xb3: {  	p2 =	sgt.s32 @!p1 s20, $0xF10  }
0xb4: {  	s2 =	smov.u32 s20;
	s3 =	sshra.s32 @!p1 s20, $0x1F;
	p2 =	por !p2, p1  }
0xb5: {  	s3 =	sand.u32 @!p1 s3, s20;
	s2 =	simm.s32 @p2 $0xF10  }
0xb6: {  	s2 =	ssub.s32 @!p1 s2, s3  }
0xb7: {  	s2 =	sadd.s32 @!p1 $0xFFFFF0F0, s2  }
0xb8: {  	s4 =	sand.u32 @!p1 $0x1, s0;
	s3 =	sshll.u32 @!p1 s2, $0x2  }
0xb9: {  	p2 =	sgt.s32 @!p1 s2, $0xEF;
	s2 =	ssub.s32 @!p1 $0x3C0, s3;
	s3 =	smulhi.u32 @!p1 $0xAAAAAAAB, s0  }
0xba: {  	s23 =	smul.u32 @!p1 $0x3C0, s4;
	p2 =	por !p2, p1;
	s2 =	sshrl.u32 @!p1 s2, $0x2  }
0xbb: {  	s5 =	simm.s32 @!p1 $0xA;
	s2 =	simm.s32 @!p2 $0x0;
	s3 =	sshrl.u32 @!p1 s3, $0x1  }
0xbc: {  	s23 =	sshrl.u32 @!p1 s23, $0x2;
	_ =	swait.ge @!p1 [sflag:s5], s2;
	s3 =	smul.u32 @!p1 $0x3, s3  }
0xbd: {  	s23 =	sadd.s32 @!p1 $0x10518, s23;
	s24 =	ssub.s32 @!p1 $0x0, s2;
	[sflag:s5] =	ssyncset.done @!p1 $0x0  }
0xbe: {  	[sflag:s5] =	ssyncadd.s32 @!p1 s24;
	s5 =	sshrl.u32 @!p1 s20, $0x3;
	s0 =	ssub.s32 @!p1 s0, s3  }
0xbf: {  	s24 =	sand.u32 @!p1 $0x7, s20;
	s5 =	sadd.s32 @!p1 s5, s15;
	s0 =	smul.u32 @!p1 $0x3C0, s0  }
0xc0: {  	[tilespmem:s23], [sflag:$0xB] =	stream.linear.gather @!p1 [hbm4b:s5+s24], s2, $0x38;
	[tilespmem:$0x1F6F8] =	vst v63  }
0xc1: {  	s3 =	ssub.s32 @!p1 $0x1000, s20;
	s2 =	smul.u32 @!p1 $0x1E000, s4  }
0xc2: {  	p2 =	slt.s32 @!p1 s3, $0xF0  }
0xc3: {  	p2 =	por !p2, p1;
	s0 =	sshrl.u32 @!p1 s0, $0x2;
	s2 =	sshrl.u32 @!p1 s2, $0x2  }
0xc4: {  	s3 =	simm.s32 @p2 $0xF0;
	s0 =	sadd.s32 @!p1 $0x10248, s0;
	s2 =	sor.u32 @!p1 $0x106F8, s2  }
0xc5: {  	[tilespmem:s2], [sflag:$0x9] =	stream.indirect.gather @!p1 [hbm4b:s6+s3], $0x80, s0, s3, $0xb8;
	[tilespmem:$0x1F6F8] =	vst v63  }
0xc6: {  	p1 =	slt.u32 s21, $0x2  }
.Ltmp11:
0xc7: {  	_ = 	snop;
	(pc) =	sbr.rel @p1 .LBB3_21-.Ltmp11, $1  }
0xc8: {  	_ =	sdelay $0x3  }
0xc9: {  	p1 =	sgt.s32 s22, $0xF10  }
0xca: {  	s0 =	smov.u32 s22;
	s2 =	sshra.s32 s22, $0x1F;
	s3 =	ssub.s32 $0x1000, s22  }
0xcb: {  	s0 =	simm.s32 @!p1 $0xF10;
	s2 =	sand.u32 s2, s22;
	p1 =	slt.s32 s3, $0xF0  }
0xcc: {  	s0 =	ssub.s32 s0, s2;
	s3 =	simm.s32 @!p1 $0xF0  }
0xcd: {  	s0 =	sadd.s32 $0xFFFFF0F0, s0;
	s25 =	sshll.u32 s3, $0x7  }
0xce: {  	s26 =	sshll.u32 s0, $0x2;
	s2 =	sand.u32 $0x3FFFFF80, s25  }
0xcf: {  	p1 =	sgt.s32 s0, $0xEF;
	s29 =	ssub.s32 $0x3C0, s26;
	_ =	swait.ge [sflag:s10], s2  }
0xd0: {  	s2 =	ssub.s32 $0x0, s2;
	[sflag:s10] =	ssyncset.done $0x0;
	s0 =	sshrl.u32 s29, $0x2  }
0xd1: {  	[sflag:s10] =	ssyncadd.s32 s2;
	s0 =	simm.s32 @p1 $0x0  }
0xd2: {  	_ =	swait.ge [sflag:s11], s0  }
0xd3: {  	s0 =	ssub.s32 $0x0, s0;
	[sflag:s11] =	ssyncset.done $0x0  }
0xd4: {  	[sflag:s11] =	ssyncadd.s32 s0  }
0xd5: {  	v1 =	vld [tilespmem:$0xF208];
	_ =	sdelay $0x4  }
0xd6: {  	(v2sf) =	vpush v1, $0x0  }
0xd7: {  	(v2sf) =	vpush v1, $0x1  }
0xd8: {  	(v2sf) =	vpush v1, $0x2;
	_ =	sdelay $0x3  }
0xd9: {  	s0 =	sadd.s32 $0xF0, s22  }
0xda: {  	s2 =	ssub.s32 $0x2000, s22;
	p1 =	slt.s32 s8, s0  }
0xdb: {  	s0 =	smov.u32 @p1 s8;
	p1 =	sgt.s32 s2, $0x0  }
0xdc: {  	s23 =	ssub.s32 s0, s22;
	s2 =	simm.s32 @!p1 $0x0  }
0xdd: {  	p1 =	slt.s32 s2, s23  }
0xde: {  	s23 =	smov.u32 @p1 s2  }
0xdf: {  	s26 =	simm.s32 $0x1;
	p1 =	slt.s32 s23, $0x1  }
.Ltmp12:
0xe0: {  	s26 =	simm.s32 @!p0 $0x0;
	(pc) =	sbr.rel @p1 .LBB3_8-.Ltmp12, $4  }
0xe1: {  	s31 =	smul.u32 $0x3C0, s26  }
0xe2: {  	s28 =	spop (v2sf)  }
0xe3: {  	s0 =	sshrl.u32 s31, $0x2;
	s30 =	spop (v2sf)  }
0xe4: {  	s24 =	sadd.s32 $0x10518, s0;
	s22 =	spop (v2sf)  }
0xe5: {  	s0 =	smin.u32 s23, $0x10  }
0xe6: {  	v1 =	vmov s0  }
0xe7: {  	p2 =	sgt.s32 s23, $0x10;
	vm1 =	vgt.u32 v1, v0  }
.Ltmp13:
0xe8: {  	_ = 	snop;
	(pc) =	sbr.rel @!p2 .LBB3_7-.Ltmp13, $2  }
0xe9: {  	_ =	sdelay $0x2  }
0xea: {  	s4 =	simm.s32 $0x10;
	s25 =	sadd.s32 $0xFFFFFFF0, s23;
	s0 =	smov.u32 s24;
	vm0 =	vmmov vm1  }
.LBB3_6:
0xeb: {  	s2 =	smin.u32 s25, $0x10;
	s4 =	sadd.s32 $0x10, s4;
	v1 =	vld.msk [tilespmem:s0+$0x0 ss:$0x1], vm1  }
0xec: {  	v2 =	vmov s2;
	p2 =	slt.s32 s4, s23  }
0xed: {  	vm1 =	vgt.u32 v2, v0  }
.Ltmp14:
0xee: {  	(pc) =	sbr.rel @p2 .LBB3_6-.Ltmp14, $3  }
0xef: {  	_ =	sdelay $0x1  }
0xf0: {  	v1 =	vshll.u32 v1, $0x4  }
0xf1: {  	s25 =	sadd.s32 $0xFFFFFFF0, s25;
	[tilespmem:s0+$0x0] =	vst.msk vm0, v1;
	s0 =	sadd.s32 $0x10, s0;
	vm0 =	vmmov vm1  }
.LBB3_7:
0xf2: {  	_ =	sdelay $0x4  }
0xf3: {  	v1 =	vld.msk [tilespmem:s0+$0x0 ss:$0x1], vm1;
	_ =	sdelay $0x4  }
0xf4: {  	v1 =	vshll.u32 v1, $0x4  }
0xf5: {  	[tilespmem:s0+$0x0] =	vst.msk vm0, v1  }
.LBB3_8:
0xf6: {  	s0 =	sand.u32 $0x1, s21  }
0xf7: {  	s0 =	smul.u32 $0xF0, s0  }
0xf8: {  	p2 =	sne.s32 s30, $0xFFFFFFFF  }
0xf9: {  	v1 =	vld.msk @!p2 [tilespmem:s0+$0x10518], $0x1;
	_ =	sdelay $0x4  }
0xfa: {  	(v2sf) =	vpush @!p2 v1, $0x0;
	_ =	sdelay $0xc  }
.Ltmp15:
0xfb: {  	_ = 	snop;
	(pc) =	sbr.rel @p1 .LBB3_19-.Ltmp15, $4  }
0xfc: {  	_ = 	snop  }
0xfd: {  	s29 =	spop @!p2 (v2sf)  }
0xfe: {  	s22 =	simm.s32 @!p2 $0x0;
	s25 =	smov.u32 s29  }
0xff: {  	[sflag:s18] =	ssyncpa.u1 $0x0;
	s29 =	smov.u32 @p2 s28;
	s25 =	smov.u32 @p2 s30  }
0x100: {  	v1 =	vld.msk [tilespmem:s24+$0x0], $0x1;
	_ =	sdelay $0x4  }
0x101: {  	(v2sf) =	vpush v1, $0x0;
	_ =	sdelay $0xe  }
0x102: {  	s2 =	smul.u32 $0x1E000, s26;
	s0 =	spop (v2sf)  }
0x103: {  	p1 =	seq.s32 s29, s0  }
0x104: {  	s30 =	sadd.s32 $0xFFFFFFFF, s23;
	s2 =	sshrl.u32 s2, $0x2;
	p2 =	sgt.s32 @!p1 s29, $0x0  }
0x105: {  	s26 =	sor.u32 $0x10738, s2;
	s2 =	smov.u32 s29;
	p2 =	por !p2, p1  }
0x106: {  	s2 =	simm.s32 @p2 $0x0;
	p2 =	sne.s32 s30, $0x0  }
.Ltmp16:
0x107: {  	_ = 	snop;
	(pc) =	sbr.rel @!p2 .LBB3_11-.Ltmp16, $4  }
0x108: {  	_ = 	snop  }
0x109: {  	s28 =	simm.s32 $0x0;
	s31 =	sadd.s32 $0x1, s24;
	s2 =	smin.u32 @!p1 s2, $0x7AF0  }
0x10a: {  	s4 =	simm.s32 @!p1 $0x1;
	s5 =	simm.s32 @!p1 $0x7988;
	s3 =	sand.u32 @!p1 $0x7FF8, s2  }
0x10b: {  	s4 =	smov.u32 @p1 s28;
	s2 =	sand.u32 @!p1 $0x7, s2;
	s3 =	sadd.s32 @!p1 s1, s3  }
.LBB3_10:
0x10c: {  	s9 =	smov.u32 s4  }
0x10d: {  	[tilespmem:s5], [sflag:$0x2] =	stream.linear.gather @!p1 [hbm4b:s3+s2], $0x80, $0x38;
	[tilespmem:$0x1F6F8] =	vst v63  }
0x10e: {  	s30 =	sadd.s32 $0xFFFFFFFF, s30;
	s2 =	smov.u32 s0;
	v1 =	vld.msk [tilespmem:s31+$0x0], $0x1  }
0x10f: {  	p2 =	sne.s32 s30, $0x0;
	_ =	sdelay $0x3  }
0x110: {  	(v2sf) =	vpush v1, $0x0;
	_ =	sdelay $0xe  }
0x111: {  	s0 =	spop (v2sf)  }
0x112: {  	p1 =	seq.s32 s2, s0  }
0x113: {  	p3 =	sgt.s32 @!p1 s2, $0x0;
	s3 =	sshll.u32 @!p1 s4, $0x9;
	s4 =	sadd.s32 @!p1 $0x1, s4  }
.Ltmp17:
0x114: {  	p3 =	por !p3, p1;
	s3 =	sshra.s32 @!p1 s3, $0x2;
	(pc) =	sbr.rel @p2 .LBB3_10-.Ltmp17, $4  }
0x115: {  	s4 =	smov.u32 @p1 s9;
	s2 =	simm.s32 @p3 $0x0;
	s5 =	sadd.s32 @!p1 $0x7988, s3  }
0x116: {  	s2 =	smin.u32 @!p1 s2, $0x7AF0  }
0x117: {  	s3 =	sand.u32 @!p1 $0x7FF8, s2;
	s2 =	sand.u32 @!p1 $0x7, s2  }
0x118: {  	s31 =	sadd.s32 $0x1, s31;
	s3 =	sadd.s32 @!p1 s1, s3  }
.LBB3_11:
0x119: {  	[tilespmem:s5], [sflag:$0x2] =	stream.linear.gather @!p1 [hbm4b:s3+s2], $0x80, $0x38;
	[tilespmem:$0x1F6F8] =	vst v63  }
.Ltmp18:
0x11a: {  	s0 =	sshll.u32 s4, $0x7;
	(pc) =	sbr.rel .LBB3_12-.Ltmp18, $4  }
0x11b: {  	s30 =	simm.s32 $0x2;
	s0 =	sand.u32 $0x3FFFFF80, s0  }
0x11c: {  	_ =	swait.ge [sflag:s30], s0  }
0x11d: {  	s0 =	ssub.s32 $0x0, s0;
	[sflag:s30] =	ssyncset.done $0x0  }
0x11e: {  	s31 =	simm.s32 $0x0;
	[sflag:s30] =	ssyncadd.s32 s0  }
.LBB3_13:
0x11f: {  	v1 =	vld [tilespmem:s26+$0xFFFFFFC0];
	_ =	sdelay $0x3  }
0x120: {  	s0 =	sshra.s32 s0, $0x2  }
0x121: {  	[tilespmem:s0+$0x108] =	vst.add.f32.msk $0xffff, v1  }
0x122: {  	v1 =	vld [tilespmem:s26+$0xFFFFFFD0];
	_ =	sdelay $0x4  }
0x123: {  	[tilespmem:s0+$0x118] =	vst.add.f32.msk $0xffff, v1  }
0x124: {  	v1 =	vld [tilespmem:s26+$0xFFFFFFE0];
	_ =	sdelay $0x4  }
0x125: {  	[tilespmem:s0+$0x128] =	vst.add.f32.msk $0xffff, v1  }
0x126: {  	v1 =	vld [tilespmem:s26+$0xFFFFFFF0];
	_ =	sdelay $0x4  }
0x127: {  	[tilespmem:s0+$0x138] =	vst.add.f32.msk $0xffff, v1  }
0x128: {  	v1 =	vld [tilespmem:s26+$0x0];
	_ =	sdelay $0x4  }
0x129: {  	[tilespmem:s0+$0x148] =	vst.add.f32.msk $0xffff, v1  }
0x12a: {  	v1 =	vld [tilespmem:s26+$0x10];
	_ =	sdelay $0x4  }
0x12b: {  	[tilespmem:s0+$0x158] =	vst.add.f32.msk $0xffff, v1  }
0x12c: {  	v1 =	vld [tilespmem:s26+$0x20];
	_ =	sdelay $0x4  }
0x12d: {  	[tilespmem:s0+$0x168] =	vst.add.f32.msk $0xffff, v1  }
0x12e: {  	v1 =	vld [tilespmem:s26+$0x30];
	_ =	sdelay $0x4  }
0x12f: {  	[tilespmem:s0+$0x178] =	vst.add.f32.msk $0xffff, v1  }
.LBB3_17:
0x130: {  	s23 =	sadd.s32 $0xFFFFFFFF, s23  }
0x131: {  	p1 =	sne.s32 s23, $0x0  }
.Ltmp19:
0x132: {  	_ = 	snop;
	(pc) =	sbr.rel @!p1 .LBB3_18-.Ltmp19, $2  }
0x133: {  	_ =	sdelay $0x2  }
0x134: {  	s24 =	sadd.s32 $0x1, s24;
	s26 =	sadd.s32 $0x80, s26;
	s29 =	smov.u32 s30  }
.LBB3_12:
0x135: {  	v1 =	vld.msk [tilespmem:s24+$0x0], $0x1;
	_ =	sdelay $0x4  }
0x136: {  	(v2sf) =	vpush v1, $0x0;
	_ =	sdelay $0xe  }
0x137: {  	s30 =	spop (v2sf)  }
0x138: {  	p1 =	sne.s32 s29, s30  }
.Ltmp20:
0x139: {  	_ = 	snop;
	(pc) =	sbr.rel @!p1 .LBB3_13-.Ltmp20, $2  }
0x13a: {  	_ =	sdelay $0x2  }
0x13b: {  	s0 =	sshll.u32 s22, $0x9  }
0x13c: {  	p1 =	seq.s32 s29, s25  }
.Ltmp21:
0x13d: {  	_ = 	snop;
	(pc) =	sbr.rel @!p1 .LBB3_15-.Ltmp21, $1  }
0x13e: {  	_ =	sdelay $0x3  }
0x13f: {  	s0 =	sshra.s32 s0, $0x2  }
.Ltmp22:
0x140: {  	s0 =	sadd.s32 $0x108, s0;
	(pc) =	sbr.rel .LBB3_16-.Ltmp22, $4  }
0x141: {  	[spmem:s16] =	stream.linear.scatter [tilespmem:s0], [sflag:$0x1], $0x80, $0x38;
	[tilespmem:$0x1F6F8] =	vst v63  }
0x142: {  	_ =	swait.ge [sflag:s12], $0x80  }
0x143: {  	[sflag:s12] =	ssyncset.done $0x0  }
0x144: {  	[sflag:s12] =	ssyncadd.s32 $0xFFFFFF80  }
.LBB3_15:
0x145: {  	s2 =	sshll.u32 s28, $0x9  }
0x146: {  	s2 =	sshra.s32 s2, $0x2  }
0x147: {  	v1 =	vld [tilespmem:s2+$0x7988];
	_ =	sdelay $0x3  }
0x148: {  	s0 =	sshra.s32 s0, $0x2  }
0x149: {  	[tilespmem:s0+$0x108] =	vst.add.f32.msk $0xffff, v1  }
0x14a: {  	v1 =	vld [tilespmem:s2+$0x7998];
	_ =	sdelay $0x4  }
0x14b: {  	[tilespmem:s0+$0x118] =	vst.add.f32.msk $0xffff, v1  }
0x14c: {  	v1 =	vld [tilespmem:s2+$0x79A8];
	_ =	sdelay $0x4  }
0x14d: {  	[tilespmem:s0+$0x128] =	vst.add.f32.msk $0xffff, v1  }
0x14e: {  	v1 =	vld [tilespmem:s2+$0x79B8];
	_ =	sdelay $0x4  }
0x14f: {  	[tilespmem:s0+$0x138] =	vst.add.f32.msk $0xffff, v1  }
0x150: {  	v1 =	vld [tilespmem:s2+$0x79C8];
	_ =	sdelay $0x4  }
0x151: {  	[tilespmem:s0+$0x148] =	vst.add.f32.msk $0xffff, v1  }
0x152: {  	v1 =	vld [tilespmem:s2+$0x79D8];
	_ =	sdelay $0x4  }
0x153: {  	[tilespmem:s0+$0x158] =	vst.add.f32.msk $0xffff, v1  }
0x154: {  	v1 =	vld [tilespmem:s2+$0x79E8];
	_ =	sdelay $0x4  }
0x155: {  	[tilespmem:s0+$0x168] =	vst.add.f32.msk $0xffff, v1  }
0x156: {  	v1 =	vld [tilespmem:s2+$0x79F8];
	_ =	sdelay $0x2  }
0x157: {  	p1 =	sgt.u32 s29, $0x7AF0  }
0x158: {  	s2 =	sand.u32 @!p1 $0x7FF8, s29  }
0x159: {  	s3 =	sadd.s32 $0x108, s0;
	[tilespmem:s0+$0x178] =	vst.add.f32.msk $0xffff, v1;
	s0 =	sadd.s32 @!p1 s1, s2;
	s2 =	sand.u32 @!p1 $0x7, s29  }
0x15a: {  	[hbm4b:s0+s2] =	stream.linear.scatter @!p1 [tilespmem:s3], [sflag:$0xC], $0x80, $0x38;
	[tilespmem:$0x1F6F8] =	vst v63  }
0x15b: {  	s0 =	simm.s32 $0x0  }
0x15c: {  	s0 =	simm.s32 @!p1 $0x200  }
0x15d: {  	s31 =	sadd.s32 s0, s31  }
.LBB3_16:
0x15e: {  	s0 =	sadd.s32 $0x1, s22  }
0x15f: {  	s2 =	smulhi.u32 $0x88888889, s0;
	_ =	sdelay $0x1  }
0x160: {  	v1 =	vld [tilespmem:s26+$0xFFFFFFC0];
	s2 =	sshrl.u32 s2, $0x7  }
0x161: {  	s2 =	smul.u32 $0xF0, s2;
	_ =	sdelay $0x1  }
0x162: {  	s22 =	ssub.s32 s0, s2  }
0x163: {  	s0 =	sshll.u32 s22, $0x7  }
0x164: {  	[tilespmem:s0+$0x108] =	vst v1  }
0x165: {  	v1 =	vld [tilespmem:s26+$0xFFFFFFD0];
	_ =	sdelay $0x4  }
0x166: {  	[tilespmem:s0+$0x118] =	vst v1  }
0x167: {  	v1 =	vld [tilespmem:s26+$0xFFFFFFE0];
	_ =	sdelay $0x4  }
0x168: {  	[tilespmem:s0+$0x128] =	vst v1  }
0x169: {  	v1 =	vld [tilespmem:s26+$0xFFFFFFF0];
	_ =	sdelay $0x4  }
0x16a: {  	[tilespmem:s0+$0x138] =	vst v1  }
0x16b: {  	v1 =	vld [tilespmem:s26+$0x0];
	_ =	sdelay $0x4  }
0x16c: {  	[tilespmem:s0+$0x148] =	vst v1  }
0x16d: {  	v1 =	vld [tilespmem:s26+$0x10];
	_ =	sdelay $0x4  }
0x16e: {  	[tilespmem:s0+$0x158] =	vst v1  }
0x16f: {  	v1 =	vld [tilespmem:s26+$0x20];
	_ =	sdelay $0x4  }
0x170: {  	[tilespmem:s0+$0x168] =	vst v1  }
0x171: {  	v1 =	vld [tilespmem:s26+$0x30]  }
.Ltmp23:
0x172: {  	_ = 	snop;
	(pc) =	sbr.rel .LBB3_17-.Ltmp23, $2  }
0x173: {  	_ =	sdelay $0x2  }
0x174: {  	s28 =	sadd.s32 $0x1, s28;
	[tilespmem:s0+$0x178] =	vst v1  }
.LBB3_19:
.Ltmp24:
0x175: {  	(pc) =	sbr.rel .LBB3_20-.Ltmp24, $4  }
0x176: {  	_ = 	snop  }
0x177: {  	s0 =	simm.s32 $0x2  }
0x178: {  	_ =	swait.ge [sflag:s0], $0x0  }
0x179: {  	s30 =	smov.u32 s29;
	[sflag:s0] =	ssyncset.done $0x0;
	s0 =	simm.s32 $0x0  }
.LBB3_22:
0x17a: {  	_ =	sfence.sel $0x180000  }
0x17b: {  	s0 =	simm.s32 $0x9;
	[bflag:$0x0] =	sbarrier.arrive $0xFFFF  }
0x17c: {  	s24 =	simm.s32 $0xA;
	[sflag:s0] =	ssyncpa.u1 $0x1  }
0x17d: {  	s25 =	simm.s32 $0xB;
	[sflag:s24] =	ssyncpa.u1 $0x1  }
0x17e: {  	s26 =	simm.s32 $0x2;
	[sflag:s25] =	ssyncpa.u1 $0x1  }
0x17f: {  	[sflag:s26] =	ssyncpa.u1 $0x1  }
0x180: {  	v0 =	vld [tilespmem:$0xF208];
	_ =	sdelay $0x4  }
0x181: {  	(v2sf) =	vpush v0, $0x0  }
0x182: {  	(v2sf) =	vpush v0, $0x1;
	_ =	sdelay $0x1  }
0x183: {  	(v2sf) =	vpush v0, $0x2;
	_ =	sdelay $0xb  }
0x184: {  	s0 =	spop (v2sf)  }
0x185: {  	s2 =	spop (v2sf)  }
0x186: {  	s3 =	smov.u32 s0;
	p0 =	sne.s32 s0, s2  }
0x187: {  	s4 =	spop (v2sf);
	s3 =	simm.s32 @!p0 $0xFFFFFFFF  }
0x188: {  	v2 =	vimm.s32 $0x1;
	v3 =	vlaneseq.u32;
	p0 =	seq.s32 s4, $0xFFFFFFFF;
	v1 =	vmov s3  }
0x189: {  	s16 =	stileid.u32;
	v0 =	vperm.xlane v0, v2;
	p1 =	sne.s32 @!p0 s0, s2;
	v1 =	vperm.xlane v1, v3  }
0x18a: {  	vm0 =	vcmask $0x3F04;
	s6 =	simm.s32 $0xF208;
	s0 =	simm.s32 @!p0 $0x1;
	p1 =	por !p1, p0  }
0x18b: {  	s3 =	sshll.u32 s16, $0x1;
	s2 =	sshll.u32 @!p0 s4, $0x9;
	s0 =	simm.s32 @p1 $0x0;
	v0 =	vsel vm0, v1, v0  }
0x18c: {  	s5 =	sor.u32 $0x1000, s3;
	s2 =	sshra.s32 @!p0 s2, $0x2;
	s0 =	sor.u32 @!p0 s0, s3;
	[tilespmem:$0xF208] =	vst v0  }
0x18d: {  	[spmem:s5] =	stream.linear.scatter [tilespmem:s6], [sflag:$0x1], $0x2, $0x38;
	[tilespmem:$0x1F6F8] =	vst v63  }
0x18e: {  	s2 =	sadd.s32 @!p0 $0x108, s2;
	s0 =	sshll.u32 @!p0 s0, $0x7  }
0x18f: {  	[spmem:s0] =	stream.linear.scatter @!p0 [tilespmem:s2], [sflag:$0x1], $0x80, $0x38;
	[tilespmem:$0x1F6F8] =	vst v63  }
0x190: {  	s0 =	simm.s32 @!p0 $0x82  }
0x191: {  	s28 =	simm.s32 $0x1;
	s0 =	simm.s32 @p0 $0x2  }
0x192: {  	_ =	swait.ge [sflag:s28], s0  }
0x193: {  	s0 =	ssub.s32 $0x0, s0;
	[sflag:s28] =	ssyncset.done $0x0  }
0x194: {  	p0 =	sne.s32 s16, $0x0;
	[sflag:s28] =	ssyncadd.s32 s0  }
.Ltmp25:
0x195: {  	_ =	sfence.stream.spmem;
	(pc) =	sbr.rel @p0 .LBB3_39-.Ltmp25, $4  }
0x196: {  	s29 =	simm.s32 $0x3;
	[bflag:$0x0] =	sbarrier.arrive $0xFFFF  }
0x197: {  	s30 =	simm.s32 $0x4;
	[sflag:s29] =	ssyncpa.u1 $0x1  }
0x198: {  	s31 =	simm.s32 $0x3C;
	[sflag:s30] =	ssyncpa.u1 $0x1  }
0x199: {  	s15 =	rddreg [dreg:$0x4];
	[sflag:s31] =	ssyncpa.u1 $0x1  }
0x19a: {  	_ =	sfence.stream.spmem;
	s0 =	simm.s32 $0x5  }
0x19b: {  	s2 =	simm.s32 $0x1000;
	s3 =	simm.s32 $0xF218;
	[sflag:s0] =	ssyncpa.u1 $0x0  }
0x19c: {  	[tilespmem:s3], [sflag:$0x5] =	stream.linear.gather [spmem:s2], $0x20, $0x38;
	[tilespmem:$0x1F6F8] =	vst v63  }
0x19d: {  	s26 =	simm.s32 $0x0;
	s28 =	simm.s32 $0xF238  }
0x19e: {  	[tilespmem:s28], [sflag:$0x5] =	stream.linear.gather [spmem:s26], $0x1000, $0x38;
	[tilespmem:$0x1F6F8] =	vst v63  }
0x19f: {  	_ =	swait.ge [sflag:s0], $0x1020  }
0x1a0: {  	[sflag:s0] =	ssyncset.done $0x0  }
0x1a1: {  	s29 =	simm.s32 $0x0;
	[sflag:s0] =	ssyncadd.s32 $0xFFFFEFE0  }
0x1a2: {  	v0 =	vld.msk [tilespmem:s29+$0xF218], $0x1;
	_ =	sdelay $0x1  }
0x1a3: {  	s30 =	simm.s32 $0x1  }
0x1a4: {  	v1 =	vld.msk [tilespmem:s30+$0xF218], $0x1;
	_ =	sdelay $0x1  }
0x1a5: {  	(v2sf) =	vpush v0, $0x0;
	_ =	sdelay $0x2  }
0x1a6: {  	(v2sf) =	vpush v1, $0x0;
	_ =	sdelay $0x2  }
0x1a7: {  	s31 =	simm.s32 $0x2  }
0x1a8: {  	v0 =	vld.msk [tilespmem:s31+$0xF218], $0x1;
	_ =	sdelay $0x2  }
0x1a9: {  	s4 =	simm.s32 $0xFFFFFFFF;
	s5 =	simm.s32 $0xFFFFFFFF;
	s0 =	simm.s32 $0xC  }
.LBB3_24:
0x1aa: {  	s2 =	smov.u32 s5;
	s3 =	smov.u32 s4  }
0x1ab: {  	s4 =	sshra.s32 s0, $0x2;
	p1 =	sne.s32 s0, $0x7C;
	s0 =	sadd.s32 $0x4, s0;
	(v2sf) =	vpush v0, $0x0  }
0x1ac: {  	v0 =	vld.msk [tilespmem:s4+$0xF218], $0x1  }
.Ltmp26:
0x1ad: {  	(pc) =	sbr.rel @p1 .LBB3_24-.Ltmp26, $4  }
0x1ae: {  	s5 =	spop (v2sf)  }
0x1af: {  	p2 =	sne.s32 s3, $0xFFFFFFFF;
	s4 =	smov.u32 s5  }
0x1b0: {  	p3 =	seq.s32 s5, $0xFFFFFFFF;
	s4 =	smov.u32 @p2 s3  }
0x1b1: {  	s5 =	smov.u32 @p3 s2;
	s4 =	smov.u32 @p3 s3  }
0x1b2: {  	(v2sf) =	vpush v0, $0x0;
	_ =	sdelay $0x8  }
0x1b3: {  	s0 =	spop (v2sf)  }
0x1b4: {  	p1 =	sne.s32 s4, $0xFFFFFFFF;
	s2 =	smov.u32 s0  }
0x1b5: {  	s9 =	simm.s32 $0x6;
	p2 =	seq.s32 s0, $0xFFFFFFFF;
	s2 =	smov.u32 @p1 s4  }
0x1b6: {  	s6 =	simm.s32 $0x0;
	s2 =	smov.u32 @p2 s4;
	s3 =	spop (v2sf)  }
0x1b7: {  	s0 =	smov.u32 @p2 s5;
	p1 =	sne.s32 s2, $0xFFFFFFFF;
	s4 =	smov.u32 s3  }
.Ltmp27:
0x1b8: {  	p2 =	seq.s32 s3, $0xFFFFFFFF;
	s4 =	smov.u32 @p1 s2;
	(pc) =	sbr.rel .LBB3_26-.Ltmp27, $4  }
0x1b9: {  	s10 =	simm.s32 $0xF188;
	s4 =	smov.u32 @p2 s2;
	s7 =	spop (v2sf)  }
0x1ba: {  	s11 =	simm.s32 $0x0;
	p1 =	sne.s32 s4, $0xFFFFFFFF;
	s8 =	smov.u32 s7  }
0x1bb: {  	s3 =	smov.u32 @p2 s0;
	p2 =	seq.s32 s7, $0xFFFFFFFF;
	s8 =	smov.u32 @p1 s4  }
0x1bc: {  	[sflag:s9] =	ssyncpa.u1 $0x0;
	s7 =	smov.u32 @p2 s3;
	s8 =	smov.u32 @p2 s4  }
.LBB3_32:
0x1bd: {  	p1 =	sgt.u32 s12, $0x7AF0  }
0x1be: {  	p2 =	seq.s32 @!p1 s12, s8  }
0x1bf: {  	p1 =	por p1, p2  }
0x1c0: {  	p2 =	sne.s32 @!p1 s12, s7  }
0x1c1: {  	p1 =	por p1, !p2  }
0x1c2: {  	s0 =	sshll.u32 @p1 s11, $0x9  }
0x1c3: {  	s0 =	sand.u32 @!p1 $0x7FF8, s12  }
0x1c4: {  	s2 =	sand.u32 @!p1 $0x7, s12;
	s0 =	sadd.s32 @!p1 s1, s0  }
0x1c5: {  	[tilespmem:s10], [sflag:$0x6] =	stream.linear.gather @!p1 [hbm4b:s0+s2], $0x80, $0x38;
	[tilespmem:$0x1F6F8] =	vst v63  }
0x1c6: {  	_ =	swait.ge @!p1 [sflag:s9], $0x80  }
0x1c7: {  	[sflag:s9] =	ssyncset.done @!p1 $0x0  }
0x1c8: {  	[sflag:s9] =	ssyncadd.s32 @!p1 $0xFFFFFF80  }
0x1c9: {  	v1 =	vld @!p1 [tilespmem:$0xF188];
	_ =	sdelay $0x2  }
0x1ca: {  	s0 =	sshll.u32 @!p1 s11, $0x9  }
0x1cb: {  	s2 =	sshrl.u32 @!p1 s0, $0x2  }
0x1cc: {  	[tilespmem:s2+$0xF238] =	vst.add.f32.msk @!p1 $0xffff, v1  }
0x1cd: {  	v1 =	vld @!p1 [tilespmem:$0xF198];
	_ =	sdelay $0x4  }
0x1ce: {  	[tilespmem:s2+$0xF248] =	vst.add.f32.msk @!p1 $0xffff, v1  }
0x1cf: {  	v1 =	vld @!p1 [tilespmem:$0xF1A8];
	_ =	sdelay $0x4  }
0x1d0: {  	[tilespmem:s2+$0xF258] =	vst.add.f32.msk @!p1 $0xffff, v1  }
0x1d1: {  	v1 =	vld @!p1 [tilespmem:$0xF1B8];
	_ =	sdelay $0x4  }
0x1d2: {  	[tilespmem:s2+$0xF268] =	vst.add.f32.msk @!p1 $0xffff, v1  }
0x1d3: {  	v1 =	vld @!p1 [tilespmem:$0xF1C8];
	_ =	sdelay $0x4  }
0x1d4: {  	[tilespmem:s2+$0xF278] =	vst.add.f32.msk @!p1 $0xffff, v1  }
0x1d5: {  	v1 =	vld @!p1 [tilespmem:$0xF1D8];
	_ =	sdelay $0x4  }
0x1d6: {  	[tilespmem:s2+$0xF288] =	vst.add.f32.msk @!p1 $0xffff, v1  }
0x1d7: {  	v1 =	vld @!p1 [tilespmem:$0xF1E8];
	_ =	sdelay $0x4  }
0x1d8: {  	[tilespmem:s2+$0xF298] =	vst.add.f32.msk @!p1 $0xffff, v1  }
0x1d9: {  	v1 =	vld @!p1 [tilespmem:$0xF1F8];
	_ =	sdelay $0x4  }
0x1da: {  	[tilespmem:s2+$0xF2A8] =	vst.add.f32.msk @!p1 $0xffff, v1  }
0x1db: {  	s0 =	sshrl.u32 s0, $0x2;
	[tilespmem:s6+$0xF218] =	vst.msk $0x1, v0  }
0x1dc: {  	v0 =	vld [tilespmem:s0+$0xF238];
	_ =	sdelay $0x2  }
0x1dd: {  	s31 =	sshll.u32 s6, $0x9  }
0x1de: {  	s2 =	sshra.s32 s31, $0x2  }
0x1df: {  	[tilespmem:s2+$0xF238] =	vst v0  }
0x1e0: {  	v0 =	vld [tilespmem:s0+$0xF248];
	_ =	sdelay $0x4  }
0x1e1: {  	[tilespmem:s2+$0xF248] =	vst v0  }
0x1e2: {  	v0 =	vld [tilespmem:s0+$0xF258];
	_ =	sdelay $0x4  }
0x1e3: {  	[tilespmem:s2+$0xF258] =	vst v0  }
0x1e4: {  	v0 =	vld [tilespmem:s0+$0xF268];
	_ =	sdelay $0x4  }
0x1e5: {  	[tilespmem:s2+$0xF268] =	vst v0  }
0x1e6: {  	v0 =	vld [tilespmem:s0+$0xF278];
	_ =	sdelay $0x4  }
0x1e7: {  	[tilespmem:s2+$0xF278] =	vst v0  }
0x1e8: {  	v0 =	vld [tilespmem:s0+$0xF288];
	_ =	sdelay $0x4  }
0x1e9: {  	[tilespmem:s2+$0xF288] =	vst v0  }
0x1ea: {  	v0 =	vld [tilespmem:s0+$0xF298];
	_ =	sdelay $0x4  }
0x1eb: {  	[tilespmem:s2+$0xF298] =	vst v0  }
0x1ec: {  	v0 =	vld [tilespmem:s0+$0xF2A8];
	_ =	sdelay $0x4  }
0x1ed: {  	s6 =	sadd.s32 $0x1, s6;
	[tilespmem:s2+$0xF2A8] =	vst v0  }
.LBB3_33:
0x1ee: {  	s11 =	sadd.s32 $0x1, s11  }
0x1ef: {  	p1 =	sne.s32 s11, $0x20  }
.Ltmp28:
0x1f0: {  	_ = 	snop;
	(pc) =	sbr.rel @!p1 .LBB3_34-.Ltmp28, $1  }
0x1f1: {  	_ =	sdelay $0x3  }
.LBB3_26:
0x1f2: {  	v0 =	vld.msk [tilespmem:s11+$0xF218], $0x1;
	_ =	sdelay $0x4  }
0x1f3: {  	(v2sf) =	vpush v0, $0x0;
	_ =	sdelay $0xe  }
0x1f4: {  	s12 =	spop (v2sf)  }
0x1f5: {  	p1 =	seq.s32 s12, $0xFFFFFFFF  }
.Ltmp29:
0x1f6: {  	_ = 	snop;
	(pc) =	sbr.rel @p1 .LBB3_33-.Ltmp29, $1  }
0x1f7: {  	_ =	sdelay $0x3  }
0x1f8: {  	p1 =	slt.s32 s6, $0x1  }
.Ltmp30:
0x1f9: {  	_ = 	snop;
	(pc) =	sbr.rel @p1 .LBB3_32-.Ltmp30, $1  }
0x1fa: {  	_ =	sdelay $0x3  }
0x1fb: {  	s13 =	simm.s32 $0xF218;
	p1 =	por $0x0, $0x0  }
0x1fc: {  	v1 =	vld.msk @!p1 [tilespmem:s13+$0x0], $0x1;
	_ =	sdelay $0x4  }
0x1fd: {  	(v2sf) =	vpush @!p1 v1, $0x0;
	_ =	sdelay $0xd  }
0x1fe: {  	p3 =	sne.s32 s6, $0x1  }
.Ltmp31:
0x1ff: {  	s0 =	spop @!p1 (v2sf);
	(pc) =	sbr.rel @!p3 .LBB3_30-.Ltmp31, $4  }
0x200: {  	p2 =	seq.s32 @!p1 s12, s0  }
0x201: {  	s14 =	simm.s32 $0x0;
	p2 =	por !p2, p1  }
0x202: {  	s2 =	simm.s32 $0xFFFFFFFF;
	s14 =	simm.s32 @p2 $0xFFFFFFFF  }
0x203: {  	s0 =	simm.s32 $0x1;
	s14 =	smov.u32 @p1 s2  }
.LBB3_29:
0x204: {  	s2 =	smov.u32 s14;
	p1 =	sne.s32 s14, $0xFFFFFFFF  }
0x205: {  	s13 =	sadd.s32 $0x1, s13;
	s14 =	smov.u32 s0;
	s0 =	sadd.s32 $0x1, s0  }
0x206: {  	p2 =	sne.s32 s6, s0;
	v1 =	vld.msk @!p1 [tilespmem:s13+$0x0], $0x1;
	_ =	sdelay $0x4  }
0x207: {  	(v2sf) =	vpush @!p1 v1, $0x0;
	_ =	sdelay $0xe  }
.Ltmp32:
0x208: {  	s3 =	spop @!p1 (v2sf);
	(pc) =	sbr.rel @p2 .LBB3_29-.Ltmp32, $4  }
0x209: {  	p3 =	seq.s32 @!p1 s12, s3  }
0x20a: {  	p3 =	por !p3, p1  }
0x20b: {  	s14 =	simm.s32 @p3 $0xFFFFFFFF  }
0x20c: {  	s14 =	smov.u32 @p1 s2  }
.LBB3_30:
0x20d: {  	p1 =	seq.s32 s14, $0xFFFFFFFF  }
.Ltmp33:
0x20e: {  	_ = 	snop;
	(pc) =	sbr.rel @p1 .LBB3_32-.Ltmp33, $1  }
0x20f: {  	_ =	sdelay $0x3  }
0x210: {  	s0 =	sshll.u32 s11, $0x7  }
0x211: {  	s0 =	sand.u32 $0x3FFFFF80, s0  }
0x212: {  	v0 =	vld [tilespmem:s0+$0xF238];
	_ =	sdelay $0x2  }
0x213: {  	s2 =	sshll.u32 s14, $0x9  }
0x214: {  	s2 =	sshra.s32 s2, $0x2  }
0x215: {  	[tilespmem:s2+$0xF238] =	vst.add.f32.msk $0xffff, v0  }
0x216: {  	v0 =	vld [tilespmem:s0+$0xF248];
	_ =	sdelay $0x4  }
0x217: {  	[tilespmem:s2+$0xF248] =	vst.add.f32.msk $0xffff, v0  }
0x218: {  	v0 =	vld [tilespmem:s0+$0xF258];
	_ =	sdelay $0x4  }
0x219: {  	[tilespmem:s2+$0xF258] =	vst.add.f32.msk $0xffff, v0  }
0x21a: {  	v0 =	vld [tilespmem:s0+$0xF268];
	_ =	sdelay $0x4  }
0x21b: {  	[tilespmem:s2+$0xF268] =	vst.add.f32.msk $0xffff, v0  }
0x21c: {  	v0 =	vld [tilespmem:s0+$0xF278];
	_ =	sdelay $0x4  }
0x21d: {  	[tilespmem:s2+$0xF278] =	vst.add.f32.msk $0xffff, v0  }
0x21e: {  	v0 =	vld [tilespmem:s0+$0xF288];
	_ =	sdelay $0x4  }
0x21f: {  	[tilespmem:s2+$0xF288] =	vst.add.f32.msk $0xffff, v0  }
0x220: {  	v0 =	vld [tilespmem:s0+$0xF298];
	_ =	sdelay $0x4  }
0x221: {  	[tilespmem:s2+$0xF298] =	vst.add.f32.msk $0xffff, v0  }
0x222: {  	v0 =	vld [tilespmem:s0+$0xF2A8]  }
.Ltmp34:
0x223: {  	_ = 	snop;
	(pc) =	sbr.rel .LBB3_33-.Ltmp34, $2  }
0x224: {  	_ =	sdelay $0x2  }
0x225: {  	[tilespmem:s2+$0xF2A8] =	vst.add.f32.msk $0xffff, v0  }
.LBB3_34:
0x226: {  	s0 =	simm.s32 $0x6;
	p1 =	seq.s32 s6, $0x0  }
0x227: {  	[sflag:s0] =	ssyncpa.u1 $0x1;
	v0 =	vimm.s32 @p1 $0xFFFFFFFF  }
0x228: {  	s9 =	sadd.s32 $0xFFFFFFFF, s6;
	[tilespmem:$0x10238] =	vst @p1 v0  }
0x229: {  	v0 =	vld.msk @!p1 [tilespmem:s9+$0xF218], $0x1;
	_ =	sdelay $0x1  }
0x22a: {  	v1 =	vld.msk @!p1 [tilespmem:$0xF218], $0x1;
	_ =	sdelay $0x2  }
0x22b: {  	p2 =	seq.s32 @!p1 s9, $0x0;
	v0 =	vbroadcast @!p1 v0, $0x0  }
0x22c: {  	vm0 =	vmmov @!p1 $0x1;
	p2 =	por !p2, p1  }
0x22d: {  	v1 =	vnsel @!p1 vm0, $0xFFFFFFFF, v1;
	vm0 =	vcmask @!p1 $0x308;
	v0 =	vpsel !p2, $0xFFFFFFFF, v0  }
0x22e: {  	p2 =	sne.s32 @!p1 s8, s7;
	v0 =	vsel @!p1 vm0, v1, v0  }
0x22f: {  	s0 =	simm.s32 @!p1 $0xF238;
	s2 =	simm.s32 @!p1 $0x0;
	p3 =	por !p2, p1;
	[tilespmem:$0x10238] =	vst @!p1 v0  }
0x230: {  	[spmem:s2] =	stream.linear.scatter @!p1 [tilespmem:s0], [sflag:$0x1], $0x80, $0x38;
	[tilespmem:$0x1F6F8] =	vst v63  }
0x231: {  	s0 =	sshll.u32 @!p3 s9, $0x9  }
0x232: {  	s0 =	sshra.s32 @!p3 s0, $0x2  }
0x233: {  	s2 =	simm.s32 @!p3 $0x80;
	s0 =	sadd.s32 @!p3 $0xF238, s0  }
0x234: {  	[spmem:s2] =	stream.linear.scatter @!p3 [tilespmem:s0], [sflag:$0x1], $0x80, $0x38;
	[tilespmem:$0x1F6F8] =	vst v63  }
0x235: {  	s0 =	simm.s32 @!p3 $0x1  }
0x236: {  	_ =	swait.ge @!p3 [sflag:s0], $0x100  }
0x237: {  	p1 =	por p2, p1;
	[sflag:s0] =	ssyncset.done @!p3 $0x0  }
0x238: {  	[sflag:s0] =	ssyncadd.s32 @!p3 $0xFFFFFF00;
	s0 =	simm.s32 @!p1 $0x1  }
0x239: {  	_ =	swait.ge @!p1 [sflag:s0], $0x80  }
0x23a: {  	s29 =	simm.s32 $0x10238;
	[sflag:s0] =	ssyncset.done @!p1 $0x0  }
0x23b: {  	s30 =	simm.s32 $0x1000;
	s31 =	simm.s32 $0x1;
	[sflag:s0] =	ssyncadd.s32 @!p1 $0xFFFFFF80  }
0x23c: {  	[spmem:s30] =	stream.linear.scatter [tilespmem:s29], [sflag:$0x1], $0x10, $0x38;
	[tilespmem:$0x1F6F8] =	vst v63  }
0x23d: {  	_ =	swait.ge [sflag:s31], $0x10  }
0x23e: {  	[sflag:s31] =	ssyncset.done $0x0  }
0x23f: {  	p1 =	seq.s32 s15, $0x0;
	s8 =	rddreg [dreg:$0x1];
	[sflag:s31] =	ssyncadd.s32 $0xFFFFFFF0  }
0x240: {  	s2 =	sshll.u32 @p1 s8, $0xE;
	s7 =	rddreg [dreg:$0x2]  }
0x241: {  	s0 =	sadd.s32 @p1 $0x15C3C, s2;
	s2 =	sshll.u32 @p1 s7, $0x11  }
0x242: {  	_ =	sfence.stream.spmem;
	s0 =	sor.u32 @p1 s2, s0  }
0x243: {  	[sflag:s0] =	ssyncadd.remote.s32 @p1 $0x1;
	s0 =	simm.s32 @p1 $0x4  }
0x244: {  	s3 =	simm.s32 @!p1 $0x3C;
	s2 =	sand.u32 $0xFFFFFFFE, s8;
	_ =	swait.ge @p1 [sflag:s0], $0x22  }
0x245: {  	s4 =	simm.s32 @!p1 $0x0;
	s2 =	sadd.s32 @!p1 $0x4, s2;
	[sflag:s0] =	ssyncset.done @p1 $0x0  }
0x246: {  	s5 =	simm.s32 @!p1 $0x100;
	[sflag:s0] =	ssyncadd.s32 @p1 $0xFFFFFFDE;
	s0 =	sshll.u32 @!p1 s2, $0x1A  }
0x247: {  	s2 =	sshll.u32 @!p1 s2, $0xD;
	s0 =	sor.u32 @!p1 s0, s7;
	_ =	swait.eq @!p1 [sflag:s3], $0x1  }
0x248: {  	s2 =	sor.u32 @!p1 $0x1C04, s2;
	s3 =	simm.s32 @!p1 $0x1C03;
	s0 =	sor.u32 @!p1 $0x80004000, s0  }
0x249: {  	[spmem:s5], [sflag:s2] =	dma.general @!p1 [spmem:s4], [sflag:s3], length:$0x20, [dreg:$0x0], stride_count:$0x0, ici_dest:s0, dma_misc:DstOpCode:WRITE  }
0x24a: {  	p2 =	slt.s32 s9, $0x2;
	s4 =	simm.s32 @!p1 $0x200;
	s5 =	simm.s32 @!p1 $0x202  }
0x24b: {  	[spmem:s5], [sflag:s2] =	dma.general @!p1 [spmem:s4], [sflag:s3], length:$0x2, [dreg:$0x0], stride_count:$0x0, ici_dest:s0, dma_misc:DstOpCode:WRITE  }
.Ltmp35:
0x24c: {  	s0 =	simm.s32 @!p1 $0x3;
	(pc) =	sbr.rel @p2 .LBB3_38-.Ltmp35, $4  }
0x24d: {  	s2 =	sshll.u32 @!p1 s8, $0xE;
	_ =	swait.ge @!p1 [sflag:s0], $0x22  }
0x24e: {  	s3 =	sshll.u32 @!p1 s7, $0x11;
	s2 =	sadd.s32 @!p1 $0x11C3C, s2;
	[sflag:s0] =	ssyncset.done @!p1 $0x0  }
0x24f: {  	[sflag:s0] =	ssyncadd.s32 @!p1 $0xFFFFFFDE;
	s0 =	sor.u32 @!p1 s3, s2  }
0x250: {  	[sflag:s0] =	ssyncadd.remote.s32 @!p1 $0xFFFFFFFF;
	s0 =	simm.s32 $0x0  }
0x251: {  	s0 =	simm.s32 $0xF219  }
0x252: {  	v0 =	vld.msk [tilespmem:s0+$0x0], $0x1;
	_ =	sdelay $0x4  }
0x253: {  	(v2sf) =	vpush v0, $0x0;
	_ =	sdelay $0xc  }
0x254: {  	s2 =	sadd.s32 $0xFFFFFFFE, s6  }
0x255: {  	s5 =	sadd.s32 $0xFFFFFFFF, s2  }
0x256: {  	p2 =	sne.s32 s5, $0x0;
	s0 =	spop (v2sf)  }
.Ltmp36:
0x257: {  	p1 =	sgt.u32 s0, $0x7AF0;
	(pc) =	sbr.rel @!p2 .LBB3_37-.Ltmp36, $4  }
0x258: {  	s4 =	simm.s32 $0xF2B8;
	s3 =	sand.u32 @!p1 $0x7FF8, s0  }
0x259: {  	s7 =	simm.s32 $0x0;
	s0 =	sand.u32 @!p1 $0x7, s0;
	s2 =	sadd.s32 @!p1 s1, s3  }
0x25a: {  	[hbm4b:s2+s0] =	stream.linear.scatter @!p1 [tilespmem:s4], [sflag:$0x5], $0x80, $0x38;
	[tilespmem:$0x1F6F8] =	vst v63  }
0x25b: {  	s6 =	simm.s32 $0xF21A;
	s7 =	simm.s32 @!p1 $0x200;
	s0 =	simm.s32 $0x0  }
.LBB3_36:
0x25c: {  	v0 =	vld.msk [tilespmem:s6+$0x0], $0x1;
	s5 =	sadd.s32 $0xFFFFFFFF, s5;
	s0 =	sadd.s32 s0, s7  }
0x25d: {  	p1 =	sne.s32 s5, $0x0;
	_ =	sdelay $0x3  }
0x25e: {  	(v2sf) =	vpush v0, $0x0;
	_ =	sdelay $0xe  }
.Ltmp37:
0x25f: {  	s2 =	spop (v2sf);
	(pc) =	sbr.rel @p1 .LBB3_36-.Ltmp37, $4  }
0x260: {  	s7 =	simm.s32 $0x0;
	p2 =	sgt.u32 s2, $0x7AF0  }
0x261: {  	s4 =	sadd.s32 $0x80, s4;
	s7 =	simm.s32 @!p2 $0x200;
	s3 =	sand.u32 @!p2 $0x7FF8, s2  }
0x262: {  	s6 =	sadd.s32 $0x1, s6;
	s2 =	sand.u32 @!p2 $0x7, s2;
	s3 =	sadd.s32 @!p2 s1, s3  }
0x263: {  	[hbm4b:s3+s2] =	stream.linear.scatter @!p2 [tilespmem:s4], [sflag:$0x5], $0x80, $0x38;
	[tilespmem:$0x1F6F8] =	vst v63  }
.LBB3_37:
0x264: {  	s0 =	sadd.s32 s0, s7  }
0x265: {  	s0 =	sshrl.u32 s0, $0x2  }
.LBB3_38:
0x266: {  	s2 =	simm.s32 $0x5  }
0x267: {  	_ =	swait.ge [sflag:s2], s0  }
0x268: {  	s31 =	ssub.s32 $0x0, s0;
	[sflag:s2] =	ssyncset.done $0x0  }
0x269: {  	[sflag:s2] =	ssyncadd.s32 s31  }
0x26a: {  	[sflag:s2] =	ssyncpa.u1 $0x1  }
.LBB3_39:
0x26b: {  	s0 =	sor.u32 s15, s16  }
0x26c: {  	p1 =	sne.s32 s0, $0x0  }
.Ltmp38:
0x26d: {  	_ = 	snop;
	(pc) =	sbr.rel @p1 .LBB3_54-.Ltmp38, $3  }
0x26e: {  	_ =	sdelay $0x1  }
0x26f: {  	[bflag:$0x0] =	sbarrier.arrive $0xFFFF  }
0x270: {  	_ =	sfence  }
0x271: {  	s0 =	simm.s32 $0x7  }
0x272: {  	s2 =	simm.s32 $0x1000;
	s3 =	simm.s32 $0xF218;
	[sflag:s0] =	ssyncpa.u1 $0x0  }
0x273: {  	[tilespmem:s3], [sflag:$0x7] =	stream.linear.gather [spmem:s2], $0x20, $0x38;
	[tilespmem:$0x1F6F8] =	vst v63  }
0x274: {  	s30 =	simm.s32 $0xF238;
	s2 =	simm.s32 $0x0  }
0x275: {  	[tilespmem:s30], [sflag:$0x7] =	stream.linear.gather [spmem:s2], $0x1000, $0x38;
	[tilespmem:$0x1F6F8] =	vst v63  }
.Ltmp39:
0x276: {  	_ = 	snop;
	(pc) =	sbr.rel .LBB3_41-.Ltmp39, $4  }
0x277: {  	_ =	swait.ge [sflag:s0], $0x1020  }
0x278: {  	[sflag:s0] =	ssyncset.done $0x0  }
0x279: {  	s31 =	simm.s32 $0x8;
	[sflag:s0] =	ssyncadd.s32 $0xFFFFEFE0  }
0x27a: {  	s3 =	simm.s32 $0x0;
	[sflag:s31] =	ssyncpa.u1 $0x0  }
.LBB3_47:
0x27b: {  	p1 =	slt.u32 s4, $0x7AF1  }
0x27c: {  	s0 =	sand.u32 @p1 $0x7FF8, s4  }
0x27d: {  	s4 =	sand.u32 @p1 $0x7, s4;
	s5 =	simm.s32 @p1 $0xF188;
	s0 =	sadd.s32 @p1 s1, s0  }
0x27e: {  	[tilespmem:s5], [sflag:$0x8] =	stream.linear.gather @p1 [hbm4b:s0+s4], $0x80, $0x38;
	[tilespmem:$0x1F6F8] =	vst v63  }
0x27f: {  	s0 =	simm.s32 @p1 $0x8  }
0x280: {  	_ =	swait.ge @p1 [sflag:s0], $0x80  }
0x281: {  	[sflag:s0] =	ssyncset.done @p1 $0x0  }
0x282: {  	[sflag:s0] =	ssyncadd.s32 @p1 $0xFFFFFF80  }
0x283: {  	v1 =	vld @p1 [tilespmem:$0xF188];
	_ =	sdelay $0x2  }
0x284: {  	s0 =	sshll.u32 @p1 s3, $0x9  }
0x285: {  	s4 =	sshrl.u32 @p1 s0, $0x2  }
0x286: {  	[tilespmem:s4+$0xF238] =	vst.add.f32.msk @p1 $0xffff, v1  }
0x287: {  	v1 =	vld @p1 [tilespmem:$0xF198];
	_ =	sdelay $0x4  }
0x288: {  	[tilespmem:s4+$0xF248] =	vst.add.f32.msk @p1 $0xffff, v1  }
0x289: {  	v1 =	vld @p1 [tilespmem:$0xF1A8];
	_ =	sdelay $0x4  }
0x28a: {  	[tilespmem:s4+$0xF258] =	vst.add.f32.msk @p1 $0xffff, v1  }
0x28b: {  	v1 =	vld @p1 [tilespmem:$0xF1B8];
	_ =	sdelay $0x4  }
0x28c: {  	[tilespmem:s4+$0xF268] =	vst.add.f32.msk @p1 $0xffff, v1  }
0x28d: {  	v1 =	vld @p1 [tilespmem:$0xF1C8];
	_ =	sdelay $0x4  }
0x28e: {  	[tilespmem:s4+$0xF278] =	vst.add.f32.msk @p1 $0xffff, v1  }
0x28f: {  	v1 =	vld @p1 [tilespmem:$0xF1D8];
	_ =	sdelay $0x4  }
0x290: {  	[tilespmem:s4+$0xF288] =	vst.add.f32.msk @p1 $0xffff, v1  }
0x291: {  	v1 =	vld @p1 [tilespmem:$0xF1E8];
	_ =	sdelay $0x4  }
0x292: {  	[tilespmem:s4+$0xF298] =	vst.add.f32.msk @p1 $0xffff, v1  }
0x293: {  	v1 =	vld @p1 [tilespmem:$0xF1F8];
	_ =	sdelay $0x3  }
0x294: {  	s5 =	sshll.u32 @!p1 s3, $0x9  }
0x295: {  	s5 =	smov.u32 @p1 s0;
	[tilespmem:s4+$0xF2A8] =	vst.add.f32.msk @p1 $0xffff, v1  }
0x296: {  	s0 =	sshrl.u32 s5, $0x2;
	[tilespmem:s2+$0xF218] =	vst.msk $0x1, v0  }
0x297: {  	v0 =	vld [tilespmem:s0+$0xF238];
	_ =	sdelay $0x2  }
0x298: {  	s31 =	sshll.u32 s2, $0x9  }
0x299: {  	s4 =	sshra.s32 s31, $0x2  }
0x29a: {  	[tilespmem:s4+$0xF238] =	vst v0  }
0x29b: {  	v0 =	vld [tilespmem:s0+$0xF248];
	_ =	sdelay $0x4  }
0x29c: {  	[tilespmem:s4+$0xF248] =	vst v0  }
0x29d: {  	v0 =	vld [tilespmem:s0+$0xF258];
	_ =	sdelay $0x4  }
0x29e: {  	[tilespmem:s4+$0xF258] =	vst v0  }
0x29f: {  	v0 =	vld [tilespmem:s0+$0xF268];
	_ =	sdelay $0x4  }
0x2a0: {  	[tilespmem:s4+$0xF268] =	vst v0  }
0x2a1: {  	v0 =	vld [tilespmem:s0+$0xF278];
	_ =	sdelay $0x4  }
0x2a2: {  	[tilespmem:s4+$0xF278] =	vst v0  }
0x2a3: {  	v0 =	vld [tilespmem:s0+$0xF288];
	_ =	sdelay $0x4  }
0x2a4: {  	[tilespmem:s4+$0xF288] =	vst v0  }
0x2a5: {  	v0 =	vld [tilespmem:s0+$0xF298];
	_ =	sdelay $0x4  }
0x2a6: {  	[tilespmem:s4+$0xF298] =	vst v0  }
0x2a7: {  	v0 =	vld [tilespmem:s0+$0xF2A8];
	_ =	sdelay $0x4  }
0x2a8: {  	s2 =	sadd.s32 $0x1, s2;
	[tilespmem:s4+$0xF2A8] =	vst v0  }
.LBB3_48:
0x2a9: {  	s3 =	sadd.s32 $0x1, s3  }
0x2aa: {  	p1 =	sne.s32 s3, $0x20  }
.Ltmp40:
0x2ab: {  	_ = 	snop;
	(pc) =	sbr.rel @!p1 .LBB3_49-.Ltmp40, $1  }
0x2ac: {  	_ =	sdelay $0x3  }
.LBB3_41:
0x2ad: {  	v0 =	vld.msk [tilespmem:s3+$0xF218], $0x1;
	_ =	sdelay $0x4  }
0x2ae: {  	(v2sf) =	vpush v0, $0x0;
	_ =	sdelay $0xe  }
0x2af: {  	s4 =	spop (v2sf)  }
0x2b0: {  	p1 =	seq.s32 s4, $0xFFFFFFFF  }
.Ltmp41:
0x2b1: {  	_ = 	snop;
	(pc) =	sbr.rel @p1 .LBB3_48-.Ltmp41, $1  }
0x2b2: {  	_ =	sdelay $0x3  }
0x2b3: {  	p1 =	slt.s32 s2, $0x1  }
.Ltmp42:
0x2b4: {  	_ = 	snop;
	(pc) =	sbr.rel @p1 .LBB3_47-.Ltmp42, $1  }
0x2b5: {  	_ =	sdelay $0x3  }
0x2b6: {  	s5 =	simm.s32 $0xF218;
	p1 =	por $0x0, $0x0  }
0x2b7: {  	v1 =	vld.msk @!p1 [tilespmem:s5+$0x0], $0x1;
	_ =	sdelay $0x4  }
0x2b8: {  	(v2sf) =	vpush @!p1 v1, $0x0;
	_ =	sdelay $0xd  }
0x2b9: {  	p3 =	sne.s32 s2, $0x1  }
.Ltmp43:
0x2ba: {  	s0 =	spop @!p1 (v2sf);
	(pc) =	sbr.rel @!p3 .LBB3_45-.Ltmp43, $4  }
0x2bb: {  	p2 =	seq.s32 @!p1 s4, s0  }
0x2bc: {  	s6 =	simm.s32 $0x0;
	p2 =	por !p2, p1  }
0x2bd: {  	s7 =	simm.s32 $0xFFFFFFFF;
	s6 =	simm.s32 @p2 $0xFFFFFFFF  }
0x2be: {  	s0 =	simm.s32 $0x1;
	s6 =	smov.u32 @p1 s7  }
.LBB3_44:
0x2bf: {  	s7 =	smov.u32 s6;
	p1 =	sne.s32 s6, $0xFFFFFFFF  }
0x2c0: {  	s5 =	sadd.s32 $0x1, s5;
	s6 =	smov.u32 s0;
	s0 =	sadd.s32 $0x1, s0  }
0x2c1: {  	p2 =	sne.s32 s2, s0;
	v1 =	vld.msk @!p1 [tilespmem:s5+$0x0], $0x1;
	_ =	sdelay $0x4  }
0x2c2: {  	(v2sf) =	vpush @!p1 v1, $0x0;
	_ =	sdelay $0xe  }
.Ltmp44:
0x2c3: {  	s8 =	spop @!p1 (v2sf);
	(pc) =	sbr.rel @p2 .LBB3_44-.Ltmp44, $4  }
0x2c4: {  	p3 =	seq.s32 @!p1 s4, s8  }
0x2c5: {  	p3 =	por !p3, p1  }
0x2c6: {  	s6 =	simm.s32 @p3 $0xFFFFFFFF  }
0x2c7: {  	s6 =	smov.u32 @p1 s7  }
.LBB3_45:
0x2c8: {  	p1 =	seq.s32 s6, $0xFFFFFFFF  }
.Ltmp45:
0x2c9: {  	_ = 	snop;
	(pc) =	sbr.rel @p1 .LBB3_47-.Ltmp45, $1  }
0x2ca: {  	_ =	sdelay $0x3  }
0x2cb: {  	s0 =	sshll.u32 s3, $0x7  }
0x2cc: {  	s0 =	sand.u32 $0x3FFFFF80, s0  }
0x2cd: {  	v0 =	vld [tilespmem:s0+$0xF238];
	_ =	sdelay $0x2  }
0x2ce: {  	s4 =	sshll.u32 s6, $0x9  }
0x2cf: {  	s4 =	sshra.s32 s4, $0x2  }
0x2d0: {  	[tilespmem:s4+$0xF238] =	vst.add.f32.msk $0xffff, v0  }
0x2d1: {  	v0 =	vld [tilespmem:s0+$0xF248];
	_ =	sdelay $0x4  }
0x2d2: {  	[tilespmem:s4+$0xF248] =	vst.add.f32.msk $0xffff, v0  }
0x2d3: {  	v0 =	vld [tilespmem:s0+$0xF258];
	_ =	sdelay $0x4  }
0x2d4: {  	[tilespmem:s4+$0xF258] =	vst.add.f32.msk $0xffff, v0  }
0x2d5: {  	v0 =	vld [tilespmem:s0+$0xF268];
	_ =	sdelay $0x4  }
0x2d6: {  	[tilespmem:s4+$0xF268] =	vst.add.f32.msk $0xffff, v0  }
0x2d7: {  	v0 =	vld [tilespmem:s0+$0xF278];
	_ =	sdelay $0x4  }
0x2d8: {  	[tilespmem:s4+$0xF278] =	vst.add.f32.msk $0xffff, v0  }
0x2d9: {  	v0 =	vld [tilespmem:s0+$0xF288];
	_ =	sdelay $0x4  }
0x2da: {  	[tilespmem:s4+$0xF288] =	vst.add.f32.msk $0xffff, v0  }
0x2db: {  	v0 =	vld [tilespmem:s0+$0xF298];
	_ =	sdelay $0x4  }
0x2dc: {  	[tilespmem:s4+$0xF298] =	vst.add.f32.msk $0xffff, v0  }
0x2dd: {  	v0 =	vld [tilespmem:s0+$0xF2A8]  }
.Ltmp46:
0x2de: {  	_ = 	snop;
	(pc) =	sbr.rel .LBB3_48-.Ltmp46, $2  }
0x2df: {  	_ =	sdelay $0x2  }
0x2e0: {  	[tilespmem:s4+$0xF2A8] =	vst.add.f32.msk $0xffff, v0  }
.LBB3_49:
0x2e1: {  	p1 =	slt.s32 s2, $0x1  }
.Ltmp47:
0x2e2: {  	_ = 	snop;
	(pc) =	sbr.rel @p1 .LBB3_53-.Ltmp47, $3  }
0x2e3: {  	_ =	sdelay $0x1  }
0x2e4: {  	s0 =	simm.s32 $0x8  }
0x2e5: {  	s3 =	simm.s32 $0x0;
	[sflag:s0] =	ssyncpa.u1 $0x1  }
0x2e6: {  	s0 =	simm.s32 $0xF218  }
0x2e7: {  	v0 =	vld.msk [tilespmem:s0+$0x0], $0x1;
	_ =	sdelay $0x4  }
0x2e8: {  	(v2sf) =	vpush v0, $0x0;
	_ =	sdelay $0xe  }
0x2e9: {  	s2 =	sadd.s32 $0xFFFFFFFF, s2;
	s0 =	spop (v2sf)  }
0x2ea: {  	p2 =	sne.s32 s2, $0x0;
	p1 =	sgt.u32 s0, $0x7AF0  }
.Ltmp48:
0x2eb: {  	s5 =	sand.u32 @!p1 $0x7FF8, s0;
	(pc) =	sbr.rel @!p2 .LBB3_52-.Ltmp48, $4  }
0x2ec: {  	s4 =	simm.s32 $0xF238;
	s0 =	sand.u32 @!p1 $0x7, s0;
	s5 =	sadd.s32 @!p1 s1, s5  }
0x2ed: {  	[hbm4b:s5+s0] =	stream.linear.scatter @!p1 [tilespmem:s4], [sflag:$0x7], $0x80, $0x38;
	[tilespmem:$0x1F6F8] =	vst v63  }
0x2ee: {  	s5 =	simm.s32 $0x0  }
0x2ef: {  	s0 =	simm.s32 $0xF219;
	s5 =	simm.s32 @!p1 $0x200  }
.LBB3_51:
0x2f0: {  	v0 =	vld.msk [tilespmem:s0+$0x0], $0x1;
	s2 =	sadd.s32 $0xFFFFFFFF, s2;
	s3 =	sadd.s32 s3, s5  }
0x2f1: {  	p1 =	sne.s32 s2, $0x0;
	_ =	sdelay $0x3  }
0x2f2: {  	(v2sf) =	vpush v0, $0x0;
	_ =	sdelay $0xe  }
.Ltmp49:
0x2f3: {  	s6 =	spop (v2sf);
	(pc) =	sbr.rel @p1 .LBB3_51-.Ltmp49, $4  }
0x2f4: {  	s5 =	simm.s32 $0x0;
	p2 =	sgt.u32 s6, $0x7AF0  }
0x2f5: {  	s4 =	sadd.s32 $0x80, s4;
	s5 =	simm.s32 @!p2 $0x200;
	s7 =	sand.u32 @!p2 $0x7FF8, s6  }
0x2f6: {  	s0 =	sadd.s32 $0x1, s0;
	s6 =	sand.u32 @!p2 $0x7, s6;
	s7 =	sadd.s32 @!p2 s1, s7  }
0x2f7: {  	[hbm4b:s7+s6] =	stream.linear.scatter @!p2 [tilespmem:s4], [sflag:$0x7], $0x80, $0x38;
	[tilespmem:$0x1F6F8] =	vst v63  }
.LBB3_52:
0x2f8: {  	s0 =	sadd.s32 s3, s5  }
0x2f9: {  	s3 =	sshrl.u32 s0, $0x2  }
.LBB3_53:
0x2fa: {  	s0 =	simm.s32 $0x7  }
0x2fb: {  	_ =	swait.ge [sflag:s0], s3  }
0x2fc: {  	s1 =	ssub.s32 $0x0, s3;
	[sflag:s0] =	ssyncset.done $0x0  }
0x2fd: {  	[sflag:s0] =	ssyncadd.s32 s1  }
0x2fe: {  	[sflag:s0] =	ssyncpa.u1 $0x1  }
.LBB3_54:
0x2ff: {  	_ =	sfence;
	s0 =	simm.s32 $0x1  }
0x300: {  	[sflag:s0] =	ssyncpa.u1 $0x1  }
0x301: {  	_ =	strace $0x90000062  }
0x302: {  	[bflag:$0x2] =	sbarrier.arrive $0xFFFF  }
0x303: {  	s0 =	rddreg [dreg:$0x3]  }
0x304: {  	s0 =	sadd.s32 @!p0 $0x100000, s0  }
0x305: {  	[sflag:s0] =	ssyncadd.tile.s32 @!p0 $0x1;
	_ =	shalt  }
.Lfunc_end3:
_tile_overlayer_lowered:
.L_overlay_start_3:
0x306: {  	(tag) =	ssettag $0x3  }
0x307: {  	s0 =	rddreg [dreg:$0x0];
	s2 =	stileid.u32  }
0x308: {  	s1 =	rddreg [dreg:$0x1];
	p0 =	sne.s32 s2, $0x0  }
0x309: {  	s3 =	rddreg [dreg:$0x2];
	[bflag:$0x3] =	sbarrier.arrive $0xFFFF;
	s2 =	simm.s32 @!p0 $0x1C01  }
0x30a: {  	[timem:s3], [sflag:s2] =	dma.local @!p0 [hbm:s0], s1  }
0x30b: {  	s0 =	simm.s32 @!p0 $0x1  }
0x30c: {  	_ =	swait.ge @!p0 [sflag:s0], s1  }
0x30d: {  	s1 =	ssub.s32 @!p0 $0x0, s1;
	[sflag:s0] =	ssyncset.done @!p0 $0x0  }
0x30e: {  	[sflag:s0] =	ssyncadd.s32 @!p0 s1  }
0x30f: {  	[bflag:$0x3] =	sbarrier.arrive $0xFFFF  }
0x310: {  	_ =	shalt  }

// kernel: scatter_offload_async_start.3
scs
__scs_entry_jumppad:
0x0: {  	(pc) =	sbr.rel $0x88, $3  }
0x1: {  	(tag) =	ssettag $0x0;
	lr =	simm.s32 $0x1  }
0x2: {  	[smem:$0x3F8C] =	sst lr;
	_ =	strace $0xD0000000  }
0x3: {  	_ = 	snop  }
0x4: {  	_ = 	snop  }
0x5: {  	_ = 	snop  }
0x6: {  	_ = 	snop  }
0x7: {  	_ = 	snop  }
__scs_overlays_trampoline_lowered:
0x8: {  	[smem:$0x3F9B] =	sst s0  }
0x9: {  	[smem:$0x3F9C] =	sst s1  }
0xa: {  	[smem:$0x3F9D] =	sst s2  }
0xb: {  	[smem:$0x3F9E] =	sst s3  }
0xc: {  	[smem:$0x3F9F] =	sst s4  }
0xd: {  	[smem:$0x3FA0] =	sst s5  }
0xe: {  	[smem:$0x3FA1] =	sst s6  }
0xf: {  	[smem:$0x3FA2] =	sst s7  }
0x10: {  	[smem:$0x3FA3] =	sst s8  }
0x11: {  	[smem:$0x3FA4] =	sst s9;
	s0 =	simm.s32 @!p0 $0x0  }
0x12: {  	s1 =	sld [smem:$0x3F8A];
	s0 =	simm.s32 @p0 $0x1  }
0x13: {  	[smem:$0x3FA5] =	sst s0;
	s0 =	simm.s32 @!p1 $0x0  }
0x14: {  	s2 =	sld [smem:$0x3F89];
	s0 =	simm.s32 @p1 $0x1  }
0x15: {  	[smem:$0x3FA6] =	sst s0;
	s0 =	simm.s32 @!p2 $0x0  }
0x16: {  	s3 =	sld [smem:$0x3FDB];
	s0 =	simm.s32 @p2 $0x1  }
0x17: {  	s4 =	simm.s32 $0x1BF5;
	[smem:$0x3FA8] =	sst s0  }
0x18: {  	s0 =	sld [smem:$0x3F8B];
	_ =	swait.ge [sflag:s4], $0x0  }
0x19: {  	s7 =	sld [smem:$0x3F8C]  }
0x1a: {  	s8 =	sadd.s32 $0xFFFFE003, lr  }
0x1b: {  	s9 =	sadd.s32 $0xFFFFFEF7, lr;
	s5 =	simm.s32 $0xFFFFFFFF;
	p2 =	slt.u32 s8, $0xFFFFF086  }
0x1c: {  	p1 =	slt.u32 s9, $0xF7A;
	s5 =	simm.s32 @!p2 $0x0  }
0x1d: {  	s5 =	simm.s32 @p1 $0x1;
	p0 =	seq.s32 s7, s2  }
0x1e: {  	s7 =	smul.u32 @!p0 $0xF7A, s2;
	p2 =	seq.s32 @!p0 s5, $0x0  }
0x1f: {  	s9 =	smul.u32 $0xF7A, s1;
	s8 =	simm.s32 @!p0 $0x1BF5;
	p2 =	por !p2, p0  }
0x20: {  	[sflag:s8] =	ssyncset.s32 @!p0 $0xFFFFF086;
	s6 =	sadd.s32 @!p0 s3, s7;
	s7 =	simm.s32 @!p0 $0x108  }
0x21: {  	s3 =	sadd.s32 s3, s9;
	s6 =	sadd.s32 @!p0 $0x88, s6;
	s7 =	simm.s32 @p2 $0x1082  }
0x22: {  	[simem:s7], [sflag:s8] =	dma.local @!p0 [hbm:s6], $0xF7A  }
0x23: {  	s9 =	sor.u32 $0xD0000000, s2;
	s6 =	simm.s32 $0x108;
	_ =	swait.ge @!p0 [sflag:s8], $0x0  }
0x24: {  	s3 =	sadd.s32 $0x88, s3;
	s6 =	simm.s32 @!p1 $0x1082;
	[sflag:s4] =	ssyncset.s32 $0xFFFFF086  }
0x25: {  	[simem:s6], [sflag:s4] =	dma.local [hbm:s3], $0xF7A  }
0x26: {  	[smem:$0x3F8C] =	sst s1;
	(tag) =	ssettag s2;
	_ =	strace s9  }
0x27: {  	s1 =	sld [smem:$0x3F9C]  }
0x28: {  	s2 =	sld [smem:$0x3F9D]  }
0x29: {  	s4 =	sld [smem:$0x3F9F]  }
0x2a: {  	p0 =	seq.s32 s5, $0x0;
	s5 =	sld [smem:$0x3FA0]  }
0x2b: {  	s6 =	sld [smem:$0x3FA1]  }
0x2c: {  	s7 =	sld [smem:$0x3FA2]  }
0x2d: {  	s3 =	simm.s32 $0x108;
	s8 =	sld [smem:$0x3FA3]  }
0x2e: {  	s3 =	simm.s32 @!p0 $0x1082;
	s9 =	sld [smem:$0x3FA4]  }
0x2f: {  	lr =	sadd.s32 s0, s3;
	s0 =	sld [smem:$0x3F9B]  }
0x30: {  	s3 =	sld [smem:$0x3F9E]  }
0x31: {  	[smem:$0x3FA7] =	sst s10  }
0x32: {  	s10 =	sld [smem:$0x3FA5];
	_ =	sdelay $0x3  }
0x33: {  	p0 =	seq.s32 s10, $0x1;
	s10 =	sld [smem:$0x3FA7];
	_ =	sdelay $0x3  }
0x34: {  	[smem:$0x3FA7] =	sst s10  }
0x35: {  	s10 =	sld [smem:$0x3FA6];
	_ =	sdelay $0x3  }
0x36: {  	p1 =	seq.s32 s10, $0x1;
	s10 =	sld [smem:$0x3FA7];
	_ =	sdelay $0x3  }
0x37: {  	[smem:$0x3FA7] =	sst s10  }
0x38: {  	s10 =	sld [smem:$0x3FA8]  }
0x39: {  	_ = 	snop;
	(pc) =	sbr.ind lr, $3  }
0x3a: {  	_ = 	snop  }
0x3b: {  	_ = 	snop  }
0x3c: {  	p2 =	seq.s32 s10, $0x1;
	s10 =	sld [smem:$0x3FA7]  }
0x3d: {  	_ =	shalt  }
0x3e: {  	_ =	shalt  }
0x3f: {  	_ =	shalt  }
0x40: {  	_ =	shalt  }
0x41: {  	_ =	shalt  }
0x42: {  	_ =	shalt  }
0x43: {  	_ =	shalt  }
0x44: {  	_ =	shalt  }
0x45: {  	_ =	shalt  }
0x46: {  	_ =	shalt  }
0x47: {  	_ =	shalt  }
0x48: {  	_ =	shalt  }
0x49: {  	_ =	shalt  }
0x4a: {  	_ =	shalt  }
0x4b: {  	_ =	shalt  }
0x4c: {  	_ =	shalt  }
0x4d: {  	_ =	shalt  }
0x4e: {  	_ =	shalt  }
0x4f: {  	_ =	shalt  }
0x50: {  	_ =	shalt  }
0x51: {  	_ =	shalt  }
0x52: {  	_ =	shalt  }
0x53: {  	_ =	shalt  }
0x54: {  	_ =	shalt  }
0x55: {  	_ =	shalt  }
0x56: {  	_ =	shalt  }
0x57: {  	_ =	shalt  }
0x58: {  	_ =	shalt  }
0x59: {  	_ =	shalt  }
0x5a: {  	_ =	shalt  }
0x5b: {  	_ =	shalt  }
0x5c: {  	_ =	shalt  }
0x5d: {  	_ =	shalt  }
0x5e: {  	_ =	shalt  }
0x5f: {  	_ =	shalt  }
0x60: {  	_ =	shalt  }
0x61: {  	_ =	shalt  }
0x62: {  	_ =	shalt  }
0x63: {  	_ =	shalt  }
0x64: {  	_ =	shalt  }
0x65: {  	_ =	shalt  }
0x66: {  	_ =	shalt  }
0x67: {  	_ =	shalt  }
0x68: {  	_ =	shalt  }
0x69: {  	_ =	shalt  }
0x6a: {  	_ =	shalt  }
0x6b: {  	_ =	shalt  }
0x6c: {  	_ =	shalt  }
0x6d: {  	_ =	shalt  }
0x6e: {  	_ =	shalt  }
0x6f: {  	_ =	shalt  }
0x70: {  	_ =	shalt  }
0x71: {  	_ =	shalt  }
0x72: {  	_ =	shalt  }
0x73: {  	_ =	shalt  }
0x74: {  	_ =	shalt  }
0x75: {  	_ =	shalt  }
0x76: {  	_ =	shalt  }
0x77: {  	_ =	shalt  }
0x78: {  	_ =	shalt  }
0x79: {  	_ =	shalt  }
0x7a: {  	_ =	shalt  }
0x7b: {  	_ =	shalt  }
0x7c: {  	_ =	shalt  }
0x7d: {  	_ =	shalt  }
0x7e: {  	_ =	shalt  }
0x7f: {  	_ =	shalt  }
0x80: {  	_ =	shalt  }
0x81: {  	_ =	shalt  }
0x82: {  	_ =	shalt  }
0x83: {  	_ =	shalt  }
0x84: {  	_ =	shalt  }
0x85: {  	_ =	shalt  }
0x86: {  	_ =	shalt  }
0x87: {  	_ =	shalt  }
.Lfunc_end0:
.L_simem_size_0:
called_computation.3_lowered:
.L_overlay_start_0:
0x88: {  	s2 =	sld [smem:$0x3FD9]  }
0x89: {  	s3 =	sld [smem:$0x3FFE];
	_ =	sdelay $0x1  }
0x8a: {  	s1 =	srdreg.scid  }
0x8b: {  	s0 =	sand.u32 $0x1, s1  }
0x8c: {  	s12 =	sshll.u32 s0, $0xA;
	s2 =	sadd.s32 s3, s2  }
0x8d: {  	s2 =	sadd.s32 s2, s12  }
0x8e: {  	[smem:$0x3FB3] =	sst s2  }
0x8f: {  	_ = 	snop  }
0x90: {  	(tm) =	ssettm $0x1  }
0x91: {  	s13 =	sld [smem:$0x3FFB];
	_ =	sdelay $0x3  }
0x92: {  	_ =	strace s13  }
0x93: {  	s2 =	sld [smem:$0x3FFC];
	_ =	sdelay $0x3  }
0x94: {  	_ =	strace s2  }
0x95: {  	s2 =	sld [smem:$0x3FFD];
	_ =	sdelay $0x3  }
0x96: {  	_ =	strace s2  }
0x97: {  	_ =	strace $0x8FFFFFFF  }
0x98: {  	s14 =	sld [smem:$0x3FDB];
	_ =	sdelay $0x1  }
0x99: {  	s15 =	simm.s32 $_scs_section_size  }
0x9a: {  	s4 =	simm.s32 $_size__tile_overlayer_lowered;
	s5 =	simm.s32 $_tile_overlayer_lowered  }
0x9b: {  	s19 =	simm.s32 $0x1BFF;
	s17 =	sshll.u32 s5, $0x1;
	s6 =	sadd.s32 s15, s14  }
0x9c: {  	s20 =	simm.s32 $0x0;
	s16 =	sshll.u32 s4, $0x1;
	s18 =	sadd.s32 s17, s6  }
0x9d: {  	[timem:s20], [sflag:s19] =	dma.local [hbm:s18], s16  }
0x9e: {  	_ =	swait.ge [sflag:s19], s16  }
0x9f: {  	s3 =	ssub.s32 $0x0, s16;
	[sflag:s19] =	ssyncset.done $0x0  }
0xa0: {  	[sflag:s19] =	ssyncadd.s32 s3;
	_ =	sdelay $0x1  }
0xa1: {  	s21 =	simm.s32 $0x1B8B  }
0xa2: {  	_ =	swait.ge [sflag:s21], $0x1  }
0xa3: {  	[sflag:s21] =	ssyncset.done $0x0  }
0xa4: {  	[sflag:s21] =	ssyncadd.s32 $0xFFFFFFFF  }
0xa5: {  	s3 =	sld [smem:$0x0]  }
0xa6: {  	s4 =	sand.u32 $0xFFFFFFFE, s1  }
0xa7: {  	p0 =	sne.s32 s1, s4  }
0xa8: {  	s4 =	sshll.u32 @p0 s4, $0xE  }
0xa9: {  	s5 =	sadd.s32 @p0 $0x11B8D, s4;
	s7 =	sshll.u32 @p0 s3, $0x11  }
0xaa: {  	s5 =	sor.u32 @p0 s7, s5  }
0xab: {  	[sflag:s5] =	ssyncadd.remote.s32 @p0 $0x1;
	_ =	sdelay $0x1  }
0xac: {  	s5 =	simm.s32 @p0 $0x1B8D  }
0xad: {  	_ =	swait.eq @p0 [sflag:s5], $0x1  }
0xae: {  	[sflag:s5] =	ssyncadd.s32 @p0 $0xFFFFFFFF  }
0xaf: {  	s7 =	sshll.u32 @!p0 s1, $0xE  }
0xb0: {  	s7 =	sor.u32 @!p0 $0x4000, s7;
	s5 =	simm.s32 @!p0 $0x1B8D  }
0xb1: {  	s9 =	sshll.u32 @!p0 s3, $0x11;
	s8 =	sadd.s32 @!p0 $0x11B8D, s7;
	_ =	swait.eq @!p0 [sflag:s5], $0x1  }
0xb2: {  	[sflag:s5] =	ssyncadd.s32 @!p0 $0xFFFFFFFF;
	s5 =	sor.u32 @!p0 s9, s8  }
0xb3: {  	s23 =	simm.s32 $0x1B8E;
	s22 =	sld [smem:$0x3FFE];
	[sflag:s5] =	ssyncadd.remote.s32 @!p0 $0x1  }
0xb4: {  	s24 =	simm.s32 $execute0_lowered;
	[smem:$0x3FD2] =	sst s23  }
0xb5: {  	s8 =	sshll.u32 s24, $0x1;
	_ =	strace $0x80000064;
	[dreg:$0x1] =	wrdreg $0xFFFFFFFF  }
0xb6: {  	s25 =	simm.s32 $_size_execute0_lowered;
	s8 =	sadd.s32 s6, s8;
	[dreg:$0x0] =	wrdreg $0x0  }
0xb7: {  	s9 =	sshll.u32 s25, $0x1;
	[dreg:$0x2] =	wrdreg s8  }
0xb8: {  	[dreg:$0x3] =	wrdreg s9  }
0xb9: {  	[dreg:$0x4] =	wrdreg $0xC0  }
0xba: {  	s26 =	simm.s32 $execute1_lowered;
	_ =	task [dreg:s20], $0x5FFFF  }
0xbb: {  	s8 =	sshll.u32 s26, $0x1;
	[dreg:$0x1] =	wrdreg $0xFFFFFFFF  }
0xbc: {  	s6 =	sadd.s32 s6, s8;
	[dreg:$0x0] =	wrdreg $0x60  }
0xbd: {  	[dreg:$0x2] =	wrdreg s6  }
0xbe: {  	[dreg:$0x3] =	wrdreg s22  }
0xbf: {  	[dreg:$0x4] =	wrdreg $0xF  }
0xc0: {  	_ =	task.clear_ibuf [dreg:s20], $0x5FFFF;
	_ =	strace $0x90000064  }
0xc1: {  	s28 =	simm.s32 $0xF;
	_ =	strace $0x80000066  }
0xc2: {  	_ =	swait.ge [sflag:s28], $0x1  }
0xc3: {  	[sflag:s28] =	ssyncadd.s32 $0xFFFFFFFF  }
0xc4: {  	_ =	strace $0x90000066  }
0xc5: {  	s6 =	sld [smem:$0x0];
	_ =	sdelay $0x3  }
0xc6: {  	s4 =	sadd.s32 @p0 $0x11BF3, s4;
	s8 =	sshll.u32 @p0 s6, $0x11  }
0xc7: {  	s4 =	sor.u32 @p0 s8, s4  }
0xc8: {  	[sflag:s4] =	ssyncadd.remote.s32 @p0 $0x1;
	_ =	sdelay $0x1  }
0xc9: {  	s4 =	simm.s32 @p0 $0x1BF3  }
0xca: {  	_ =	swait.eq @p0 [sflag:s4], $0x1  }
0xcb: {  	[sflag:s4] =	ssyncadd.s32 @p0 $0xFFFFFFFF;
	_ =	sdelay $0x1  }
0xcc: {  	s4 =	simm.s32 @!p0 $0x1BF3  }
0xcd: {  	s7 =	sadd.s32 @!p0 $0x11BF3, s7;
	s6 =	sshll.u32 @!p0 s6, $0x11;
	_ =	swait.eq @!p0 [sflag:s4], $0x1  }
0xce: {  	[sflag:s4] =	ssyncadd.s32 @!p0 $0xFFFFFFFF;
	s4 =	sor.u32 @!p0 s6, s7  }
0xcf: {  	[sflag:s4] =	ssyncadd.remote.s32 @!p0 $0x1  }
0xd0: {  	_ =	strace $0x80000067;
	[dreg:$0x1] =	wrdreg $0xFFFFFFFF  }
0xd1: {  	[dreg:$0x0] =	wrdreg $0x2030  }
0xd2: {  	[dreg:$0x2] =	wrdreg s22  }
0xd3: {  	[dreg:$0x3] =	wrdreg s1  }
0xd4: {  	[dreg:$0x4] =	wrdreg s3  }
0xd5: {  	[dreg:$0x5] =	wrdreg $0x10  }
0xd6: {  	_ =	task.clear_ibuf [dreg:s20], $0x6FFFF;
	_ =	strace $0x90000067  }
0xd7: {  	s29 =	simm.s32 $0x10;
	_ =	strace $0x80000069  }
0xd8: {  	_ =	swait.ge [sflag:s29], $0x1  }
0xd9: {  	[sflag:s29] =	ssyncadd.s32 $0xFFFFFFFF  }
0xda: {  	_ =	strace $0x90000069  }
0xdb: {  	_ =	sfence  }
0xdc: {  	s30 =	sld [smem:$0x0];
	_ =	sdelay $0x2  }
0xdd: {  	s31 =	sshll.u32 s1, $0xD;
	s1 =	sshrl.u32 s1, $0x2  }
0xde: {  	s4 =	sand.u32 $0x4000, s31;
	s1 =	sadd.s32 s1, s30  }
0xdf: {  	s0 =	sor.u32 s4, s0;
	s1 =	sshll.u32 s1, $0x11  }
0xe0: {  	s0 =	sor.u32 s1, s0  }
0xe1: {  	s0 =	sadd.s32 $0x8F2B, s0  }
0xe2: {  	[sflag:s0] =	ssyncadd.remote.s32 $0x1  }
0xe3: {  	_ =	sfence.sel $0xFFFF  }
0xe4: {  	[dreg:$0x0] =	wrdreg $0xFFFFFFFF;
	(pc) =	sbr.abs _section_cstart, $3  }
0xe5: {  	[dreg:$0x1] =	wrdreg $0xFFFFFFFF  }
0xe6: {  	_ =	task.clear_ibuf [dreg:s20], $0x2FFFF;
	_ =	strace $0x9FFFFFFF  }
0xe7: {  	(tm) =	ssettm $0x7FFFFFFF  }
tec
execute0_lowered:
.L_overlay_start_1:
0x0: {  	(tag) =	ssettag $0x1  }
0x1: {  	s2 =	rddreg [dreg:$0x0]  }
0x2: {  	s3 =	rddreg [dreg:$0x1]  }
0x3: {  	s0 =	rddreg [dreg:$0x2];
	s4 =	stileid.u32;
	[bflag:$0x3] =	sbarrier.arrive $0xFFFF  }
0x4: {  	s1 =	simm.s32 $_size_execute1_lowered;
	s29 =	srdreg.scid;
	p0 =	sne.s32 s4, $0x0  }
0x5: {  	s1 =	sshll.u32 s1, $0x1;
	s5 =	simm.s32 @!p0 $0x1C3F;
	s6 =	simm.s32 @!p0 $0x4060  }
0x6: {  	[timem:s6], [sflag:s5] =	dma.local @!p0 [hbm:s2], s1  }
0x7: {  	s2 =	sshll.u32 s29, $0x6  }
0x8: {  	s4 =	sshll.u32 s4, $0x7;
	s2 =	sand.u32 $0x40, s2  }
0x9: {  	s30 =	simm.s32 $0x2;
	s9 =	simm.s32 $0x0;
	s2 =	sor.u32 s4, s2  }
0xa: {  	s12 =	simm.s32 $0x0;
	s11 =	simm.s32 $0x0;
	s4 =	sshll.u32 s2, $0x4  }
0xb: {  	s10 =	simm.s32 $0x0;
	p1 =	slt.u32 s2, $0x7B0;
	s5 =	sadd.s32 $0xFFFF8500, s4  }
0xc: {  	s6 =	simm.s32 $0x3;
	_ =	strace $0x80000065;
	s5 =	smov.u32 @p1 s4  }
0xd: {  	s31 =	smax.u32 s2, $0x770;
	s8 =	sadd.s32 s5, s3;
	s5 =	ssub.s32 $0x7B0, s2  }
0xe: {  	s7 =	sshll.u32 s31, $0x9;
	s4 =	simm.s32 $0x1;
	p1 =	sgt.s32 s5, $0x0  }
.Ltmp0:
0xf: {  	s7 =	ssub.s32 $0xF6000, s7;
	s5 =	simm.s32 @!p1 $0x0;
	(pc) =	sbr.rel .LBB2_1-.Ltmp0, $4  }
0x10: {  	s3 =	sadd.s32 $0xA5200, s3;
	[sflag:s4] =	ssyncpa.u1 $0x0;
	s5 =	sand.u32 $0x7F0, s5  }
0x11: {  	s7 =	sshrl.u32 s7, $0x2;
	p1 =	sne.s32 s5, $0x0;
	s5 =	simm.s32 $0x1  }
0x12: {  	s5 =	simm.s32 @!p1 $0x0;
	s6 =	simm.s32 @!p1 $0x2;
	p1 =	sgt.u32 s2, $0x7AF  }
0x13: {  	[sflag:s30] =	ssyncpa.u1 $0x0;
	s8 =	sadd.s32 $0x86200, s8;
	s7 =	simm.s32 @p1 $0x0  }
.LBB2_4:
0x14: {  	_ = 	snop  }
.LBB2_7:
0x15: {  	_ =	sdelay $0x3  }
0x16: {  	[tilespmem:v0+s16+$0x0 ss:$0x1] =	vst.idx.msk @p1 $0xffff, v2  }
0x17: {  	v56 =	vld.idx.msk [tilespmem:v1+s15+$0x0 ss:$0x1], $0xffff;
	s24 =	sor.u32 $0x70, s15;
	[tilespmem:v0+s17+$0x0 ss:$0x1] =	vst.idx.msk @p1 $0xffff, v4  }
0x18: {  	s25 =	sor.u32 $0x10, s15;
	[tilespmem:v0+s18+$0x0 ss:$0x1] =	vst.idx.msk @p1 $0xffff, v3;
	v57 =	vld.idx.msk [tilespmem:v1+s24+$0x0 ss:$0x1], $0xffff  }
0x19: {  	s26 =	sor.u32 $0x20, s15;
	[tilespmem:v0+s19+$0x0 ss:$0x1] =	vst.idx.msk @p1 $0xffff, v5;
	v58 =	vld.idx.msk [tilespmem:v1+s25+$0x0 ss:$0x1], $0xffff  }
0x1a: {  	s28 =	sor.u32 $0x30, s15;
	[tilespmem:v0+s20+$0x0 ss:$0x1] =	vst.idx.msk @p1 $0xffff, v6;
	v59 =	vld.idx.msk [tilespmem:v1+s26+$0x0 ss:$0x1], $0xffff  }
0x1b: {  	s29 =	sor.u32 $0x40, s15;
	[tilespmem:v0+s21+$0x0 ss:$0x1] =	vst.idx.msk @p1 $0xffff, v7;
	v60 =	vld.idx.msk [tilespmem:v1+s28+$0x0 ss:$0x1], $0xffff  }
0x1c: {  	s30 =	sor.u32 $0x50, s15;
	v61 =	vld.idx.msk [tilespmem:v1+s29+$0x0 ss:$0x1], $0xffff;
	[tilespmem:v0+s15+$0x0 ss:$0x1] =	vst.idx.msk $0xffff, v56  }
0x1d: {  	s31 =	sor.u32 $0x60, s15;
	v62 =	vld.idx.msk [tilespmem:v1+s30+$0x0 ss:$0x1], $0xffff;
	[tilespmem:v0+s24+$0x0 ss:$0x1] =	vst.idx.msk $0xffff, v57  }
0x1e: {  	v63 =	vld.idx.msk [tilespmem:v1+s31+$0x0 ss:$0x1], $0xffff;
	[tilespmem:v0+s25+$0x0 ss:$0x1] =	vst.idx.msk $0xffff, v58  }
0x1f: {  	[tilespmem:v0+s26+$0x0 ss:$0x1] =	vst.idx.msk $0xffff, v59  }
0x20: {  	[tilespmem:v0+s28+$0x0 ss:$0x1] =	vst.idx.msk $0xffff, v60  }
0x21: {  	[tilespmem:v0+s29+$0x0 ss:$0x1] =	vst.idx.msk $0xffff, v61  }
0x22: {  	[tilespmem:v0+s30+$0x0 ss:$0x1] =	vst.idx.msk $0xffff, v62  }
0x23: {  	[tilespmem:v0+s31+$0x0 ss:$0x1] =	vst.idx.msk $0xffff, v63  }
.LBB2_8:
0x24: {  	s15 =	sshrl.u32 s11, $0x4  }
0x25: {  	s15 =	smulhi.u32 $0x10A6810B, s15;
	_ =	sdelay $0x1  }
0x26: {  	s15 =	sshrl.u32 s15, $0x3  }
0x27: {  	s15 =	smul.u32 $0x7B0, s15;
	_ =	sdelay $0x1  }
0x28: {  	s15 =	ssub.s32 s11, s15  }
0x29: {  	s15 =	sshll.u32 s15, $0x4  }
0x2a: {  	s15 =	sadd.s32 s3, s15  }
0x2b: {  	[hbm4b:s15+s9] =	stream.linear.scatter [tilespmem:s14], [sflag:$0x2], s13, $0x38;
	[tilespmem:$0x8000] =	vst v63  }
.LBB2_9:
0x2c: {  	p1 =	slt.u32 s10, $0x2  }
0x2d: {  	p2 =	sgt.s32 @!p1 s12, $0x770  }
0x2e: {  	p2 =	por !p2, p1  }
0x2f: {  	p3 =	sgt.s32 @!p1 s12, $0x7AF;
	s12 =	simm.s32 @p2 $0x770  }
0x30: {  	s12 =	sshll.u32 @!p1 s12, $0x9  }
0x31: {  	s12 =	ssub.s32 @!p1 $0xF6000, s12  }
0x32: {  	s10 =	sadd.s32 $0x1, s10;
	p2 =	por !p3, p1;
	s12 =	sshrl.u32 @!p1 s12, $0x2  }
0x33: {  	s12 =	simm.s32 @!p2 $0x0;
	p2 =	sne.s32 s10, s6  }
.Ltmp1:
0x34: {  	_ = 	snop;
	(pc) =	sbr.rel @!p2 .LBB2_10-.Ltmp1, $4  }
0x35: {  	s13 =	simm.s32 @!p1 $0x2  }
0x36: {  	_ =	swait.ge @!p1 [sflag:s13], s12  }
0x37: {  	s14 =	ssub.s32 @!p1 $0x0, s12;
	[sflag:s13] =	ssyncset.done @!p1 $0x0  }
0x38: {  	s12 =	smov.u32 s11;
	s11 =	smov.u32 s2;
	[sflag:s13] =	ssyncadd.s32 @!p1 s14  }
.LBB2_1:
0x39: {  	p1 =	sge.u32 s10, s5  }
0x3a: {  	s31 =	sadd.s32 $0xFFFFFFFF, s10;
	s13 =	simm.s32 @!p1 $0x0;
	s14 =	simm.s32 @!p1 $0x2000  }
0x3b: {  	[tilespmem:s14], [sflag:$0x1] =	stream.linear.gather @!p1 [hbm4b:s8+s13], s7, $0x38;
	[tilespmem:$0x8000] =	vst v63  }
0x3c: {  	p1 =	sge.u32 s31, s5  }
.Ltmp2:
0x3d: {  	_ = 	snop;
	(pc) =	sbr.rel @p1 .LBB2_9-.Ltmp2, $1  }
0x3e: {  	_ =	sdelay $0x3  }
0x3f: {  	p1 =	sgt.s32 s11, $0x770;
	s13 =	smov.u32 s11  }
0x40: {  	s13 =	simm.s32 @!p1 $0x770  }
0x41: {  	s13 =	sshll.u32 s13, $0x9  }
0x42: {  	s13 =	ssub.s32 $0xF6000, s13  }
0x43: {  	p1 =	sgt.u32 s11, $0x7AF;
	s13 =	sshrl.u32 s13, $0x2  }
0x44: {  	s14 =	smov.u32 s11;
	s13 =	simm.s32 @p1 $0x0;
	p1 =	slt.s32 s11, $0x770  }
0x45: {  	s14 =	simm.s32 @!p1 $0x770  }
0x46: {  	s16 =	ssub.s32 s14, s11  }
0x47: {  	p1 =	slt.s32 s16, $0xFFFFFFC1  }
.Ltmp3:
0x48: {  	_ = 	snop;
	(pc) =	sbr.rel @p1 .LBB2_8-.Ltmp3, $4  }
0x49: {  	_ = 	snop  }
0x4a: {  	s15 =	sshll.u32 s10, $0xD;
	_ =	swait.ge [sflag:s4], s13  }
0x4b: {  	s15 =	sand.u32 $0x2000, s15;
	s17 =	ssub.s32 $0x0, s13;
	[sflag:s4] =	ssyncset.done $0x0  }
0x4c: {  	s14 =	sor.u32 $0x4000, s15;
	[sflag:s4] =	ssyncadd.s32 s17  }
0x4d: {  	s16 =	sadd.s32 $0x40, s16  }
0x4e: {  	p2 =	sne.s32 s16, $0x1  }
.Ltmp4:
0x4f: {  	v1 =	vmov s15;
	v0 =	vmov s14;
	(pc) =	sbr.rel @!p2 .LBB2_4-.Ltmp4, $3  }
0x50: {  	_ =	sdelay $0x1  }
0x51: {  	s17 =	simm.s32 $0x0  }
0x52: {  	p1 =	por $0x0, $0x0;
	s15 =	sand.u32 $0x1F80, s17;
	s23 =	sadd.s32 $0xFFFFFFFF, s16  }
0x53: {  	_ =	sdelay $0x3  }
0x54: {  	v6 =	vld.idx.msk [tilespmem:v1+s15+$0x0 ss:$0x1], $0xffff;
	s24 =	sor.u32 $0x70, s15  }
0x55: {  	s16 =	sor.u32 $0x10, s15;
	v8 =	vld.idx.msk [tilespmem:v1+s24+$0x0 ss:$0x1], $0xffff  }
0x56: {  	s17 =	sor.u32 $0x20, s15;
	p2 =	sne.s32 s23, $0x1;
	v2 =	vld.idx.msk [tilespmem:v1+s16+$0x0 ss:$0x1], $0xffff  }
.Ltmp5:
0x57: {  	s18 =	sor.u32 $0x30, s15;
	v4 =	vld.idx.msk [tilespmem:v1+s17+$0x0 ss:$0x1], $0xffff;
	(pc) =	sbr.rel @!p2 .LBB2_7-.Ltmp5, $4  }
0x58: {  	s19 =	sor.u32 $0x40, s15;
	v3 =	vld.idx.msk [tilespmem:v1+s18+$0x0 ss:$0x1], $0xffff  }
0x59: {  	s21 =	sor.u32 $0x60, s15;
	v5 =	vld.idx.msk [tilespmem:v1+s19+$0x0 ss:$0x1], $0xffff  }
0x5a: {  	s20 =	sor.u32 $0x50, s15;
	s22 =	simm.s32 $0x80;
	v7 =	vld.idx.msk [tilespmem:v1+s21+$0x0 ss:$0x1], $0xffff;
	[tilespmem:v0+s15+$0x0 ss:$0x1] =	vst.idx.msk $0xffff, v6  }
0x5b: {  	s23 =	sadd.s32 $0xFFFFFFFF, s23;
	p1 =	por $0x1, $0x1;
	v6 =	vld.idx.msk [tilespmem:v1+s20+$0x0 ss:$0x1], $0xffff;
	s15 =	sand.u32 $0x1F80, s22;
	[tilespmem:v0+s24+$0x0 ss:$0x1] =	vst.idx.msk $0xffff, v8  }
.LBB2_6:
0x5c: {  	p2 =	sne.s32 s23, $0x1;
	v8 =	vld.idx.msk [tilespmem:v1+s15+$0x0 ss:$0x1], $0xffff;
	s24 =	sor.u32 $0x70, s15;
	[tilespmem:v0+s16+$0x0 ss:$0x1] =	vst.idx.msk $0xffff, v2;
	s16 =	sor.u32 $0x10, s15  }
0x5d: {  	s25 =	sor.u32 $0x30, s15;
	s26 =	sor.u32 $0x40, s15;
	v9 =	vld.idx.msk [tilespmem:v1+s24+$0x0 ss:$0x1], $0xffff;
	[tilespmem:v0+s17+$0x0 ss:$0x1] =	vst.idx.msk $0xffff, v4;
	s17 =	sor.u32 $0x20, s15  }
0x5e: {  	s28 =	sor.u32 $0x50, s15;
	s29 =	sor.u32 $0x60, s15;
	v2 =	vld.idx.msk [tilespmem:v1+s16+$0x0 ss:$0x1], $0xffff;
	[tilespmem:v0+s18+$0x0 ss:$0x1] =	vst.idx.msk $0xffff, v3;
	s18 =	smov.u32 s25  }
.Ltmp6:
0x5f: {  	v4 =	vld.idx.msk [tilespmem:v1+s17+$0x0 ss:$0x1], $0xffff;
	[tilespmem:v0+s19+$0x0 ss:$0x1] =	vst.idx.msk $0xffff, v5;
	s19 =	smov.u32 s26;
	(pc) =	sbr.rel @p2 .LBB2_6-.Ltmp6, $4  }
0x60: {  	v3 =	vld.idx.msk [tilespmem:v1+s18+$0x0 ss:$0x1], $0xffff;
	[tilespmem:v0+s20+$0x0 ss:$0x1] =	vst.idx.msk $0xffff, v6;
	s20 =	smov.u32 s28  }
0x61: {  	v5 =	vld.idx.msk [tilespmem:v1+s19+$0x0 ss:$0x1], $0xffff;
	[tilespmem:v0+s21+$0x0 ss:$0x1] =	vst.idx.msk $0xffff, v7;
	s21 =	smov.u32 s29  }
0x62: {  	s22 =	sadd.s32 $0x80, s22;
	[tilespmem:v0+s15+$0x0 ss:$0x1] =	vst.idx.msk $0xffff, v8;
	v6 =	vld.idx.msk [tilespmem:v1+s20+$0x0 ss:$0x1], $0xffff  }
0x63: {  	s23 =	sadd.s32 $0xFFFFFFFF, s23;
	s15 =	sand.u32 $0x1F80, s22;
	v7 =	vld.idx.msk [tilespmem:v1+s21+$0x0 ss:$0x1], $0xffff;
	[tilespmem:v0+s24+$0x0 ss:$0x1] =	vst.idx.msk $0xffff, v9  }
.Ltmp7:
0x64: {  	_ = 	snop;
	(pc) =	sbr.rel .LBB2_7-.Ltmp7, $1  }
0x65: {  	_ =	sdelay $0x3  }
.LBB2_10:
0x66: {  	_ =	sfence.sel $0x180000  }
0x67: {  	s2 =	simm.s32 $0x1;
	[bflag:$0x0] =	sbarrier.arrive $0xFFFF  }
0x68: {  	s31 =	simm.s32 $0x2;
	[sflag:s2] =	ssyncpa.u1 $0x1  }
0x69: {  	[sflag:s31] =	ssyncpa.u1 $0x1  }
0x6a: {  	_ =	strace $0x90000065  }
0x6b: {  	s0 =	sadd.s32 @!p0 $0x100000, s0;
	[bflag:$0x2] =	sbarrier.arrive $0xFFFF  }
0x6c: {  	[sflag:s0] =	ssyncadd.tile.s32 @!p0 $0x1;
	s0 =	simm.s32 @!p0 $0x3F  }
0x6d: {  	_ =	swait.ge @!p0 [sflag:s0], s1  }
0x6e: {  	s1 =	ssub.s32 @!p0 $0x0, s1;
	[sflag:s0] =	ssyncset.done @!p0 $0x0  }
0x6f: {  	[sflag:s0] =	ssyncadd.s32 @!p0 s1  }
0x70: {  	[bflag:$0x3] =	sbarrier.arrive $0xFFFF  }
0x71: {  	_ =	shalt  }
.Lfunc_end2:
execute1_lowered:
.L_overlay_start_2:
0x72: {  	(tag) =	ssettag $0x2  }
0x73: {  	s15 =	rddreg [dreg:$0x0]  }
0x74: {  	s2 =	rddreg [dreg:$0x1];
	_ =	strace $0x80000068;
	s0 =	simm.s32 $0x1  }
0x75: {  	v0 =	vimm.s32 $0x0;
	[sflag:s0] =	ssyncpa.u1 $0x0;
	s0 =	simm.s32 $0x108  }
0x76: {  	[tilespmem:s0+$0x70] =	vst v0  }
0x77: {  	[tilespmem:s0+$0x60] =	vst v0  }
0x78: {  	[tilespmem:s0+$0x50] =	vst v0  }
0x79: {  	[tilespmem:s0+$0x40] =	vst v0  }
0x7a: {  	s3 =	simm.s32 $0x40;
	[tilespmem:s0+$0x30] =	vst v0  }
0x7b: {  	s1 =	sadd.s32 $0xA5200, s15;
	s6 =	sadd.s32 $0x66200, s15;
	s2 =	sand.u32 $0x1, s2;
	[tilespmem:s0+$0x20] =	vst v0  }
0x7c: {  	s14 =	sadd.s32 $0x25E00, s15;
	[dreg:$0x4] =	wrdreg s2;
	s16 =	sshll.u32 s2, $0x9;
	[tilespmem:s0+$0x10] =	vst v0  }
.LBB3_1:
0x7d: {  	s3 =	sadd.s32 $0x40, s3;
	[tilespmem:s0+$0x0] =	vst v0;
	s0 =	sadd.s32 $0x80, s0  }
0x7e: {  	p0 =	slt.u32 s3, $0x3C40;
	[tilespmem:s0+$0x70] =	vst v0  }
0x7f: {  	[tilespmem:s0+$0x60] =	vst v0  }
.Ltmp8:
0x80: {  	[tilespmem:s0+$0x50] =	vst v0;
	(pc) =	sbr.rel @p0 .LBB3_1-.Ltmp8, $4  }
0x81: {  	[tilespmem:s0+$0x40] =	vst v0  }
0x82: {  	[tilespmem:s0+$0x30] =	vst v0  }
0x83: {  	[tilespmem:s0+$0x20] =	vst v0  }
0x84: {  	[tilespmem:s0+$0x10] =	vst v0  }
0x85: {  	s5 =	stileid.u32  }
0x86: {  	s2 =	smin.u32 s5, $0x2  }
0x87: {  	s2 =	sadd.s32 s5, s2  }
0x88: {  	p0 =	slt.u32 s5, $0x2;
	s7 =	smul.u32 $0xF0, s2;
	s2 =	simm.s32 $0x1E0  }
0x89: {  	s2 =	simm.s32 @!p0 $0xF0  }
0x8a: {  	s2 =	sadd.s32 s2, s7  }
0x8b: {  	s8 =	smin.u32 s2, $0x1000  }
0x8c: {  	s2 =	ssub.s32 s8, s7  }
0x8d: {  	p0 =	sgt.s32 s2, $0x0  }
0x8e: {  	s2 =	simm.s32 @!p0 $0x0  }
0x8f: {  	s30 =	simm.s32 $0x2;
	s10 =	simm.s32 $0x9;
	s3 =	smul.u32 $0x8889, s2  }
0x90: {  	s4 =	simm.s32 $0xA;
	s11 =	simm.s32 $0xB;
	s12 =	simm.s32 $0x1  }
0x91: {  	s14 =	sadd.s32 s16, s14;
	s15 =	sadd.s32 s16, s15;
	s31 =	sshrl.u32 s3, $0x17  }
0x92: {  	s22 =	simm.s32 $0x0;
	s18 =	simm.s32 $0xC;
	s3 =	smul.u32 $0xF0, s31  }
.Ltmp9:
0x93: {  	[tilespmem:s0+$0x0] =	vst v0;
	v0 =	vimm.s32 $0xFFFFFFFF;
	s20 =	simm.s32 $0x0;
	[sflag:s30] =	ssyncpa.u1 $0x0;
	(pc) =	sbr.rel .LBB3_3-.Ltmp9, $4  }
0x94: {  	[tilespmem:$0xF208] =	vst v0;
	[sflag:s10] =	ssyncpa.u1 $0x0;
	p0 =	sne.s32 s2, s3;
	s2 =	simm.s32 $0x1  }
0x95: {  	s21 =	simm.s32 $0x0;
	[sflag:s4] =	ssyncpa.u1 $0x0;
	s2 =	simm.s32 @!p0 $0x0  }
0x96: {  	s16 =	sshll.u32 s5, $0x8;
	[sflag:s11] =	ssyncpa.u1 $0x0;
	s13 =	sadd.s32 s31, s2  }
0x97: {  	v0 =	vlaneseq.u32;
	s19 =	smov.u32 s7;
	p0 =	por $0x0, $0x0;
	s17 =	sadd.s32 $0x1, s13  }
.LBB3_18:
0x98: {  	s0 =	sshrl.u32 s31, $0x2  }
.LBB3_20:
0x99: {  	_ =	swait.ge [sflag:s18], s0  }
0x9a: {  	s31 =	ssub.s32 $0x0, s0;
	v1 =	vmov s25;
	vm0 =	veq.s32 v0, $0x0;
	[sflag:s18] =	ssyncset.done $0x0  }
0x9b: {  	vm15 =	veq.s32 v0, $0x2;
	v1 =	vsel vm0, s30, v1;
	[sflag:s18] =	ssyncadd.s32 s31  }
0x9c: {  	v1 =	vsel vm15, s22, v1;
	[sflag:s18] =	ssyncpa.u1 $0x1  }
0x9d: {  	[tilespmem:$0xF208] =	vst v1  }
.LBB3_21:
0x9e: {  	s0 =	sadd.s32 $0xF0, s19  }
0x9f: {  	s2 =	smov.u32 s7;
	p1 =	slt.s32 s0, s8  }
0xa0: {  	s2 =	smov.u32 @p1 s0;
	p1 =	sne.s32 s21, s17  }
.Ltmp10:
0xa1: {  	_ = 	snop;
	(pc) =	sbr.rel @!p1 .LBB3_22-.Ltmp10, $3  }
0xa2: {  	_ =	sdelay $0x1  }
0xa3: {  	s22 =	smov.u32 s20;
	s31 =	sadd.s32 $0x1, s21;
	s20 =	smov.u32 s19  }
0xa4: {  	p0 =	por !p0, !p0;
	s21 =	smov.u32 s31;
	s19 =	smov.u32 s2  }
.LBB3_3:
0xa5: {  	p1 =	sge.u32 s21, s13  }
0xa6: {  	s0 =	smulhi.u32 @!p1 $0xAAAAAAAB, s21  }
0xa7: {  	s2 =	smov.u32 s19;
	p2 =	sgt.s32 @!p1 s19, $0xF10  }
0xa8: {  	s3 =	sshra.s32 @!p1 s19, $0x1F;
	p2 =	por !p2, p1;
	s0 =	sshrl.u32 @!p1 s0, $0x1  }
0xa9: {  	s3 =	sand.u32 @!p1 s3, s19;
	s2 =	simm.s32 @p2 $0xF10;
	s0 =	smul.u32 @!p1 $0x3, s0  }
0xaa: {  	s2 =	ssub.s32 @!p1 s2, s3  }
0xab: {  	s2 =	sadd.s32 @!p1 $0xFFFFF0F0, s2;
	s0 =	ssub.s32 @!p1 s21, s0  }
0xac: {  	s3 =	sshll.u32 @!p1 s2, $0x2;
	p2 =	sgt.s32 @!p1 s2, $0xEF;
	s0 =	smul.u32 @!p1 $0x3C0, s0  }
0xad: {  	s4 =	sand.u32 @!p1 $0x7, s19;
	s2 =	ssub.s32 @!p1 $0x3C0, s3;
	p2 =	por !p2, p1  }
0xae: {  	s3 =	sshrl.u32 @!p1 s19, $0x3;
	s2 =	sshrl.u32 @!p1 s2, $0x2;
	s0 =	sshrl.u32 @!p1 s0, $0x2  }
0xaf: {  	s3 =	sadd.s32 @!p1 s3, s14;
	s2 =	simm.s32 @!p2 $0x0;
	s0 =	sadd.s32 @!p1 $0x10248, s0  }
0xb0: {  	[tilespmem:s0], [sflag:$0xA] =	stream.linear.gather @!p1 [hbm4b:s3+s4], s2, $0x38;
	[tilespmem:$0x1F6F8] =	vst v63  }
0xb1: {  	s0 =	sadd.s32 $0xFFFFFFFF, s21  }
0xb2: {  	p1 =	sge.u32 s0, s13  }
0xb3: {  	p2 =	sgt.s32 @!p1 s20, $0xF10  }
0xb4: {  	s2 =	smov.u32 s20;
	s3 =	sshra.s32 @!p1 s20, $0x1F;
	p2 =	por !p2, p1  }
0xb5: {  	s3 =	sand.u32 @!p1 s3, s20;
	s2 =	simm.s32 @p2 $0xF10  }
0xb6: {  	s2 =	ssub.s32 @!p1 s2, s3  }
0xb7: {  	s2 =	sadd.s32 @!p1 $0xFFFFF0F0, s2  }
0xb8: {  	s4 =	sand.u32 @!p1 $0x1, s0;
	s3 =	sshll.u32 @!p1 s2, $0x2  }
0xb9: {  	p2 =	sgt.s32 @!p1 s2, $0xEF;
	s2 =	ssub.s32 @!p1 $0x3C0, s3;
	s3 =	smulhi.u32 @!p1 $0xAAAAAAAB, s0  }
0xba: {  	s23 =	smul.u32 @!p1 $0x3C0, s4;
	p2 =	por !p2, p1;
	s2 =	sshrl.u32 @!p1 s2, $0x2  }
0xbb: {  	s5 =	simm.s32 @!p1 $0xA;
	s2 =	simm.s32 @!p2 $0x0;
	s3 =	sshrl.u32 @!p1 s3, $0x1  }
0xbc: {  	s23 =	sshrl.u32 @!p1 s23, $0x2;
	_ =	swait.ge @!p1 [sflag:s5], s2;
	s3 =	smul.u32 @!p1 $0x3, s3  }
0xbd: {  	s23 =	sadd.s32 @!p1 $0x10518, s23;
	s24 =	ssub.s32 @!p1 $0x0, s2;
	[sflag:s5] =	ssyncset.done @!p1 $0x0  }
0xbe: {  	[sflag:s5] =	ssyncadd.s32 @!p1 s24;
	s5 =	sshrl.u32 @!p1 s20, $0x3;
	s0 =	ssub.s32 @!p1 s0, s3  }
0xbf: {  	s24 =	sand.u32 @!p1 $0x7, s20;
	s5 =	sadd.s32 @!p1 s5, s15;
	s0 =	smul.u32 @!p1 $0x3C0, s0  }
0xc0: {  	[tilespmem:s23], [sflag:$0xB] =	stream.linear.gather @!p1 [hbm4b:s5+s24], s2, $0x38;
	[tilespmem:$0x1F6F8] =	vst v63  }
0xc1: {  	s3 =	ssub.s32 @!p1 $0x1000, s20;
	s2 =	smul.u32 @!p1 $0x1E000, s4  }
0xc2: {  	p2 =	slt.s32 @!p1 s3, $0xF0  }
0xc3: {  	p2 =	por !p2, p1;
	s0 =	sshrl.u32 @!p1 s0, $0x2;
	s2 =	sshrl.u32 @!p1 s2, $0x2  }
0xc4: {  	s3 =	simm.s32 @p2 $0xF0;
	s0 =	sadd.s32 @!p1 $0x10248, s0;
	s2 =	sor.u32 @!p1 $0x106F8, s2  }
0xc5: {  	[tilespmem:s2], [sflag:$0x9] =	stream.indirect.gather @!p1 [hbm4b:s6+s3], $0x80, s0, s3, $0xb8;
	[tilespmem:$0x1F6F8] =	vst v63  }
0xc6: {  	p1 =	slt.u32 s21, $0x2  }
.Ltmp11:
0xc7: {  	_ = 	snop;
	(pc) =	sbr.rel @p1 .LBB3_21-.Ltmp11, $1  }
0xc8: {  	_ =	sdelay $0x3  }
0xc9: {  	p1 =	sgt.s32 s22, $0xF10  }
0xca: {  	s0 =	smov.u32 s22;
	s2 =	sshra.s32 s22, $0x1F;
	s3 =	ssub.s32 $0x1000, s22  }
0xcb: {  	s0 =	simm.s32 @!p1 $0xF10;
	s2 =	sand.u32 s2, s22;
	p1 =	slt.s32 s3, $0xF0  }
0xcc: {  	s0 =	ssub.s32 s0, s2;
	s3 =	simm.s32 @!p1 $0xF0  }
0xcd: {  	s0 =	sadd.s32 $0xFFFFF0F0, s0;
	s25 =	sshll.u32 s3, $0x7  }
0xce: {  	s26 =	sshll.u32 s0, $0x2;
	s2 =	sand.u32 $0x3FFFFF80, s25  }
0xcf: {  	p1 =	sgt.s32 s0, $0xEF;
	s29 =	ssub.s32 $0x3C0, s26;
	_ =	swait.ge [sflag:s10], s2  }
0xd0: {  	s2 =	ssub.s32 $0x0, s2;
	[sflag:s10] =	ssyncset.done $0x0;
	s0 =	sshrl.u32 s29, $0x2  }
0xd1: {  	[sflag:s10] =	ssyncadd.s32 s2;
	s0 =	simm.s32 @p1 $0x0  }
0xd2: {  	_ =	swait.ge [sflag:s11], s0  }
0xd3: {  	s0 =	ssub.s32 $0x0, s0;
	[sflag:s11] =	ssyncset.done $0x0  }
0xd4: {  	[sflag:s11] =	ssyncadd.s32 s0  }
0xd5: {  	v1 =	vld [tilespmem:$0xF208];
	_ =	sdelay $0x4  }
0xd6: {  	(v2sf) =	vpush v1, $0x0  }
0xd7: {  	(v2sf) =	vpush v1, $0x1  }
0xd8: {  	(v2sf) =	vpush v1, $0x2;
	_ =	sdelay $0x3  }
0xd9: {  	s0 =	sadd.s32 $0xF0, s22  }
0xda: {  	s2 =	ssub.s32 $0x2000, s22;
	p1 =	slt.s32 s8, s0  }
0xdb: {  	s0 =	smov.u32 @p1 s8;
	p1 =	sgt.s32 s2, $0x0  }
0xdc: {  	s23 =	ssub.s32 s0, s22;
	s2 =	simm.s32 @!p1 $0x0  }
0xdd: {  	p1 =	slt.s32 s2, s23  }
0xde: {  	s23 =	smov.u32 @p1 s2  }
0xdf: {  	s26 =	simm.s32 $0x1;
	p1 =	slt.s32 s23, $0x1  }
.Ltmp12:
0xe0: {  	s26 =	simm.s32 @!p0 $0x0;
	(pc) =	sbr.rel @p1 .LBB3_8-.Ltmp12, $4  }
0xe1: {  	s31 =	smul.u32 $0x3C0, s26  }
0xe2: {  	s28 =	spop (v2sf)  }
0xe3: {  	s0 =	sshrl.u32 s31, $0x2;
	s30 =	spop (v2sf)  }
0xe4: {  	s24 =	sadd.s32 $0x10518, s0;
	s22 =	spop (v2sf)  }
0xe5: {  	s0 =	smin.u32 s23, $0x10  }
0xe6: {  	v1 =	vmov s0  }
0xe7: {  	p2 =	sgt.s32 s23, $0x10;
	vm1 =	vgt.u32 v1, v0  }
.Ltmp13:
0xe8: {  	_ = 	snop;
	(pc) =	sbr.rel @!p2 .LBB3_7-.Ltmp13, $2  }
0xe9: {  	_ =	sdelay $0x2  }
0xea: {  	s4 =	simm.s32 $0x10;
	s25 =	sadd.s32 $0xFFFFFFF0, s23;
	s0 =	smov.u32 s24;
	vm0 =	vmmov vm1  }
.LBB3_6:
0xeb: {  	s2 =	smin.u32 s25, $0x10;
	s4 =	sadd.s32 $0x10, s4;
	v1 =	vld.msk [tilespmem:s0+$0x0 ss:$0x1], vm1  }
0xec: {  	v2 =	vmov s2;
	p2 =	slt.s32 s4, s23  }
0xed: {  	vm1 =	vgt.u32 v2, v0  }
.Ltmp14:
0xee: {  	(pc) =	sbr.rel @p2 .LBB3_6-.Ltmp14, $3  }
0xef: {  	_ =	sdelay $0x1  }
0xf0: {  	v1 =	vshll.u32 v1, $0x4  }
0xf1: {  	s25 =	sadd.s32 $0xFFFFFFF0, s25;
	[tilespmem:s0+$0x0] =	vst.msk vm0, v1;
	s0 =	sadd.s32 $0x10, s0;
	vm0 =	vmmov vm1  }
.LBB3_7:
0xf2: {  	_ =	sdelay $0x4  }
0xf3: {  	v1 =	vld.msk [tilespmem:s0+$0x0 ss:$0x1], vm1;
	_ =	sdelay $0x4  }
0xf4: {  	v1 =	vshll.u32 v1, $0x4  }
0xf5: {  	[tilespmem:s0+$0x0] =	vst.msk vm0, v1  }
.LBB3_8:
0xf6: {  	s0 =	sand.u32 $0x1, s21  }
0xf7: {  	s0 =	smul.u32 $0xF0, s0  }
0xf8: {  	p2 =	sne.s32 s30, $0xFFFFFFFF  }
0xf9: {  	v1 =	vld.msk @!p2 [tilespmem:s0+$0x10518], $0x1;
	_ =	sdelay $0x4  }
0xfa: {  	(v2sf) =	vpush @!p2 v1, $0x0;
	_ =	sdelay $0xc  }
.Ltmp15:
0xfb: {  	_ = 	snop;
	(pc) =	sbr.rel @p1 .LBB3_19-.Ltmp15, $4  }
0xfc: {  	_ = 	snop  }
0xfd: {  	s29 =	spop @!p2 (v2sf)  }
0xfe: {  	s22 =	simm.s32 @!p2 $0x0;
	s25 =	smov.u32 s29  }
0xff: {  	[sflag:s18] =	ssyncpa.u1 $0x0;
	s29 =	smov.u32 @p2 s28;
	s25 =	smov.u32 @p2 s30  }
0x100: {  	v1 =	vld.msk [tilespmem:s24+$0x0], $0x1;
	_ =	sdelay $0x4  }
0x101: {  	(v2sf) =	vpush v1, $0x0;
	_ =	sdelay $0xe  }
0x102: {  	s2 =	smul.u32 $0x1E000, s26;
	s0 =	spop (v2sf)  }
0x103: {  	p1 =	seq.s32 s29, s0  }
0x104: {  	s30 =	sadd.s32 $0xFFFFFFFF, s23;
	s2 =	sshrl.u32 s2, $0x2;
	p2 =	sgt.s32 @!p1 s29, $0x0  }
0x105: {  	s26 =	sor.u32 $0x10738, s2;
	s2 =	smov.u32 s29;
	p2 =	por !p2, p1  }
0x106: {  	s2 =	simm.s32 @p2 $0x0;
	p2 =	sne.s32 s30, $0x0  }
.Ltmp16:
0x107: {  	_ = 	snop;
	(pc) =	sbr.rel @!p2 .LBB3_11-.Ltmp16, $4  }
0x108: {  	_ = 	snop  }
0x109: {  	s28 =	simm.s32 $0x0;
	s31 =	sadd.s32 $0x1, s24;
	s2 =	smin.u32 @!p1 s2, $0x7AF0  }
0x10a: {  	s4 =	simm.s32 @!p1 $0x1;
	s5 =	simm.s32 @!p1 $0x7988;
	s3 =	sand.u32 @!p1 $0x7FF8, s2  }
0x10b: {  	s4 =	smov.u32 @p1 s28;
	s2 =	sand.u32 @!p1 $0x7, s2;
	s3 =	sadd.s32 @!p1 s1, s3  }
.LBB3_10:
0x10c: {  	s9 =	smov.u32 s4  }
0x10d: {  	[tilespmem:s5], [sflag:$0x2] =	stream.linear.gather @!p1 [hbm4b:s3+s2], $0x80, $0x38;
	[tilespmem:$0x1F6F8] =	vst v63  }
0x10e: {  	s30 =	sadd.s32 $0xFFFFFFFF, s30;
	s2 =	smov.u32 s0;
	v1 =	vld.msk [tilespmem:s31+$0x0], $0x1  }
0x10f: {  	p2 =	sne.s32 s30, $0x0;
	_ =	sdelay $0x3  }
0x110: {  	(v2sf) =	vpush v1, $0x0;
	_ =	sdelay $0xe  }
0x111: {  	s0 =	spop (v2sf)  }
0x112: {  	p1 =	seq.s32 s2, s0  }
0x113: {  	p3 =	sgt.s32 @!p1 s2, $0x0;
	s3 =	sshll.u32 @!p1 s4, $0x9;
	s4 =	sadd.s32 @!p1 $0x1, s4  }
.Ltmp17:
0x114: {  	p3 =	por !p3, p1;
	s3 =	sshra.s32 @!p1 s3, $0x2;
	(pc) =	sbr.rel @p2 .LBB3_10-.Ltmp17, $4  }
0x115: {  	s4 =	smov.u32 @p1 s9;
	s2 =	simm.s32 @p3 $0x0;
	s5 =	sadd.s32 @!p1 $0x7988, s3  }
0x116: {  	s2 =	smin.u32 @!p1 s2, $0x7AF0  }
0x117: {  	s3 =	sand.u32 @!p1 $0x7FF8, s2;
	s2 =	sand.u32 @!p1 $0x7, s2  }
0x118: {  	s31 =	sadd.s32 $0x1, s31;
	s3 =	sadd.s32 @!p1 s1, s3  }
.LBB3_11:
0x119: {  	[tilespmem:s5], [sflag:$0x2] =	stream.linear.gather @!p1 [hbm4b:s3+s2], $0x80, $0x38;
	[tilespmem:$0x1F6F8] =	vst v63  }
.Ltmp18:
0x11a: {  	s0 =	sshll.u32 s4, $0x7;
	(pc) =	sbr.rel .LBB3_12-.Ltmp18, $4  }
0x11b: {  	s30 =	simm.s32 $0x2;
	s0 =	sand.u32 $0x3FFFFF80, s0  }
0x11c: {  	_ =	swait.ge [sflag:s30], s0  }
0x11d: {  	s0 =	ssub.s32 $0x0, s0;
	[sflag:s30] =	ssyncset.done $0x0  }
0x11e: {  	s31 =	simm.s32 $0x0;
	[sflag:s30] =	ssyncadd.s32 s0  }
.LBB3_13:
0x11f: {  	v1 =	vld [tilespmem:s26+$0xFFFFFFC0];
	_ =	sdelay $0x3  }
0x120: {  	s0 =	sshra.s32 s0, $0x2  }
0x121: {  	[tilespmem:s0+$0x108] =	vst.add.f32.msk $0xffff, v1  }
0x122: {  	v1 =	vld [tilespmem:s26+$0xFFFFFFD0];
	_ =	sdelay $0x4  }
0x123: {  	[tilespmem:s0+$0x118] =	vst.add.f32.msk $0xffff, v1  }
0x124: {  	v1 =	vld [tilespmem:s26+$0xFFFFFFE0];
	_ =	sdelay $0x4  }
0x125: {  	[tilespmem:s0+$0x128] =	vst.add.f32.msk $0xffff, v1  }
0x126: {  	v1 =	vld [tilespmem:s26+$0xFFFFFFF0];
	_ =	sdelay $0x4  }
0x127: {  	[tilespmem:s0+$0x138] =	vst.add.f32.msk $0xffff, v1  }
0x128: {  	v1 =	vld [tilespmem:s26+$0x0];
	_ =	sdelay $0x4  }
0x129: {  	[tilespmem:s0+$0x148] =	vst.add.f32.msk $0xffff, v1  }
0x12a: {  	v1 =	vld [tilespmem:s26+$0x10];
	_ =	sdelay $0x4  }
0x12b: {  	[tilespmem:s0+$0x158] =	vst.add.f32.msk $0xffff, v1  }
0x12c: {  	v1 =	vld [tilespmem:s26+$0x20];
	_ =	sdelay $0x4  }
0x12d: {  	[tilespmem:s0+$0x168] =	vst.add.f32.msk $0xffff, v1  }
0x12e: {  	v1 =	vld [tilespmem:s26+$0x30];
	_ =	sdelay $0x4  }
0x12f: {  	[tilespmem:s0+$0x178] =	vst.add.f32.msk $0xffff, v1  }
.LBB3_17:
0x130: {  	s23 =	sadd.s32 $0xFFFFFFFF, s23  }
0x131: {  	p1 =	sne.s32 s23, $0x0  }
.Ltmp19:
0x132: {  	_ = 	snop;
	(pc) =	sbr.rel @!p1 .LBB3_18-.Ltmp19, $2  }
0x133: {  	_ =	sdelay $0x2  }
0x134: {  	s24 =	sadd.s32 $0x1, s24;
	s26 =	sadd.s32 $0x80, s26;
	s29 =	smov.u32 s30  }
.LBB3_12:
0x135: {  	v1 =	vld.msk [tilespmem:s24+$0x0], $0x1;
	_ =	sdelay $0x4  }
0x136: {  	(v2sf) =	vpush v1, $0x0;
	_ =	sdelay $0xe  }
0x137: {  	s30 =	spop (v2sf)  }
0x138: {  	p1 =	sne.s32 s29, s30  }
.Ltmp20:
0x139: {  	_ = 	snop;
	(pc) =	sbr.rel @!p1 .LBB3_13-.Ltmp20, $2  }
0x13a: {  	_ =	sdelay $0x2  }
0x13b: {  	s0 =	sshll.u32 s22, $0x9  }
0x13c: {  	p1 =	seq.s32 s29, s25  }
.Ltmp21:
0x13d: {  	_ = 	snop;
	(pc) =	sbr.rel @!p1 .LBB3_15-.Ltmp21, $1  }
0x13e: {  	_ =	sdelay $0x3  }
0x13f: {  	s0 =	sshra.s32 s0, $0x2  }
.Ltmp22:
0x140: {  	s0 =	sadd.s32 $0x108, s0;
	(pc) =	sbr.rel .LBB3_16-.Ltmp22, $4  }
0x141: {  	[spmem:s16] =	stream.linear.scatter [tilespmem:s0], [sflag:$0x1], $0x80, $0x38;
	[tilespmem:$0x1F6F8] =	vst v63  }
0x142: {  	_ =	swait.ge [sflag:s12], $0x80  }
0x143: {  	[sflag:s12] =	ssyncset.done $0x0  }
0x144: {  	[sflag:s12] =	ssyncadd.s32 $0xFFFFFF80  }
.LBB3_15:
0x145: {  	s2 =	sshll.u32 s28, $0x9  }
0x146: {  	s2 =	sshra.s32 s2, $0x2  }
0x147: {  	v1 =	vld [tilespmem:s2+$0x7988];
	_ =	sdelay $0x3  }
0x148: {  	s0 =	sshra.s32 s0, $0x2  }
0x149: {  	[tilespmem:s0+$0x108] =	vst.add.f32.msk $0xffff, v1  }
0x14a: {  	v1 =	vld [tilespmem:s2+$0x7998];
	_ =	sdelay $0x4  }
0x14b: {  	[tilespmem:s0+$0x118] =	vst.add.f32.msk $0xffff, v1  }
0x14c: {  	v1 =	vld [tilespmem:s2+$0x79A8];
	_ =	sdelay $0x4  }
0x14d: {  	[tilespmem:s0+$0x128] =	vst.add.f32.msk $0xffff, v1  }
0x14e: {  	v1 =	vld [tilespmem:s2+$0x79B8];
	_ =	sdelay $0x4  }
0x14f: {  	[tilespmem:s0+$0x138] =	vst.add.f32.msk $0xffff, v1  }
0x150: {  	v1 =	vld [tilespmem:s2+$0x79C8];
	_ =	sdelay $0x4  }
0x151: {  	[tilespmem:s0+$0x148] =	vst.add.f32.msk $0xffff, v1  }
0x152: {  	v1 =	vld [tilespmem:s2+$0x79D8];
	_ =	sdelay $0x4  }
0x153: {  	[tilespmem:s0+$0x158] =	vst.add.f32.msk $0xffff, v1  }
0x154: {  	v1 =	vld [tilespmem:s2+$0x79E8];
	_ =	sdelay $0x4  }
0x155: {  	[tilespmem:s0+$0x168] =	vst.add.f32.msk $0xffff, v1  }
0x156: {  	v1 =	vld [tilespmem:s2+$0x79F8];
	_ =	sdelay $0x2  }
0x157: {  	p1 =	sgt.u32 s29, $0x7AF0  }
0x158: {  	s2 =	sand.u32 @!p1 $0x7FF8, s29  }
0x159: {  	s3 =	sadd.s32 $0x108, s0;
	[tilespmem:s0+$0x178] =	vst.add.f32.msk $0xffff, v1;
	s0 =	sadd.s32 @!p1 s1, s2;
	s2 =	sand.u32 @!p1 $0x7, s29  }
0x15a: {  	[hbm4b:s0+s2] =	stream.linear.scatter @!p1 [tilespmem:s3], [sflag:$0xC], $0x80, $0x38;
	[tilespmem:$0x1F6F8] =	vst v63  }
0x15b: {  	s0 =	simm.s32 $0x0  }
0x15c: {  	s0 =	simm.s32 @!p1 $0x200  }
0x15d: {  	s31 =	sadd.s32 s0, s31  }
.LBB3_16:
0x15e: {  	s0 =	sadd.s32 $0x1, s22  }
0x15f: {  	s2 =	smulhi.u32 $0x88888889, s0;
	_ =	sdelay $0x1  }
0x160: {  	v1 =	vld [tilespmem:s26+$0xFFFFFFC0];
	s2 =	sshrl.u32 s2, $0x7  }
0x161: {  	s2 =	smul.u32 $0xF0, s2;
	_ =	sdelay $0x1  }
0x162: {  	s22 =	ssub.s32 s0, s2  }
0x163: {  	s0 =	sshll.u32 s22, $0x7  }
0x164: {  	[tilespmem:s0+$0x108] =	vst v1  }
0x165: {  	v1 =	vld [tilespmem:s26+$0xFFFFFFD0];
	_ =	sdelay $0x4  }
0x166: {  	[tilespmem:s0+$0x118] =	vst v1  }
0x167: {  	v1 =	vld [tilespmem:s26+$0xFFFFFFE0];
	_ =	sdelay $0x4  }
0x168: {  	[tilespmem:s0+$0x128] =	vst v1  }
0x169: {  	v1 =	vld [tilespmem:s26+$0xFFFFFFF0];
	_ =	sdelay $0x4  }
0x16a: {  	[tilespmem:s0+$0x138] =	vst v1  }
0x16b: {  	v1 =	vld [tilespmem:s26+$0x0];
	_ =	sdelay $0x4  }
0x16c: {  	[tilespmem:s0+$0x148] =	vst v1  }
0x16d: {  	v1 =	vld [tilespmem:s26+$0x10];
	_ =	sdelay $0x4  }
0x16e: {  	[tilespmem:s0+$0x158] =	vst v1  }
0x16f: {  	v1 =	vld [tilespmem:s26+$0x20];
	_ =	sdelay $0x4  }
0x170: {  	[tilespmem:s0+$0x168] =	vst v1  }
0x171: {  	v1 =	vld [tilespmem:s26+$0x30]  }
.Ltmp23:
0x172: {  	_ = 	snop;
	(pc) =	sbr.rel .LBB3_17-.Ltmp23, $2  }
0x173: {  	_ =	sdelay $0x2  }
0x174: {  	s28 =	sadd.s32 $0x1, s28;
	[tilespmem:s0+$0x178] =	vst v1  }
.LBB3_19:
.Ltmp24:
0x175: {  	(pc) =	sbr.rel .LBB3_20-.Ltmp24, $4  }
0x176: {  	_ = 	snop  }
0x177: {  	s0 =	simm.s32 $0x2  }
0x178: {  	_ =	swait.ge [sflag:s0], $0x0  }
0x179: {  	s30 =	smov.u32 s29;
	[sflag:s0] =	ssyncset.done $0x0;
	s0 =	simm.s32 $0x0  }
.LBB3_22:
0x17a: {  	_ =	sfence.sel $0x180000  }
0x17b: {  	s0 =	simm.s32 $0x9;
	[bflag:$0x0] =	sbarrier.arrive $0xFFFF  }
0x17c: {  	s24 =	simm.s32 $0xA;
	[sflag:s0] =	ssyncpa.u1 $0x1  }
0x17d: {  	s25 =	simm.s32 $0xB;
	[sflag:s24] =	ssyncpa.u1 $0x1  }
0x17e: {  	s26 =	simm.s32 $0x2;
	[sflag:s25] =	ssyncpa.u1 $0x1  }
0x17f: {  	[sflag:s26] =	ssyncpa.u1 $0x1  }
0x180: {  	v0 =	vld [tilespmem:$0xF208];
	_ =	sdelay $0x4  }
0x181: {  	(v2sf) =	vpush v0, $0x0  }
0x182: {  	(v2sf) =	vpush v0, $0x1;
	_ =	sdelay $0x1  }
0x183: {  	(v2sf) =	vpush v0, $0x2;
	_ =	sdelay $0xb  }
0x184: {  	s0 =	spop (v2sf)  }
0x185: {  	s2 =	spop (v2sf)  }
0x186: {  	s3 =	smov.u32 s0;
	p0 =	sne.s32 s0, s2  }
0x187: {  	s4 =	spop (v2sf);
	s3 =	simm.s32 @!p0 $0xFFFFFFFF  }
0x188: {  	v2 =	vimm.s32 $0x1;
	v3 =	vlaneseq.u32;
	p0 =	seq.s32 s4, $0xFFFFFFFF;
	v1 =	vmov s3  }
0x189: {  	s16 =	stileid.u32;
	v0 =	vperm.xlane v0, v2;
	p1 =	sne.s32 @!p0 s0, s2;
	v1 =	vperm.xlane v1, v3  }
0x18a: {  	vm0 =	vcmask $0x3F04;
	s6 =	simm.s32 $0xF208;
	s0 =	simm.s32 @!p0 $0x1;
	p1 =	por !p1, p0  }
0x18b: {  	s3 =	sshll.u32 s16, $0x1;
	s2 =	sshll.u32 @!p0 s4, $0x9;
	s0 =	simm.s32 @p1 $0x0;
	v0 =	vsel vm0, v1, v0  }
0x18c: {  	s5 =	sor.u32 $0x1000, s3;
	s2 =	sshra.s32 @!p0 s2, $0x2;
	s0 =	sor.u32 @!p0 s0, s3;
	[tilespmem:$0xF208] =	vst v0  }
0x18d: {  	[spmem:s5] =	stream.linear.scatter [tilespmem:s6], [sflag:$0x1], $0x2, $0x38;
	[tilespmem:$0x1F6F8] =	vst v63  }
0x18e: {  	s2 =	sadd.s32 @!p0 $0x108, s2;
	s0 =	sshll.u32 @!p0 s0, $0x7  }
0x18f: {  	[spmem:s0] =	stream.linear.scatter @!p0 [tilespmem:s2], [sflag:$0x1], $0x80, $0x38;
	[tilespmem:$0x1F6F8] =	vst v63  }
0x190: {  	s0 =	simm.s32 @!p0 $0x82  }
0x191: {  	s28 =	simm.s32 $0x1;
	s0 =	simm.s32 @p0 $0x2  }
0x192: {  	_ =	swait.ge [sflag:s28], s0  }
0x193: {  	s0 =	ssub.s32 $0x0, s0;
	[sflag:s28] =	ssyncset.done $0x0  }
0x194: {  	p0 =	sne.s32 s16, $0x0;
	[sflag:s28] =	ssyncadd.s32 s0  }
.Ltmp25:
0x195: {  	_ =	sfence.stream.spmem;
	(pc) =	sbr.rel @p0 .LBB3_39-.Ltmp25, $4  }
0x196: {  	s29 =	simm.s32 $0x3;
	[bflag:$0x0] =	sbarrier.arrive $0xFFFF  }
0x197: {  	s30 =	simm.s32 $0x4;
	[sflag:s29] =	ssyncpa.u1 $0x1  }
0x198: {  	s31 =	simm.s32 $0x3C;
	[sflag:s30] =	ssyncpa.u1 $0x1  }
0x199: {  	s15 =	rddreg [dreg:$0x4];
	[sflag:s31] =	ssyncpa.u1 $0x1  }
0x19a: {  	_ =	sfence.stream.spmem;
	s0 =	simm.s32 $0x5  }
0x19b: {  	s2 =	simm.s32 $0x1000;
	s3 =	simm.s32 $0xF218;
	[sflag:s0] =	ssyncpa.u1 $0x0  }
0x19c: {  	[tilespmem:s3], [sflag:$0x5] =	stream.linear.gather [spmem:s2], $0x20, $0x38;
	[tilespmem:$0x1F6F8] =	vst v63  }
0x19d: {  	s26 =	simm.s32 $0x0;
	s28 =	simm.s32 $0xF238  }
0x19e: {  	[tilespmem:s28], [sflag:$0x5] =	stream.linear.gather [spmem:s26], $0x1000, $0x38;
	[tilespmem:$0x1F6F8] =	vst v63  }
0x19f: {  	_ =	swait.ge [sflag:s0], $0x1020  }
0x1a0: {  	[sflag:s0] =	ssyncset.done $0x0  }
0x1a1: {  	s29 =	simm.s32 $0x0;
	[sflag:s0] =	ssyncadd.s32 $0xFFFFEFE0  }
0x1a2: {  	v0 =	vld.msk [tilespmem:s29+$0xF218], $0x1;
	_ =	sdelay $0x1  }
0x1a3: {  	s30 =	simm.s32 $0x1  }
0x1a4: {  	v1 =	vld.msk [tilespmem:s30+$0xF218], $0x1;
	_ =	sdelay $0x1  }
0x1a5: {  	(v2sf) =	vpush v0, $0x0;
	_ =	sdelay $0x2  }
0x1a6: {  	(v2sf) =	vpush v1, $0x0;
	_ =	sdelay $0x2  }
0x1a7: {  	s31 =	simm.s32 $0x2  }
0x1a8: {  	v0 =	vld.msk [tilespmem:s31+$0xF218], $0x1;
	_ =	sdelay $0x2  }
0x1a9: {  	s4 =	simm.s32 $0xFFFFFFFF;
	s5 =	simm.s32 $0xFFFFFFFF;
	s0 =	simm.s32 $0xC  }
.LBB3_24:
0x1aa: {  	s2 =	smov.u32 s5;
	s3 =	smov.u32 s4  }
0x1ab: {  	s4 =	sshra.s32 s0, $0x2;
	p1 =	sne.s32 s0, $0x7C;
	s0 =	sadd.s32 $0x4, s0;
	(v2sf) =	vpush v0, $0x0  }
0x1ac: {  	v0 =	vld.msk [tilespmem:s4+$0xF218], $0x1  }
.Ltmp26:
0x1ad: {  	(pc) =	sbr.rel @p1 .LBB3_24-.Ltmp26, $4  }
0x1ae: {  	s5 =	spop (v2sf)  }
0x1af: {  	p2 =	sne.s32 s3, $0xFFFFFFFF;
	s4 =	smov.u32 s5  }
0x1b0: {  	p3 =	seq.s32 s5, $0xFFFFFFFF;
	s4 =	smov.u32 @p2 s3  }
0x1b1: {  	s5 =	smov.u32 @p3 s2;
	s4 =	smov.u32 @p3 s3  }
0x1b2: {  	(v2sf) =	vpush v0, $0x0;
	_ =	sdelay $0x8  }
0x1b3: {  	s0 =	spop (v2sf)  }
0x1b4: {  	p1 =	sne.s32 s4, $0xFFFFFFFF;
	s2 =	smov.u32 s0  }
0x1b5: {  	s9 =	simm.s32 $0x6;
	p2 =	seq.s32 s0, $0xFFFFFFFF;
	s2 =	smov.u32 @p1 s4  }
0x1b6: {  	s6 =	simm.s32 $0x0;
	s2 =	smov.u32 @p2 s4;
	s3 =	spop (v2sf)  }
0x1b7: {  	s0 =	smov.u32 @p2 s5;
	p1 =	sne.s32 s2, $0xFFFFFFFF;
	s4 =	smov.u32 s3  }
.Ltmp27:
0x1b8: {  	p2 =	seq.s32 s3, $0xFFFFFFFF;
	s4 =	smov.u32 @p1 s2;
	(pc) =	sbr.rel .LBB3_26-.Ltmp27, $4  }
0x1b9: {  	s10 =	simm.s32 $0xF188;
	s4 =	smov.u32 @p2 s2;
	s7 =	spop (v2sf)  }
0x1ba: {  	s11 =	simm.s32 $0x0;
	p1 =	sne.s32 s4, $0xFFFFFFFF;
	s8 =	smov.u32 s7  }
0x1bb: {  	s3 =	smov.u32 @p2 s0;
	p2 =	seq.s32 s7, $0xFFFFFFFF;
	s8 =	smov.u32 @p1 s4  }
0x1bc: {  	[sflag:s9] =	ssyncpa.u1 $0x0;
	s7 =	smov.u32 @p2 s3;
	s8 =	smov.u32 @p2 s4  }
.LBB3_32:
0x1bd: {  	p1 =	sgt.u32 s12, $0x7AF0  }
0x1be: {  	p2 =	seq.s32 @!p1 s12, s8  }
0x1bf: {  	p1 =	por p1, p2  }
0x1c0: {  	p2 =	sne.s32 @!p1 s12, s7  }
0x1c1: {  	p1 =	por p1, !p2  }
0x1c2: {  	s0 =	sshll.u32 @p1 s11, $0x9  }
0x1c3: {  	s0 =	sand.u32 @!p1 $0x7FF8, s12  }
0x1c4: {  	s2 =	sand.u32 @!p1 $0x7, s12;
	s0 =	sadd.s32 @!p1 s1, s0  }
0x1c5: {  	[tilespmem:s10], [sflag:$0x6] =	stream.linear.gather @!p1 [hbm4b:s0+s2], $0x80, $0x38;
	[tilespmem:$0x1F6F8] =	vst v63  }
0x1c6: {  	_ =	swait.ge @!p1 [sflag:s9], $0x80  }
0x1c7: {  	[sflag:s9] =	ssyncset.done @!p1 $0x0  }
0x1c8: {  	[sflag:s9] =	ssyncadd.s32 @!p1 $0xFFFFFF80  }
0x1c9: {  	v1 =	vld @!p1 [tilespmem:$0xF188];
	_ =	sdelay $0x2  }
0x1ca: {  	s0 =	sshll.u32 @!p1 s11, $0x9  }
0x1cb: {  	s2 =	sshrl.u32 @!p1 s0, $0x2  }
0x1cc: {  	[tilespmem:s2+$0xF238] =	vst.add.f32.msk @!p1 $0xffff, v1  }
0x1cd: {  	v1 =	vld @!p1 [tilespmem:$0xF198];
	_ =	sdelay $0x4  }
0x1ce: {  	[tilespmem:s2+$0xF248] =	vst.add.f32.msk @!p1 $0xffff, v1  }
0x1cf: {  	v1 =	vld @!p1 [tilespmem:$0xF1A8];
	_ =	sdelay $0x4  }
0x1d0: {  	[tilespmem:s2+$0xF258] =	vst.add.f32.msk @!p1 $0xffff, v1  }
0x1d1: {  	v1 =	vld @!p1 [tilespmem:$0xF1B8];
	_ =	sdelay $0x4  }
0x1d2: {  	[tilespmem:s2+$0xF268] =	vst.add.f32.msk @!p1 $0xffff, v1  }
0x1d3: {  	v1 =	vld @!p1 [tilespmem:$0xF1C8];
	_ =	sdelay $0x4  }
0x1d4: {  	[tilespmem:s2+$0xF278] =	vst.add.f32.msk @!p1 $0xffff, v1  }
0x1d5: {  	v1 =	vld @!p1 [tilespmem:$0xF1D8];
	_ =	sdelay $0x4  }
0x1d6: {  	[tilespmem:s2+$0xF288] =	vst.add.f32.msk @!p1 $0xffff, v1  }
0x1d7: {  	v1 =	vld @!p1 [tilespmem:$0xF1E8];
	_ =	sdelay $0x4  }
0x1d8: {  	[tilespmem:s2+$0xF298] =	vst.add.f32.msk @!p1 $0xffff, v1  }
0x1d9: {  	v1 =	vld @!p1 [tilespmem:$0xF1F8];
	_ =	sdelay $0x4  }
0x1da: {  	[tilespmem:s2+$0xF2A8] =	vst.add.f32.msk @!p1 $0xffff, v1  }
0x1db: {  	s0 =	sshrl.u32 s0, $0x2;
	[tilespmem:s6+$0xF218] =	vst.msk $0x1, v0  }
0x1dc: {  	v0 =	vld [tilespmem:s0+$0xF238];
	_ =	sdelay $0x2  }
0x1dd: {  	s31 =	sshll.u32 s6, $0x9  }
0x1de: {  	s2 =	sshra.s32 s31, $0x2  }
0x1df: {  	[tilespmem:s2+$0xF238] =	vst v0  }
0x1e0: {  	v0 =	vld [tilespmem:s0+$0xF248];
	_ =	sdelay $0x4  }
0x1e1: {  	[tilespmem:s2+$0xF248] =	vst v0  }
0x1e2: {  	v0 =	vld [tilespmem:s0+$0xF258];
	_ =	sdelay $0x4  }
0x1e3: {  	[tilespmem:s2+$0xF258] =	vst v0  }
0x1e4: {  	v0 =	vld [tilespmem:s0+$0xF268];
	_ =	sdelay $0x4  }
0x1e5: {  	[tilespmem:s2+$0xF268] =	vst v0  }
0x1e6: {  	v0 =	vld [tilespmem:s0+$0xF278];
	_ =	sdelay $0x4  }
0x1e7: {  	[tilespmem:s2+$0xF278] =	vst v0  }
0x1e8: {  	v0 =	vld [tilespmem:s0+$0xF288];
	_ =	sdelay $0x4  }
0x1e9: {  	[tilespmem:s2+$0xF288] =	vst v0  }
0x1ea: {  	v0 =	vld [tilespmem:s0+$0xF298];
	_ =	sdelay $0x4  }
0x1eb: {  	[tilespmem:s2+$0xF298] =	vst v0  }
0x1ec: {  	v0 =	vld [tilespmem:s0+$0xF2A8];
	_ =	sdelay $0x4  }
0x1ed: {  	s6 =	sadd.s32 $0x1, s6;
	[tilespmem:s2+$0xF2A8] =	vst v0  }
.LBB3_33:
0x1ee: {  	s11 =	sadd.s32 $0x1, s11  }
0x1ef: {  	p1 =	sne.s32 s11, $0x20  }
.Ltmp28:
0x1f0: {  	_ = 	snop;
	(pc) =	sbr.rel @!p1 .LBB3_34-.Ltmp28, $1  }
0x1f1: {  	_ =	sdelay $0x3  }
.LBB3_26:
0x1f2: {  	v0 =	vld.msk [tilespmem:s11+$0xF218], $0x1;
	_ =	sdelay $0x4  }
0x1f3: {  	(v2sf) =	vpush v0, $0x0;
	_ =	sdelay $0xe  }
0x1f4: {  	s12 =	spop (v2sf)  }
0x1f5: {  	p1 =	seq.s32 s12, $0xFFFFFFFF  }
.Ltmp29:
0x1f6: {  	_ = 	snop;
	(pc) =	sbr.rel @p1 .LBB3_33-.Ltmp29, $1  }
0x1f7: {  	_ =	sdelay $0x3  }
0x1f8: {  	p1 =	slt.s32 s6, $0x1  }
.Ltmp30:
0x1f9: {  	_ = 	snop;
	(pc) =	sbr.rel @p1 .LBB3_32-.Ltmp30, $1  }
0x1fa: {  	_ =	sdelay $0x3  }
0x1fb: {  	s13 =	simm.s32 $0xF218;
	p1 =	por $0x0, $0x0  }
0x1fc: {  	v1 =	vld.msk @!p1 [tilespmem:s13+$0x0], $0x1;
	_ =	sdelay $0x4  }
0x1fd: {  	(v2sf) =	vpush @!p1 v1, $0x0;
	_ =	sdelay $0xd  }
0x1fe: {  	p3 =	sne.s32 s6, $0x1  }
.Ltmp31:
0x1ff: {  	s0 =	spop @!p1 (v2sf);
	(pc) =	sbr.rel @!p3 .LBB3_30-.Ltmp31, $4  }
0x200: {  	p2 =	seq.s32 @!p1 s12, s0  }
0x201: {  	s14 =	simm.s32 $0x0;
	p2 =	por !p2, p1  }
0x202: {  	s2 =	simm.s32 $0xFFFFFFFF;
	s14 =	simm.s32 @p2 $0xFFFFFFFF  }
0x203: {  	s0 =	simm.s32 $0x1;
	s14 =	smov.u32 @p1 s2  }
.LBB3_29:
0x204: {  	s2 =	smov.u32 s14;
	p1 =	sne.s32 s14, $0xFFFFFFFF  }
0x205: {  	s13 =	sadd.s32 $0x1, s13;
	s14 =	smov.u32 s0;
	s0 =	sadd.s32 $0x1, s0  }
0x206: {  	p2 =	sne.s32 s6, s0;
	v1 =	vld.msk @!p1 [tilespmem:s13+$0x0], $0x1;
	_ =	sdelay $0x4  }
0x207: {  	(v2sf) =	vpush @!p1 v1, $0x0;
	_ =	sdelay $0xe  }
.Ltmp32:
0x208: {  	s3 =	spop @!p1 (v2sf);
	(pc) =	sbr.rel @p2 .LBB3_29-.Ltmp32, $4  }
0x209: {  	p3 =	seq.s32 @!p1 s12, s3  }
0x20a: {  	p3 =	por !p3, p1  }
0x20b: {  	s14 =	simm.s32 @p3 $0xFFFFFFFF  }
0x20c: {  	s14 =	smov.u32 @p1 s2  }
.LBB3_30:
0x20d: {  	p1 =	seq.s32 s14, $0xFFFFFFFF  }
.Ltmp33:
0x20e: {  	_ = 	snop;
	(pc) =	sbr.rel @p1 .LBB3_32-.Ltmp33, $1  }
0x20f: {  	_ =	sdelay $0x3  }
0x210: {  	s0 =	sshll.u32 s11, $0x7  }
0x211: {  	s0 =	sand.u32 $0x3FFFFF80, s0  }
0x212: {  	v0 =	vld [tilespmem:s0+$0xF238];
	_ =	sdelay $0x2  }
0x213: {  	s2 =	sshll.u32 s14, $0x9  }
0x214: {  	s2 =	sshra.s32 s2, $0x2  }
0x215: {  	[tilespmem:s2+$0xF238] =	vst.add.f32.msk $0xffff, v0  }
0x216: {  	v0 =	vld [tilespmem:s0+$0xF248];
	_ =	sdelay $0x4  }
0x217: {  	[tilespmem:s2+$0xF248] =	vst.add.f32.msk $0xffff, v0  }
0x218: {  	v0 =	vld [tilespmem:s0+$0xF258];
	_ =	sdelay $0x4  }
0x219: {  	[tilespmem:s2+$0xF258] =	vst.add.f32.msk $0xffff, v0  }
0x21a: {  	v0 =	vld [tilespmem:s0+$0xF268];
	_ =	sdelay $0x4  }
0x21b: {  	[tilespmem:s2+$0xF268] =	vst.add.f32.msk $0xffff, v0  }
0x21c: {  	v0 =	vld [tilespmem:s0+$0xF278];
	_ =	sdelay $0x4  }
0x21d: {  	[tilespmem:s2+$0xF278] =	vst.add.f32.msk $0xffff, v0  }
0x21e: {  	v0 =	vld [tilespmem:s0+$0xF288];
	_ =	sdelay $0x4  }
0x21f: {  	[tilespmem:s2+$0xF288] =	vst.add.f32.msk $0xffff, v0  }
0x220: {  	v0 =	vld [tilespmem:s0+$0xF298];
	_ =	sdelay $0x4  }
0x221: {  	[tilespmem:s2+$0xF298] =	vst.add.f32.msk $0xffff, v0  }
0x222: {  	v0 =	vld [tilespmem:s0+$0xF2A8]  }
.Ltmp34:
0x223: {  	_ = 	snop;
	(pc) =	sbr.rel .LBB3_33-.Ltmp34, $2  }
0x224: {  	_ =	sdelay $0x2  }
0x225: {  	[tilespmem:s2+$0xF2A8] =	vst.add.f32.msk $0xffff, v0  }
.LBB3_34:
0x226: {  	s0 =	simm.s32 $0x6;
	p1 =	seq.s32 s6, $0x0  }
0x227: {  	[sflag:s0] =	ssyncpa.u1 $0x1;
	v0 =	vimm.s32 @p1 $0xFFFFFFFF  }
0x228: {  	s9 =	sadd.s32 $0xFFFFFFFF, s6;
	[tilespmem:$0x10238] =	vst @p1 v0  }
0x229: {  	v0 =	vld.msk @!p1 [tilespmem:s9+$0xF218], $0x1;
	_ =	sdelay $0x1  }
0x22a: {  	v1 =	vld.msk @!p1 [tilespmem:$0xF218], $0x1;
	_ =	sdelay $0x2  }
0x22b: {  	p2 =	seq.s32 @!p1 s9, $0x0;
	v0 =	vbroadcast @!p1 v0, $0x0  }
0x22c: {  	vm0 =	vmmov @!p1 $0x1;
	p2 =	por !p2, p1  }
0x22d: {  	v1 =	vnsel @!p1 vm0, $0xFFFFFFFF, v1;
	vm0 =	vcmask @!p1 $0x308;
	v0 =	vpsel !p2, $0xFFFFFFFF, v0  }
0x22e: {  	p2 =	sne.s32 @!p1 s8, s7;
	v0 =	vsel @!p1 vm0, v1, v0  }
0x22f: {  	s0 =	simm.s32 @!p1 $0xF238;
	s2 =	simm.s32 @!p1 $0x0;
	p3 =	por !p2, p1;
	[tilespmem:$0x10238] =	vst @!p1 v0  }
0x230: {  	[spmem:s2] =	stream.linear.scatter @!p1 [tilespmem:s0], [sflag:$0x1], $0x80, $0x38;
	[tilespmem:$0x1F6F8] =	vst v63  }
0x231: {  	s0 =	sshll.u32 @!p3 s9, $0x9  }
0x232: {  	s0 =	sshra.s32 @!p3 s0, $0x2  }
0x233: {  	s2 =	simm.s32 @!p3 $0x80;
	s0 =	sadd.s32 @!p3 $0xF238, s0  }
0x234: {  	[spmem:s2] =	stream.linear.scatter @!p3 [tilespmem:s0], [sflag:$0x1], $0x80, $0x38;
	[tilespmem:$0x1F6F8] =	vst v63  }
0x235: {  	s0 =	simm.s32 @!p3 $0x1  }
0x236: {  	_ =	swait.ge @!p3 [sflag:s0], $0x100  }
0x237: {  	p1 =	por p2, p1;
	[sflag:s0] =	ssyncset.done @!p3 $0x0  }
0x238: {  	[sflag:s0] =	ssyncadd.s32 @!p3 $0xFFFFFF00;
	s0 =	simm.s32 @!p1 $0x1  }
0x239: {  	_ =	swait.ge @!p1 [sflag:s0], $0x80  }
0x23a: {  	s29 =	simm.s32 $0x10238;
	[sflag:s0] =	ssyncset.done @!p1 $0x0  }
0x23b: {  	s30 =	simm.s32 $0x1000;
	s31 =	simm.s32 $0x1;
	[sflag:s0] =	ssyncadd.s32 @!p1 $0xFFFFFF80  }
0x23c: {  	[spmem:s30] =	stream.linear.scatter [tilespmem:s29], [sflag:$0x1], $0x10, $0x38;
	[tilespmem:$0x1F6F8] =	vst v63  }
0x23d: {  	_ =	swait.ge [sflag:s31], $0x10  }
0x23e: {  	[sflag:s31] =	ssyncset.done $0x0  }
0x23f: {  	p1 =	seq.s32 s15, $0x0;
	s8 =	rddreg [dreg:$0x1];
	[sflag:s31] =	ssyncadd.s32 $0xFFFFFFF0  }
0x240: {  	s2 =	sshll.u32 @p1 s8, $0xE;
	s7 =	rddreg [dreg:$0x2]  }
0x241: {  	s0 =	sadd.s32 @p1 $0x15C3C, s2;
	s2 =	sshll.u32 @p1 s7, $0x11  }
0x242: {  	_ =	sfence.stream.spmem;
	s0 =	sor.u32 @p1 s2, s0  }
0x243: {  	[sflag:s0] =	ssyncadd.remote.s32 @p1 $0x1;
	s0 =	simm.s32 @p1 $0x4  }
0x244: {  	s3 =	simm.s32 @!p1 $0x3C;
	s2 =	sand.u32 $0xFFFFFFFE, s8;
	_ =	swait.ge @p1 [sflag:s0], $0x22  }
0x245: {  	s4 =	simm.s32 @!p1 $0x0;
	s2 =	sadd.s32 @!p1 $0x4, s2;
	[sflag:s0] =	ssyncset.done @p1 $0x0  }
0x246: {  	s5 =	simm.s32 @!p1 $0x100;
	[sflag:s0] =	ssyncadd.s32 @p1 $0xFFFFFFDE;
	s0 =	sshll.u32 @!p1 s2, $0x1A  }
0x247: {  	s2 =	sshll.u32 @!p1 s2, $0xD;
	s0 =	sor.u32 @!p1 s0, s7;
	_ =	swait.eq @!p1 [sflag:s3], $0x1  }
0x248: {  	s2 =	sor.u32 @!p1 $0x1C04, s2;
	s3 =	simm.s32 @!p1 $0x1C03;
	s0 =	sor.u32 @!p1 $0x80004000, s0  }
0x249: {  	[spmem:s5], [sflag:s2] =	dma.general @!p1 [spmem:s4], [sflag:s3], length:$0x20, [dreg:$0x0], stride_count:$0x0, ici_dest:s0, dma_misc:DstOpCode:WRITE  }
0x24a: {  	p2 =	slt.s32 s9, $0x2;
	s4 =	simm.s32 @!p1 $0x200;
	s5 =	simm.s32 @!p1 $0x202  }
0x24b: {  	[spmem:s5], [sflag:s2] =	dma.general @!p1 [spmem:s4], [sflag:s3], length:$0x2, [dreg:$0x0], stride_count:$0x0, ici_dest:s0, dma_misc:DstOpCode:WRITE  }
.Ltmp35:
0x24c: {  	s0 =	simm.s32 @!p1 $0x3;
	(pc) =	sbr.rel @p2 .LBB3_38-.Ltmp35, $4  }
0x24d: {  	s2 =	sshll.u32 @!p1 s8, $0xE;
	_ =	swait.ge @!p1 [sflag:s0], $0x22  }
0x24e: {  	s3 =	sshll.u32 @!p1 s7, $0x11;
	s2 =	sadd.s32 @!p1 $0x11C3C, s2;
	[sflag:s0] =	ssyncset.done @!p1 $0x0  }
0x24f: {  	[sflag:s0] =	ssyncadd.s32 @!p1 $0xFFFFFFDE;
	s0 =	sor.u32 @!p1 s3, s2  }
0x250: {  	[sflag:s0] =	ssyncadd.remote.s32 @!p1 $0xFFFFFFFF;
	s0 =	simm.s32 $0x0  }
0x251: {  	s0 =	simm.s32 $0xF219  }
0x252: {  	v0 =	vld.msk [tilespmem:s0+$0x0], $0x1;
	_ =	sdelay $0x4  }
0x253: {  	(v2sf) =	vpush v0, $0x0;
	_ =	sdelay $0xc  }
0x254: {  	s2 =	sadd.s32 $0xFFFFFFFE, s6  }
0x255: {  	s5 =	sadd.s32 $0xFFFFFFFF, s2  }
0x256: {  	p2 =	sne.s32 s5, $0x0;
	s0 =	spop (v2sf)  }
.Ltmp36:
0x257: {  	p1 =	sgt.u32 s0, $0x7AF0;
	(pc) =	sbr.rel @!p2 .LBB3_37-.Ltmp36, $4  }
0x258: {  	s4 =	simm.s32 $0xF2B8;
	s3 =	sand.u32 @!p1 $0x7FF8, s0  }
0x259: {  	s7 =	simm.s32 $0x0;
	s0 =	sand.u32 @!p1 $0x7, s0;
	s2 =	sadd.s32 @!p1 s1, s3  }
0x25a: {  	[hbm4b:s2+s0] =	stream.linear.scatter @!p1 [tilespmem:s4], [sflag:$0x5], $0x80, $0x38;
	[tilespmem:$0x1F6F8] =	vst v63  }
0x25b: {  	s6 =	simm.s32 $0xF21A;
	s7 =	simm.s32 @!p1 $0x200;
	s0 =	simm.s32 $0x0  }
.LBB3_36:
0x25c: {  	v0 =	vld.msk [tilespmem:s6+$0x0], $0x1;
	s5 =	sadd.s32 $0xFFFFFFFF, s5;
	s0 =	sadd.s32 s0, s7  }
0x25d: {  	p1 =	sne.s32 s5, $0x0;
	_ =	sdelay $0x3  }
0x25e: {  	(v2sf) =	vpush v0, $0x0;
	_ =	sdelay $0xe  }
.Ltmp37:
0x25f: {  	s2 =	spop (v2sf);
	(pc) =	sbr.rel @p1 .LBB3_36-.Ltmp37, $4  }
0x260: {  	s7 =	simm.s32 $0x0;
	p2 =	sgt.u32 s2, $0x7AF0  }
0x261: {  	s4 =	sadd.s32 $0x80, s4;
	s7 =	simm.s32 @!p2 $0x200;
	s3 =	sand.u32 @!p2 $0x7FF8, s2  }
0x262: {  	s6 =	sadd.s32 $0x1, s6;
	s2 =	sand.u32 @!p2 $0x7, s2;
	s3 =	sadd.s32 @!p2 s1, s3  }
0x263: {  	[hbm4b:s3+s2] =	stream.linear.scatter @!p2 [tilespmem:s4], [sflag:$0x5], $0x80, $0x38;
	[tilespmem:$0x1F6F8] =	vst v63  }
.LBB3_37:
0x264: {  	s0 =	sadd.s32 s0, s7  }
0x265: {  	s0 =	sshrl.u32 s0, $0x2  }
.LBB3_38:
0x266: {  	s2 =	simm.s32 $0x5  }
0x267: {  	_ =	swait.ge [sflag:s2], s0  }
0x268: {  	s31 =	ssub.s32 $0x0, s0;
	[sflag:s2] =	ssyncset.done $0x0  }
0x269: {  	[sflag:s2] =	ssyncadd.s32 s31  }
0x26a: {  	[sflag:s2] =	ssyncpa.u1 $0x1  }
.LBB3_39:
0x26b: {  	s0 =	sor.u32 s15, s16  }
0x26c: {  	p1 =	sne.s32 s0, $0x0  }
.Ltmp38:
0x26d: {  	_ = 	snop;
	(pc) =	sbr.rel @p1 .LBB3_54-.Ltmp38, $3  }
0x26e: {  	_ =	sdelay $0x1  }
0x26f: {  	[bflag:$0x0] =	sbarrier.arrive $0xFFFF  }
0x270: {  	_ =	sfence  }
0x271: {  	s0 =	simm.s32 $0x7  }
0x272: {  	s2 =	simm.s32 $0x1000;
	s3 =	simm.s32 $0xF218;
	[sflag:s0] =	ssyncpa.u1 $0x0  }
0x273: {  	[tilespmem:s3], [sflag:$0x7] =	stream.linear.gather [spmem:s2], $0x20, $0x38;
	[tilespmem:$0x1F6F8] =	vst v63  }
0x274: {  	s30 =	simm.s32 $0xF238;
	s2 =	simm.s32 $0x0  }
0x275: {  	[tilespmem:s30], [sflag:$0x7] =	stream.linear.gather [spmem:s2], $0x1000, $0x38;
	[tilespmem:$0x1F6F8] =	vst v63  }
.Ltmp39:
0x276: {  	_ = 	snop;
	(pc) =	sbr.rel .LBB3_41-.Ltmp39, $4  }
0x277: {  	_ =	swait.ge [sflag:s0], $0x1020  }
0x278: {  	[sflag:s0] =	ssyncset.done $0x0  }
0x279: {  	s31 =	simm.s32 $0x8;
	[sflag:s0] =	ssyncadd.s32 $0xFFFFEFE0  }
0x27a: {  	s3 =	simm.s32 $0x0;
	[sflag:s31] =	ssyncpa.u1 $0x0  }
.LBB3_47:
0x27b: {  	p1 =	slt.u32 s4, $0x7AF1  }
0x27c: {  	s0 =	sand.u32 @p1 $0x7FF8, s4  }
0x27d: {  	s4 =	sand.u32 @p1 $0x7, s4;
	s5 =	simm.s32 @p1 $0xF188;
	s0 =	sadd.s32 @p1 s1, s0  }
0x27e: {  	[tilespmem:s5], [sflag:$0x8] =	stream.linear.gather @p1 [hbm4b:s0+s4], $0x80, $0x38;
	[tilespmem:$0x1F6F8] =	vst v63  }
0x27f: {  	s0 =	simm.s32 @p1 $0x8  }
0x280: {  	_ =	swait.ge @p1 [sflag:s0], $0x80  }
0x281: {  	[sflag:s0] =	ssyncset.done @p1 $0x0  }
0x282: {  	[sflag:s0] =	ssyncadd.s32 @p1 $0xFFFFFF80  }
0x283: {  	v1 =	vld @p1 [tilespmem:$0xF188];
	_ =	sdelay $0x2  }
0x284: {  	s0 =	sshll.u32 @p1 s3, $0x9  }
0x285: {  	s4 =	sshrl.u32 @p1 s0, $0x2  }
0x286: {  	[tilespmem:s4+$0xF238] =	vst.add.f32.msk @p1 $0xffff, v1  }
0x287: {  	v1 =	vld @p1 [tilespmem:$0xF198];
	_ =	sdelay $0x4  }
0x288: {  	[tilespmem:s4+$0xF248] =	vst.add.f32.msk @p1 $0xffff, v1  }
0x289: {  	v1 =	vld @p1 [tilespmem:$0xF1A8];
	_ =	sdelay $0x4  }
0x28a: {  	[tilespmem:s4+$0xF258] =	vst.add.f32.msk @p1 $0xffff, v1  }
0x28b: {  	v1 =	vld @p1 [tilespmem:$0xF1B8];
	_ =	sdelay $0x4  }
0x28c: {  	[tilespmem:s4+$0xF268] =	vst.add.f32.msk @p1 $0xffff, v1  }
0x28d: {  	v1 =	vld @p1 [tilespmem:$0xF1C8];
	_ =	sdelay $0x4  }
0x28e: {  	[tilespmem:s4+$0xF278] =	vst.add.f32.msk @p1 $0xffff, v1  }
0x28f: {  	v1 =	vld @p1 [tilespmem:$0xF1D8];
	_ =	sdelay $0x4  }
0x290: {  	[tilespmem:s4+$0xF288] =	vst.add.f32.msk @p1 $0xffff, v1  }
0x291: {  	v1 =	vld @p1 [tilespmem:$0xF1E8];
	_ =	sdelay $0x4  }
0x292: {  	[tilespmem:s4+$0xF298] =	vst.add.f32.msk @p1 $0xffff, v1  }
0x293: {  	v1 =	vld @p1 [tilespmem:$0xF1F8];
	_ =	sdelay $0x3  }
0x294: {  	s5 =	sshll.u32 @!p1 s3, $0x9  }
0x295: {  	s5 =	smov.u32 @p1 s0;
	[tilespmem:s4+$0xF2A8] =	vst.add.f32.msk @p1 $0xffff, v1  }
0x296: {  	s0 =	sshrl.u32 s5, $0x2;
	[tilespmem:s2+$0xF218] =	vst.msk $0x1, v0  }
0x297: {  	v0 =	vld [tilespmem:s0+$0xF238];
	_ =	sdelay $0x2  }
0x298: {  	s31 =	sshll.u32 s2, $0x9  }
0x299: {  	s4 =	sshra.s32 s31, $0x2  }
0x29a: {  	[tilespmem:s4+$0xF238] =	vst v0  }
0x29b: {  	v0 =	vld [tilespmem:s0+$0xF248];
	_ =	sdelay $0x4  }
0x29c: {  	[tilespmem:s4+$0xF248] =	vst v0  }
0x29d: {  	v0 =	vld [tilespmem:s0+$0xF258];
	_ =	sdelay $0x4  }
0x29e: {  	[tilespmem:s4+$0xF258] =	vst v0  }
0x29f: {  	v0 =	vld [tilespmem:s0+$0xF268];
	_ =	sdelay $0x4  }
0x2a0: {  	[tilespmem:s4+$0xF268] =	vst v0  }
0x2a1: {  	v0 =	vld [tilespmem:s0+$0xF278];
	_ =	sdelay $0x4  }
0x2a2: {  	[tilespmem:s4+$0xF278] =	vst v0  }
0x2a3: {  	v0 =	vld [tilespmem:s0+$0xF288];
	_ =	sdelay $0x4  }
0x2a4: {  	[tilespmem:s4+$0xF288] =	vst v0  }
0x2a5: {  	v0 =	vld [tilespmem:s0+$0xF298];
	_ =	sdelay $0x4  }
0x2a6: {  	[tilespmem:s4+$0xF298] =	vst v0  }
0x2a7: {  	v0 =	vld [tilespmem:s0+$0xF2A8];
	_ =	sdelay $0x4  }
0x2a8: {  	s2 =	sadd.s32 $0x1, s2;
	[tilespmem:s4+$0xF2A8] =	vst v0  }
.LBB3_48:
0x2a9: {  	s3 =	sadd.s32 $0x1, s3  }
0x2aa: {  	p1 =	sne.s32 s3, $0x20  }
.Ltmp40:
0x2ab: {  	_ = 	snop;
	(pc) =	sbr.rel @!p1 .LBB3_49-.Ltmp40, $1  }
0x2ac: {  	_ =	sdelay $0x3  }
.LBB3_41:
0x2ad: {  	v0 =	vld.msk [tilespmem:s3+$0xF218], $0x1;
	_ =	sdelay $0x4  }
0x2ae: {  	(v2sf) =	vpush v0, $0x0;
	_ =	sdelay $0xe  }
0x2af: {  	s4 =	spop (v2sf)  }
0x2b0: {  	p1 =	seq.s32 s4, $0xFFFFFFFF  }
.Ltmp41:
0x2b1: {  	_ = 	snop;
	(pc) =	sbr.rel @p1 .LBB3_48-.Ltmp41, $1  }
0x2b2: {  	_ =	sdelay $0x3  }
0x2b3: {  	p1 =	slt.s32 s2, $0x1  }
.Ltmp42:
0x2b4: {  	_ = 	snop;
	(pc) =	sbr.rel @p1 .LBB3_47-.Ltmp42, $1  }
0x2b5: {  	_ =	sdelay $0x3  }
0x2b6: {  	s5 =	simm.s32 $0xF218;
	p1 =	por $0x0, $0x0  }
0x2b7: {  	v1 =	vld.msk @!p1 [tilespmem:s5+$0x0], $0x1;
	_ =	sdelay $0x4  }
0x2b8: {  	(v2sf) =	vpush @!p1 v1, $0x0;
	_ =	sdelay $0xd  }
0x2b9: {  	p3 =	sne.s32 s2, $0x1  }
.Ltmp43:
0x2ba: {  	s0 =	spop @!p1 (v2sf);
	(pc) =	sbr.rel @!p3 .LBB3_45-.Ltmp43, $4  }
0x2bb: {  	p2 =	seq.s32 @!p1 s4, s0  }
0x2bc: {  	s6 =	simm.s32 $0x0;
	p2 =	por !p2, p1  }
0x2bd: {  	s7 =	simm.s32 $0xFFFFFFFF;
	s6 =	simm.s32 @p2 $0xFFFFFFFF  }
0x2be: {  	s0 =	simm.s32 $0x1;
	s6 =	smov.u32 @p1 s7  }
.LBB3_44:
0x2bf: {  	s7 =	smov.u32 s6;
	p1 =	sne.s32 s6, $0xFFFFFFFF  }
0x2c0: {  	s5 =	sadd.s32 $0x1, s5;
	s6 =	smov.u32 s0;
	s0 =	sadd.s32 $0x1, s0  }
0x2c1: {  	p2 =	sne.s32 s2, s0;
	v1 =	vld.msk @!p1 [tilespmem:s5+$0x0], $0x1;
	_ =	sdelay $0x4  }
0x2c2: {  	(v2sf) =	vpush @!p1 v1, $0x0;
	_ =	sdelay $0xe  }
.Ltmp44:
0x2c3: {  	s8 =	spop @!p1 (v2sf);
	(pc) =	sbr.rel @p2 .LBB3_44-.Ltmp44, $4  }
0x2c4: {  	p3 =	seq.s32 @!p1 s4, s8  }
0x2c5: {  	p3 =	por !p3, p1  }
0x2c6: {  	s6 =	simm.s32 @p3 $0xFFFFFFFF  }
0x2c7: {  	s6 =	smov.u32 @p1 s7  }
.LBB3_45:
0x2c8: {  	p1 =	seq.s32 s6, $0xFFFFFFFF  }
.Ltmp45:
0x2c9: {  	_ = 	snop;
	(pc) =	sbr.rel @p1 .LBB3_47-.Ltmp45, $1  }
0x2ca: {  	_ =	sdelay $0x3  }
0x2cb: {  	s0 =	sshll.u32 s3, $0x7  }
0x2cc: {  	s0 =	sand.u32 $0x3FFFFF80, s0  }
0x2cd: {  	v0 =	vld [tilespmem:s0+$0xF238];
	_ =	sdelay $0x2  }
0x2ce: {  	s4 =	sshll.u32 s6, $0x9  }
0x2cf: {  	s4 =	sshra.s32 s4, $0x2  }
0x2d0: {  	[tilespmem:s4+$0xF238] =	vst.add.f32.msk $0xffff, v0  }
0x2d1: {  	v0 =	vld [tilespmem:s0+$0xF248];
	_ =	sdelay $0x4  }
0x2d2: {  	[tilespmem:s4+$0xF248] =	vst.add.f32.msk $0xffff, v0  }
0x2d3: {  	v0 =	vld [tilespmem:s0+$0xF258];
	_ =	sdelay $0x4  }
0x2d4: {  	[tilespmem:s4+$0xF258] =	vst.add.f32.msk $0xffff, v0  }
0x2d5: {  	v0 =	vld [tilespmem:s0+$0xF268];
	_ =	sdelay $0x4  }
0x2d6: {  	[tilespmem:s4+$0xF268] =	vst.add.f32.msk $0xffff, v0  }
0x2d7: {  	v0 =	vld [tilespmem:s0+$0xF278];
	_ =	sdelay $0x4  }
0x2d8: {  	[tilespmem:s4+$0xF278] =	vst.add.f32.msk $0xffff, v0  }
0x2d9: {  	v0 =	vld [tilespmem:s0+$0xF288];
	_ =	sdelay $0x4  }
0x2da: {  	[tilespmem:s4+$0xF288] =	vst.add.f32.msk $0xffff, v0  }
0x2db: {  	v0 =	vld [tilespmem:s0+$0xF298];
	_ =	sdelay $0x4  }
0x2dc: {  	[tilespmem:s4+$0xF298] =	vst.add.f32.msk $0xffff, v0  }
0x2dd: {  	v0 =	vld [tilespmem:s0+$0xF2A8]  }
.Ltmp46:
0x2de: {  	_ = 	snop;
	(pc) =	sbr.rel .LBB3_48-.Ltmp46, $2  }
0x2df: {  	_ =	sdelay $0x2  }
0x2e0: {  	[tilespmem:s4+$0xF2A8] =	vst.add.f32.msk $0xffff, v0  }
.LBB3_49:
0x2e1: {  	p1 =	slt.s32 s2, $0x1  }
.Ltmp47:
0x2e2: {  	_ = 	snop;
	(pc) =	sbr.rel @p1 .LBB3_53-.Ltmp47, $3  }
0x2e3: {  	_ =	sdelay $0x1  }
0x2e4: {  	s0 =	simm.s32 $0x8  }
0x2e5: {  	s3 =	simm.s32 $0x0;
	[sflag:s0] =	ssyncpa.u1 $0x1  }
0x2e6: {  	s0 =	simm.s32 $0xF218  }
0x2e7: {  	v0 =	vld.msk [tilespmem:s0+$0x0], $0x1;
	_ =	sdelay $0x4  }
0x2e8: {  	(v2sf) =	vpush v0, $0x0;
	_ =	sdelay $0xe  }
0x2e9: {  	s2 =	sadd.s32 $0xFFFFFFFF, s2;
	s0 =	spop (v2sf)  }
0x2ea: {  	p2 =	sne.s32 s2, $0x0;
	p1 =	sgt.u32 s0, $0x7AF0  }
.Ltmp48:
0x2eb: {  	s5 =	sand.u32 @!p1 $0x7FF8, s0;
	(pc) =	sbr.rel @!p2 .LBB3_52-.Ltmp48, $4  }
0x2ec: {  	s4 =	simm.s32 $0xF238;
	s0 =	sand.u32 @!p1 $0x7, s0;
	s5 =	sadd.s32 @!p1 s1, s5  }
0x2ed: {  	[hbm4b:s5+s0] =	stream.linear.scatter @!p1 [tilespmem:s4], [sflag:$0x7], $0x80, $0x38;
	[tilespmem:$0x1F6F8] =	vst v63  }
0x2ee: {  	s5 =	simm.s32 $0x0  }
0x2ef: {  	s0 =	simm.s32 $0xF219;
	s5 =	simm.s32 @!p1 $0x200  }
.LBB3_51:
0x2f0: {  	v0 =	vld.msk [tilespmem:s0+$0x0], $0x1;
	s2 =	sadd.s32 $0xFFFFFFFF, s2;
	s3 =	sadd.s32 s3, s5  }
0x2f1: {  	p1 =	sne.s32 s2, $0x0;
	_ =	sdelay $0x3  }
0x2f2: {  	(v2sf) =	vpush v0, $0x0;
	_ =	sdelay $0xe  }
.Ltmp49:
0x2f3: {  	s6 =	spop (v2sf);
	(pc) =	sbr.rel @p1 .LBB3_51-.Ltmp49, $4  }
0x2f4: {  	s5 =	simm.s32 $0x0;
	p2 =	sgt.u32 s6, $0x7AF0  }
0x2f5: {  	s4 =	sadd.s32 $0x80, s4;
	s5 =	simm.s32 @!p2 $0x200;
	s7 =	sand.u32 @!p2 $0x7FF8, s6  }
0x2f6: {  	s0 =	sadd.s32 $0x1, s0;
	s6 =	sand.u32 @!p2 $0x7, s6;
	s7 =	sadd.s32 @!p2 s1, s7  }
0x2f7: {  	[hbm4b:s7+s6] =	stream.linear.scatter @!p2 [tilespmem:s4], [sflag:$0x7], $0x80, $0x38;
	[tilespmem:$0x1F6F8] =	vst v63  }
.LBB3_52:
0x2f8: {  	s0 =	sadd.s32 s3, s5  }
0x2f9: {  	s3 =	sshrl.u32 s0, $0x2  }
.LBB3_53:
0x2fa: {  	s0 =	simm.s32 $0x7  }
0x2fb: {  	_ =	swait.ge [sflag:s0], s3  }
0x2fc: {  	s1 =	ssub.s32 $0x0, s3;
	[sflag:s0] =	ssyncset.done $0x0  }
0x2fd: {  	[sflag:s0] =	ssyncadd.s32 s1  }
0x2fe: {  	[sflag:s0] =	ssyncpa.u1 $0x1  }
.LBB3_54:
0x2ff: {  	_ =	sfence;
	s0 =	simm.s32 $0x1  }
0x300: {  	[sflag:s0] =	ssyncpa.u1 $0x1  }
0x301: {  	_ =	strace $0x90000068  }
0x302: {  	[bflag:$0x2] =	sbarrier.arrive $0xFFFF  }
0x303: {  	s0 =	rddreg [dreg:$0x3]  }
0x304: {  	s0 =	sadd.s32 @!p0 $0x100000, s0  }
0x305: {  	[sflag:s0] =	ssyncadd.tile.s32 @!p0 $0x1;
	_ =	shalt  }
.Lfunc_end3:
_tile_overlayer_lowered:
.L_overlay_start_3:
0x306: {  	(tag) =	ssettag $0x3  }
0x307: {  	s0 =	rddreg [dreg:$0x0];
	s2 =	stileid.u32  }
0x308: {  	s1 =	rddreg [dreg:$0x1];
	p0 =	sne.s32 s2, $0x0  }
0x309: {  	s3 =	rddreg [dreg:$0x2];
	[bflag:$0x3] =	sbarrier.arrive $0xFFFF;
	s2 =	simm.s32 @!p0 $0x1C01  }
0x30a: {  	[timem:s3], [sflag:s2] =	dma.local @!p0 [hbm:s0], s1  }
0x30b: {  	s0 =	simm.s32 @!p0 $0x1  }
0x30c: {  	_ =	swait.ge @!p0 [sflag:s0], s1  }
0x30d: {  	s1 =	ssub.s32 @!p0 $0x0, s1;
	[sflag:s0] =	ssyncset.done @!p0 $0x0  }
0x30e: {  	[sflag:s0] =	ssyncadd.s32 @!p0 s1  }
0x30f: {  	[bflag:$0x3] =	sbarrier.arrive $0xFFFF  }
0x310: {  	_ =	shalt  }

// kernel: scatter_offload_async_start
scs
__scs_entry_jumppad:
0x0: {  	(pc) =	sbr.rel $0x88, $3  }
0x1: {  	(tag) =	ssettag $0x0;
	lr =	simm.s32 $0x1  }
0x2: {  	[smem:$0x3F8C] =	sst lr;
	_ =	strace $0xD0000000  }
0x3: {  	_ = 	snop  }
0x4: {  	_ = 	snop  }
0x5: {  	_ = 	snop  }
0x6: {  	_ = 	snop  }
0x7: {  	_ = 	snop  }
__scs_overlays_trampoline_lowered:
0x8: {  	[smem:$0x3F9B] =	sst s0  }
0x9: {  	[smem:$0x3F9C] =	sst s1  }
0xa: {  	[smem:$0x3F9D] =	sst s2  }
0xb: {  	[smem:$0x3F9E] =	sst s3  }
0xc: {  	[smem:$0x3F9F] =	sst s4  }
0xd: {  	[smem:$0x3FA0] =	sst s5  }
0xe: {  	[smem:$0x3FA1] =	sst s6  }
0xf: {  	[smem:$0x3FA2] =	sst s7  }
0x10: {  	[smem:$0x3FA3] =	sst s8  }
0x11: {  	[smem:$0x3FA4] =	sst s9;
	s0 =	simm.s32 @!p0 $0x0  }
0x12: {  	s1 =	sld [smem:$0x3F8A];
	s0 =	simm.s32 @p0 $0x1  }
0x13: {  	[smem:$0x3FA5] =	sst s0;
	s0 =	simm.s32 @!p1 $0x0  }
0x14: {  	s2 =	sld [smem:$0x3F89];
	s0 =	simm.s32 @p1 $0x1  }
0x15: {  	[smem:$0x3FA6] =	sst s0;
	s0 =	simm.s32 @!p2 $0x0  }
0x16: {  	s3 =	sld [smem:$0x3FDB];
	s0 =	simm.s32 @p2 $0x1  }
0x17: {  	s4 =	simm.s32 $0x1BF5;
	[smem:$0x3FA8] =	sst s0  }
0x18: {  	s0 =	sld [smem:$0x3F8B];
	_ =	swait.ge [sflag:s4], $0x0  }
0x19: {  	s7 =	sld [smem:$0x3F8C]  }
0x1a: {  	s8 =	sadd.s32 $0xFFFFE003, lr  }
0x1b: {  	s9 =	sadd.s32 $0xFFFFFEF7, lr;
	s5 =	simm.s32 $0xFFFFFFFF;
	p2 =	slt.u32 s8, $0xFFFFF086  }
0x1c: {  	p1 =	slt.u32 s9, $0xF7A;
	s5 =	simm.s32 @!p2 $0x0  }
0x1d: {  	s5 =	simm.s32 @p1 $0x1;
	p0 =	seq.s32 s7, s2  }
0x1e: {  	s7 =	smul.u32 @!p0 $0xF7A, s2;
	p2 =	seq.s32 @!p0 s5, $0x0  }
0x1f: {  	s9 =	smul.u32 $0xF7A, s1;
	s8 =	simm.s32 @!p0 $0x1BF5;
	p2 =	por !p2, p0  }
0x20: {  	[sflag:s8] =	ssyncset.s32 @!p0 $0xFFFFF086;
	s6 =	sadd.s32 @!p0 s3, s7;
	s7 =	simm.s32 @!p0 $0x108  }
0x21: {  	s3 =	sadd.s32 s3, s9;
	s6 =	sadd.s32 @!p0 $0x88, s6;
	s7 =	simm.s32 @p2 $0x1082  }
0x22: {  	[simem:s7], [sflag:s8] =	dma.local @!p0 [hbm:s6], $0xF7A  }
0x23: {  	s9 =	sor.u32 $0xD0000000, s2;
	s6 =	simm.s32 $0x108;
	_ =	swait.ge @!p0 [sflag:s8], $0x0  }
0x24: {  	s3 =	sadd.s32 $0x88, s3;
	s6 =	simm.s32 @!p1 $0x1082;
	[sflag:s4] =	ssyncset.s32 $0xFFFFF086  }
0x25: {  	[simem:s6], [sflag:s4] =	dma.local [hbm:s3], $0xF7A  }
0x26: {  	[smem:$0x3F8C] =	sst s1;
	(tag) =	ssettag s2;
	_ =	strace s9  }
0x27: {  	s1 =	sld [smem:$0x3F9C]  }
0x28: {  	s2 =	sld [smem:$0x3F9D]  }
0x29: {  	s4 =	sld [smem:$0x3F9F]  }
0x2a: {  	p0 =	seq.s32 s5, $0x0;
	s5 =	sld [smem:$0x3FA0]  }
0x2b: {  	s6 =	sld [smem:$0x3FA1]  }
0x2c: {  	s7 =	sld [smem:$0x3FA2]  }
0x2d: {  	s3 =	simm.s32 $0x108;
	s8 =	sld [smem:$0x3FA3]  }
0x2e: {  	s3 =	simm.s32 @!p0 $0x1082;
	s9 =	sld [smem:$0x3FA4]  }
0x2f: {  	lr =	sadd.s32 s0, s3;
	s0 =	sld [smem:$0x3F9B]  }
0x30: {  	s3 =	sld [smem:$0x3F9E]  }
0x31: {  	[smem:$0x3FA7] =	sst s10  }
0x32: {  	s10 =	sld [smem:$0x3FA5];
	_ =	sdelay $0x3  }
0x33: {  	p0 =	seq.s32 s10, $0x1;
	s10 =	sld [smem:$0x3FA7];
	_ =	sdelay $0x3  }
0x34: {  	[smem:$0x3FA7] =	sst s10  }
0x35: {  	s10 =	sld [smem:$0x3FA6];
	_ =	sdelay $0x3  }
0x36: {  	p1 =	seq.s32 s10, $0x1;
	s10 =	sld [smem:$0x3FA7];
	_ =	sdelay $0x3  }
0x37: {  	[smem:$0x3FA7] =	sst s10  }
0x38: {  	s10 =	sld [smem:$0x3FA8]  }
0x39: {  	_ = 	snop;
	(pc) =	sbr.ind lr, $3  }
0x3a: {  	_ = 	snop  }
0x3b: {  	_ = 	snop  }
0x3c: {  	p2 =	seq.s32 s10, $0x1;
	s10 =	sld [smem:$0x3FA7]  }
0x3d: {  	_ =	shalt  }
0x3e: {  	_ =	shalt  }
0x3f: {  	_ =	shalt  }
0x40: {  	_ =	shalt  }
0x41: {  	_ =	shalt  }
0x42: {  	_ =	shalt  }
0x43: {  	_ =	shalt  }
0x44: {  	_ =	shalt  }
0x45: {  	_ =	shalt  }
0x46: {  	_ =	shalt  }
0x47: {  	_ =	shalt  }
0x48: {  	_ =	shalt  }
0x49: {  	_ =	shalt  }
0x4a: {  	_ =	shalt  }
0x4b: {  	_ =	shalt  }
0x4c: {  	_ =	shalt  }
0x4d: {  	_ =	shalt  }
0x4e: {  	_ =	shalt  }
0x4f: {  	_ =	shalt  }
0x50: {  	_ =	shalt  }
0x51: {  	_ =	shalt  }
0x52: {  	_ =	shalt  }
0x53: {  	_ =	shalt  }
0x54: {  	_ =	shalt  }
0x55: {  	_ =	shalt  }
0x56: {  	_ =	shalt  }
0x57: {  	_ =	shalt  }
0x58: {  	_ =	shalt  }
0x59: {  	_ =	shalt  }
0x5a: {  	_ =	shalt  }
0x5b: {  	_ =	shalt  }
0x5c: {  	_ =	shalt  }
0x5d: {  	_ =	shalt  }
0x5e: {  	_ =	shalt  }
0x5f: {  	_ =	shalt  }
0x60: {  	_ =	shalt  }
0x61: {  	_ =	shalt  }
0x62: {  	_ =	shalt  }
0x63: {  	_ =	shalt  }
0x64: {  	_ =	shalt  }
0x65: {  	_ =	shalt  }
0x66: {  	_ =	shalt  }
0x67: {  	_ =	shalt  }
0x68: {  	_ =	shalt  }
0x69: {  	_ =	shalt  }
0x6a: {  	_ =	shalt  }
0x6b: {  	_ =	shalt  }
0x6c: {  	_ =	shalt  }
0x6d: {  	_ =	shalt  }
0x6e: {  	_ =	shalt  }
0x6f: {  	_ =	shalt  }
0x70: {  	_ =	shalt  }
0x71: {  	_ =	shalt  }
0x72: {  	_ =	shalt  }
0x73: {  	_ =	shalt  }
0x74: {  	_ =	shalt  }
0x75: {  	_ =	shalt  }
0x76: {  	_ =	shalt  }
0x77: {  	_ =	shalt  }
0x78: {  	_ =	shalt  }
0x79: {  	_ =	shalt  }
0x7a: {  	_ =	shalt  }
0x7b: {  	_ =	shalt  }
0x7c: {  	_ =	shalt  }
0x7d: {  	_ =	shalt  }
0x7e: {  	_ =	shalt  }
0x7f: {  	_ =	shalt  }
0x80: {  	_ =	shalt  }
0x81: {  	_ =	shalt  }
0x82: {  	_ =	shalt  }
0x83: {  	_ =	shalt  }
0x84: {  	_ =	shalt  }
0x85: {  	_ =	shalt  }
0x86: {  	_ =	shalt  }
0x87: {  	_ =	shalt  }
.Lfunc_end0:
.L_simem_size_0:
called_computation_lowered:
.L_overlay_start_0:
0x88: {  	s2 =	sld [smem:$0x3FD9]  }
0x89: {  	s3 =	sld [smem:$0x3FFE];
	_ =	sdelay $0x1  }
0x8a: {  	s1 =	srdreg.scid  }
0x8b: {  	s0 =	sand.u32 $0x1, s1  }
0x8c: {  	s15 =	sshll.u32 s0, $0xA;
	s2 =	sadd.s32 s3, s2  }
0x8d: {  	s2 =	sadd.s32 s2, s15  }
0x8e: {  	[smem:$0x3FB3] =	sst s2  }
0x8f: {  	_ = 	snop  }
0x90: {  	(tm) =	ssettm $0x1  }
0x91: {  	s16 =	sld [smem:$0x3FFB];
	_ =	sdelay $0x3  }
0x92: {  	_ =	strace s16  }
0x93: {  	s2 =	sld [smem:$0x3FFC];
	_ =	sdelay $0x3  }
0x94: {  	_ =	strace s2  }
0x95: {  	s2 =	sld [smem:$0x3FFD];
	_ =	sdelay $0x3  }
0x96: {  	_ =	strace s2  }
0x97: {  	_ =	strace $0x8FFFFFFF  }
0x98: {  	s17 =	sld [smem:$0x3FDB];
	_ =	sdelay $0x1  }
0x99: {  	s18 =	simm.s32 $_scs_section_size  }
0x9a: {  	s4 =	simm.s32 $_size__tile_overlayer_lowered;
	s5 =	simm.s32 $_tile_overlayer_lowered  }
0x9b: {  	s6 =	simm.s32 $0x1BFF;
	s19 =	sshll.u32 s5, $0x1;
	s3 =	sadd.s32 s18, s17  }
0x9c: {  	s20 =	simm.s32 $0x0;
	s4 =	sshll.u32 s4, $0x1;
	s5 =	sadd.s32 s19, s3  }
0x9d: {  	[timem:s20], [sflag:s6] =	dma.local [hbm:s5], s4  }
0x9e: {  	_ =	swait.ge [sflag:s6], s4  }
0x9f: {  	s4 =	ssub.s32 $0x0, s4;
	[sflag:s6] =	ssyncset.done $0x0  }
0xa0: {  	[sflag:s6] =	ssyncadd.s32 s4;
	_ =	sdelay $0x1  }
0xa1: {  	s21 =	simm.s32 $0x1B8B  }
0xa2: {  	_ =	swait.ge [sflag:s21], $0x1  }
0xa3: {  	[sflag:s21] =	ssyncset.done $0x0  }
0xa4: {  	s22 =	sld [smem:$0x3FFE];
	[sflag:s21] =	ssyncadd.s32 $0xFFFFFFFF  }
0xa5: {  	s24 =	simm.s32 $0x1B8E;
	s23 =	sld [smem:$0x0]  }
0xa6: {  	s25 =	simm.s32 $execute0_lowered;
	[smem:$0x3FD2] =	sst s24  }
0xa7: {  	s6 =	sshll.u32 s25, $0x1;
	_ =	strace $0x80000052;
	[dreg:$0x1] =	wrdreg $0xFFFFFFFF  }
0xa8: {  	s7 =	simm.s32 $_size_execute0_lowered;
	s6 =	sadd.s32 s3, s6;
	[dreg:$0x0] =	wrdreg $0x0  }
0xa9: {  	s7 =	sshll.u32 s7, $0x1;
	[dreg:$0x2] =	wrdreg s6  }
0xaa: {  	[dreg:$0x3] =	wrdreg s7  }
0xab: {  	[dreg:$0x4] =	wrdreg $0xC0  }
0xac: {  	s26 =	simm.s32 $execute1_lowered;
	_ =	task [dreg:s20], $0x5FFFF  }
0xad: {  	s6 =	sshll.u32 s26, $0x1;
	[dreg:$0x1] =	wrdreg $0xFFFFFFFF  }
0xae: {  	s3 =	sadd.s32 s3, s6;
	[dreg:$0x0] =	wrdreg $0x60  }
0xaf: {  	[dreg:$0x2] =	wrdreg s3  }
0xb0: {  	[dreg:$0x3] =	wrdreg s22  }
0xb1: {  	[dreg:$0x4] =	wrdreg $0x9  }
0xb2: {  	_ =	task.clear_ibuf [dreg:s20], $0x5FFFF;
	_ =	strace $0x90000052  }
0xb3: {  	s28 =	simm.s32 $0x9;
	_ =	strace $0x80000054  }
0xb4: {  	_ =	swait.ge [sflag:s28], $0x1  }
0xb5: {  	[sflag:s28] =	ssyncadd.s32 $0xFFFFFFFF  }
0xb6: {  	_ =	strace $0x90000054  }
0xb7: {  	s3 =	sld [smem:$0x0]  }
0xb8: {  	s6 =	sand.u32 $0xFFFFFFFE, s1  }
0xb9: {  	p0 =	sne.s32 s1, s6  }
0xba: {  	s6 =	sshll.u32 @p0 s6, $0xE  }
0xbb: {  	s6 =	sadd.s32 @p0 $0x11BF3, s6;
	s7 =	sshll.u32 @p0 s3, $0x11  }
0xbc: {  	s6 =	sor.u32 @p0 s7, s6  }
0xbd: {  	[sflag:s6] =	ssyncadd.remote.s32 @p0 $0x1;
	_ =	sdelay $0x1  }
0xbe: {  	s6 =	simm.s32 @p0 $0x1BF3  }
0xbf: {  	_ =	swait.eq @p0 [sflag:s6], $0x1  }
0xc0: {  	[sflag:s6] =	ssyncadd.s32 @p0 $0xFFFFFFFF  }
0xc1: {  	s7 =	sshll.u32 @!p0 s1, $0xE  }
0xc2: {  	s7 =	sor.u32 @!p0 $0x4000, s7;
	s6 =	simm.s32 @!p0 $0x1BF3  }
0xc3: {  	s3 =	sshll.u32 @!p0 s3, $0x11;
	s7 =	sadd.s32 @!p0 $0x11BF3, s7;
	_ =	swait.eq @!p0 [sflag:s6], $0x1  }
0xc4: {  	s3 =	sor.u32 @!p0 s3, s7;
	[sflag:s6] =	ssyncadd.s32 @!p0 $0xFFFFFFFF  }
0xc5: {  	[sflag:s3] =	ssyncadd.remote.s32 @!p0 $0x1  }
0xc6: {  	_ =	strace $0x80000055;
	[dreg:$0x1] =	wrdreg $0xFFFFFFFF  }
0xc7: {  	[dreg:$0x0] =	wrdreg $0x2030  }
0xc8: {  	[dreg:$0x2] =	wrdreg s22  }
0xc9: {  	[dreg:$0x3] =	wrdreg s1  }
0xca: {  	[dreg:$0x4] =	wrdreg s23  }
0xcb: {  	[dreg:$0x5] =	wrdreg $0xA  }
0xcc: {  	_ =	task.clear_ibuf [dreg:s20], $0x6FFFF;
	_ =	strace $0x90000055  }
0xcd: {  	s29 =	simm.s32 $0xA;
	_ =	strace $0x80000057  }
0xce: {  	_ =	swait.ge [sflag:s29], $0x1  }
0xcf: {  	[sflag:s29] =	ssyncadd.s32 $0xFFFFFFFF  }
0xd0: {  	_ =	strace $0x90000057  }
0xd1: {  	_ =	sfence  }
0xd2: {  	s30 =	sld [smem:$0x0];
	_ =	sdelay $0x2  }
0xd3: {  	s31 =	sshll.u32 s1, $0xD;
	s1 =	sshrl.u32 s1, $0x2  }
0xd4: {  	s4 =	sand.u32 $0x4000, s31;
	s1 =	sadd.s32 s1, s30  }
0xd5: {  	s0 =	sor.u32 s4, s0;
	s1 =	sshll.u32 s1, $0x11  }
0xd6: {  	s0 =	sor.u32 s1, s0  }
0xd7: {  	s0 =	sadd.s32 $0x8F2B, s0  }
0xd8: {  	[sflag:s0] =	ssyncadd.remote.s32 $0x1  }
0xd9: {  	_ =	sfence.sel $0xFFFF  }
0xda: {  	[dreg:$0x0] =	wrdreg $0xFFFFFFFF;
	(pc) =	sbr.abs _section_cstart, $3  }
0xdb: {  	[dreg:$0x1] =	wrdreg $0xFFFFFFFF  }
0xdc: {  	_ =	task.clear_ibuf [dreg:s20], $0x2FFFF;
	_ =	strace $0x9FFFFFFF  }
0xdd: {  	(tm) =	ssettm $0x7FFFFFFF  }
tec
execute0_lowered:
.L_overlay_start_1:
0x0: {  	(tag) =	ssettag $0x1  }
0x1: {  	s2 =	rddreg [dreg:$0x0]  }
0x2: {  	s3 =	rddreg [dreg:$0x1]  }
0x3: {  	s0 =	rddreg [dreg:$0x2];
	s4 =	stileid.u32;
	[bflag:$0x3] =	sbarrier.arrive $0xFFFF  }
0x4: {  	s1 =	simm.s32 $_size_execute1_lowered;
	s29 =	srdreg.scid;
	p0 =	sne.s32 s4, $0x0  }
0x5: {  	s1 =	sshll.u32 s1, $0x1;
	s5 =	simm.s32 @!p0 $0x1C3F;
	s6 =	simm.s32 @!p0 $0x4060  }
0x6: {  	[timem:s6], [sflag:s5] =	dma.local @!p0 [hbm:s2], s1  }
0x7: {  	s2 =	sshll.u32 s29, $0x6  }
0x8: {  	s4 =	sshll.u32 s4, $0x7;
	s2 =	sand.u32 $0x40, s2  }
0x9: {  	s30 =	simm.s32 $0x2;
	s9 =	simm.s32 $0x0;
	s2 =	sor.u32 s4, s2  }
0xa: {  	s12 =	simm.s32 $0x0;
	s11 =	simm.s32 $0x0;
	s4 =	sshll.u32 s2, $0x4  }
0xb: {  	s10 =	simm.s32 $0x0;
	p1 =	slt.u32 s2, $0x7B0;
	s5 =	sadd.s32 $0xFFFF8500, s4  }
0xc: {  	s6 =	simm.s32 $0x3;
	_ =	strace $0x80000053;
	s5 =	smov.u32 @p1 s4  }
0xd: {  	s31 =	smax.u32 s2, $0x770;
	s8 =	sadd.s32 s5, s3;
	s5 =	ssub.s32 $0x7B0, s2  }
0xe: {  	s7 =	sshll.u32 s31, $0x9;
	s4 =	simm.s32 $0x1;
	p1 =	sgt.s32 s5, $0x0  }
.Ltmp0:
0xf: {  	s7 =	ssub.s32 $0xF6000, s7;
	s5 =	simm.s32 @!p1 $0x0;
	(pc) =	sbr.rel .LBB2_1-.Ltmp0, $4  }
0x10: {  	s3 =	sadd.s32 $0x8DE00, s3;
	[sflag:s4] =	ssyncpa.u1 $0x0;
	s5 =	sand.u32 $0x7F0, s5  }
0x11: {  	s7 =	sshrl.u32 s7, $0x2;
	p1 =	sne.s32 s5, $0x0;
	s5 =	simm.s32 $0x1  }
0x12: {  	s5 =	simm.s32 @!p1 $0x0;
	s6 =	simm.s32 @!p1 $0x2;
	p1 =	sgt.u32 s2, $0x7AF  }
0x13: {  	[sflag:s30] =	ssyncpa.u1 $0x0;
	s8 =	sadd.s32 $0x86200, s8;
	s7 =	simm.s32 @p1 $0x0  }
.LBB2_4:
0x14: {  	_ = 	snop  }
.LBB2_7:
0x15: {  	_ =	sdelay $0x3  }
0x16: {  	[tilespmem:v0+s16+$0x0 ss:$0x1] =	vst.idx.msk @p1 $0xffff, v2  }
0x17: {  	v56 =	vld.idx.msk [tilespmem:v1+s15+$0x0 ss:$0x1], $0xffff;
	s24 =	sor.u32 $0x70, s15;
	[tilespmem:v0+s17+$0x0 ss:$0x1] =	vst.idx.msk @p1 $0xffff, v4  }
0x18: {  	s25 =	sor.u32 $0x10, s15;
	[tilespmem:v0+s18+$0x0 ss:$0x1] =	vst.idx.msk @p1 $0xffff, v3;
	v57 =	vld.idx.msk [tilespmem:v1+s24+$0x0 ss:$0x1], $0xffff  }
0x19: {  	s26 =	sor.u32 $0x20, s15;
	[tilespmem:v0+s19+$0x0 ss:$0x1] =	vst.idx.msk @p1 $0xffff, v5;
	v58 =	vld.idx.msk [tilespmem:v1+s25+$0x0 ss:$0x1], $0xffff  }
0x1a: {  	s28 =	sor.u32 $0x30, s15;
	[tilespmem:v0+s20+$0x0 ss:$0x1] =	vst.idx.msk @p1 $0xffff, v6;
	v59 =	vld.idx.msk [tilespmem:v1+s26+$0x0 ss:$0x1], $0xffff  }
0x1b: {  	s29 =	sor.u32 $0x40, s15;
	[tilespmem:v0+s21+$0x0 ss:$0x1] =	vst.idx.msk @p1 $0xffff, v7;
	v60 =	vld.idx.msk [tilespmem:v1+s28+$0x0 ss:$0x1], $0xffff  }
0x1c: {  	s30 =	sor.u32 $0x50, s15;
	v61 =	vld.idx.msk [tilespmem:v1+s29+$0x0 ss:$0x1], $0xffff;
	[tilespmem:v0+s15+$0x0 ss:$0x1] =	vst.idx.msk $0xffff, v56  }
0x1d: {  	s31 =	sor.u32 $0x60, s15;
	v62 =	vld.idx.msk [tilespmem:v1+s30+$0x0 ss:$0x1], $0xffff;
	[tilespmem:v0+s24+$0x0 ss:$0x1] =	vst.idx.msk $0xffff, v57  }
0x1e: {  	v63 =	vld.idx.msk [tilespmem:v1+s31+$0x0 ss:$0x1], $0xffff;
	[tilespmem:v0+s25+$0x0 ss:$0x1] =	vst.idx.msk $0xffff, v58  }
0x1f: {  	[tilespmem:v0+s26+$0x0 ss:$0x1] =	vst.idx.msk $0xffff, v59  }
0x20: {  	[tilespmem:v0+s28+$0x0 ss:$0x1] =	vst.idx.msk $0xffff, v60  }
0x21: {  	[tilespmem:v0+s29+$0x0 ss:$0x1] =	vst.idx.msk $0xffff, v61  }
0x22: {  	[tilespmem:v0+s30+$0x0 ss:$0x1] =	vst.idx.msk $0xffff, v62  }
0x23: {  	[tilespmem:v0+s31+$0x0 ss:$0x1] =	vst.idx.msk $0xffff, v63  }
.LBB2_8:
0x24: {  	s15 =	sshrl.u32 s11, $0x4  }
0x25: {  	s15 =	smulhi.u32 $0x10A6810B, s15;
	_ =	sdelay $0x1  }
0x26: {  	s15 =	sshrl.u32 s15, $0x3  }
0x27: {  	s15 =	smul.u32 $0x7B0, s15;
	_ =	sdelay $0x1  }
0x28: {  	s15 =	ssub.s32 s11, s15  }
0x29: {  	s15 =	sshll.u32 s15, $0x4  }
0x2a: {  	s15 =	sadd.s32 s3, s15  }
0x2b: {  	[hbm4b:s15+s9] =	stream.linear.scatter [tilespmem:s14], [sflag:$0x2], s13, $0x38;
	[tilespmem:$0x8000] =	vst v63  }
.LBB2_9:
0x2c: {  	p1 =	slt.u32 s10, $0x2  }
0x2d: {  	p2 =	sgt.s32 @!p1 s12, $0x770  }
0x2e: {  	p2 =	por !p2, p1  }
0x2f: {  	p3 =	sgt.s32 @!p1 s12, $0x7AF;
	s12 =	simm.s32 @p2 $0x770  }
0x30: {  	s12 =	sshll.u32 @!p1 s12, $0x9  }
0x31: {  	s12 =	ssub.s32 @!p1 $0xF6000, s12  }
0x32: {  	s10 =	sadd.s32 $0x1, s10;
	p2 =	por !p3, p1;
	s12 =	sshrl.u32 @!p1 s12, $0x2  }
0x33: {  	s12 =	simm.s32 @!p2 $0x0;
	p2 =	sne.s32 s10, s6  }
.Ltmp1:
0x34: {  	_ = 	snop;
	(pc) =	sbr.rel @!p2 .LBB2_10-.Ltmp1, $4  }
0x35: {  	s13 =	simm.s32 @!p1 $0x2  }
0x36: {  	_ =	swait.ge @!p1 [sflag:s13], s12  }
0x37: {  	s14 =	ssub.s32 @!p1 $0x0, s12;
	[sflag:s13] =	ssyncset.done @!p1 $0x0  }
0x38: {  	s12 =	smov.u32 s11;
	s11 =	smov.u32 s2;
	[sflag:s13] =	ssyncadd.s32 @!p1 s14  }
.LBB2_1:
0x39: {  	p1 =	sge.u32 s10, s5  }
0x3a: {  	s31 =	sadd.s32 $0xFFFFFFFF, s10;
	s13 =	simm.s32 @!p1 $0x0;
	s14 =	simm.s32 @!p1 $0x2000  }
0x3b: {  	[tilespmem:s14], [sflag:$0x1] =	stream.linear.gather @!p1 [hbm4b:s8+s13], s7, $0x38;
	[tilespmem:$0x8000] =	vst v63  }
0x3c: {  	p1 =	sge.u32 s31, s5  }
.Ltmp2:
0x3d: {  	_ = 	snop;
	(pc) =	sbr.rel @p1 .LBB2_9-.Ltmp2, $1  }
0x3e: {  	_ =	sdelay $0x3  }
0x3f: {  	p1 =	sgt.s32 s11, $0x770;
	s13 =	smov.u32 s11  }
0x40: {  	s13 =	simm.s32 @!p1 $0x770  }
0x41: {  	s13 =	sshll.u32 s13, $0x9  }
0x42: {  	s13 =	ssub.s32 $0xF6000, s13  }
0x43: {  	p1 =	sgt.u32 s11, $0x7AF;
	s13 =	sshrl.u32 s13, $0x2  }
0x44: {  	s14 =	smov.u32 s11;
	s13 =	simm.s32 @p1 $0x0;
	p1 =	slt.s32 s11, $0x770  }
0x45: {  	s14 =	simm.s32 @!p1 $0x770  }
0x46: {  	s16 =	ssub.s32 s14, s11  }
0x47: {  	p1 =	slt.s32 s16, $0xFFFFFFC1  }
.Ltmp3:
0x48: {  	_ = 	snop;
	(pc) =	sbr.rel @p1 .LBB2_8-.Ltmp3, $4  }
0x49: {  	_ = 	snop  }
0x4a: {  	s15 =	sshll.u32 s10, $0xD;
	_ =	swait.ge [sflag:s4], s13  }
0x4b: {  	s15 =	sand.u32 $0x2000, s15;
	s17 =	ssub.s32 $0x0, s13;
	[sflag:s4] =	ssyncset.done $0x0  }
0x4c: {  	s14 =	sor.u32 $0x4000, s15;
	[sflag:s4] =	ssyncadd.s32 s17  }
0x4d: {  	s16 =	sadd.s32 $0x40, s16  }
0x4e: {  	p2 =	sne.s32 s16, $0x1  }
.Ltmp4:
0x4f: {  	v1 =	vmov s15;
	v0 =	vmov s14;
	(pc) =	sbr.rel @!p2 .LBB2_4-.Ltmp4, $3  }
0x50: {  	_ =	sdelay $0x1  }
0x51: {  	s17 =	simm.s32 $0x0  }
0x52: {  	p1 =	por $0x0, $0x0;
	s15 =	sand.u32 $0x1F80, s17;
	s23 =	sadd.s32 $0xFFFFFFFF, s16  }
0x53: {  	_ =	sdelay $0x3  }
0x54: {  	v6 =	vld.idx.msk [tilespmem:v1+s15+$0x0 ss:$0x1], $0xffff;
	s24 =	sor.u32 $0x70, s15  }
0x55: {  	s16 =	sor.u32 $0x10, s15;
	v8 =	vld.idx.msk [tilespmem:v1+s24+$0x0 ss:$0x1], $0xffff  }
0x56: {  	s17 =	sor.u32 $0x20, s15;
	p2 =	sne.s32 s23, $0x1;
	v2 =	vld.idx.msk [tilespmem:v1+s16+$0x0 ss:$0x1], $0xffff  }
.Ltmp5:
0x57: {  	s18 =	sor.u32 $0x30, s15;
	v4 =	vld.idx.msk [tilespmem:v1+s17+$0x0 ss:$0x1], $0xffff;
	(pc) =	sbr.rel @!p2 .LBB2_7-.Ltmp5, $4  }
0x58: {  	s19 =	sor.u32 $0x40, s15;
	v3 =	vld.idx.msk [tilespmem:v1+s18+$0x0 ss:$0x1], $0xffff  }
0x59: {  	s21 =	sor.u32 $0x60, s15;
	v5 =	vld.idx.msk [tilespmem:v1+s19+$0x0 ss:$0x1], $0xffff  }
0x5a: {  	s20 =	sor.u32 $0x50, s15;
	s22 =	simm.s32 $0x80;
	v7 =	vld.idx.msk [tilespmem:v1+s21+$0x0 ss:$0x1], $0xffff;
	[tilespmem:v0+s15+$0x0 ss:$0x1] =	vst.idx.msk $0xffff, v6  }
0x5b: {  	s23 =	sadd.s32 $0xFFFFFFFF, s23;
	p1 =	por $0x1, $0x1;
	v6 =	vld.idx.msk [tilespmem:v1+s20+$0x0 ss:$0x1], $0xffff;
	s15 =	sand.u32 $0x1F80, s22;
	[tilespmem:v0+s24+$0x0 ss:$0x1] =	vst.idx.msk $0xffff, v8  }
.LBB2_6:
0x5c: {  	p2 =	sne.s32 s23, $0x1;
	v8 =	vld.idx.msk [tilespmem:v1+s15+$0x0 ss:$0x1], $0xffff;
	s24 =	sor.u32 $0x70, s15;
	[tilespmem:v0+s16+$0x0 ss:$0x1] =	vst.idx.msk $0xffff, v2;
	s16 =	sor.u32 $0x10, s15  }
0x5d: {  	s25 =	sor.u32 $0x30, s15;
	s26 =	sor.u32 $0x40, s15;
	v9 =	vld.idx.msk [tilespmem:v1+s24+$0x0 ss:$0x1], $0xffff;
	[tilespmem:v0+s17+$0x0 ss:$0x1] =	vst.idx.msk $0xffff, v4;
	s17 =	sor.u32 $0x20, s15  }
0x5e: {  	s28 =	sor.u32 $0x50, s15;
	s29 =	sor.u32 $0x60, s15;
	v2 =	vld.idx.msk [tilespmem:v1+s16+$0x0 ss:$0x1], $0xffff;
	[tilespmem:v0+s18+$0x0 ss:$0x1] =	vst.idx.msk $0xffff, v3;
	s18 =	smov.u32 s25  }
.Ltmp6:
0x5f: {  	v4 =	vld.idx.msk [tilespmem:v1+s17+$0x0 ss:$0x1], $0xffff;
	[tilespmem:v0+s19+$0x0 ss:$0x1] =	vst.idx.msk $0xffff, v5;
	s19 =	smov.u32 s26;
	(pc) =	sbr.rel @p2 .LBB2_6-.Ltmp6, $4  }
0x60: {  	v3 =	vld.idx.msk [tilespmem:v1+s18+$0x0 ss:$0x1], $0xffff;
	[tilespmem:v0+s20+$0x0 ss:$0x1] =	vst.idx.msk $0xffff, v6;
	s20 =	smov.u32 s28  }
0x61: {  	v5 =	vld.idx.msk [tilespmem:v1+s19+$0x0 ss:$0x1], $0xffff;
	[tilespmem:v0+s21+$0x0 ss:$0x1] =	vst.idx.msk $0xffff, v7;
	s21 =	smov.u32 s29  }
0x62: {  	s22 =	sadd.s32 $0x80, s22;
	[tilespmem:v0+s15+$0x0 ss:$0x1] =	vst.idx.msk $0xffff, v8;
	v6 =	vld.idx.msk [tilespmem:v1+s20+$0x0 ss:$0x1], $0xffff  }
0x63: {  	s23 =	sadd.s32 $0xFFFFFFFF, s23;
	s15 =	sand.u32 $0x1F80, s22;
	v7 =	vld.idx.msk [tilespmem:v1+s21+$0x0 ss:$0x1], $0xffff;
	[tilespmem:v0+s24+$0x0 ss:$0x1] =	vst.idx.msk $0xffff, v9  }
.Ltmp7:
0x64: {  	_ = 	snop;
	(pc) =	sbr.rel .LBB2_7-.Ltmp7, $1  }
0x65: {  	_ =	sdelay $0x3  }
.LBB2_10:
0x66: {  	_ =	sfence.sel $0x180000  }
0x67: {  	s2 =	simm.s32 $0x1;
	[bflag:$0x0] =	sbarrier.arrive $0xFFFF  }
0x68: {  	s31 =	simm.s32 $0x2;
	[sflag:s2] =	ssyncpa.u1 $0x1  }
0x69: {  	[sflag:s31] =	ssyncpa.u1 $0x1  }
0x6a: {  	_ =	strace $0x90000053  }
0x6b: {  	s0 =	sadd.s32 @!p0 $0x100000, s0;
	[bflag:$0x2] =	sbarrier.arrive $0xFFFF  }
0x6c: {  	[sflag:s0] =	ssyncadd.tile.s32 @!p0 $0x1;
	s0 =	simm.s32 @!p0 $0x3F  }
0x6d: {  	_ =	swait.ge @!p0 [sflag:s0], s1  }
0x6e: {  	s1 =	ssub.s32 @!p0 $0x0, s1;
	[sflag:s0] =	ssyncset.done @!p0 $0x0  }
0x6f: {  	[sflag:s0] =	ssyncadd.s32 @!p0 s1  }
0x70: {  	[bflag:$0x3] =	sbarrier.arrive $0xFFFF  }
0x71: {  	_ =	shalt  }
.Lfunc_end2:
execute1_lowered:
.L_overlay_start_2:
0x72: {  	(tag) =	ssettag $0x2  }
0x73: {  	s15 =	rddreg [dreg:$0x0]  }
0x74: {  	s2 =	rddreg [dreg:$0x1];
	_ =	strace $0x80000056;
	s0 =	simm.s32 $0x1  }
0x75: {  	v0 =	vimm.s32 $0x0;
	[sflag:s0] =	ssyncpa.u1 $0x0;
	s0 =	simm.s32 $0x108  }
0x76: {  	[tilespmem:s0+$0x70] =	vst v0  }
0x77: {  	[tilespmem:s0+$0x60] =	vst v0  }
0x78: {  	[tilespmem:s0+$0x50] =	vst v0  }
0x79: {  	[tilespmem:s0+$0x40] =	vst v0  }
0x7a: {  	s3 =	simm.s32 $0x40;
	[tilespmem:s0+$0x30] =	vst v0  }
0x7b: {  	s1 =	sadd.s32 $0x8DE00, s15;
	s6 =	sadd.s32 $0x5E00, s15;
	s2 =	sand.u32 $0x1, s2;
	[tilespmem:s0+$0x20] =	vst v0  }
0x7c: {  	s14 =	sadd.s32 $0x25E00, s15;
	[dreg:$0x4] =	wrdreg s2;
	s16 =	sshll.u32 s2, $0x9;
	[tilespmem:s0+$0x10] =	vst v0  }
.LBB3_1:
0x7d: {  	s3 =	sadd.s32 $0x40, s3;
	[tilespmem:s0+$0x0] =	vst v0;
	s0 =	sadd.s32 $0x80, s0  }
0x7e: {  	p0 =	slt.u32 s3, $0x3C40;
	[tilespmem:s0+$0x70] =	vst v0  }
0x7f: {  	[tilespmem:s0+$0x60] =	vst v0  }
.Ltmp8:
0x80: {  	[tilespmem:s0+$0x50] =	vst v0;
	(pc) =	sbr.rel @p0 .LBB3_1-.Ltmp8, $4  }
0x81: {  	[tilespmem:s0+$0x40] =	vst v0  }
0x82: {  	[tilespmem:s0+$0x30] =	vst v0  }
0x83: {  	[tilespmem:s0+$0x20] =	vst v0  }
0x84: {  	[tilespmem:s0+$0x10] =	vst v0  }
0x85: {  	s5 =	stileid.u32  }
0x86: {  	s2 =	smin.u32 s5, $0x2  }
0x87: {  	s2 =	sadd.s32 s5, s2  }
0x88: {  	p0 =	slt.u32 s5, $0x2;
	s7 =	smul.u32 $0xF0, s2;
	s2 =	simm.s32 $0x1E0  }
0x89: {  	s2 =	simm.s32 @!p0 $0xF0  }
0x8a: {  	s2 =	sadd.s32 s2, s7  }
0x8b: {  	s8 =	smin.u32 s2, $0x1000  }
0x8c: {  	s2 =	ssub.s32 s8, s7  }
0x8d: {  	p0 =	sgt.s32 s2, $0x0  }
0x8e: {  	s2 =	simm.s32 @!p0 $0x0  }
0x8f: {  	s30 =	simm.s32 $0x2;
	s10 =	simm.s32 $0x9;
	s3 =	smul.u32 $0x8889, s2  }
0x90: {  	s4 =	simm.s32 $0xA;
	s11 =	simm.s32 $0xB;
	s12 =	simm.s32 $0x1  }
0x91: {  	s14 =	sadd.s32 s16, s14;
	s15 =	sadd.s32 s16, s15;
	s31 =	sshrl.u32 s3, $0x17  }
0x92: {  	s22 =	simm.s32 $0x0;
	s18 =	simm.s32 $0xC;
	s3 =	smul.u32 $0xF0, s31  }
.Ltmp9:
0x93: {  	[tilespmem:s0+$0x0] =	vst v0;
	v0 =	vimm.s32 $0xFFFFFFFF;
	s20 =	simm.s32 $0x0;
	[sflag:s30] =	ssyncpa.u1 $0x0;
	(pc) =	sbr.rel .LBB3_3-.Ltmp9, $4  }
0x94: {  	[tilespmem:$0xF208] =	vst v0;
	[sflag:s10] =	ssyncpa.u1 $0x0;
	p0 =	sne.s32 s2, s3;
	s2 =	simm.s32 $0x1  }
0x95: {  	s21 =	simm.s32 $0x0;
	[sflag:s4] =	ssyncpa.u1 $0x0;
	s2 =	simm.s32 @!p0 $0x0  }
0x96: {  	s16 =	sshll.u32 s5, $0x8;
	[sflag:s11] =	ssyncpa.u1 $0x0;
	s13 =	sadd.s32 s31, s2  }
0x97: {  	v0 =	vlaneseq.u32;
	s19 =	smov.u32 s7;
	p0 =	por $0x0, $0x0;
	s17 =	sadd.s32 $0x1, s13  }
.LBB3_18:
0x98: {  	s0 =	sshrl.u32 s31, $0x2  }
.LBB3_20:
0x99: {  	_ =	swait.ge [sflag:s18], s0  }
0x9a: {  	s31 =	ssub.s32 $0x0, s0;
	v1 =	vmov s25;
	vm0 =	veq.s32 v0, $0x0;
	[sflag:s18] =	ssyncset.done $0x0  }
0x9b: {  	vm15 =	veq.s32 v0, $0x2;
	v1 =	vsel vm0, s30, v1;
	[sflag:s18] =	ssyncadd.s32 s31  }
0x9c: {  	v1 =	vsel vm15, s22, v1;
	[sflag:s18] =	ssyncpa.u1 $0x1  }
0x9d: {  	[tilespmem:$0xF208] =	vst v1  }
.LBB3_21:
0x9e: {  	s0 =	sadd.s32 $0xF0, s19  }
0x9f: {  	s2 =	smov.u32 s7;
	p1 =	slt.s32 s0, s8  }
0xa0: {  	s2 =	smov.u32 @p1 s0;
	p1 =	sne.s32 s21, s17  }
.Ltmp10:
0xa1: {  	_ = 	snop;
	(pc) =	sbr.rel @!p1 .LBB3_22-.Ltmp10, $3  }
0xa2: {  	_ =	sdelay $0x1  }
0xa3: {  	s22 =	smov.u32 s20;
	s31 =	sadd.s32 $0x1, s21;
	s20 =	smov.u32 s19  }
0xa4: {  	p0 =	por !p0, !p0;
	s21 =	smov.u32 s31;
	s19 =	smov.u32 s2  }
.LBB3_3:
0xa5: {  	p1 =	sge.u32 s21, s13  }
0xa6: {  	s0 =	smulhi.u32 @!p1 $0xAAAAAAAB, s21  }
0xa7: {  	s2 =	smov.u32 s19;
	p2 =	sgt.s32 @!p1 s19, $0xF10  }
0xa8: {  	s3 =	sshra.s32 @!p1 s19, $0x1F;
	p2 =	por !p2, p1;
	s0 =	sshrl.u32 @!p1 s0, $0x1  }
0xa9: {  	s3 =	sand.u32 @!p1 s3, s19;
	s2 =	simm.s32 @p2 $0xF10;
	s0 =	smul.u32 @!p1 $0x3, s0  }
0xaa: {  	s2 =	ssub.s32 @!p1 s2, s3  }
0xab: {  	s2 =	sadd.s32 @!p1 $0xFFFFF0F0, s2;
	s0 =	ssub.s32 @!p1 s21, s0  }
0xac: {  	s3 =	sshll.u32 @!p1 s2, $0x2;
	p2 =	sgt.s32 @!p1 s2, $0xEF;
	s0 =	smul.u32 @!p1 $0x3C0, s0  }
0xad: {  	s4 =	sand.u32 @!p1 $0x7, s19;
	s2 =	ssub.s32 @!p1 $0x3C0, s3;
	p2 =	por !p2, p1  }
0xae: {  	s3 =	sshrl.u32 @!p1 s19, $0x3;
	s2 =	sshrl.u32 @!p1 s2, $0x2;
	s0 =	sshrl.u32 @!p1 s0, $0x2  }
0xaf: {  	s3 =	sadd.s32 @!p1 s3, s14;
	s2 =	simm.s32 @!p2 $0x0;
	s0 =	sadd.s32 @!p1 $0x10248, s0  }
0xb0: {  	[tilespmem:s0], [sflag:$0xA] =	stream.linear.gather @!p1 [hbm4b:s3+s4], s2, $0x38;
	[tilespmem:$0x1F6F8] =	vst v63  }
0xb1: {  	s0 =	sadd.s32 $0xFFFFFFFF, s21  }
0xb2: {  	p1 =	sge.u32 s0, s13  }
0xb3: {  	p2 =	sgt.s32 @!p1 s20, $0xF10  }
0xb4: {  	s2 =	smov.u32 s20;
	s3 =	sshra.s32 @!p1 s20, $0x1F;
	p2 =	por !p2, p1  }
0xb5: {  	s3 =	sand.u32 @!p1 s3, s20;
	s2 =	simm.s32 @p2 $0xF10  }
0xb6: {  	s2 =	ssub.s32 @!p1 s2, s3  }
0xb7: {  	s2 =	sadd.s32 @!p1 $0xFFFFF0F0, s2  }
0xb8: {  	s4 =	sand.u32 @!p1 $0x1, s0;
	s3 =	sshll.u32 @!p1 s2, $0x2  }
0xb9: {  	p2 =	sgt.s32 @!p1 s2, $0xEF;
	s2 =	ssub.s32 @!p1 $0x3C0, s3;
	s3 =	smulhi.u32 @!p1 $0xAAAAAAAB, s0  }
0xba: {  	s23 =	smul.u32 @!p1 $0x3C0, s4;
	p2 =	por !p2, p1;
	s2 =	sshrl.u32 @!p1 s2, $0x2  }
0xbb: {  	s5 =	simm.s32 @!p1 $0xA;
	s2 =	simm.s32 @!p2 $0x0;
	s3 =	sshrl.u32 @!p1 s3, $0x1  }
0xbc: {  	s23 =	sshrl.u32 @!p1 s23, $0x2;
	_ =	swait.ge @!p1 [sflag:s5], s2;
	s3 =	smul.u32 @!p1 $0x3, s3  }
0xbd: {  	s23 =	sadd.s32 @!p1 $0x10518, s23;
	s24 =	ssub.s32 @!p1 $0x0, s2;
	[sflag:s5] =	ssyncset.done @!p1 $0x0  }
0xbe: {  	[sflag:s5] =	ssyncadd.s32 @!p1 s24;
	s5 =	sshrl.u32 @!p1 s20, $0x3;
	s0 =	ssub.s32 @!p1 s0, s3  }
0xbf: {  	s24 =	sand.u32 @!p1 $0x7, s20;
	s5 =	sadd.s32 @!p1 s5, s15;
	s0 =	smul.u32 @!p1 $0x3C0, s0  }
0xc0: {  	[tilespmem:s23], [sflag:$0xB] =	stream.linear.gather @!p1 [hbm4b:s5+s24], s2, $0x38;
	[tilespmem:$0x1F6F8] =	vst v63  }
0xc1: {  	s3 =	ssub.s32 @!p1 $0x1000, s20;
	s2 =	smul.u32 @!p1 $0x1E000, s4  }
0xc2: {  	p2 =	slt.s32 @!p1 s3, $0xF0  }
0xc3: {  	p2 =	por !p2, p1;
	s0 =	sshrl.u32 @!p1 s0, $0x2;
	s2 =	sshrl.u32 @!p1 s2, $0x2  }
0xc4: {  	s3 =	simm.s32 @p2 $0xF0;
	s0 =	sadd.s32 @!p1 $0x10248, s0;
	s2 =	sor.u32 @!p1 $0x106F8, s2  }
0xc5: {  	[tilespmem:s2], [sflag:$0x9] =	stream.indirect.gather @!p1 [hbm4b:s6+s3], $0x80, s0, s3, $0xb8;
	[tilespmem:$0x1F6F8] =	vst v63  }
0xc6: {  	p1 =	slt.u32 s21, $0x2  }
.Ltmp11:
0xc7: {  	_ = 	snop;
	(pc) =	sbr.rel @p1 .LBB3_21-.Ltmp11, $1  }
0xc8: {  	_ =	sdelay $0x3  }
0xc9: {  	p1 =	sgt.s32 s22, $0xF10  }
0xca: {  	s0 =	smov.u32 s22;
	s2 =	sshra.s32 s22, $0x1F;
	s3 =	ssub.s32 $0x1000, s22  }
0xcb: {  	s0 =	simm.s32 @!p1 $0xF10;
	s2 =	sand.u32 s2, s22;
	p1 =	slt.s32 s3, $0xF0  }
0xcc: {  	s0 =	ssub.s32 s0, s2;
	s3 =	simm.s32 @!p1 $0xF0  }
0xcd: {  	s0 =	sadd.s32 $0xFFFFF0F0, s0;
	s25 =	sshll.u32 s3, $0x7  }
0xce: {  	s26 =	sshll.u32 s0, $0x2;
	s2 =	sand.u32 $0x3FFFFF80, s25  }
0xcf: {  	p1 =	sgt.s32 s0, $0xEF;
	s29 =	ssub.s32 $0x3C0, s26;
	_ =	swait.ge [sflag:s10], s2  }
0xd0: {  	s2 =	ssub.s32 $0x0, s2;
	[sflag:s10] =	ssyncset.done $0x0;
	s0 =	sshrl.u32 s29, $0x2  }
0xd1: {  	[sflag:s10] =	ssyncadd.s32 s2;
	s0 =	simm.s32 @p1 $0x0  }
0xd2: {  	_ =	swait.ge [sflag:s11], s0  }
0xd3: {  	s0 =	ssub.s32 $0x0, s0;
	[sflag:s11] =	ssyncset.done $0x0  }
0xd4: {  	[sflag:s11] =	ssyncadd.s32 s0  }
0xd5: {  	v1 =	vld [tilespmem:$0xF208];
	_ =	sdelay $0x4  }
0xd6: {  	(v2sf) =	vpush v1, $0x0  }
0xd7: {  	(v2sf) =	vpush v1, $0x1  }
0xd8: {  	(v2sf) =	vpush v1, $0x2;
	_ =	sdelay $0x3  }
0xd9: {  	s0 =	sadd.s32 $0xF0, s22  }
0xda: {  	s2 =	ssub.s32 $0x2000, s22;
	p1 =	slt.s32 s8, s0  }
0xdb: {  	s0 =	smov.u32 @p1 s8;
	p1 =	sgt.s32 s2, $0x0  }
0xdc: {  	s23 =	ssub.s32 s0, s22;
	s2 =	simm.s32 @!p1 $0x0  }
0xdd: {  	p1 =	slt.s32 s2, s23  }
0xde: {  	s23 =	smov.u32 @p1 s2  }
0xdf: {  	s26 =	simm.s32 $0x1;
	p1 =	slt.s32 s23, $0x1  }
.Ltmp12:
0xe0: {  	s26 =	simm.s32 @!p0 $0x0;
	(pc) =	sbr.rel @p1 .LBB3_8-.Ltmp12, $4  }
0xe1: {  	s31 =	smul.u32 $0x3C0, s26  }
0xe2: {  	s28 =	spop (v2sf)  }
0xe3: {  	s0 =	sshrl.u32 s31, $0x2;
	s30 =	spop (v2sf)  }
0xe4: {  	s24 =	sadd.s32 $0x10518, s0;
	s22 =	spop (v2sf)  }
0xe5: {  	s0 =	smin.u32 s23, $0x10  }
0xe6: {  	v1 =	vmov s0  }
0xe7: {  	p2 =	sgt.s32 s23, $0x10;
	vm1 =	vgt.u32 v1, v0  }
.Ltmp13:
0xe8: {  	_ = 	snop;
	(pc) =	sbr.rel @!p2 .LBB3_7-.Ltmp13, $2  }
0xe9: {  	_ =	sdelay $0x2  }
0xea: {  	s4 =	simm.s32 $0x10;
	s25 =	sadd.s32 $0xFFFFFFF0, s23;
	s0 =	smov.u32 s24;
	vm0 =	vmmov vm1  }
.LBB3_6:
0xeb: {  	s2 =	smin.u32 s25, $0x10;
	s4 =	sadd.s32 $0x10, s4;
	v1 =	vld.msk [tilespmem:s0+$0x0 ss:$0x1], vm1  }
0xec: {  	v2 =	vmov s2;
	p2 =	slt.s32 s4, s23  }
0xed: {  	vm1 =	vgt.u32 v2, v0  }
.Ltmp14:
0xee: {  	(pc) =	sbr.rel @p2 .LBB3_6-.Ltmp14, $3  }
0xef: {  	_ =	sdelay $0x1  }
0xf0: {  	v1 =	vshll.u32 v1, $0x4  }
0xf1: {  	s25 =	sadd.s32 $0xFFFFFFF0, s25;
	[tilespmem:s0+$0x0] =	vst.msk vm0, v1;
	s0 =	sadd.s32 $0x10, s0;
	vm0 =	vmmov vm1  }
.LBB3_7:
0xf2: {  	_ =	sdelay $0x4  }
0xf3: {  	v1 =	vld.msk [tilespmem:s0+$0x0 ss:$0x1], vm1;
	_ =	sdelay $0x4  }
0xf4: {  	v1 =	vshll.u32 v1, $0x4  }
0xf5: {  	[tilespmem:s0+$0x0] =	vst.msk vm0, v1  }
.LBB3_8:
0xf6: {  	s0 =	sand.u32 $0x1, s21  }
0xf7: {  	s0 =	smul.u32 $0xF0, s0  }
0xf8: {  	p2 =	sne.s32 s30, $0xFFFFFFFF  }
0xf9: {  	v1 =	vld.msk @!p2 [tilespmem:s0+$0x10518], $0x1;
	_ =	sdelay $0x4  }
0xfa: {  	(v2sf) =	vpush @!p2 v1, $0x0;
	_ =	sdelay $0xc  }
.Ltmp15:
0xfb: {  	_ = 	snop;
	(pc) =	sbr.rel @p1 .LBB3_19-.Ltmp15, $4  }
0xfc: {  	_ = 	snop  }
0xfd: {  	s29 =	spop @!p2 (v2sf)  }
0xfe: {  	s22 =	simm.s32 @!p2 $0x0;
	s25 =	smov.u32 s29  }
0xff: {  	[sflag:s18] =	ssyncpa.u1 $0x0;
	s29 =	smov.u32 @p2 s28;
	s25 =	smov.u32 @p2 s30  }
0x100: {  	v1 =	vld.msk [tilespmem:s24+$0x0], $0x1;
	_ =	sdelay $0x4  }
0x101: {  	(v2sf) =	vpush v1, $0x0;
	_ =	sdelay $0xe  }
0x102: {  	s2 =	smul.u32 $0x1E000, s26;
	s0 =	spop (v2sf)  }
0x103: {  	p1 =	seq.s32 s29, s0  }
0x104: {  	s30 =	sadd.s32 $0xFFFFFFFF, s23;
	s2 =	sshrl.u32 s2, $0x2;
	p2 =	sgt.s32 @!p1 s29, $0x0  }
0x105: {  	s26 =	sor.u32 $0x10738, s2;
	s2 =	smov.u32 s29;
	p2 =	por !p2, p1  }
0x106: {  	s2 =	simm.s32 @p2 $0x0;
	p2 =	sne.s32 s30, $0x0  }
.Ltmp16:
0x107: {  	_ = 	snop;
	(pc) =	sbr.rel @!p2 .LBB3_11-.Ltmp16, $4  }
0x108: {  	_ = 	snop  }
0x109: {  	s28 =	simm.s32 $0x0;
	s31 =	sadd.s32 $0x1, s24;
	s2 =	smin.u32 @!p1 s2, $0x7AF0  }
0x10a: {  	s4 =	simm.s32 @!p1 $0x1;
	s5 =	simm.s32 @!p1 $0x7988;
	s3 =	sand.u32 @!p1 $0x7FF8, s2  }
0x10b: {  	s4 =	smov.u32 @p1 s28;
	s2 =	sand.u32 @!p1 $0x7, s2;
	s3 =	sadd.s32 @!p1 s1, s3  }
.LBB3_10:
0x10c: {  	s9 =	smov.u32 s4  }
0x10d: {  	[tilespmem:s5], [sflag:$0x2] =	stream.linear.gather @!p1 [hbm4b:s3+s2], $0x80, $0x38;
	[tilespmem:$0x1F6F8] =	vst v63  }
0x10e: {  	s30 =	sadd.s32 $0xFFFFFFFF, s30;
	s2 =	smov.u32 s0;
	v1 =	vld.msk [tilespmem:s31+$0x0], $0x1  }
0x10f: {  	p2 =	sne.s32 s30, $0x0;
	_ =	sdelay $0x3  }
0x110: {  	(v2sf) =	vpush v1, $0x0;
	_ =	sdelay $0xe  }
0x111: {  	s0 =	spop (v2sf)  }
0x112: {  	p1 =	seq.s32 s2, s0  }
0x113: {  	p3 =	sgt.s32 @!p1 s2, $0x0;
	s3 =	sshll.u32 @!p1 s4, $0x9;
	s4 =	sadd.s32 @!p1 $0x1, s4  }
.Ltmp17:
0x114: {  	p3 =	por !p3, p1;
	s3 =	sshra.s32 @!p1 s3, $0x2;
	(pc) =	sbr.rel @p2 .LBB3_10-.Ltmp17, $4  }
0x115: {  	s4 =	smov.u32 @p1 s9;
	s2 =	simm.s32 @p3 $0x0;
	s5 =	sadd.s32 @!p1 $0x7988, s3  }
0x116: {  	s2 =	smin.u32 @!p1 s2, $0x7AF0  }
0x117: {  	s3 =	sand.u32 @!p1 $0x7FF8, s2;
	s2 =	sand.u32 @!p1 $0x7, s2  }
0x118: {  	s31 =	sadd.s32 $0x1, s31;
	s3 =	sadd.s32 @!p1 s1, s3  }
.LBB3_11:
0x119: {  	[tilespmem:s5], [sflag:$0x2] =	stream.linear.gather @!p1 [hbm4b:s3+s2], $0x80, $0x38;
	[tilespmem:$0x1F6F8] =	vst v63  }
.Ltmp18:
0x11a: {  	s0 =	sshll.u32 s4, $0x7;
	(pc) =	sbr.rel .LBB3_12-.Ltmp18, $4  }
0x11b: {  	s30 =	simm.s32 $0x2;
	s0 =	sand.u32 $0x3FFFFF80, s0  }
0x11c: {  	_ =	swait.ge [sflag:s30], s0  }
0x11d: {  	s0 =	ssub.s32 $0x0, s0;
	[sflag:s30] =	ssyncset.done $0x0  }
0x11e: {  	s31 =	simm.s32 $0x0;
	[sflag:s30] =	ssyncadd.s32 s0  }
.LBB3_13:
0x11f: {  	v1 =	vld [tilespmem:s26+$0xFFFFFFC0];
	_ =	sdelay $0x3  }
0x120: {  	s0 =	sshra.s32 s0, $0x2  }
0x121: {  	[tilespmem:s0+$0x108] =	vst.add.f32.msk $0xffff, v1  }
0x122: {  	v1 =	vld [tilespmem:s26+$0xFFFFFFD0];
	_ =	sdelay $0x4  }
0x123: {  	[tilespmem:s0+$0x118] =	vst.add.f32.msk $0xffff, v1  }
0x124: {  	v1 =	vld [tilespmem:s26+$0xFFFFFFE0];
	_ =	sdelay $0x4  }
0x125: {  	[tilespmem:s0+$0x128] =	vst.add.f32.msk $0xffff, v1  }
0x126: {  	v1 =	vld [tilespmem:s26+$0xFFFFFFF0];
	_ =	sdelay $0x4  }
0x127: {  	[tilespmem:s0+$0x138] =	vst.add.f32.msk $0xffff, v1  }
0x128: {  	v1 =	vld [tilespmem:s26+$0x0];
	_ =	sdelay $0x4  }
0x129: {  	[tilespmem:s0+$0x148] =	vst.add.f32.msk $0xffff, v1  }
0x12a: {  	v1 =	vld [tilespmem:s26+$0x10];
	_ =	sdelay $0x4  }
0x12b: {  	[tilespmem:s0+$0x158] =	vst.add.f32.msk $0xffff, v1  }
0x12c: {  	v1 =	vld [tilespmem:s26+$0x20];
	_ =	sdelay $0x4  }
0x12d: {  	[tilespmem:s0+$0x168] =	vst.add.f32.msk $0xffff, v1  }
0x12e: {  	v1 =	vld [tilespmem:s26+$0x30];
	_ =	sdelay $0x4  }
0x12f: {  	[tilespmem:s0+$0x178] =	vst.add.f32.msk $0xffff, v1  }
.LBB3_17:
0x130: {  	s23 =	sadd.s32 $0xFFFFFFFF, s23  }
0x131: {  	p1 =	sne.s32 s23, $0x0  }
.Ltmp19:
0x132: {  	_ = 	snop;
	(pc) =	sbr.rel @!p1 .LBB3_18-.Ltmp19, $2  }
0x133: {  	_ =	sdelay $0x2  }
0x134: {  	s24 =	sadd.s32 $0x1, s24;
	s26 =	sadd.s32 $0x80, s26;
	s29 =	smov.u32 s30  }
.LBB3_12:
0x135: {  	v1 =	vld.msk [tilespmem:s24+$0x0], $0x1;
	_ =	sdelay $0x4  }
0x136: {  	(v2sf) =	vpush v1, $0x0;
	_ =	sdelay $0xe  }
0x137: {  	s30 =	spop (v2sf)  }
0x138: {  	p1 =	sne.s32 s29, s30  }
.Ltmp20:
0x139: {  	_ = 	snop;
	(pc) =	sbr.rel @!p1 .LBB3_13-.Ltmp20, $2  }
0x13a: {  	_ =	sdelay $0x2  }
0x13b: {  	s0 =	sshll.u32 s22, $0x9  }
0x13c: {  	p1 =	seq.s32 s29, s25  }
.Ltmp21:
0x13d: {  	_ = 	snop;
	(pc) =	sbr.rel @!p1 .LBB3_15-.Ltmp21, $1  }
0x13e: {  	_ =	sdelay $0x3  }
0x13f: {  	s0 =	sshra.s32 s0, $0x2  }
.Ltmp22:
0x140: {  	s0 =	sadd.s32 $0x108, s0;
	(pc) =	sbr.rel .LBB3_16-.Ltmp22, $4  }
0x141: {  	[spmem:s16] =	stream.linear.scatter [tilespmem:s0], [sflag:$0x1], $0x80, $0x38;
	[tilespmem:$0x1F6F8] =	vst v63  }
0x142: {  	_ =	swait.ge [sflag:s12], $0x80  }
0x143: {  	[sflag:s12] =	ssyncset.done $0x0  }
0x144: {  	[sflag:s12] =	ssyncadd.s32 $0xFFFFFF80  }
.LBB3_15:
0x145: {  	s2 =	sshll.u32 s28, $0x9  }
0x146: {  	s2 =	sshra.s32 s2, $0x2  }
0x147: {  	v1 =	vld [tilespmem:s2+$0x7988];
	_ =	sdelay $0x3  }
0x148: {  	s0 =	sshra.s32 s0, $0x2  }
0x149: {  	[tilespmem:s0+$0x108] =	vst.add.f32.msk $0xffff, v1  }
0x14a: {  	v1 =	vld [tilespmem:s2+$0x7998];
	_ =	sdelay $0x4  }
0x14b: {  	[tilespmem:s0+$0x118] =	vst.add.f32.msk $0xffff, v1  }
0x14c: {  	v1 =	vld [tilespmem:s2+$0x79A8];
	_ =	sdelay $0x4  }
0x14d: {  	[tilespmem:s0+$0x128] =	vst.add.f32.msk $0xffff, v1  }
0x14e: {  	v1 =	vld [tilespmem:s2+$0x79B8];
	_ =	sdelay $0x4  }
0x14f: {  	[tilespmem:s0+$0x138] =	vst.add.f32.msk $0xffff, v1  }
0x150: {  	v1 =	vld [tilespmem:s2+$0x79C8];
	_ =	sdelay $0x4  }
0x151: {  	[tilespmem:s0+$0x148] =	vst.add.f32.msk $0xffff, v1  }
0x152: {  	v1 =	vld [tilespmem:s2+$0x79D8];
	_ =	sdelay $0x4  }
0x153: {  	[tilespmem:s0+$0x158] =	vst.add.f32.msk $0xffff, v1  }
0x154: {  	v1 =	vld [tilespmem:s2+$0x79E8];
	_ =	sdelay $0x4  }
0x155: {  	[tilespmem:s0+$0x168] =	vst.add.f32.msk $0xffff, v1  }
0x156: {  	v1 =	vld [tilespmem:s2+$0x79F8];
	_ =	sdelay $0x2  }
0x157: {  	p1 =	sgt.u32 s29, $0x7AF0  }
0x158: {  	s2 =	sand.u32 @!p1 $0x7FF8, s29  }
0x159: {  	s3 =	sadd.s32 $0x108, s0;
	[tilespmem:s0+$0x178] =	vst.add.f32.msk $0xffff, v1;
	s0 =	sadd.s32 @!p1 s1, s2;
	s2 =	sand.u32 @!p1 $0x7, s29  }
0x15a: {  	[hbm4b:s0+s2] =	stream.linear.scatter @!p1 [tilespmem:s3], [sflag:$0xC], $0x80, $0x38;
	[tilespmem:$0x1F6F8] =	vst v63  }
0x15b: {  	s0 =	simm.s32 $0x0  }
0x15c: {  	s0 =	simm.s32 @!p1 $0x200  }
0x15d: {  	s31 =	sadd.s32 s0, s31  }
.LBB3_16:
0x15e: {  	s0 =	sadd.s32 $0x1, s22  }
0x15f: {  	s2 =	smulhi.u32 $0x88888889, s0;
	_ =	sdelay $0x1  }
0x160: {  	v1 =	vld [tilespmem:s26+$0xFFFFFFC0];
	s2 =	sshrl.u32 s2, $0x7  }
0x161: {  	s2 =	smul.u32 $0xF0, s2;
	_ =	sdelay $0x1  }
0x162: {  	s22 =	ssub.s32 s0, s2  }
0x163: {  	s0 =	sshll.u32 s22, $0x7  }
0x164: {  	[tilespmem:s0+$0x108] =	vst v1  }
0x165: {  	v1 =	vld [tilespmem:s26+$0xFFFFFFD0];
	_ =	sdelay $0x4  }
0x166: {  	[tilespmem:s0+$0x118] =	vst v1  }
0x167: {  	v1 =	vld [tilespmem:s26+$0xFFFFFFE0];
	_ =	sdelay $0x4  }
0x168: {  	[tilespmem:s0+$0x128] =	vst v1  }
0x169: {  	v1 =	vld [tilespmem:s26+$0xFFFFFFF0];
	_ =	sdelay $0x4  }
0x16a: {  	[tilespmem:s0+$0x138] =	vst v1  }
0x16b: {  	v1 =	vld [tilespmem:s26+$0x0];
	_ =	sdelay $0x4  }
0x16c: {  	[tilespmem:s0+$0x148] =	vst v1  }
0x16d: {  	v1 =	vld [tilespmem:s26+$0x10];
	_ =	sdelay $0x4  }
0x16e: {  	[tilespmem:s0+$0x158] =	vst v1  }
0x16f: {  	v1 =	vld [tilespmem:s26+$0x20];
	_ =	sdelay $0x4  }
0x170: {  	[tilespmem:s0+$0x168] =	vst v1  }
0x171: {  	v1 =	vld [tilespmem:s26+$0x30]  }
.Ltmp23:
0x172: {  	_ = 	snop;
	(pc) =	sbr.rel .LBB3_17-.Ltmp23, $2  }
0x173: {  	_ =	sdelay $0x2  }
0x174: {  	s28 =	sadd.s32 $0x1, s28;
	[tilespmem:s0+$0x178] =	vst v1  }
.LBB3_19:
.Ltmp24:
0x175: {  	(pc) =	sbr.rel .LBB3_20-.Ltmp24, $4  }
0x176: {  	_ = 	snop  }
0x177: {  	s0 =	simm.s32 $0x2  }
0x178: {  	_ =	swait.ge [sflag:s0], $0x0  }
0x179: {  	s30 =	smov.u32 s29;
	[sflag:s0] =	ssyncset.done $0x0;
	s0 =	simm.s32 $0x0  }
.LBB3_22:
0x17a: {  	_ =	sfence.sel $0x180000  }
0x17b: {  	s0 =	simm.s32 $0x9;
	[bflag:$0x0] =	sbarrier.arrive $0xFFFF  }
0x17c: {  	s24 =	simm.s32 $0xA;
	[sflag:s0] =	ssyncpa.u1 $0x1  }
0x17d: {  	s25 =	simm.s32 $0xB;
	[sflag:s24] =	ssyncpa.u1 $0x1  }
0x17e: {  	s26 =	simm.s32 $0x2;
	[sflag:s25] =	ssyncpa.u1 $0x1  }
0x17f: {  	[sflag:s26] =	ssyncpa.u1 $0x1  }
0x180: {  	v0 =	vld [tilespmem:$0xF208];
	_ =	sdelay $0x4  }
0x181: {  	(v2sf) =	vpush v0, $0x0  }
0x182: {  	(v2sf) =	vpush v0, $0x1;
	_ =	sdelay $0x1  }
0x183: {  	(v2sf) =	vpush v0, $0x2;
	_ =	sdelay $0xb  }
0x184: {  	s0 =	spop (v2sf)  }
0x185: {  	s2 =	spop (v2sf)  }
0x186: {  	s3 =	smov.u32 s0;
	p0 =	sne.s32 s0, s2  }
0x187: {  	s4 =	spop (v2sf);
	s3 =	simm.s32 @!p0 $0xFFFFFFFF  }
0x188: {  	v2 =	vimm.s32 $0x1;
	v3 =	vlaneseq.u32;
	p0 =	seq.s32 s4, $0xFFFFFFFF;
	v1 =	vmov s3  }
0x189: {  	s16 =	stileid.u32;
	v0 =	vperm.xlane v0, v2;
	p1 =	sne.s32 @!p0 s0, s2;
	v1 =	vperm.xlane v1, v3  }
0x18a: {  	vm0 =	vcmask $0x3F04;
	s6 =	simm.s32 $0xF208;
	s0 =	simm.s32 @!p0 $0x1;
	p1 =	por !p1, p0  }
0x18b: {  	s3 =	sshll.u32 s16, $0x1;
	s2 =	sshll.u32 @!p0 s4, $0x9;
	s0 =	simm.s32 @p1 $0x0;
	v0 =	vsel vm0, v1, v0  }
0x18c: {  	s5 =	sor.u32 $0x1000, s3;
	s2 =	sshra.s32 @!p0 s2, $0x2;
	s0 =	sor.u32 @!p0 s0, s3;
	[tilespmem:$0xF208] =	vst v0  }
0x18d: {  	[spmem:s5] =	stream.linear.scatter [tilespmem:s6], [sflag:$0x1], $0x2, $0x38;
	[tilespmem:$0x1F6F8] =	vst v63  }
0x18e: {  	s2 =	sadd.s32 @!p0 $0x108, s2;
	s0 =	sshll.u32 @!p0 s0, $0x7  }
0x18f: {  	[spmem:s0] =	stream.linear.scatter @!p0 [tilespmem:s2], [sflag:$0x1], $0x80, $0x38;
	[tilespmem:$0x1F6F8] =	vst v63  }
0x190: {  	s0 =	simm.s32 @!p0 $0x82  }
0x191: {  	s28 =	simm.s32 $0x1;
	s0 =	simm.s32 @p0 $0x2  }
0x192: {  	_ =	swait.ge [sflag:s28], s0  }
0x193: {  	s0 =	ssub.s32 $0x0, s0;
	[sflag:s28] =	ssyncset.done $0x0  }
0x194: {  	p0 =	sne.s32 s16, $0x0;
	[sflag:s28] =	ssyncadd.s32 s0  }
.Ltmp25:
0x195: {  	_ =	sfence.stream.spmem;
	(pc) =	sbr.rel @p0 .LBB3_39-.Ltmp25, $4  }
0x196: {  	s29 =	simm.s32 $0x3;
	[bflag:$0x0] =	sbarrier.arrive $0xFFFF  }
0x197: {  	s30 =	simm.s32 $0x4;
	[sflag:s29] =	ssyncpa.u1 $0x1  }
0x198: {  	s31 =	simm.s32 $0x3C;
	[sflag:s30] =	ssyncpa.u1 $0x1  }
0x199: {  	s15 =	rddreg [dreg:$0x4];
	[sflag:s31] =	ssyncpa.u1 $0x1  }
0x19a: {  	_ =	sfence.stream.spmem;
	s0 =	simm.s32 $0x5  }
0x19b: {  	s2 =	simm.s32 $0x1000;
	s3 =	simm.s32 $0xF218;
	[sflag:s0] =	ssyncpa.u1 $0x0  }
0x19c: {  	[tilespmem:s3], [sflag:$0x5] =	stream.linear.gather [spmem:s2], $0x20, $0x38;
	[tilespmem:$0x1F6F8] =	vst v63  }
0x19d: {  	s26 =	simm.s32 $0x0;
	s28 =	simm.s32 $0xF238  }
0x19e: {  	[tilespmem:s28], [sflag:$0x5] =	stream.linear.gather [spmem:s26], $0x1000, $0x38;
	[tilespmem:$0x1F6F8] =	vst v63  }
0x19f: {  	_ =	swait.ge [sflag:s0], $0x1020  }
0x1a0: {  	[sflag:s0] =	ssyncset.done $0x0  }
0x1a1: {  	s29 =	simm.s32 $0x0;
	[sflag:s0] =	ssyncadd.s32 $0xFFFFEFE0  }
0x1a2: {  	v0 =	vld.msk [tilespmem:s29+$0xF218], $0x1;
	_ =	sdelay $0x1  }
0x1a3: {  	s30 =	simm.s32 $0x1  }
0x1a4: {  	v1 =	vld.msk [tilespmem:s30+$0xF218], $0x1;
	_ =	sdelay $0x1  }
0x1a5: {  	(v2sf) =	vpush v0, $0x0;
	_ =	sdelay $0x2  }
0x1a6: {  	(v2sf) =	vpush v1, $0x0;
	_ =	sdelay $0x2  }
0x1a7: {  	s31 =	simm.s32 $0x2  }
0x1a8: {  	v0 =	vld.msk [tilespmem:s31+$0xF218], $0x1;
	_ =	sdelay $0x2  }
0x1a9: {  	s4 =	simm.s32 $0xFFFFFFFF;
	s5 =	simm.s32 $0xFFFFFFFF;
	s0 =	simm.s32 $0xC  }
.LBB3_24:
0x1aa: {  	s2 =	smov.u32 s5;
	s3 =	smov.u32 s4  }
0x1ab: {  	s4 =	sshra.s32 s0, $0x2;
	p1 =	sne.s32 s0, $0x7C;
	s0 =	sadd.s32 $0x4, s0;
	(v2sf) =	vpush v0, $0x0  }
0x1ac: {  	v0 =	vld.msk [tilespmem:s4+$0xF218], $0x1  }
.Ltmp26:
0x1ad: {  	(pc) =	sbr.rel @p1 .LBB3_24-.Ltmp26, $4  }
0x1ae: {  	s5 =	spop (v2sf)  }
0x1af: {  	p2 =	sne.s32 s3, $0xFFFFFFFF;
	s4 =	smov.u32 s5  }
0x1b0: {  	p3 =	seq.s32 s5, $0xFFFFFFFF;
	s4 =	smov.u32 @p2 s3  }
0x1b1: {  	s5 =	smov.u32 @p3 s2;
	s4 =	smov.u32 @p3 s3  }
0x1b2: {  	(v2sf) =	vpush v0, $0x0;
	_ =	sdelay $0x8  }
0x1b3: {  	s0 =	spop (v2sf)  }
0x1b4: {  	p1 =	sne.s32 s4, $0xFFFFFFFF;
	s2 =	smov.u32 s0  }
0x1b5: {  	s9 =	simm.s32 $0x6;
	p2 =	seq.s32 s0, $0xFFFFFFFF;
	s2 =	smov.u32 @p1 s4  }
0x1b6: {  	s6 =	simm.s32 $0x0;
	s2 =	smov.u32 @p2 s4;
	s3 =	spop (v2sf)  }
0x1b7: {  	s0 =	smov.u32 @p2 s5;
	p1 =	sne.s32 s2, $0xFFFFFFFF;
	s4 =	smov.u32 s3  }
.Ltmp27:
0x1b8: {  	p2 =	seq.s32 s3, $0xFFFFFFFF;
	s4 =	smov.u32 @p1 s2;
	(pc) =	sbr.rel .LBB3_26-.Ltmp27, $4  }
0x1b9: {  	s10 =	simm.s32 $0xF188;
	s4 =	smov.u32 @p2 s2;
	s7 =	spop (v2sf)  }
0x1ba: {  	s11 =	simm.s32 $0x0;
	p1 =	sne.s32 s4, $0xFFFFFFFF;
	s8 =	smov.u32 s7  }
0x1bb: {  	s3 =	smov.u32 @p2 s0;
	p2 =	seq.s32 s7, $0xFFFFFFFF;
	s8 =	smov.u32 @p1 s4  }
0x1bc: {  	[sflag:s9] =	ssyncpa.u1 $0x0;
	s7 =	smov.u32 @p2 s3;
	s8 =	smov.u32 @p2 s4  }
.LBB3_32:
0x1bd: {  	p1 =	sgt.u32 s12, $0x7AF0  }
0x1be: {  	p2 =	seq.s32 @!p1 s12, s8  }
0x1bf: {  	p1 =	por p1, p2  }
0x1c0: {  	p2 =	sne.s32 @!p1 s12, s7  }
0x1c1: {  	p1 =	por p1, !p2  }
0x1c2: {  	s0 =	sshll.u32 @p1 s11, $0x9  }
0x1c3: {  	s0 =	sand.u32 @!p1 $0x7FF8, s12  }
0x1c4: {  	s2 =	sand.u32 @!p1 $0x7, s12;
	s0 =	sadd.s32 @!p1 s1, s0  }
0x1c5: {  	[tilespmem:s10], [sflag:$0x6] =	stream.linear.gather @!p1 [hbm4b:s0+s2], $0x80, $0x38;
	[tilespmem:$0x1F6F8] =	vst v63  }
0x1c6: {  	_ =	swait.ge @!p1 [sflag:s9], $0x80  }
0x1c7: {  	[sflag:s9] =	ssyncset.done @!p1 $0x0  }
0x1c8: {  	[sflag:s9] =	ssyncadd.s32 @!p1 $0xFFFFFF80  }
0x1c9: {  	v1 =	vld @!p1 [tilespmem:$0xF188];
	_ =	sdelay $0x2  }
0x1ca: {  	s0 =	sshll.u32 @!p1 s11, $0x9  }
0x1cb: {  	s2 =	sshrl.u32 @!p1 s0, $0x2  }
0x1cc: {  	[tilespmem:s2+$0xF238] =	vst.add.f32.msk @!p1 $0xffff, v1  }
0x1cd: {  	v1 =	vld @!p1 [tilespmem:$0xF198];
	_ =	sdelay $0x4  }
0x1ce: {  	[tilespmem:s2+$0xF248] =	vst.add.f32.msk @!p1 $0xffff, v1  }
0x1cf: {  	v1 =	vld @!p1 [tilespmem:$0xF1A8];
	_ =	sdelay $0x4  }
0x1d0: {  	[tilespmem:s2+$0xF258] =	vst.add.f32.msk @!p1 $0xffff, v1  }
0x1d1: {  	v1 =	vld @!p1 [tilespmem:$0xF1B8];
	_ =	sdelay $0x4  }
0x1d2: {  	[tilespmem:s2+$0xF268] =	vst.add.f32.msk @!p1 $0xffff, v1  }
0x1d3: {  	v1 =	vld @!p1 [tilespmem:$0xF1C8];
	_ =	sdelay $0x4  }
0x1d4: {  	[tilespmem:s2+$0xF278] =	vst.add.f32.msk @!p1 $0xffff, v1  }
0x1d5: {  	v1 =	vld @!p1 [tilespmem:$0xF1D8];
	_ =	sdelay $0x4  }
0x1d6: {  	[tilespmem:s2+$0xF288] =	vst.add.f32.msk @!p1 $0xffff, v1  }
0x1d7: {  	v1 =	vld @!p1 [tilespmem:$0xF1E8];
	_ =	sdelay $0x4  }
0x1d8: {  	[tilespmem:s2+$0xF298] =	vst.add.f32.msk @!p1 $0xffff, v1  }
0x1d9: {  	v1 =	vld @!p1 [tilespmem:$0xF1F8];
	_ =	sdelay $0x4  }
0x1da: {  	[tilespmem:s2+$0xF2A8] =	vst.add.f32.msk @!p1 $0xffff, v1  }
0x1db: {  	s0 =	sshrl.u32 s0, $0x2;
	[tilespmem:s6+$0xF218] =	vst.msk $0x1, v0  }
0x1dc: {  	v0 =	vld [tilespmem:s0+$0xF238];
	_ =	sdelay $0x2  }
0x1dd: {  	s31 =	sshll.u32 s6, $0x9  }
0x1de: {  	s2 =	sshra.s32 s31, $0x2  }
0x1df: {  	[tilespmem:s2+$0xF238] =	vst v0  }
0x1e0: {  	v0 =	vld [tilespmem:s0+$0xF248];
	_ =	sdelay $0x4  }
0x1e1: {  	[tilespmem:s2+$0xF248] =	vst v0  }
0x1e2: {  	v0 =	vld [tilespmem:s0+$0xF258];
	_ =	sdelay $0x4  }
0x1e3: {  	[tilespmem:s2+$0xF258] =	vst v0  }
0x1e4: {  	v0 =	vld [tilespmem:s0+$0xF268];
	_ =	sdelay $0x4  }
0x1e5: {  	[tilespmem:s2+$0xF268] =	vst v0  }
0x1e6: {  	v0 =	vld [tilespmem:s0+$0xF278];
	_ =	sdelay $0x4  }
0x1e7: {  	[tilespmem:s2+$0xF278] =	vst v0  }
0x1e8: {  	v0 =	vld [tilespmem:s0+$0xF288];
	_ =	sdelay $0x4  }
0x1e9: {  	[tilespmem:s2+$0xF288] =	vst v0  }
0x1ea: {  	v0 =	vld [tilespmem:s0+$0xF298];
	_ =	sdelay $0x4  }
0x1eb: {  	[tilespmem:s2+$0xF298] =	vst v0  }
0x1ec: {  	v0 =	vld [tilespmem:s0+$0xF2A8];
	_ =	sdelay $0x4  }
0x1ed: {  	s6 =	sadd.s32 $0x1, s6;
	[tilespmem:s2+$0xF2A8] =	vst v0  }
.LBB3_33:
0x1ee: {  	s11 =	sadd.s32 $0x1, s11  }
0x1ef: {  	p1 =	sne.s32 s11, $0x20  }
.Ltmp28:
0x1f0: {  	_ = 	snop;
	(pc) =	sbr.rel @!p1 .LBB3_34-.Ltmp28, $1  }
0x1f1: {  	_ =	sdelay $0x3  }
.LBB3_26:
0x1f2: {  	v0 =	vld.msk [tilespmem:s11+$0xF218], $0x1;
	_ =	sdelay $0x4  }
0x1f3: {  	(v2sf) =	vpush v0, $0x0;
	_ =	sdelay $0xe  }
0x1f4: {  	s12 =	spop (v2sf)  }
0x1f5: {  	p1 =	seq.s32 s12, $0xFFFFFFFF  }
.Ltmp29:
0x1f6: {  	_ = 	snop;
	(pc) =	sbr.rel @p1 .LBB3_33-.Ltmp29, $1  }
0x1f7: {  	_ =	sdelay $0x3  }
0x1f8: {  	p1 =	slt.s32 s6, $0x1  }
.Ltmp30:
0x1f9: {  	_ = 	snop;
	(pc) =	sbr.rel @p1 .LBB3_32-.Ltmp30, $1  }
0x1fa: {  	_ =	sdelay $0x3  }
0x1fb: {  	s13 =	simm.s32 $0xF218;
	p1 =	por $0x0, $0x0  }
0x1fc: {  	v1 =	vld.msk @!p1 [tilespmem:s13+$0x0], $0x1;
	_ =	sdelay $0x4  }
0x1fd: {  	(v2sf) =	vpush @!p1 v1, $0x0;
	_ =	sdelay $0xd  }
0x1fe: {  	p3 =	sne.s32 s6, $0x1  }
.Ltmp31:
0x1ff: {  	s0 =	spop @!p1 (v2sf);
	(pc) =	sbr.rel @!p3 .LBB3_30-.Ltmp31, $4  }
0x200: {  	p2 =	seq.s32 @!p1 s12, s0  }
0x201: {  	s14 =	simm.s32 $0x0;
	p2 =	por !p2, p1  }
0x202: {  	s2 =	simm.s32 $0xFFFFFFFF;
	s14 =	simm.s32 @p2 $0xFFFFFFFF  }
0x203: {  	s0 =	simm.s32 $0x1;
	s14 =	smov.u32 @p1 s2  }
.LBB3_29:
0x204: {  	s2 =	smov.u32 s14;
	p1 =	sne.s32 s14, $0xFFFFFFFF  }
0x205: {  	s13 =	sadd.s32 $0x1, s13;
	s14 =	smov.u32 s0;
	s0 =	sadd.s32 $0x1, s0  }
0x206: {  	p2 =	sne.s32 s6, s0;
	v1 =	vld.msk @!p1 [tilespmem:s13+$0x0], $0x1;
	_ =	sdelay $0x4  }
0x207: {  	(v2sf) =	vpush @!p1 v1, $0x0;
	_ =	sdelay $0xe  }
.Ltmp32:
0x208: {  	s3 =	spop @!p1 (v2sf);
	(pc) =	sbr.rel @p2 .LBB3_29-.Ltmp32, $4  }
0x209: {  	p3 =	seq.s32 @!p1 s12, s3  }
0x20a: {  	p3 =	por !p3, p1  }
0x20b: {  	s14 =	simm.s32 @p3 $0xFFFFFFFF  }
0x20c: {  	s14 =	smov.u32 @p1 s2  }
.LBB3_30:
0x20d: {  	p1 =	seq.s32 s14, $0xFFFFFFFF  }
.Ltmp33:
0x20e: {  	_ = 	snop;
	(pc) =	sbr.rel @p1 .LBB3_32-.Ltmp33, $1  }
0x20f: {  	_ =	sdelay $0x3  }
0x210: {  	s0 =	sshll.u32 s11, $0x7  }
0x211: {  	s0 =	sand.u32 $0x3FFFFF80, s0  }
0x212: {  	v0 =	vld [tilespmem:s0+$0xF238];
	_ =	sdelay $0x2  }
0x213: {  	s2 =	sshll.u32 s14, $0x9  }
0x214: {  	s2 =	sshra.s32 s2, $0x2  }
0x215: {  	[tilespmem:s2+$0xF238] =	vst.add.f32.msk $0xffff, v0  }
0x216: {  	v0 =	vld [tilespmem:s0+$0xF248];
	_ =	sdelay $0x4  }
0x217: {  	[tilespmem:s2+$0xF248] =	vst.add.f32.msk $0xffff, v0  }
0x218: {  	v0 =	vld [tilespmem:s0+$0xF258];
	_ =	sdelay $0x4  }
0x219: {  	[tilespmem:s2+$0xF258] =	vst.add.f32.msk $0xffff, v0  }
0x21a: {  	v0 =	vld [tilespmem:s0+$0xF268];
	_ =	sdelay $0x4  }
0x21b: {  	[tilespmem:s2+$0xF268] =	vst.add.f32.msk $0xffff, v0  }
0x21c: {  	v0 =	vld [tilespmem:s0+$0xF278];
	_ =	sdelay $0x4  }
0x21d: {  	[tilespmem:s2+$0xF278] =	vst.add.f32.msk $0xffff, v0  }
0x21e: {  	v0 =	vld [tilespmem:s0+$0xF288];
	_ =	sdelay $0x4  }
0x21f: {  	[tilespmem:s2+$0xF288] =	vst.add.f32.msk $0xffff, v0  }
0x220: {  	v0 =	vld [tilespmem:s0+$0xF298];
	_ =	sdelay $0x4  }
0x221: {  	[tilespmem:s2+$0xF298] =	vst.add.f32.msk $0xffff, v0  }
0x222: {  	v0 =	vld [tilespmem:s0+$0xF2A8]  }
.Ltmp34:
0x223: {  	_ = 	snop;
	(pc) =	sbr.rel .LBB3_33-.Ltmp34, $2  }
0x224: {  	_ =	sdelay $0x2  }
0x225: {  	[tilespmem:s2+$0xF2A8] =	vst.add.f32.msk $0xffff, v0  }
.LBB3_34:
0x226: {  	s0 =	simm.s32 $0x6;
	p1 =	seq.s32 s6, $0x0  }
0x227: {  	[sflag:s0] =	ssyncpa.u1 $0x1;
	v0 =	vimm.s32 @p1 $0xFFFFFFFF  }
0x228: {  	s9 =	sadd.s32 $0xFFFFFFFF, s6;
	[tilespmem:$0x10238] =	vst @p1 v0  }
0x229: {  	v0 =	vld.msk @!p1 [tilespmem:s9+$0xF218], $0x1;
	_ =	sdelay $0x1  }
0x22a: {  	v1 =	vld.msk @!p1 [tilespmem:$0xF218], $0x1;
	_ =	sdelay $0x2  }
0x22b: {  	p2 =	seq.s32 @!p1 s9, $0x0;
	v0 =	vbroadcast @!p1 v0, $0x0  }
0x22c: {  	vm0 =	vmmov @!p1 $0x1;
	p2 =	por !p2, p1  }
0x22d: {  	v1 =	vnsel @!p1 vm0, $0xFFFFFFFF, v1;
	vm0 =	vcmask @!p1 $0x308;
	v0 =	vpsel !p2, $0xFFFFFFFF, v0  }
0x22e: {  	p2 =	sne.s32 @!p1 s8, s7;
	v0 =	vsel @!p1 vm0, v1, v0  }
0x22f: {  	s0 =	simm.s32 @!p1 $0xF238;
	s2 =	simm.s32 @!p1 $0x0;
	p3 =	por !p2, p1;
	[tilespmem:$0x10238] =	vst @!p1 v0  }
0x230: {  	[spmem:s2] =	stream.linear.scatter @!p1 [tilespmem:s0], [sflag:$0x1], $0x80, $0x38;
	[tilespmem:$0x1F6F8] =	vst v63  }
0x231: {  	s0 =	sshll.u32 @!p3 s9, $0x9  }
0x232: {  	s0 =	sshra.s32 @!p3 s0, $0x2  }
0x233: {  	s2 =	simm.s32 @!p3 $0x80;
	s0 =	sadd.s32 @!p3 $0xF238, s0  }
0x234: {  	[spmem:s2] =	stream.linear.scatter @!p3 [tilespmem:s0], [sflag:$0x1], $0x80, $0x38;
	[tilespmem:$0x1F6F8] =	vst v63  }
0x235: {  	s0 =	simm.s32 @!p3 $0x1  }
0x236: {  	_ =	swait.ge @!p3 [sflag:s0], $0x100  }
0x237: {  	p1 =	por p2, p1;
	[sflag:s0] =	ssyncset.done @!p3 $0x0  }
0x238: {  	[sflag:s0] =	ssyncadd.s32 @!p3 $0xFFFFFF00;
	s0 =	simm.s32 @!p1 $0x1  }
0x239: {  	_ =	swait.ge @!p1 [sflag:s0], $0x80  }
0x23a: {  	s29 =	simm.s32 $0x10238;
	[sflag:s0] =	ssyncset.done @!p1 $0x0  }
0x23b: {  	s30 =	simm.s32 $0x1000;
	s31 =	simm.s32 $0x1;
	[sflag:s0] =	ssyncadd.s32 @!p1 $0xFFFFFF80  }
0x23c: {  	[spmem:s30] =	stream.linear.scatter [tilespmem:s29], [sflag:$0x1], $0x10, $0x38;
	[tilespmem:$0x1F6F8] =	vst v63  }
0x23d: {  	_ =	swait.ge [sflag:s31], $0x10  }
0x23e: {  	[sflag:s31] =	ssyncset.done $0x0  }
0x23f: {  	p1 =	seq.s32 s15, $0x0;
	s8 =	rddreg [dreg:$0x1];
	[sflag:s31] =	ssyncadd.s32 $0xFFFFFFF0  }
0x240: {  	s2 =	sshll.u32 @p1 s8, $0xE;
	s7 =	rddreg [dreg:$0x2]  }
0x241: {  	s0 =	sadd.s32 @p1 $0x15C3C, s2;
	s2 =	sshll.u32 @p1 s7, $0x11  }
0x242: {  	_ =	sfence.stream.spmem;
	s0 =	sor.u32 @p1 s2, s0  }
0x243: {  	[sflag:s0] =	ssyncadd.remote.s32 @p1 $0x1;
	s0 =	simm.s32 @p1 $0x4  }
0x244: {  	s3 =	simm.s32 @!p1 $0x3C;
	s2 =	sand.u32 $0xFFFFFFFE, s8;
	_ =	swait.ge @p1 [sflag:s0], $0x22  }
0x245: {  	s4 =	simm.s32 @!p1 $0x0;
	s2 =	sadd.s32 @!p1 $0x4, s2;
	[sflag:s0] =	ssyncset.done @p1 $0x0  }
0x246: {  	s5 =	simm.s32 @!p1 $0x100;
	[sflag:s0] =	ssyncadd.s32 @p1 $0xFFFFFFDE;
	s0 =	sshll.u32 @!p1 s2, $0x1A  }
0x247: {  	s2 =	sshll.u32 @!p1 s2, $0xD;
	s0 =	sor.u32 @!p1 s0, s7;
	_ =	swait.eq @!p1 [sflag:s3], $0x1  }
0x248: {  	s2 =	sor.u32 @!p1 $0x1C04, s2;
	s3 =	simm.s32 @!p1 $0x1C03;
	s0 =	sor.u32 @!p1 $0x80004000, s0  }
0x249: {  	[spmem:s5], [sflag:s2] =	dma.general @!p1 [spmem:s4], [sflag:s3], length:$0x20, [dreg:$0x0], stride_count:$0x0, ici_dest:s0, dma_misc:DstOpCode:WRITE  }
0x24a: {  	p2 =	slt.s32 s9, $0x2;
	s4 =	simm.s32 @!p1 $0x200;
	s5 =	simm.s32 @!p1 $0x202  }
0x24b: {  	[spmem:s5], [sflag:s2] =	dma.general @!p1 [spmem:s4], [sflag:s3], length:$0x2, [dreg:$0x0], stride_count:$0x0, ici_dest:s0, dma_misc:DstOpCode:WRITE  }
.Ltmp35:
0x24c: {  	s0 =	simm.s32 @!p1 $0x3;
	(pc) =	sbr.rel @p2 .LBB3_38-.Ltmp35, $4  }
0x24d: {  	s2 =	sshll.u32 @!p1 s8, $0xE;
	_ =	swait.ge @!p1 [sflag:s0], $0x22  }
0x24e: {  	s3 =	sshll.u32 @!p1 s7, $0x11;
	s2 =	sadd.s32 @!p1 $0x11C3C, s2;
	[sflag:s0] =	ssyncset.done @!p1 $0x0  }
0x24f: {  	[sflag:s0] =	ssyncadd.s32 @!p1 $0xFFFFFFDE;
	s0 =	sor.u32 @!p1 s3, s2  }
0x250: {  	[sflag:s0] =	ssyncadd.remote.s32 @!p1 $0xFFFFFFFF;
	s0 =	simm.s32 $0x0  }
0x251: {  	s0 =	simm.s32 $0xF219  }
0x252: {  	v0 =	vld.msk [tilespmem:s0+$0x0], $0x1;
	_ =	sdelay $0x4  }
0x253: {  	(v2sf) =	vpush v0, $0x0;
	_ =	sdelay $0xc  }
0x254: {  	s2 =	sadd.s32 $0xFFFFFFFE, s6  }
0x255: {  	s5 =	sadd.s32 $0xFFFFFFFF, s2  }
0x256: {  	p2 =	sne.s32 s5, $0x0;
	s0 =	spop (v2sf)  }
.Ltmp36:
0x257: {  	p1 =	sgt.u32 s0, $0x7AF0;
	(pc) =	sbr.rel @!p2 .LBB3_37-.Ltmp36, $4  }
0x258: {  	s4 =	simm.s32 $0xF2B8;
	s3 =	sand.u32 @!p1 $0x7FF8, s0  }
0x259: {  	s7 =	simm.s32 $0x0;
	s0 =	sand.u32 @!p1 $0x7, s0;
	s2 =	sadd.s32 @!p1 s1, s3  }
0x25a: {  	[hbm4b:s2+s0] =	stream.linear.scatter @!p1 [tilespmem:s4], [sflag:$0x5], $0x80, $0x38;
	[tilespmem:$0x1F6F8] =	vst v63  }
0x25b: {  	s6 =	simm.s32 $0xF21A;
	s7 =	simm.s32 @!p1 $0x200;
	s0 =	simm.s32 $0x0  }
.LBB3_36:
0x25c: {  	v0 =	vld.msk [tilespmem:s6+$0x0], $0x1;
	s5 =	sadd.s32 $0xFFFFFFFF, s5;
	s0 =	sadd.s32 s0, s7  }
0x25d: {  	p1 =	sne.s32 s5, $0x0;
	_ =	sdelay $0x3  }
0x25e: {  	(v2sf) =	vpush v0, $0x0;
	_ =	sdelay $0xe  }
.Ltmp37:
0x25f: {  	s2 =	spop (v2sf);
	(pc) =	sbr.rel @p1 .LBB3_36-.Ltmp37, $4  }
0x260: {  	s7 =	simm.s32 $0x0;
	p2 =	sgt.u32 s2, $0x7AF0  }
0x261: {  	s4 =	sadd.s32 $0x80, s4;
	s7 =	simm.s32 @!p2 $0x200;
	s3 =	sand.u32 @!p2 $0x7FF8, s2  }
0x262: {  	s6 =	sadd.s32 $0x1, s6;
	s2 =	sand.u32 @!p2 $0x7, s2;
	s3 =	sadd.s32 @!p2 s1, s3  }
0x263: {  	[hbm4b:s3+s2] =	stream.linear.scatter @!p2 [tilespmem:s4], [sflag:$0x5], $0x80, $0x38;
	[tilespmem:$0x1F6F8] =	vst v63  }
.LBB3_37:
0x264: {  	s0 =	sadd.s32 s0, s7  }
0x265: {  	s0 =	sshrl.u32 s0, $0x2  }
.LBB3_38:
0x266: {  	s2 =	simm.s32 $0x5  }
0x267: {  	_ =	swait.ge [sflag:s2], s0  }
0x268: {  	s31 =	ssub.s32 $0x0, s0;
	[sflag:s2] =	ssyncset.done $0x0  }
0x269: {  	[sflag:s2] =	ssyncadd.s32 s31  }
0x26a: {  	[sflag:s2] =	ssyncpa.u1 $0x1  }
.LBB3_39:
0x26b: {  	s0 =	sor.u32 s15, s16  }
0x26c: {  	p1 =	sne.s32 s0, $0x0  }
.Ltmp38:
0x26d: {  	_ = 	snop;
	(pc) =	sbr.rel @p1 .LBB3_54-.Ltmp38, $3  }
0x26e: {  	_ =	sdelay $0x1  }
0x26f: {  	[bflag:$0x0] =	sbarrier.arrive $0xFFFF  }
0x270: {  	_ =	sfence  }
0x271: {  	s0 =	simm.s32 $0x7  }
0x272: {  	s2 =	simm.s32 $0x1000;
	s3 =	simm.s32 $0xF218;
	[sflag:s0] =	ssyncpa.u1 $0x0  }
0x273: {  	[tilespmem:s3], [sflag:$0x7] =	stream.linear.gather [spmem:s2], $0x20, $0x38;
	[tilespmem:$0x1F6F8] =	vst v63  }
0x274: {  	s30 =	simm.s32 $0xF238;
	s2 =	simm.s32 $0x0  }
0x275: {  	[tilespmem:s30], [sflag:$0x7] =	stream.linear.gather [spmem:s2], $0x1000, $0x38;
	[tilespmem:$0x1F6F8] =	vst v63  }
.Ltmp39:
0x276: {  	_ = 	snop;
	(pc) =	sbr.rel .LBB3_41-.Ltmp39, $4  }
0x277: {  	_ =	swait.ge [sflag:s0], $0x1020  }
0x278: {  	[sflag:s0] =	ssyncset.done $0x0  }
0x279: {  	s31 =	simm.s32 $0x8;
	[sflag:s0] =	ssyncadd.s32 $0xFFFFEFE0  }
0x27a: {  	s3 =	simm.s32 $0x0;
	[sflag:s31] =	ssyncpa.u1 $0x0  }
.LBB3_47:
0x27b: {  	p1 =	slt.u32 s4, $0x7AF1  }
0x27c: {  	s0 =	sand.u32 @p1 $0x7FF8, s4  }
0x27d: {  	s4 =	sand.u32 @p1 $0x7, s4;
	s5 =	simm.s32 @p1 $0xF188;
	s0 =	sadd.s32 @p1 s1, s0  }
0x27e: {  	[tilespmem:s5], [sflag:$0x8] =	stream.linear.gather @p1 [hbm4b:s0+s4], $0x80, $0x38;
	[tilespmem:$0x1F6F8] =	vst v63  }
0x27f: {  	s0 =	simm.s32 @p1 $0x8  }
0x280: {  	_ =	swait.ge @p1 [sflag:s0], $0x80  }
0x281: {  	[sflag:s0] =	ssyncset.done @p1 $0x0  }
0x282: {  	[sflag:s0] =	ssyncadd.s32 @p1 $0xFFFFFF80  }
0x283: {  	v1 =	vld @p1 [tilespmem:$0xF188];
	_ =	sdelay $0x2  }
0x284: {  	s0 =	sshll.u32 @p1 s3, $0x9  }
0x285: {  	s4 =	sshrl.u32 @p1 s0, $0x2  }
0x286: {  	[tilespmem:s4+$0xF238] =	vst.add.f32.msk @p1 $0xffff, v1  }
0x287: {  	v1 =	vld @p1 [tilespmem:$0xF198];
	_ =	sdelay $0x4  }
0x288: {  	[tilespmem:s4+$0xF248] =	vst.add.f32.msk @p1 $0xffff, v1  }
0x289: {  	v1 =	vld @p1 [tilespmem:$0xF1A8];
	_ =	sdelay $0x4  }
0x28a: {  	[tilespmem:s4+$0xF258] =	vst.add.f32.msk @p1 $0xffff, v1  }
0x28b: {  	v1 =	vld @p1 [tilespmem:$0xF1B8];
	_ =	sdelay $0x4  }
0x28c: {  	[tilespmem:s4+$0xF268] =	vst.add.f32.msk @p1 $0xffff, v1  }
0x28d: {  	v1 =	vld @p1 [tilespmem:$0xF1C8];
	_ =	sdelay $0x4  }
0x28e: {  	[tilespmem:s4+$0xF278] =	vst.add.f32.msk @p1 $0xffff, v1  }
0x28f: {  	v1 =	vld @p1 [tilespmem:$0xF1D8];
	_ =	sdelay $0x4  }
0x290: {  	[tilespmem:s4+$0xF288] =	vst.add.f32.msk @p1 $0xffff, v1  }
0x291: {  	v1 =	vld @p1 [tilespmem:$0xF1E8];
	_ =	sdelay $0x4  }
0x292: {  	[tilespmem:s4+$0xF298] =	vst.add.f32.msk @p1 $0xffff, v1  }
0x293: {  	v1 =	vld @p1 [tilespmem:$0xF1F8];
	_ =	sdelay $0x3  }
0x294: {  	s5 =	sshll.u32 @!p1 s3, $0x9  }
0x295: {  	s5 =	smov.u32 @p1 s0;
	[tilespmem:s4+$0xF2A8] =	vst.add.f32.msk @p1 $0xffff, v1  }
0x296: {  	s0 =	sshrl.u32 s5, $0x2;
	[tilespmem:s2+$0xF218] =	vst.msk $0x1, v0  }
0x297: {  	v0 =	vld [tilespmem:s0+$0xF238];
	_ =	sdelay $0x2  }
0x298: {  	s31 =	sshll.u32 s2, $0x9  }
0x299: {  	s4 =	sshra.s32 s31, $0x2  }
0x29a: {  	[tilespmem:s4+$0xF238] =	vst v0  }
0x29b: {  	v0 =	vld [tilespmem:s0+$0xF248];
	_ =	sdelay $0x4  }
0x29c: {  	[tilespmem:s4+$0xF248] =	vst v0  }
0x29d: {  	v0 =	vld [tilespmem:s0+$0xF258];
	_ =	sdelay $0x4  }
0x29e: {  	[tilespmem:s4+$0xF258] =	vst v0  }
0x29f: {  	v0 =	vld [tilespmem:s0+$0xF268];
	_ =	sdelay $0x4  }
0x2a0: {  	[tilespmem:s4+$0xF268] =	vst v0  }
0x2a1: {  	v0 =	vld [tilespmem:s0+$0xF278];
	_ =	sdelay $0x4  }
0x2a2: {  	[tilespmem:s4+$0xF278] =	vst v0  }
0x2a3: {  	v0 =	vld [tilespmem:s0+$0xF288];
	_ =	sdelay $0x4  }
0x2a4: {  	[tilespmem:s4+$0xF288] =	vst v0  }
0x2a5: {  	v0 =	vld [tilespmem:s0+$0xF298];
	_ =	sdelay $0x4  }
0x2a6: {  	[tilespmem:s4+$0xF298] =	vst v0  }
0x2a7: {  	v0 =	vld [tilespmem:s0+$0xF2A8];
	_ =	sdelay $0x4  }
0x2a8: {  	s2 =	sadd.s32 $0x1, s2;
	[tilespmem:s4+$0xF2A8] =	vst v0  }
.LBB3_48:
0x2a9: {  	s3 =	sadd.s32 $0x1, s3  }
0x2aa: {  	p1 =	sne.s32 s3, $0x20  }
.Ltmp40:
0x2ab: {  	_ = 	snop;
	(pc) =	sbr.rel @!p1 .LBB3_49-.Ltmp40, $1  }
0x2ac: {  	_ =	sdelay $0x3  }
.LBB3_41:
0x2ad: {  	v0 =	vld.msk [tilespmem:s3+$0xF218], $0x1;
	_ =	sdelay $0x4  }
0x2ae: {  	(v2sf) =	vpush v0, $0x0;
	_ =	sdelay $0xe  }
0x2af: {  	s4 =	spop (v2sf)  }
0x2b0: {  	p1 =	seq.s32 s4, $0xFFFFFFFF  }
.Ltmp41:
0x2b1: {  	_ = 	snop;
	(pc) =	sbr.rel @p1 .LBB3_48-.Ltmp41, $1  }
0x2b2: {  	_ =	sdelay $0x3  }
0x2b3: {  	p1 =	slt.s32 s2, $0x1  }
.Ltmp42:
0x2b4: {  	_ = 	snop;
	(pc) =	sbr.rel @p1 .LBB3_47-.Ltmp42, $1  }
0x2b5: {  	_ =	sdelay $0x3  }
0x2b6: {  	s5 =	simm.s32 $0xF218;
	p1 =	por $0x0, $0x0  }
0x2b7: {  	v1 =	vld.msk @!p1 [tilespmem:s5+$0x0], $0x1;
	_ =	sdelay $0x4  }
0x2b8: {  	(v2sf) =	vpush @!p1 v1, $0x0;
	_ =	sdelay $0xd  }
0x2b9: {  	p3 =	sne.s32 s2, $0x1  }
.Ltmp43:
0x2ba: {  	s0 =	spop @!p1 (v2sf);
	(pc) =	sbr.rel @!p3 .LBB3_45-.Ltmp43, $4  }
0x2bb: {  	p2 =	seq.s32 @!p1 s4, s0  }
0x2bc: {  	s6 =	simm.s32 $0x0;
	p2 =	por !p2, p1  }
0x2bd: {  	s7 =	simm.s32 $0xFFFFFFFF;
	s6 =	simm.s32 @p2 $0xFFFFFFFF  }
0x2be: {  	s0 =	simm.s32 $0x1;
	s6 =	smov.u32 @p1 s7  }
.LBB3_44:
0x2bf: {  	s7 =	smov.u32 s6;
	p1 =	sne.s32 s6, $0xFFFFFFFF  }
0x2c0: {  	s5 =	sadd.s32 $0x1, s5;
	s6 =	smov.u32 s0;
	s0 =	sadd.s32 $0x1, s0  }
0x2c1: {  	p2 =	sne.s32 s2, s0;
	v1 =	vld.msk @!p1 [tilespmem:s5+$0x0], $0x1;
	_ =	sdelay $0x4  }
0x2c2: {  	(v2sf) =	vpush @!p1 v1, $0x0;
	_ =	sdelay $0xe  }
.Ltmp44:
0x2c3: {  	s8 =	spop @!p1 (v2sf);
	(pc) =	sbr.rel @p2 .LBB3_44-.Ltmp44, $4  }
0x2c4: {  	p3 =	seq.s32 @!p1 s4, s8  }
0x2c5: {  	p3 =	por !p3, p1  }
0x2c6: {  	s6 =	simm.s32 @p3 $0xFFFFFFFF  }
0x2c7: {  	s6 =	smov.u32 @p1 s7  }
.LBB3_45:
0x2c8: {  	p1 =	seq.s32 s6, $0xFFFFFFFF  }
.Ltmp45:
0x2c9: {  	_ = 	snop;
	(pc) =	sbr.rel @p1 .LBB3_47-.Ltmp45, $1  }
0x2ca: {  	_ =	sdelay $0x3  }
0x2cb: {  	s0 =	sshll.u32 s3, $0x7  }
0x2cc: {  	s0 =	sand.u32 $0x3FFFFF80, s0  }
0x2cd: {  	v0 =	vld [tilespmem:s0+$0xF238];
	_ =	sdelay $0x2  }
0x2ce: {  	s4 =	sshll.u32 s6, $0x9  }
0x2cf: {  	s4 =	sshra.s32 s4, $0x2  }
0x2d0: {  	[tilespmem:s4+$0xF238] =	vst.add.f32.msk $0xffff, v0  }
0x2d1: {  	v0 =	vld [tilespmem:s0+$0xF248];
	_ =	sdelay $0x4  }
0x2d2: {  	[tilespmem:s4+$0xF248] =	vst.add.f32.msk $0xffff, v0  }
0x2d3: {  	v0 =	vld [tilespmem:s0+$0xF258];
	_ =	sdelay $0x4  }
0x2d4: {  	[tilespmem:s4+$0xF258] =	vst.add.f32.msk $0xffff, v0  }
0x2d5: {  	v0 =	vld [tilespmem:s0+$0xF268];
	_ =	sdelay $0x4  }
0x2d6: {  	[tilespmem:s4+$0xF268] =	vst.add.f32.msk $0xffff, v0  }
0x2d7: {  	v0 =	vld [tilespmem:s0+$0xF278];
	_ =	sdelay $0x4  }
0x2d8: {  	[tilespmem:s4+$0xF278] =	vst.add.f32.msk $0xffff, v0  }
0x2d9: {  	v0 =	vld [tilespmem:s0+$0xF288];
	_ =	sdelay $0x4  }
0x2da: {  	[tilespmem:s4+$0xF288] =	vst.add.f32.msk $0xffff, v0  }
0x2db: {  	v0 =	vld [tilespmem:s0+$0xF298];
	_ =	sdelay $0x4  }
0x2dc: {  	[tilespmem:s4+$0xF298] =	vst.add.f32.msk $0xffff, v0  }
0x2dd: {  	v0 =	vld [tilespmem:s0+$0xF2A8]  }
.Ltmp46:
0x2de: {  	_ = 	snop;
	(pc) =	sbr.rel .LBB3_48-.Ltmp46, $2  }
0x2df: {  	_ =	sdelay $0x2  }
0x2e0: {  	[tilespmem:s4+$0xF2A8] =	vst.add.f32.msk $0xffff, v0  }
.LBB3_49:
0x2e1: {  	p1 =	slt.s32 s2, $0x1  }
.Ltmp47:
0x2e2: {  	_ = 	snop;
	(pc) =	sbr.rel @p1 .LBB3_53-.Ltmp47, $3  }
0x2e3: {  	_ =	sdelay $0x1  }
0x2e4: {  	s0 =	simm.s32 $0x8  }
0x2e5: {  	s3 =	simm.s32 $0x0;
	[sflag:s0] =	ssyncpa.u1 $0x1  }
0x2e6: {  	s0 =	simm.s32 $0xF218  }
0x2e7: {  	v0 =	vld.msk [tilespmem:s0+$0x0], $0x1;
	_ =	sdelay $0x4  }
0x2e8: {  	(v2sf) =	vpush v0, $0x0;
	_ =	sdelay $0xe  }
0x2e9: {  	s2 =	sadd.s32 $0xFFFFFFFF, s2;
	s0 =	spop (v2sf)  }
0x2ea: {  	p2 =	sne.s32 s2, $0x0;
	p1 =	sgt.u32 s0, $0x7AF0  }
.Ltmp48:
0x2eb: {  	s5 =	sand.u32 @!p1 $0x7FF8, s0;
	(pc) =	sbr.rel @!p2 .LBB3_52-.Ltmp48, $4  }
0x2ec: {  	s4 =	simm.s32 $0xF238;
	s0 =	sand.u32 @!p1 $0x7, s0;
	s5 =	sadd.s32 @!p1 s1, s5  }
0x2ed: {  	[hbm4b:s5+s0] =	stream.linear.scatter @!p1 [tilespmem:s4], [sflag:$0x7], $0x80, $0x38;
	[tilespmem:$0x1F6F8] =	vst v63  }
0x2ee: {  	s5 =	simm.s32 $0x0  }
0x2ef: {  	s0 =	simm.s32 $0xF219;
	s5 =	simm.s32 @!p1 $0x200  }
.LBB3_51:
0x2f0: {  	v0 =	vld.msk [tilespmem:s0+$0x0], $0x1;
	s2 =	sadd.s32 $0xFFFFFFFF, s2;
	s3 =	sadd.s32 s3, s5  }
0x2f1: {  	p1 =	sne.s32 s2, $0x0;
	_ =	sdelay $0x3  }
0x2f2: {  	(v2sf) =	vpush v0, $0x0;
	_ =	sdelay $0xe  }
.Ltmp49:
0x2f3: {  	s6 =	spop (v2sf);
	(pc) =	sbr.rel @p1 .LBB3_51-.Ltmp49, $4  }
0x2f4: {  	s5 =	simm.s32 $0x0;
	p2 =	sgt.u32 s6, $0x7AF0  }
0x2f5: {  	s4 =	sadd.s32 $0x80, s4;
	s5 =	simm.s32 @!p2 $0x200;
	s7 =	sand.u32 @!p2 $0x7FF8, s6  }
0x2f6: {  	s0 =	sadd.s32 $0x1, s0;
	s6 =	sand.u32 @!p2 $0x7, s6;
	s7 =	sadd.s32 @!p2 s1, s7  }
0x2f7: {  	[hbm4b:s7+s6] =	stream.linear.scatter @!p2 [tilespmem:s4], [sflag:$0x7], $0x80, $0x38;
	[tilespmem:$0x1F6F8] =	vst v63  }
.LBB3_52:
0x2f8: {  	s0 =	sadd.s32 s3, s5  }
0x2f9: {  	s3 =	sshrl.u32 s0, $0x2  }
.LBB3_53:
0x2fa: {  	s0 =	simm.s32 $0x7  }
0x2fb: {  	_ =	swait.ge [sflag:s0], s3  }
0x2fc: {  	s1 =	ssub.s32 $0x0, s3;
	[sflag:s0] =	ssyncset.done $0x0  }
0x2fd: {  	[sflag:s0] =	ssyncadd.s32 s1  }
0x2fe: {  	[sflag:s0] =	ssyncpa.u1 $0x1  }
.LBB3_54:
0x2ff: {  	_ =	sfence;
	s0 =	simm.s32 $0x1  }
0x300: {  	[sflag:s0] =	ssyncpa.u1 $0x1  }
0x301: {  	_ =	strace $0x90000056  }
0x302: {  	[bflag:$0x2] =	sbarrier.arrive $0xFFFF  }
0x303: {  	s0 =	rddreg [dreg:$0x3]  }
0x304: {  	s0 =	sadd.s32 @!p0 $0x100000, s0  }
0x305: {  	[sflag:s0] =	ssyncadd.tile.s32 @!p0 $0x1;
	_ =	shalt  }
.Lfunc_end3:
_tile_overlayer_lowered:
.L_overlay_start_3:
0x306: {  	(tag) =	ssettag $0x3  }
0x307: {  	s0 =	rddreg [dreg:$0x0];
	s2 =	stileid.u32  }
0x308: {  	s1 =	rddreg [dreg:$0x1];
	p0 =	sne.s32 s2, $0x0  }
0x309: {  	s3 =	rddreg [dreg:$0x2];
	[bflag:$0x3] =	sbarrier.arrive $0xFFFF;
	s2 =	simm.s32 @!p0 $0x1C01  }
0x30a: {  	[timem:s3], [sflag:s2] =	dma.local @!p0 [hbm:s0], s1  }
0x30b: {  	s0 =	simm.s32 @!p0 $0x1  }
0x30c: {  	_ =	swait.ge @!p0 [sflag:s0], s1  }
0x30d: {  	s1 =	ssub.s32 @!p0 $0x0, s1;
	[sflag:s0] =	ssyncset.done @!p0 $0x0  }
0x30e: {  	[sflag:s0] =	ssyncadd.s32 @!p0 s1  }
0x30f: {  	[bflag:$0x3] =	sbarrier.arrive $0xFFFF  }
0x310: {  	_ =	shalt  }

</sc_bundles>
